<compile_context>
chip_gen: v7x
topology: tpu7x:2x2x1
jax: 0.10.2.dev20260603
libtpu: 0.0.44.dev20260713+nightly
codegen_flags: <defaults>
</compile_context>

<pallas_src>
import functools

import jax
import jax.numpy as jnp
import numpy as np
from jax import lax
from jax.experimental import pallas as pl
from jax.experimental.pallas import tpu as pltpu
from jax.experimental.pallas import tpu_sc as plsc

H = 128
HF = H // 2
NB = 1000
EB = 4000

NC = 2
NS = 16
CB = 80
ZB = 80



def _in_body(x_ref, win_ref, bin_ref, w1h_ref, h_ref, hw_ref):
    h = jnp.maximum(jnp.dot(x_ref[...], win_ref[...],
                            preferred_element_type=jnp.float32) + bin_ref[...], 0.0)
    h_ref[...] = h
    hw_ref[...] = jnp.dot(h, w1h_ref[...], preferred_element_type=jnp.float32)


def _eterm_body(ea_ref, em_ref, wa_ref, wb_ref, b_ref, e_ref):
    r = (jnp.dot(ea_ref[...], wa_ref[...], preferred_element_type=jnp.float32)
         + jnp.dot(em_ref[...], wb_ref[...], preferred_element_type=jnp.float32)
         + b_ref[...])
    e_ref[...] = r


def _upd_common(sp_ref, h_ref, deg_ref, mw2_ref, uw1a_ref, uw1b_ref,
                ub1_ref, uw2_ref, ub2_ref):
    s = sp_ref[0] + sp_ref[1]
    aggr = jnp.dot(s, mw2_ref[...], preferred_element_type=jnp.float32)
    d = deg_ref[...]
    dd = jnp.where(d == 0.0, 1.0, d)
    neigh = aggr / dd
    h = h_ref[...]
    t = jnp.maximum(jnp.dot(h, uw1a_ref[...], preferred_element_type=jnp.float32)
                    + jnp.dot(neigh, uw1b_ref[...], preferred_element_type=jnp.float32)
                    + ub1_ref[...], 0.0)
    return jnp.maximum(h + jnp.dot(t, uw2_ref[...],
                                   preferred_element_type=jnp.float32) + ub2_ref[...], 0.0)


def _upd_body_mid(sp_ref, h_ref, deg_ref, mw2_ref, uw1a_ref, uw1b_ref,
                  ub1_ref, uw2_ref, ub2_ref, w1h_ref, hn_ref, hw_ref):
    hn = _upd_common(sp_ref, h_ref, deg_ref, mw2_ref, uw1a_ref, uw1b_ref,
                     ub1_ref, uw2_ref, ub2_ref)
    hn_ref[...] = hn
    hw_ref[...] = jnp.dot(hn, w1h_ref[...], preferred_element_type=jnp.float32)


def _upd_body_last(sp_ref, h_ref, deg_ref, mw2_ref, uw1a_ref, uw1b_ref,
                   ub1_ref, uw2_ref, ub2_ref, hn_ref):
    hn_ref[...] = _upd_common(sp_ref, h_ref, deg_ref, mw2_ref, uw1a_ref,
                              uw1b_ref, ub1_ref, uw2_ref, ub2_ref)


def _pool_body(h_ref, batch_ref, pos_ref, resp_ref, pw1_ref, pb1_ref,
               pw2_ref, pb2_ref, out_ref, ssum, scnt):
    i = pl.program_id(0)

    @pl.when(i == 0)
    def _():
        ssum[...] = jnp.zeros_like(ssum)
        scnt[...] = jnp.zeros_like(scnt)

    nb, g = batch_ref.shape[0], resp_ref.shape[1]
    gids = lax.broadcasted_iota(jnp.int32, (nb, g), 1)
    oh = batch_ref[...] == gids
    maskm = pos_ref[...] >= resp_ref[...]
    ohm = jnp.where(oh & maskm, 1.0, 0.0).astype(jnp.float32)
    ssum[...] += lax.dot_general(ohm, h_ref[...], (((0,), (0,)), ((), ())),
                                 preferred_element_type=jnp.float32)
    scnt[...] += lax.dot_general(ohm, jnp.ones((nb, 1), jnp.float32),
                                 (((0,), (0,)), ((), ())),
                                 preferred_element_type=jnp.float32)
    cnt = jnp.where(scnt[...] == 0.0, 1.0, scnt[...])
    hg = ssum[...] / cnt
    t = jnp.maximum(jnp.dot(hg, pw1_ref[...], preferred_element_type=jnp.float32)
                    + pb1_ref[...], 0.0)
    out_ref[...] = jnp.dot(t, pw2_ref[...],
                           preferred_element_type=jnp.float32) + pb2_ref[...]


def _full(shape):
    nd = len(shape)
    return pl.BlockSpec(shape, lambda i, _n=nd: (0,) * _n)



def _relu_add(gb, eb):
    @plsc.parallel_loop(0, CB, unroll=8)
    def _(i):
        for f in range(H // 16):
            sl = pl.ds(f * 16, 16)
            gb[i, sl] = jnp.maximum(gb[i, sl] + eb[i, sl], 0.0)


def _sc_edge_body(hw_hbm, et_hbm, src_hbm, dst_hbm, out_hbm,
                  si0, di0, si1, di1, eb, gb0, gb1, acc,
                  qi0, qi1, qe, qg0, qg1):
    c = lax.axis_index("c")
    s = lax.axis_index("s")
    n = acc.shape[0]
    nzchunks = n // ZB
    edges_per_tile = src_hbm.shape[0] // (NC * NS)
    nch = edges_per_tile // CB
    ebase = (c * NS + s) * edges_per_tile

    @plsc.parallel_loop(0, ZB, unroll=4)
    def _(i):
        for f in range(H // 16):
            gb0[i, pl.ds(f * 16, 16)] = jnp.zeros((16,), jnp.float32)
    for k in range((nzchunks + NS - 1) // NS):
        cid = s + k * NS

        @pl.when(cid < nzchunks)
        def _():
            pltpu.sync_copy(gb0, acc.at[pl.ds(cid * ZB, ZB)])
    plsc.subcore_barrier()

    def _prefetch(pcid, si, di, qi):
        @pl.when(pcid < nch)
        def _():
            e0 = ebase + pcid * CB
            pltpu.async_copy(src_hbm.at[pl.ds(e0, CB)], si, qi)
            pltpu.async_copy(dst_hbm.at[pl.ds(e0, CB)], di, qi)

    def _launch(pcid, si, di, qi, gb, qg):
        @pl.when(pcid < nch)
        def _():
            pltpu.make_async_copy(src_hbm.at[pl.ds(0, CB)], si, qi).wait()
            pltpu.make_async_copy(dst_hbm.at[pl.ds(0, CB)], di, qi).wait()
            pltpu.async_copy(et_hbm.at[pl.ds(ebase + pcid * CB, CB)], eb, qe)
            pltpu.async_copy(hw_hbm.at[si], gb, qg)

    def _half(cid, si, di, qi, gb, qg, nsi, ndi, nqi, ngb, nqg):
        _prefetch(cid + 1, nsi, ndi, nqi)
        pltpu.make_async_copy(et_hbm.at[pl.ds(0, CB)], eb, qe).wait()
        pltpu.make_async_copy(hw_hbm.at[pl.ds(0, CB)], gb, qg).wait()
        _relu_add(gb, eb)
        _launch(cid + 1, nsi, ndi, nqi, ngb, nqg)
        pltpu.sync_copy(gb, acc.at[di], add=True)

    pltpu.sync_copy(src_hbm.at[pl.ds(ebase, CB)], si0)
    pltpu.sync_copy(dst_hbm.at[pl.ds(ebase, CB)], di0)
    pltpu.async_copy(et_hbm.at[pl.ds(ebase, CB)], eb, qe)
    pltpu.async_copy(hw_hbm.at[si0], gb0, qg0)

    def _body(k, carry):
        c0 = 2 * k
        _half(c0, si0, di0, qi0, gb0, qg0, si1, di1, qi1, gb1, qg1)
        _half(c0 + 1, si1, di1, qi1, gb1, qg1, si0, di0, qi0, gb0, qg0)
        return carry
    lax.fori_loop(0, nch // 2, _body, 0)

    pltpu.make_async_copy(et_hbm.at[pl.ds(0, CB)], eb, qe).wait()
    pltpu.make_async_copy(hw_hbm.at[pl.ds(0, CB)], gb0, qg0).wait()
    _relu_add(gb0, eb)
    pltpu.sync_copy(gb0, acc.at[di0], add=True)
    plsc.subcore_barrier()

    @pl.when(s == 0)
    def _():
        pltpu.sync_copy(acc, out_hbm.at[c])


def _make_sc_edge(n, e):
    mesh = plsc.VectorSubcoreMesh(core_axis_name="c", subcore_axis_name="s")
    return pl.kernel(
        _sc_edge_body, mesh=mesh,
        out_type=jax.ShapeDtypeStruct((NC, n, H), jnp.float32),
        scratch_types=[
            pltpu.VMEM((CB,), jnp.int32),
            pltpu.VMEM((CB,), jnp.int32),
            pltpu.VMEM((CB,), jnp.int32),
            pltpu.VMEM((CB,), jnp.int32),
            pltpu.VMEM((CB, H), jnp.float32),
            pltpu.VMEM((CB, H), jnp.float32),
            pltpu.VMEM((CB, H), jnp.float32),
            pltpu.VMEM_SHARED((n, H), jnp.float32),
        ] + [pltpu.SemaphoreType.DMA] * 5,
    )



def kernel(x, edge_index, edge_attr, edge_mark, deg_in, batch, node_pos,
           response_idx, W_in, b_in,
           l0_msg_W1, l0_msg_b1, l0_msg_W2, l0_msg_b2,
           l0_up_W1, l0_up_b1, l0_up_W2, l0_up_b2,
           l1_msg_W1, l1_msg_b1, l1_msg_W2, l1_msg_b2,
           l1_up_W1, l1_up_b1, l1_up_W2, l1_up_b2,
           pred_W1, pred_b1, pred_W2, pred_b2):
    n, d = x.shape
    e = edge_index.shape[1]
    ed = edge_attr.shape[1]
    g = response_idx.shape[0]
    ngrid, egrid = n // NB, e // EB

    src = edge_index[0]
    dst = edge_index[1]
    deg2 = deg_in.reshape(n, 1)
    batch2 = batch.reshape(n, 1)
    pos2 = node_pos.reshape(n, 1)
    resp2 = response_idx.reshape(1, g)

    h0, hw0 = pl.pallas_call(
        _in_body,
        grid=(ngrid,),
        in_specs=[pl.BlockSpec((NB, d), lambda i: (i, 0)),
                  _full((d, H)), _full((1, H)), _full((H, H))],
        out_specs=[pl.BlockSpec((NB, H), lambda i: (i, 0))] * 2,
        out_shape=[jax.ShapeDtypeStruct((n, H), jnp.float32)] * 2,
    )(x, W_in, b_in.reshape(1, H), l0_msg_W1[:H])

    def _eterm(w1, b1):
        return pl.pallas_call(
            _eterm_body,
            grid=(egrid,),
            in_specs=[pl.BlockSpec((EB, ed), lambda i: (i, 0)),
                      pl.BlockSpec((EB, 2), lambda i: (i, 0)),
                      _full((ed, H)), _full((2, H)), _full((1, H))],
            out_specs=pl.BlockSpec((EB, H), lambda i: (i, 0)),
            out_shape=jax.ShapeDtypeStruct((e, H), jnp.float32),
        )(edge_attr, edge_mark, w1[H:H + ed], w1[H + ed:], b1.reshape(1, H))

    sc_edge = _make_sc_edge(n, e)
    et0 = _eterm(l0_msg_W1, l0_msg_b1)
    et1 = _eterm(l1_msg_W1, l1_msg_b1)
    sp0 = sc_edge(hw0, et0, src, dst)

    upd_specs = [pl.BlockSpec((NC, NB, H), lambda i: (0, i, 0)),
                 pl.BlockSpec((NB, H), lambda i: (i, 0)),
                 pl.BlockSpec((NB, 1), lambda i: (i, 0)),
                 _full((H, H)), _full((H, H)), _full((H, H)),
                 _full((1, H)), _full((H, H)), _full((1, H))]
    h1, hw1 = pl.pallas_call(
        _upd_body_mid,
        grid=(ngrid,),
        in_specs=upd_specs + [_full((H, H))],
        out_specs=[pl.BlockSpec((NB, H), lambda i: (i, 0))] * 2,
        out_shape=[jax.ShapeDtypeStruct((n, H), jnp.float32)] * 2,
    )(sp0, h0, deg2, l0_msg_W2, l0_up_W1[:H], l0_up_W1[H:],
      l0_up_b1.reshape(1, H), l0_up_W2, l0_up_b2.reshape(1, H), l1_msg_W1[:H])

    sp1 = sc_edge(hw1, et1, src, dst)

    h2, = pl.pallas_call(
        _upd_body_last,
        grid=(ngrid,),
        in_specs=upd_specs,
        out_specs=[pl.BlockSpec((NB, H), lambda i: (i, 0))],
        out_shape=[jax.ShapeDtypeStruct((n, H), jnp.float32)],
    )(sp1, h1, deg2, l1_msg_W2, l1_up_W1[:H], l1_up_W1[H:],
      l1_up_b1.reshape(1, H), l1_up_W2, l1_up_b2.reshape(1, H))

    out = pl.pallas_call(
        _pool_body,
        grid=(ngrid,),
        in_specs=[pl.BlockSpec((NB, H), lambda i: (i, 0)),
                  pl.BlockSpec((NB, 1), lambda i: (i, 0)),
                  pl.BlockSpec((NB, 1), lambda i: (i, 0)),
                  _full((1, g)), _full((H, H // 2)), _full((1, H // 2)),
                  _full((H // 2, 1)), _full((1, 1))],
        out_specs=pl.BlockSpec((g, 1), lambda i: (0, 0)),
        out_shape=jax.ShapeDtypeStruct((g, 1), jnp.float32),
        scratch_shapes=[pltpu.VMEM((g, H), jnp.float32),
                        pltpu.VMEM((g, 1), jnp.float32)],
    )(h2, batch2, pos2, resp2, pred_W1, pred_b1.reshape(1, H // 2),
      pred_W2, pred_b2.reshape(1, 1))
    return out.reshape(-1)

# --- scband reference (transcript-rebuilt; emitter-appended) ---
"""Pipeline reference for scband-charm-10677288698625 (READ-ONLY COPY).

The authoritative reference and input builder live on the scoring server;
editing this copy changes nothing except your own understanding.
"""

import jax, jax.numpy as jnp
import numpy as np

N = 10000
E = 320000
D = 128
ED = 16
H = 128
L = 2
G = 64

def _lin(key, i, o):
    return jax.random.normal(key, (i, o), dtype=jnp.float32) * (1.0 / np.sqrt(i))

def setup_inputs(seed: int = 0):
    key = jax.random.key(seed)
    ks = jax.random.split(key, 40)
    inp = {}
    inp["x"] = jax.random.normal(ks[0], (N, D), dtype=jnp.float32)
    inp["edge_index"] = jax.random.randint(ks[1], (2, E), 0, N, dtype=jnp.int32)
    inp["edge_attr"] = jax.random.normal(ks[2], (E, ED), dtype=jnp.float32)
    inp["edge_mark"] = jax.random.uniform(ks[3], (E, 2), dtype=jnp.float32)
    inp["deg_in"] = jnp.ones((N,), dtype=jnp.float32)
    inp["batch"] = jnp.sort(jax.random.randint(ks[4], (N,), 0, G, dtype=jnp.int32))
    inp["node_pos"] = jax.random.randint(ks[5], (N,), 0, 312, dtype=jnp.int32)
    inp["response_idx"] = jax.random.randint(ks[6], (G,), 0, 156, dtype=jnp.int32)
    inp["W_in"] = _lin(ks[7], D, H)
    inp["b_in"] = jnp.zeros((H,), dtype=jnp.float32)
    kidx = 8
    for l in range(L):
        inp[f"l{l}_msg_W1"] = _lin(ks[kidx], H + ED + 2, H); kidx += 1
        inp[f"l{l}_msg_b1"] = jnp.zeros((H,), dtype=jnp.float32)
        inp[f"l{l}_msg_W2"] = _lin(ks[kidx], H, H); kidx += 1
        inp[f"l{l}_msg_b2"] = jnp.zeros((H,), dtype=jnp.float32)
        inp[f"l{l}_up_W1"] = _lin(ks[kidx], 2 * H, H); kidx += 1
        inp[f"l{l}_up_b1"] = jnp.zeros((H,), dtype=jnp.float32)
        inp[f"l{l}_up_W2"] = _lin(ks[kidx], H, H); kidx += 1
        inp[f"l{l}_up_b2"] = jnp.zeros((H,), dtype=jnp.float32)
    inp["pred_W1"] = _lin(ks[kidx], H, H // 2); kidx += 1
    inp["pred_b1"] = jnp.zeros((H // 2,), dtype=jnp.float32)
    inp["pred_W2"] = _lin(ks[kidx], H // 2, 1); kidx += 1
    inp["pred_b2"] = jnp.zeros((1,), dtype=jnp.float32)
    return inp

def _forward(x, edge_attr, edge_mark, deg_in, W_in, b_in, layer_ws, pred_W1, pred_b1, pred_W2, pred_b2, edge_index, batch, node_pos, response_idx):
    h = jax.nn.relu(x @ W_in + b_in)
    src = edge_index[0]
    dst = edge_index[1]
    deg = jnp.where(deg_in == 0, 1.0, deg_in)
    for (mW1, mb1, mW2, mb2, uW1, ub1, uW2, ub2) in layer_ws:
        m_in = jnp.concatenate([h[src], edge_attr, edge_mark], axis=-1)
        m = jax.nn.relu(m_in @ mW1 + mb1) @ mW2 + mb2
        aggr = jax.ops.segment_sum(m, dst, num_segments=N)
        neigh = aggr / deg[:, None]
        upd = jax.nn.relu(jnp.concatenate([h, neigh], axis=-1) @ uW1 + ub1) @ uW2 + ub2
        h = jax.nn.relu(h + upd)
    num_graphs = response_idx.shape[0]
    mask = (node_pos >= response_idx[batch]).astype(jnp.float32)
    hg = jax.ops.segment_sum(h * mask[:, None], batch, num_segments=num_graphs)
    counts = jax.ops.segment_sum(mask, batch, num_segments=num_graphs)
    counts = jnp.where(counts == 0, 1.0, counts)
    hg = hg / counts[:, None]
    out = jax.nn.relu(hg @ pred_W1 + pred_b1) @ pred_W2 + pred_b2
    return out.reshape(-1)

def reference(x, edge_index, edge_attr, edge_mark, deg_in, batch, node_pos, response_idx, W_in, b_in, l0_msg_W1, l0_msg_b1, l0_msg_W2, l0_msg_b2, l0_up_W1, l0_up_b1, l0_up_W2, l0_up_b2, l1_msg_W1, l1_msg_b1, l1_msg_W2, l1_msg_b2, l1_up_W1, l1_up_b1, l1_up_W2, l1_up_b2, pred_W1, pred_b1, pred_W2, pred_b2):
    layer_ws = [
        (l0_msg_W1, l0_msg_b1, l0_msg_W2, l0_msg_b2, l0_up_W1, l0_up_b1, l0_up_W2, l0_up_b2),
        (l1_msg_W1, l1_msg_b1, l1_msg_W2, l1_msg_b2, l1_up_W1, l1_up_b1, l1_up_W2, l1_up_b2),
    ]
    return _forward(x, edge_attr, edge_mark, deg_in, W_in, b_in, layer_ws, pred_W1, pred_b1, pred_W2, pred_b2, edge_index, batch, node_pos, response_idx)

if __name__ == "__main__":
    import jax
    _d = setup_inputs()
    print(jax.jit(kernel)(*tuple(_d.values())))

</pallas_src>

<mosaic_0001>
#map = affine_map<(d0, d1) -> (0, 0)>
#map1 = affine_map<(d0, d1) -> (0)>
#map2 = affine_map<(d0, d1) -> (0, 0, 0)>
module attributes {stable_mosaic.version = 14 : i64} {
  func.func @_sc_edge_body(%arg0: i32, %arg1: i32, %arg2: memref<10000x128xf32, #tpu.memory_space<hbm>>, %arg3: memref<320000x128xf32, #tpu.memory_space<hbm>>, %arg4: memref<320000xi32, #tpu.memory_space<hbm>>, %arg5: memref<320000xi32, #tpu.memory_space<hbm>>, %arg6: memref<2x10000x128xf32, #tpu.memory_space<hbm>>, %arg7: memref<80xi32, #tpu.memory_space<vmem>>, %arg8: memref<80xi32, #tpu.memory_space<vmem>>, %arg9: memref<80xi32, #tpu.memory_space<vmem>>, %arg10: memref<80xi32, #tpu.memory_space<vmem>>, %arg11: memref<80x128xf32, #tpu.memory_space<vmem>>, %arg12: memref<80x128xf32, #tpu.memory_space<vmem>>, %arg13: memref<80x128xf32, #tpu.memory_space<vmem>>, %arg14: memref<10000x128xf32, #tpu.memory_space<vmem_shared>>, %arg15: memref<!tpu.dma_semaphore, #tpu.memory_space<semaphore_mem>>, %arg16: memref<!tpu.dma_semaphore, #tpu.memory_space<semaphore_mem>>, %arg17: memref<!tpu.dma_semaphore, #tpu.memory_space<semaphore_mem>>, %arg18: memref<!tpu.dma_semaphore, #tpu.memory_space<semaphore_mem>>, %arg19: memref<!tpu.dma_semaphore, #tpu.memory_space<semaphore_mem>>) attributes {dimension_semantics = [#tpu.dimension_semantics<core_parallel>, #tpu.dimension_semantics<subcore_parallel>], iteration_bounds = array<i64: 2, 16>, scalar_prefetch = 0 : i64, scratch_operands = 13 : i64, tpu.core_type = #tpu.core_type<sc_vector_subcore>, window_params = [{transform_indices = #map}, {transform_indices = #map}, {transform_indices = #map1}, {transform_indices = #map1}, {transform_indices = #map2}]} {
    %mul3A = arith.constant 16 : i32
    %mul3A_0 = arith.muli %arg0, %mul3A : i32
    %add3A = arith.addi %mul3A_0, %arg1 : i32
    %mul3A_1 = arith.constant 10000 : i32
    %mul3A_2 = arith.muli %add3A, %mul3A_1 : i32
    %parallel_loop3A = arith.constant 0 : i32
    %parallel_loop3A_3 = arith.constant 80 : i32
    %parallel_loop3A_4 = arith.constant 1 : i32
    scf.for %parallel_loop3A_88 = %parallel_loop3A to %parallel_loop3A_3 step %parallel_loop3A_4  : i32 {
      %parallel_loop3A_89 = arith.constant 0.000000e+00 : f32
      %parallel_loop3A_90 = vector.broadcast %parallel_loop3A_89 : f32 to vector<16xf32>
      %parallel_loop3A_91 = arith.index_cast %parallel_loop3A_88 : i32 to index
      %parallel_loop3A_92 = arith.constant 0 : index
      %parallel_loop3A_93 = tpu.vector_load %arg12[%parallel_loop3A_91, %parallel_loop3A_92] {strides = array<i32>} : memref<80x128xf32, #tpu.memory_space<vmem>>, vector<1x16xf32>,
      %parallel_loop3A_94 = vector.shape_cast %parallel_loop3A_93 : vector<1x16xf32> to vector<16xf32>
      %parallel_loop3A_95 = vector.shape_cast %parallel_loop3A_90 : vector<16xf32> to vector<1x16xf32>
      tpu.vector_store %arg12[%parallel_loop3A_91, %parallel_loop3A_92], %parallel_loop3A_95 {strides = array<i32>} : memref<80x128xf32, #tpu.memory_space<vmem>>, vector<1x16xf32>,
      %parallel_loop3A_96 = arith.constant 0.000000e+00 : f32
      %parallel_loop3A_97 = vector.broadcast %parallel_loop3A_96 : f32 to vector<16xf32>
      %parallel_loop3A_98 = arith.index_cast %parallel_loop3A_88 : i32 to index
      %parallel_loop3A_99 = arith.constant 16 : index
      %parallel_loop3A_100 = tpu.vector_load %arg12[%parallel_loop3A_98, %parallel_loop3A_99] {strides = array<i32>} : memref<80x128xf32, #tpu.memory_space<vmem>>, vector<1x16xf32>,
      %parallel_loop3A_101 = vector.shape_cast %parallel_loop3A_100 : vector<1x16xf32> to vector<16xf32>
      %parallel_loop3A_102 = vector.shape_cast %parallel_loop3A_97 : vector<16xf32> to vector<1x16xf32>
      tpu.vector_store %arg12[%parallel_loop3A_98, %parallel_loop3A_99], %parallel_loop3A_102 {strides = array<i32>} : memref<80x128xf32, #tpu.memory_space<vmem>>, vector<1x16xf32>,
      %parallel_loop3A_103 = arith.constant 0.000000e+00 : f32
      %parallel_loop3A_104 = vector.broadcast %parallel_loop3A_103 : f32 to vector<16xf32>
      %parallel_loop3A_105 = arith.index_cast %parallel_loop3A_88 : i32 to index
      %parallel_loop3A_106 = arith.constant 32 : index
      %parallel_loop3A_107 = tpu.vector_load %arg12[%parallel_loop3A_105, %parallel_loop3A_106] {strides = array<i32>} : memref<80x128xf32, #tpu.memory_space<vmem>>, vector<1x16xf32>,
      %parallel_loop3A_108 = vector.shape_cast %parallel_loop3A_107 : vector<1x16xf32> to vector<16xf32>
      %parallel_loop3A_109 = vector.shape_cast %parallel_loop3A_104 : vector<16xf32> to vector<1x16xf32>
      tpu.vector_store %arg12[%parallel_loop3A_105, %parallel_loop3A_106], %parallel_loop3A_109 {strides = array<i32>} : memref<80x128xf32, #tpu.memory_space<vmem>>, vector<1x16xf32>,
      %parallel_loop3A_110 = arith.constant 0.000000e+00 : f32
      %parallel_loop3A_111 = vector.broadcast %parallel_loop3A_110 : f32 to vector<16xf32>
      %parallel_loop3A_112 = arith.index_cast %parallel_loop3A_88 : i32 to index
      %parallel_loop3A_113 = arith.constant 48 : index
      %parallel_loop3A_114 = tpu.vector_load %arg12[%parallel_loop3A_112, %parallel_loop3A_113] {strides = array<i32>} : memref<80x128xf32, #tpu.memory_space<vmem>>, vector<1x16xf32>,
      %parallel_loop3A_115 = vector.shape_cast %parallel_loop3A_114 : vector<1x16xf32> to vector<16xf32>
      %parallel_loop3A_116 = vector.shape_cast %parallel_loop3A_111 : vector<16xf32> to vector<1x16xf32>
      tpu.vector_store %arg12[%parallel_loop3A_112, %parallel_loop3A_113], %parallel_loop3A_116 {strides = array<i32>} : memref<80x128xf32, #tpu.memory_space<vmem>>, vector<1x16xf32>,
      %parallel_loop3A_117 = arith.constant 0.000000e+00 : f32
      %parallel_loop3A_118 = vector.broadcast %parallel_loop3A_117 : f32 to vector<16xf32>
      %parallel_loop3A_119 = arith.index_cast %parallel_loop3A_88 : i32 to index
      %parallel_loop3A_120 = arith.constant 64 : index
      %parallel_loop3A_121 = tpu.vector_load %arg12[%parallel_loop3A_119, %parallel_loop3A_120] {strides = array<i32>} : memref<80x128xf32, #tpu.memory_space<vmem>>, vector<1x16xf32>,
      %parallel_loop3A_122 = vector.shape_cast %parallel_loop3A_121 : vector<1x16xf32> to vector<16xf32>
      %parallel_loop3A_123 = vector.shape_cast %parallel_loop3A_118 : vector<16xf32> to vector<1x16xf32>
      tpu.vector_store %arg12[%parallel_loop3A_119, %parallel_loop3A_120], %parallel_loop3A_123 {strides = array<i32>} : memref<80x128xf32, #tpu.memory_space<vmem>>, vector<1x16xf32>,
      %parallel_loop3A_124 = arith.constant 0.000000e+00 : f32
      %parallel_loop3A_125 = vector.broadcast %parallel_loop3A_124 : f32 to vector<16xf32>
      %parallel_loop3A_126 = arith.index_cast %parallel_loop3A_88 : i32 to index
      %parallel_loop3A_127 = arith.constant 80 : index
      %parallel_loop3A_128 = tpu.vector_load %arg12[%parallel_loop3A_126, %parallel_loop3A_127] {strides = array<i32>} : memref<80x128xf32, #tpu.memory_space<vmem>>, vector<1x16xf32>,
      %parallel_loop3A_129 = vector.shape_cast %parallel_loop3A_128 : vector<1x16xf32> to vector<16xf32>
      %parallel_loop3A_130 = vector.shape_cast %parallel_loop3A_125 : vector<16xf32> to vector<1x16xf32>
      tpu.vector_store %arg12[%parallel_loop3A_126, %parallel_loop3A_127], %parallel_loop3A_130 {strides = array<i32>} : memref<80x128xf32, #tpu.memory_space<vmem>>, vector<1x16xf32>,
      %parallel_loop3A_131 = arith.constant 0.000000e+00 : f32
      %parallel_loop3A_132 = vector.broadcast %parallel_loop3A_131 : f32 to vector<16xf32>
      %parallel_loop3A_133 = arith.index_cast %parallel_loop3A_88 : i32 to index
      %parallel_loop3A_134 = arith.constant 96 : index
      %parallel_loop3A_135 = tpu.vector_load %arg12[%parallel_loop3A_133, %parallel_loop3A_134] {strides = array<i32>} : memref<80x128xf32, #tpu.memory_space<vmem>>, vector<1x16xf32>,
      %parallel_loop3A_136 = vector.shape_cast %parallel_loop3A_135 : vector<1x16xf32> to vector<16xf32>
      %parallel_loop3A_137 = vector.shape_cast %parallel_loop3A_132 : vector<16xf32> to vector<1x16xf32>
      tpu.vector_store %arg12[%parallel_loop3A_133, %parallel_loop3A_134], %parallel_loop3A_137 {strides = array<i32>} : memref<80x128xf32, #tpu.memory_space<vmem>>, vector<1x16xf32>,
      %parallel_loop3A_138 = arith.constant 0.000000e+00 : f32
      %parallel_loop3A_139 = vector.broadcast %parallel_loop3A_138 : f32 to vector<16xf32>
      %parallel_loop3A_140 = arith.index_cast %parallel_loop3A_88 : i32 to index
      %parallel_loop3A_141 = arith.constant 112 : index
      %parallel_loop3A_142 = tpu.vector_load %arg12[%parallel_loop3A_140, %parallel_loop3A_141] {strides = array<i32>} : memref<80x128xf32, #tpu.memory_space<vmem>>, vector<1x16xf32>,
      %parallel_loop3A_143 = vector.shape_cast %parallel_loop3A_142 : vector<1x16xf32> to vector<16xf32>
      %parallel_loop3A_144 = vector.shape_cast %parallel_loop3A_139 : vector<16xf32> to vector<1x16xf32>
      tpu.vector_store %arg12[%parallel_loop3A_140, %parallel_loop3A_141], %parallel_loop3A_144 {strides = array<i32>} : memref<80x128xf32, #tpu.memory_space<vmem>>, vector<1x16xf32>,
    } {sc.loop_unroll_factor = 4 : i64, sc.parallel_access}
    %add3A_5 = arith.constant 0 : i32
    %add3A_6 = arith.addi %arg1, %add3A_5 : i32
    %lt3A = arith.constant 125 : i32
    %lt3A_7 = arith.cmpi slt, %add3A_6, %lt3A : i32
    %convert_element_type3A = arith.extui %lt3A_7 : i1 to i32
    %cond3A = arith.constant 0 : i32
    %cond3A_8 = arith.cmpi ne, %convert_element_type3A, %cond3A : i32
    scf.if %cond3A_8 {
      %mul3A_88 = arith.constant 80 : i32
      %mul3A_89 = arith.muli %add3A_6, %mul3A_88 : i32
      "tpu.region"() ({
        %run_scoped3A = tpu.sem_alloc : memref<!tpu.dma_semaphore, #tpu.memory_space<semaphore_mem>>
        %dma_start3A_90 = arith.constant 0 : i32
        %dma_start3A_91 = tpu.memref_slice %arg14[%mul3A_89, %dma_start3A_90] : memref<10000x128xf32, #tpu.memory_space<vmem_shared>> -> memref<80x128xf32, #tpu.memory_space<vmem_shared>>
        %dma_start3A_92 = arith.constant 0 : i32
        %dma_start3A_93 = tpu.memref_slice %arg14[%mul3A_89, %dma_start3A_92] : memref<10000x128xf32, #tpu.memory_space<vmem_shared>> -> memref<80x128xf32, #tpu.memory_space<vmem_shared>>
        tpu.enqueue_dma source(%arg12 : memref<80x128xf32, #tpu.memory_space<vmem>>) target(%dma_start3A_93 : memref<80x128xf32, #tpu.memory_space<vmem_shared>>) target_semaphore(%run_scoped3A : memref<!tpu.dma_semaphore, #tpu.memory_space<semaphore_mem>>)
        %dma_wait3A_94 = arith.constant 0 : i32
        %dma_wait3A_95 = tpu.memref_slice %arg14[%mul3A_89, %dma_wait3A_94] : memref<10000x128xf32, #tpu.memory_space<vmem_shared>> -> memref<80x128xf32, #tpu.memory_space<vmem_shared>>
        %dma_wait3A_96 = arith.constant 0 : i32
        %dma_wait3A_97 = tpu.memref_slice %arg14[%mul3A_89, %dma_wait3A_96] : memref<10000x128xf32, #tpu.memory_space<vmem_shared>> -> memref<80x128xf32, #tpu.memory_space<vmem_shared>>
        tpu.wait_dma2 semaphore(%run_scoped3A : memref<!tpu.dma_semaphore, #tpu.memory_space<semaphore_mem>>) src(%arg12 : memref<80x128xf32, #tpu.memory_space<vmem>>) dst(%dma_wait3A_97 : memref<80x128xf32, #tpu.memory_space<vmem_shared>>)
        tpu.yield
      }) : () -> ()
    } else {
    }
    %add3A_9 = arith.constant 16 : i32
    %add3A_10 = arith.addi %arg1, %add3A_9 : i32
    %lt3A_11 = arith.constant 125 : i32
    %lt3A_12 = arith.cmpi slt, %add3A_10, %lt3A_11 : i32
    %convert_element_type3A_13 = arith.extui %lt3A_12 : i1 to i32
    %cond3A_14 = arith.constant 0 : i32
    %cond3A_15 = arith.cmpi ne, %convert_element_type3A_13, %cond3A_14 : i32
    scf.if %cond3A_15 {
      %mul3A_88 = arith.constant 80 : i32
      %mul3A_89 = arith.muli %add3A_10, %mul3A_88 : i32
      "tpu.region"() ({
        %run_scoped3A = tpu.sem_alloc : memref<!tpu.dma_semaphore, #tpu.memory_space<semaphore_mem>>
        %dma_start3A_90 = arith.constant 0 : i32
        %dma_start3A_91 = tpu.memref_slice %arg14[%mul3A_89, %dma_start3A_90] : memref<10000x128xf32, #tpu.memory_space<vmem_shared>> -> memref<80x128xf32, #tpu.memory_space<vmem_shared>>
        %dma_start3A_92 = arith.constant 0 : i32
        %dma_start3A_93 = tpu.memref_slice %arg14[%mul3A_89, %dma_start3A_92] : memref<10000x128xf32, #tpu.memory_space<vmem_shared>> -> memref<80x128xf32, #tpu.memory_space<vmem_shared>>
        tpu.enqueue_dma source(%arg12 : memref<80x128xf32, #tpu.memory_space<vmem>>) target(%dma_start3A_93 : memref<80x128xf32, #tpu.memory_space<vmem_shared>>) target_semaphore(%run_scoped3A : memref<!tpu.dma_semaphore, #tpu.memory_space<semaphore_mem>>)
        %dma_wait3A_94 = arith.constant 0 : i32
        %dma_wait3A_95 = tpu.memref_slice %arg14[%mul3A_89, %dma_wait3A_94] : memref<10000x128xf32, #tpu.memory_space<vmem_shared>> -> memref<80x128xf32, #tpu.memory_space<vmem_shared>>
        %dma_wait3A_96 = arith.constant 0 : i32
        %dma_wait3A_97 = tpu.memref_slice %arg14[%mul3A_89, %dma_wait3A_96] : memref<10000x128xf32, #tpu.memory_space<vmem_shared>> -> memref<80x128xf32, #tpu.memory_space<vmem_shared>>
        tpu.wait_dma2 semaphore(%run_scoped3A : memref<!tpu.dma_semaphore, #tpu.memory_space<semaphore_mem>>) src(%arg12 : memref<80x128xf32, #tpu.memory_space<vmem>>) dst(%dma_wait3A_97 : memref<80x128xf32, #tpu.memory_space<vmem_shared>>)
        tpu.yield
      }) : () -> ()
    } else {
    }
    %add3A_16 = arith.constant 32 : i32
    %add3A_17 = arith.addi %arg1, %add3A_16 : i32
    %lt3A_18 = arith.constant 125 : i32
    %lt3A_19 = arith.cmpi slt, %add3A_17, %lt3A_18 : i32
    %convert_element_type3A_20 = arith.extui %lt3A_19 : i1 to i32
    %cond3A_21 = arith.constant 0 : i32
    %cond3A_22 = arith.cmpi ne, %convert_element_type3A_20, %cond3A_21 : i32
    scf.if %cond3A_22 {
      %mul3A_88 = arith.constant 80 : i32
      %mul3A_89 = arith.muli %add3A_17, %mul3A_88 : i32
      "tpu.region"() ({
        %run_scoped3A = tpu.sem_alloc : memref<!tpu.dma_semaphore, #tpu.memory_space<semaphore_mem>>
        %dma_start3A_90 = arith.constant 0 : i32
        %dma_start3A_91 = tpu.memref_slice %arg14[%mul3A_89, %dma_start3A_90] : memref<10000x128xf32, #tpu.memory_space<vmem_shared>> -> memref<80x128xf32, #tpu.memory_space<vmem_shared>>
        %dma_start3A_92 = arith.constant 0 : i32
        %dma_start3A_93 = tpu.memref_slice %arg14[%mul3A_89, %dma_start3A_92] : memref<10000x128xf32, #tpu.memory_space<vmem_shared>> -> memref<80x128xf32, #tpu.memory_space<vmem_shared>>
        tpu.enqueue_dma source(%arg12 : memref<80x128xf32, #tpu.memory_space<vmem>>) target(%dma_start3A_93 : memref<80x128xf32, #tpu.memory_space<vmem_shared>>) target_semaphore(%run_scoped3A : memref<!tpu.dma_semaphore, #tpu.memory_space<semaphore_mem>>)
        %dma_wait3A_94 = arith.constant 0 : i32
        %dma_wait3A_95 = tpu.memref_slice %arg14[%mul3A_89, %dma_wait3A_94] : memref<10000x128xf32, #tpu.memory_space<vmem_shared>> -> memref<80x128xf32, #tpu.memory_space<vmem_shared>>
        %dma_wait3A_96 = arith.constant 0 : i32
        %dma_wait3A_97 = tpu.memref_slice %arg14[%mul3A_89, %dma_wait3A_96] : memref<10000x128xf32, #tpu.memory_space<vmem_shared>> -> memref<80x128xf32, #tpu.memory_space<vmem_shared>>
        tpu.wait_dma2 semaphore(%run_scoped3A : memref<!tpu.dma_semaphore, #tpu.memory_space<semaphore_mem>>) src(%arg12 : memref<80x128xf32, #tpu.memory_space<vmem>>) dst(%dma_wait3A_97 : memref<80x128xf32, #tpu.memory_space<vmem_shared>>)
        tpu.yield
      }) : () -> ()
    } else {
    }
    %add3A_23 = arith.constant 48 : i32
    %add3A_24 = arith.addi %arg1, %add3A_23 : i32
    %lt3A_25 = arith.constant 125 : i32
    %lt3A_26 = arith.cmpi slt, %add3A_24, %lt3A_25 : i32
    %convert_element_type3A_27 = arith.extui %lt3A_26 : i1 to i32
    %cond3A_28 = arith.constant 0 : i32
    %cond3A_29 = arith.cmpi ne, %convert_element_type3A_27, %cond3A_28 : i32
    scf.if %cond3A_29 {
      %mul3A_88 = arith.constant 80 : i32
      %mul3A_89 = arith.muli %add3A_24, %mul3A_88 : i32
      "tpu.region"() ({
        %run_scoped3A = tpu.sem_alloc : memref<!tpu.dma_semaphore, #tpu.memory_space<semaphore_mem>>
        %dma_start3A_90 = arith.constant 0 : i32
        %dma_start3A_91 = tpu.memref_slice %arg14[%mul3A_89, %dma_start3A_90] : memref<10000x128xf32, #tpu.memory_space<vmem_shared>> -> memref<80x128xf32, #tpu.memory_space<vmem_shared>>
        %dma_start3A_92 = arith.constant 0 : i32
        %dma_start3A_93 = tpu.memref_slice %arg14[%mul3A_89, %dma_start3A_92] : memref<10000x128xf32, #tpu.memory_space<vmem_shared>> -> memref<80x128xf32, #tpu.memory_space<vmem_shared>>
        tpu.enqueue_dma source(%arg12 : memref<80x128xf32, #tpu.memory_space<vmem>>) target(%dma_start3A_93 : memref<80x128xf32, #tpu.memory_space<vmem_shared>>) target_semaphore(%run_scoped3A : memref<!tpu.dma_semaphore, #tpu.memory_space<semaphore_mem>>)
        %dma_wait3A_94 = arith.constant 0 : i32
        %dma_wait3A_95 = tpu.memref_slice %arg14[%mul3A_89, %dma_wait3A_94] : memref<10000x128xf32, #tpu.memory_space<vmem_shared>> -> memref<80x128xf32, #tpu.memory_space<vmem_shared>>
        %dma_wait3A_96 = arith.constant 0 : i32
        %dma_wait3A_97 = tpu.memref_slice %arg14[%mul3A_89, %dma_wait3A_96] : memref<10000x128xf32, #tpu.memory_space<vmem_shared>> -> memref<80x128xf32, #tpu.memory_space<vmem_shared>>
        tpu.wait_dma2 semaphore(%run_scoped3A : memref<!tpu.dma_semaphore, #tpu.memory_space<semaphore_mem>>) src(%arg12 : memref<80x128xf32, #tpu.memory_space<vmem>>) dst(%dma_wait3A_97 : memref<80x128xf32, #tpu.memory_space<vmem_shared>>)
        tpu.yield
      }) : () -> ()
    } else {
    }
    %add3A_30 = arith.constant 64 : i32
    %add3A_31 = arith.addi %arg1, %add3A_30 : i32
    %lt3A_32 = arith.constant 125 : i32
    %lt3A_33 = arith.cmpi slt, %add3A_31, %lt3A_32 : i32
    %convert_element_type3A_34 = arith.extui %lt3A_33 : i1 to i32
    %cond3A_35 = arith.constant 0 : i32
    %cond3A_36 = arith.cmpi ne, %convert_element_type3A_34, %cond3A_35 : i32
    scf.if %cond3A_36 {
      %mul3A_88 = arith.constant 80 : i32
      %mul3A_89 = arith.muli %add3A_31, %mul3A_88 : i32
      "tpu.region"() ({
        %run_scoped3A = tpu.sem_alloc : memref<!tpu.dma_semaphore, #tpu.memory_space<semaphore_mem>>
        %dma_start3A_90 = arith.constant 0 : i32
        %dma_start3A_91 = tpu.memref_slice %arg14[%mul3A_89, %dma_start3A_90] : memref<10000x128xf32, #tpu.memory_space<vmem_shared>> -> memref<80x128xf32, #tpu.memory_space<vmem_shared>>
        %dma_start3A_92 = arith.constant 0 : i32
        %dma_start3A_93 = tpu.memref_slice %arg14[%mul3A_89, %dma_start3A_92] : memref<10000x128xf32, #tpu.memory_space<vmem_shared>> -> memref<80x128xf32, #tpu.memory_space<vmem_shared>>
        tpu.enqueue_dma source(%arg12 : memref<80x128xf32, #tpu.memory_space<vmem>>) target(%dma_start3A_93 : memref<80x128xf32, #tpu.memory_space<vmem_shared>>) target_semaphore(%run_scoped3A : memref<!tpu.dma_semaphore, #tpu.memory_space<semaphore_mem>>)
        %dma_wait3A_94 = arith.constant 0 : i32
        %dma_wait3A_95 = tpu.memref_slice %arg14[%mul3A_89, %dma_wait3A_94] : memref<10000x128xf32, #tpu.memory_space<vmem_shared>> -> memref<80x128xf32, #tpu.memory_space<vmem_shared>>
        %dma_wait3A_96 = arith.constant 0 : i32
        %dma_wait3A_97 = tpu.memref_slice %arg14[%mul3A_89, %dma_wait3A_96] : memref<10000x128xf32, #tpu.memory_space<vmem_shared>> -> memref<80x128xf32, #tpu.memory_space<vmem_shared>>
        tpu.wait_dma2 semaphore(%run_scoped3A : memref<!tpu.dma_semaphore, #tpu.memory_space<semaphore_mem>>) src(%arg12 : memref<80x128xf32, #tpu.memory_space<vmem>>) dst(%dma_wait3A_97 : memref<80x128xf32, #tpu.memory_space<vmem_shared>>)
        tpu.yield
      }) : () -> ()
    } else {
    }
    %add3A_37 = arith.constant 80 : i32
    %add3A_38 = arith.addi %arg1, %add3A_37 : i32
    %lt3A_39 = arith.constant 125 : i32
    %lt3A_40 = arith.cmpi slt, %add3A_38, %lt3A_39 : i32
    %convert_element_type3A_41 = arith.extui %lt3A_40 : i1 to i32
    %cond3A_42 = arith.constant 0 : i32
    %cond3A_43 = arith.cmpi ne, %convert_element_type3A_41, %cond3A_42 : i32
    scf.if %cond3A_43 {
      %mul3A_88 = arith.constant 80 : i32
      %mul3A_89 = arith.muli %add3A_38, %mul3A_88 : i32
      "tpu.region"() ({
        %run_scoped3A = tpu.sem_alloc : memref<!tpu.dma_semaphore, #tpu.memory_space<semaphore_mem>>
        %dma_start3A_90 = arith.constant 0 : i32
        %dma_start3A_91 = tpu.memref_slice %arg14[%mul3A_89, %dma_start3A_90] : memref<10000x128xf32, #tpu.memory_space<vmem_shared>> -> memref<80x128xf32, #tpu.memory_space<vmem_shared>>
        %dma_start3A_92 = arith.constant 0 : i32
        %dma_start3A_93 = tpu.memref_slice %arg14[%mul3A_89, %dma_start3A_92] : memref<10000x128xf32, #tpu.memory_space<vmem_shared>> -> memref<80x128xf32, #tpu.memory_space<vmem_shared>>
        tpu.enqueue_dma source(%arg12 : memref<80x128xf32, #tpu.memory_space<vmem>>) target(%dma_start3A_93 : memref<80x128xf32, #tpu.memory_space<vmem_shared>>) target_semaphore(%run_scoped3A : memref<!tpu.dma_semaphore, #tpu.memory_space<semaphore_mem>>)
        %dma_wait3A_94 = arith.constant 0 : i32
        %dma_wait3A_95 = tpu.memref_slice %arg14[%mul3A_89, %dma_wait3A_94] : memref<10000x128xf32, #tpu.memory_space<vmem_shared>> -> memref<80x128xf32, #tpu.memory_space<vmem_shared>>
        %dma_wait3A_96 = arith.constant 0 : i32
        %dma_wait3A_97 = tpu.memref_slice %arg14[%mul3A_89, %dma_wait3A_96] : memref<10000x128xf32, #tpu.memory_space<vmem_shared>> -> memref<80x128xf32, #tpu.memory_space<vmem_shared>>
        tpu.wait_dma2 semaphore(%run_scoped3A : memref<!tpu.dma_semaphore, #tpu.memory_space<semaphore_mem>>) src(%arg12 : memref<80x128xf32, #tpu.memory_space<vmem>>) dst(%dma_wait3A_97 : memref<80x128xf32, #tpu.memory_space<vmem_shared>>)
        tpu.yield
      }) : () -> ()
    } else {
    }
    %add3A_44 = arith.constant 96 : i32
    %add3A_45 = arith.addi %arg1, %add3A_44 : i32
    %lt3A_46 = arith.constant 125 : i32
    %lt3A_47 = arith.cmpi slt, %add3A_45, %lt3A_46 : i32
    %convert_element_type3A_48 = arith.extui %lt3A_47 : i1 to i32
    %cond3A_49 = arith.constant 0 : i32
    %cond3A_50 = arith.cmpi ne, %convert_element_type3A_48, %cond3A_49 : i32
    scf.if %cond3A_50 {
      %mul3A_88 = arith.constant 80 : i32
      %mul3A_89 = arith.muli %add3A_45, %mul3A_88 : i32
      "tpu.region"() ({
        %run_scoped3A = tpu.sem_alloc : memref<!tpu.dma_semaphore, #tpu.memory_space<semaphore_mem>>
        %dma_start3A_90 = arith.constant 0 : i32
        %dma_start3A_91 = tpu.memref_slice %arg14[%mul3A_89, %dma_start3A_90] : memref<10000x128xf32, #tpu.memory_space<vmem_shared>> -> memref<80x128xf32, #tpu.memory_space<vmem_shared>>
        %dma_start3A_92 = arith.constant 0 : i32
        %dma_start3A_93 = tpu.memref_slice %arg14[%mul3A_89, %dma_start3A_92] : memref<10000x128xf32, #tpu.memory_space<vmem_shared>> -> memref<80x128xf32, #tpu.memory_space<vmem_shared>>
        tpu.enqueue_dma source(%arg12 : memref<80x128xf32, #tpu.memory_space<vmem>>) target(%dma_start3A_93 : memref<80x128xf32, #tpu.memory_space<vmem_shared>>) target_semaphore(%run_scoped3A : memref<!tpu.dma_semaphore, #tpu.memory_space<semaphore_mem>>)
        %dma_wait3A_94 = arith.constant 0 : i32
        %dma_wait3A_95 = tpu.memref_slice %arg14[%mul3A_89, %dma_wait3A_94] : memref<10000x128xf32, #tpu.memory_space<vmem_shared>> -> memref<80x128xf32, #tpu.memory_space<vmem_shared>>
        %dma_wait3A_96 = arith.constant 0 : i32
        %dma_wait3A_97 = tpu.memref_slice %arg14[%mul3A_89, %dma_wait3A_96] : memref<10000x128xf32, #tpu.memory_space<vmem_shared>> -> memref<80x128xf32, #tpu.memory_space<vmem_shared>>
        tpu.wait_dma2 semaphore(%run_scoped3A : memref<!tpu.dma_semaphore, #tpu.memory_space<semaphore_mem>>) src(%arg12 : memref<80x128xf32, #tpu.memory_space<vmem>>) dst(%dma_wait3A_97 : memref<80x128xf32, #tpu.memory_space<vmem_shared>>)
        tpu.yield
      }) : () -> ()
    } else {
    }
    %add3A_51 = arith.constant 112 : i32
    %add3A_52 = arith.addi %arg1, %add3A_51 : i32
    %lt3A_53 = arith.constant 125 : i32
    %lt3A_54 = arith.cmpi slt, %add3A_52, %lt3A_53 : i32
    %convert_element_type3A_55 = arith.extui %lt3A_54 : i1 to i32
    %cond3A_56 = arith.constant 0 : i32
    %cond3A_57 = arith.cmpi ne, %convert_element_type3A_55, %cond3A_56 : i32
    scf.if %cond3A_57 {
      %mul3A_88 = arith.constant 80 : i32
      %mul3A_89 = arith.muli %add3A_52, %mul3A_88 : i32
      "tpu.region"() ({
        %run_scoped3A = tpu.sem_alloc : memref<!tpu.dma_semaphore, #tpu.memory_space<semaphore_mem>>
        %dma_start3A_90 = arith.constant 0 : i32
        %dma_start3A_91 = tpu.memref_slice %arg14[%mul3A_89, %dma_start3A_90] : memref<10000x128xf32, #tpu.memory_space<vmem_shared>> -> memref<80x128xf32, #tpu.memory_space<vmem_shared>>
        %dma_start3A_92 = arith.constant 0 : i32
        %dma_start3A_93 = tpu.memref_slice %arg14[%mul3A_89, %dma_start3A_92] : memref<10000x128xf32, #tpu.memory_space<vmem_shared>> -> memref<80x128xf32, #tpu.memory_space<vmem_shared>>
        tpu.enqueue_dma source(%arg12 : memref<80x128xf32, #tpu.memory_space<vmem>>) target(%dma_start3A_93 : memref<80x128xf32, #tpu.memory_space<vmem_shared>>) target_semaphore(%run_scoped3A : memref<!tpu.dma_semaphore, #tpu.memory_space<semaphore_mem>>)
        %dma_wait3A_94 = arith.constant 0 : i32
        %dma_wait3A_95 = tpu.memref_slice %arg14[%mul3A_89, %dma_wait3A_94] : memref<10000x128xf32, #tpu.memory_space<vmem_shared>> -> memref<80x128xf32, #tpu.memory_space<vmem_shared>>
        %dma_wait3A_96 = arith.constant 0 : i32
        %dma_wait3A_97 = tpu.memref_slice %arg14[%mul3A_89, %dma_wait3A_96] : memref<10000x128xf32, #tpu.memory_space<vmem_shared>> -> memref<80x128xf32, #tpu.memory_space<vmem_shared>>
        tpu.wait_dma2 semaphore(%run_scoped3A : memref<!tpu.dma_semaphore, #tpu.memory_space<semaphore_mem>>) src(%arg12 : memref<80x128xf32, #tpu.memory_space<vmem>>) dst(%dma_wait3A_97 : memref<80x128xf32, #tpu.memory_space<vmem_shared>>)
        tpu.yield
      }) : () -> ()
    } else {
    }
    %barrier3A = arith.constant 0 : index
    tpu.barrier barrier_id(%barrier3A)
    "tpu.region"() ({
      %run_scoped3A = tpu.sem_alloc : memref<!tpu.dma_semaphore, #tpu.memory_space<semaphore_mem>>
      %dma_start3A_88 = tpu.memref_slice %arg4[%mul3A_2] : memref<320000xi32, #tpu.memory_space<hbm>> -> memref<80xi32, #tpu.memory_space<hbm>>
      %dma_start3A_89 = tpu.memref_slice %arg4[%mul3A_2] : memref<320000xi32, #tpu.memory_space<hbm>> -> memref<80xi32, #tpu.memory_space<hbm>>
      tpu.enqueue_dma source(%dma_start3A_89 : memref<80xi32, #tpu.memory_space<hbm>>) target(%arg7 : memref<80xi32, #tpu.memory_space<vmem>>) target_semaphore(%run_scoped3A : memref<!tpu.dma_semaphore, #tpu.memory_space<semaphore_mem>>)
      %dma_wait3A_90 = tpu.memref_slice %arg4[%mul3A_2] : memref<320000xi32, #tpu.memory_space<hbm>> -> memref<80xi32, #tpu.memory_space<hbm>>
      %dma_wait3A_91 = tpu.memref_slice %arg4[%mul3A_2] : memref<320000xi32, #tpu.memory_space<hbm>> -> memref<80xi32, #tpu.memory_space<hbm>>
      tpu.wait_dma2 semaphore(%run_scoped3A : memref<!tpu.dma_semaphore, #tpu.memory_space<semaphore_mem>>) src(%dma_wait3A_91 : memref<80xi32, #tpu.memory_space<hbm>>) dst(%arg7 : memref<80xi32, #tpu.memory_space<vmem>>)
      tpu.yield
    }) : () -> ()
    "tpu.region"() ({
      %run_scoped3A = tpu.sem_alloc : memref<!tpu.dma_semaphore, #tpu.memory_space<semaphore_mem>>
      %dma_start3A_88 = tpu.memref_slice %arg5[%mul3A_2] : memref<320000xi32, #tpu.memory_space<hbm>> -> memref<80xi32, #tpu.memory_space<hbm>>
      %dma_start3A_89 = tpu.memref_slice %arg5[%mul3A_2] : memref<320000xi32, #tpu.memory_space<hbm>> -> memref<80xi32, #tpu.memory_space<hbm>>
      tpu.enqueue_dma source(%dma_start3A_89 : memref<80xi32, #tpu.memory_space<hbm>>) target(%arg8 : memref<80xi32, #tpu.memory_space<vmem>>) target_semaphore(%run_scoped3A : memref<!tpu.dma_semaphore, #tpu.memory_space<semaphore_mem>>)
      %dma_wait3A_90 = tpu.memref_slice %arg5[%mul3A_2] : memref<320000xi32, #tpu.memory_space<hbm>> -> memref<80xi32, #tpu.memory_space<hbm>>
      %dma_wait3A_91 = tpu.memref_slice %arg5[%mul3A_2] : memref<320000xi32, #tpu.memory_space<hbm>> -> memref<80xi32, #tpu.memory_space<hbm>>
      tpu.wait_dma2 semaphore(%run_scoped3A : memref<!tpu.dma_semaphore, #tpu.memory_space<semaphore_mem>>) src(%dma_wait3A_91 : memref<80xi32, #tpu.memory_space<hbm>>) dst(%arg8 : memref<80xi32, #tpu.memory_space<vmem>>)
      tpu.yield
    }) : () -> ()
    %dma_start3A = arith.constant 0 : i32
    %dma_start3A_58 = tpu.memref_slice %arg3[%mul3A_2, %dma_start3A] : memref<320000x128xf32, #tpu.memory_space<hbm>> -> memref<80x128xf32, #tpu.memory_space<hbm>>
    %dma_start3A_59 = arith.constant 0 : i32
    %dma_start3A_60 = tpu.memref_slice %arg3[%mul3A_2, %dma_start3A_59] : memref<320000x128xf32, #tpu.memory_space<hbm>> -> memref<80x128xf32, #tpu.memory_space<hbm>>
    tpu.enqueue_dma source(%dma_start3A_60 : memref<80x128xf32, #tpu.memory_space<hbm>>) target(%arg11 : memref<80x128xf32, #tpu.memory_space<vmem>>) target_semaphore(%arg17 : memref<!tpu.dma_semaphore, #tpu.memory_space<semaphore_mem>>)
    %dma_start3A_61 = arith.constant 0 : i32
    %dma_start3A_62 = arith.constant 0 : i32
    %dma_start3A_63 = tpu.memref_slice %arg2[%dma_start3A_61, %dma_start3A_62] : memref<10000x128xf32, #tpu.memory_space<hbm>> -> memref<10000x128xf32, #tpu.memory_space<hbm>>
    tpu.enqueue_indirect_dma source(%dma_start3A_63 : memref<10000x128xf32, #tpu.memory_space<hbm>>) target(%arg12 : memref<80x128xf32, #tpu.memory_space<vmem>>) offsets(%arg7 : memref<80xi32, #tpu.memory_space<vmem>>) semaphore(%arg18 : memref<!tpu.dma_semaphore, #tpu.memory_space<semaphore_mem>>)
    %scan3A = arith.constant 0 : i32
    %scan3A_64 = arith.constant 0 : i32
    %scan3A_65 = arith.constant 62 : i32
    %scan3A_66 = arith.addi %scan3A_64, %scan3A_65 : i32
    %scan3A_67 = arith.constant 1 : i32
    scf.for %scan3A_88 = %scan3A_64 to %scan3A_66 step %scan3A_67  : i32 {
      %mul3A_89 = arith.constant 2 : i32
      %mul3A_90 = arith.muli %mul3A_89, %scan3A_88 : i32
      %add3A_91 = arith.constant 1 : i32
      %add3A_92 = arith.addi %mul3A_90, %add3A_91 : i32
      %lt3A_93 = arith.constant 125 : i32
      %lt3A_94 = arith.cmpi slt, %add3A_92, %lt3A_93 : i32
      %convert_element_type3A_95 = arith.extui %lt3A_94 : i1 to i32
      %cond3A_96 = arith.constant 0 : i32
      %cond3A_97 = arith.cmpi ne, %convert_element_type3A_95, %cond3A_96 : i32
      scf.if %cond3A_97 {
        %mul3A_151 = arith.constant 80 : i32
        %mul3A_152 = arith.muli %add3A_92, %mul3A_151 : i32
        %add3A_153 = arith.addi %mul3A_2, %mul3A_152 : i32
        %dma_start3A_154 = tpu.memref_slice %arg4[%add3A_153] : memref<320000xi32, #tpu.memory_space<hbm>> -> memref<80xi32, #tpu.memory_space<hbm>>
        %dma_start3A_155 = tpu.memref_slice %arg4[%add3A_153] : memref<320000xi32, #tpu.memory_space<hbm>> -> memref<80xi32, #tpu.memory_space<hbm>>
        tpu.enqueue_dma source(%dma_start3A_155 : memref<80xi32, #tpu.memory_space<hbm>>) target(%arg9 : memref<80xi32, #tpu.memory_space<vmem>>) target_semaphore(%arg16 : memref<!tpu.dma_semaphore, #tpu.memory_space<semaphore_mem>>)
        %dma_start3A_156 = tpu.memref_slice %arg5[%add3A_153] : memref<320000xi32, #tpu.memory_space<hbm>> -> memref<80xi32, #tpu.memory_space<hbm>>
        %dma_start3A_157 = tpu.memref_slice %arg5[%add3A_153] : memref<320000xi32, #tpu.memory_space<hbm>> -> memref<80xi32, #tpu.memory_space<hbm>>
        tpu.enqueue_dma source(%dma_start3A_157 : memref<80xi32, #tpu.memory_space<hbm>>) target(%arg10 : memref<80xi32, #tpu.memory_space<vmem>>) target_semaphore(%arg16 : memref<!tpu.dma_semaphore, #tpu.memory_space<semaphore_mem>>)
      } else {
      }
      %dma_wait3A_98 = arith.constant 0 : i32
      %dma_wait3A_99 = arith.constant 0 : i32
      %dma_wait3A_100 = tpu.memref_slice %arg3[%dma_wait3A_98, %dma_wait3A_99] : memref<320000x128xf32, #tpu.memory_space<hbm>> -> memref<80x128xf32, #tpu.memory_space<hbm>>
      %dma_wait3A_101 = arith.constant 0 : i32
      %dma_wait3A_102 = arith.constant 0 : i32
      %dma_wait3A_103 = tpu.memref_slice %arg3[%dma_wait3A_101, %dma_wait3A_102] : memref<320000x128xf32, #tpu.memory_space<hbm>> -> memref<80x128xf32, #tpu.memory_space<hbm>>
      tpu.wait_dma2 semaphore(%arg17 : memref<!tpu.dma_semaphore, #tpu.memory_space<semaphore_mem>>) src(%dma_wait3A_103 : memref<80x128xf32, #tpu.memory_space<hbm>>) dst(%arg11 : memref<80x128xf32, #tpu.memory_space<vmem>>)
      %dma_wait3A_104 = arith.constant 0 : i32
      %dma_wait3A_105 = arith.constant 0 : i32
      %dma_wait3A_106 = tpu.memref_slice %arg2[%dma_wait3A_104, %dma_wait3A_105] : memref<10000x128xf32, #tpu.memory_space<hbm>> -> memref<80x128xf32, #tpu.memory_space<hbm>>
      %dma_wait3A_107 = arith.constant 0 : i32
      %dma_wait3A_108 = arith.constant 0 : i32
      %dma_wait3A_109 = tpu.memref_slice %arg2[%dma_wait3A_107, %dma_wait3A_108] : memref<10000x128xf32, #tpu.memory_space<hbm>> -> memref<80x128xf32, #tpu.memory_space<hbm>>
      tpu.wait_dma2 semaphore(%arg18 : memref<!tpu.dma_semaphore, #tpu.memory_space<semaphore_mem>>) src(%dma_wait3A_109 : memref<80x128xf32, #tpu.memory_space<hbm>>) dst(%arg12 : memref<80x128xf32, #tpu.memory_space<vmem>>)
      %parallel_loop3A_110 = arith.constant 0 : i32
      %parallel_loop3A_111 = arith.constant 80 : i32
      %parallel_loop3A_112 = arith.constant 1 : i32
      scf.for %parallel_loop3A_151 = %parallel_loop3A_110 to %parallel_loop3A_111 step %parallel_loop3A_112  : i32 {
        %parallel_loop3A_152 = arith.index_cast %parallel_loop3A_151 : i32 to index
        %parallel_loop3A_153 = arith.constant 0 : index
        %parallel_loop3A_154 = tpu.vector_load %arg12[%parallel_loop3A_152, %parallel_loop3A_153] {strides = array<i32>} : memref<80x128xf32, #tpu.memory_space<vmem>>, vector<1x16xf32>,
        %parallel_loop3A_155 = vector.shape_cast %parallel_loop3A_154 : vector<1x16xf32> to vector<16xf32>
        %parallel_loop3A_156 = arith.index_cast %parallel_loop3A_151 : i32 to index
        %parallel_loop3A_157 = arith.constant 0 : index
        %parallel_loop3A_158 = tpu.vector_load %arg11[%parallel_loop3A_156, %parallel_loop3A_157] {strides = array<i32>} : memref<80x128xf32, #tpu.memory_space<vmem>>, vector<1x16xf32>,
        %parallel_loop3A_159 = vector.shape_cast %parallel_loop3A_158 : vector<1x16xf32> to vector<16xf32>
        %parallel_loop3A_160 = arith.addf %parallel_loop3A_155, %parallel_loop3A_159 : vector<16xf32>
        %parallel_loop3A_161 = arith.constant 0.000000e+00 : f32
        %parallel_loop3A_162 = vector.broadcast %parallel_loop3A_161 : f32 to vector<16xf32>
        %parallel_loop3A_163 = arith.maximumf %parallel_loop3A_160, %parallel_loop3A_162 : vector<16xf32>
        %parallel_loop3A_164 = arith.index_cast %parallel_loop3A_151 : i32 to index
        %parallel_loop3A_165 = arith.constant 0 : index
        %parallel_loop3A_166 = tpu.vector_load %arg12[%parallel_loop3A_164, %parallel_loop3A_165] {strides = array<i32>} : memref<80x128xf32, #tpu.memory_space<vmem>>, vector<1x16xf32>,
        %parallel_loop3A_167 = vector.shape_cast %parallel_loop3A_166 : vector<1x16xf32> to vector<16xf32>
        %parallel_loop3A_168 = vector.shape_cast %parallel_loop3A_163 : vector<16xf32> to vector<1x16xf32>
        tpu.vector_store %arg12[%parallel_loop3A_164, %parallel_loop3A_165], %parallel_loop3A_168 {strides = array<i32>} : memref<80x128xf32, #tpu.memory_space<vmem>>, vector<1x16xf32>,
        %parallel_loop3A_169 = arith.index_cast %parallel_loop3A_151 : i32 to index
        %parallel_loop3A_170 = arith.constant 16 : index
        %parallel_loop3A_171 = tpu.vector_load %arg12[%parallel_loop3A_169, %parallel_loop3A_170] {strides = array<i32>} : memref<80x128xf32, #tpu.memory_space<vmem>>, vector<1x16xf32>,
        %parallel_loop3A_172 = vector.shape_cast %parallel_loop3A_171 : vector<1x16xf32> to vector<16xf32>
        %parallel_loop3A_173 = arith.index_cast %parallel_loop3A_151 : i32 to index
        %parallel_loop3A_174 = arith.constant 16 : index
        %parallel_loop3A_175 = tpu.vector_load %arg11[%parallel_loop3A_173, %parallel_loop3A_174] {strides = array<i32>} : memref<80x128xf32, #tpu.memory_space<vmem>>, vector<1x16xf32>,
        %parallel_loop3A_176 = vector.shape_cast %parallel_loop3A_175 : vector<1x16xf32> to vector<16xf32>
        %parallel_loop3A_177 = arith.addf %parallel_loop3A_172, %parallel_loop3A_176 : vector<16xf32>
        %parallel_loop3A_178 = arith.constant 0.000000e+00 : f32
        %parallel_loop3A_179 = vector.broadcast %parallel_loop3A_178 : f32 to vector<16xf32>
        %parallel_loop3A_180 = arith.maximumf %parallel_loop3A_177, %parallel_loop3A_179 : vector<16xf32>
        %parallel_loop3A_181 = arith.index_cast %parallel_loop3A_151 : i32 to index
        %parallel_loop3A_182 = arith.constant 16 : index
        %parallel_loop3A_183 = tpu.vector_load %arg12[%parallel_loop3A_181, %parallel_loop3A_182] {strides = array<i32>} : memref<80x128xf32, #tpu.memory_space<vmem>>, vector<1x16xf32>,
        %parallel_loop3A_184 = vector.shape_cast %parallel_loop3A_183 : vector<1x16xf32> to vector<16xf32>
        %parallel_loop3A_185 = vector.shape_cast %parallel_loop3A_180 : vector<16xf32> to vector<1x16xf32>
        tpu.vector_store %arg12[%parallel_loop3A_181, %parallel_loop3A_182], %parallel_loop3A_185 {strides = array<i32>} : memref<80x128xf32, #tpu.memory_space<vmem>>, vector<1x16xf32>,
        %parallel_loop3A_186 = arith.index_cast %parallel_loop3A_151 : i32 to index
        %parallel_loop3A_187 = arith.constant 32 : index
        %parallel_loop3A_188 = tpu.vector_load %arg12[%parallel_loop3A_186, %parallel_loop3A_187] {strides = array<i32>} : memref<80x128xf32, #tpu.memory_space<vmem>>, vector<1x16xf32>,
        %parallel_loop3A_189 = vector.shape_cast %parallel_loop3A_188 : vector<1x16xf32> to vector<16xf32>
        %parallel_loop3A_190 = arith.index_cast %parallel_loop3A_151 : i32 to index
        %parallel_loop3A_191 = arith.constant 32 : index
        %parallel_loop3A_192 = tpu.vector_load %arg11[%parallel_loop3A_190, %parallel_loop3A_191] {strides = array<i32>} : memref<80x128xf32, #tpu.memory_space<vmem>>, vector<1x16xf32>,
        %parallel_loop3A_193 = vector.shape_cast %parallel_loop3A_192 : vector<1x16xf32> to vector<16xf32>
        %parallel_loop3A_194 = arith.addf %parallel_loop3A_189, %parallel_loop3A_193 : vector<16xf32>
        %parallel_loop3A_195 = arith.constant 0.000000e+00 : f32
        %parallel_loop3A_196 = vector.broadcast %parallel_loop3A_195 : f32 to vector<16xf32>
        %parallel_loop3A_197 = arith.maximumf %parallel_loop3A_194, %parallel_loop3A_196 : vector<16xf32>
        %parallel_loop3A_198 = arith.index_cast %parallel_loop3A_151 : i32 to index
        %parallel_loop3A_199 = arith.constant 32 : index
        %parallel_loop3A_200 = tpu.vector_load %arg12[%parallel_loop3A_198, %parallel_loop3A_199] {strides = array<i32>} : memref<80x128xf32, #tpu.memory_space<vmem>>, vector<1x16xf32>,
        %parallel_loop3A_201 = vector.shape_cast %parallel_loop3A_200 : vector<1x16xf32> to vector<16xf32>
        %parallel_loop3A_202 = vector.shape_cast %parallel_loop3A_197 : vector<16xf32> to vector<1x16xf32>
        tpu.vector_store %arg12[%parallel_loop3A_198, %parallel_loop3A_199], %parallel_loop3A_202 {strides = array<i32>} : memref<80x128xf32, #tpu.memory_space<vmem>>, vector<1x16xf32>,
        %parallel_loop3A_203 = arith.index_cast %parallel_loop3A_151 : i32 to index
        %parallel_loop3A_204 = arith.constant 48 : index
        %parallel_loop3A_205 = tpu.vector_load %arg12[%parallel_loop3A_203, %parallel_loop3A_204] {strides = array<i32>} : memref<80x128xf32, #tpu.memory_space<vmem>>, vector<1x16xf32>,
        %parallel_loop3A_206 = vector.shape_cast %parallel_loop3A_205 : vector<1x16xf32> to vector<16xf32>
        %parallel_loop3A_207 = arith.index_cast %parallel_loop3A_151 : i32 to index
        %parallel_loop3A_208 = arith.constant 48 : index
        %parallel_loop3A_209 = tpu.vector_load %arg11[%parallel_loop3A_207, %parallel_loop3A_208] {strides = array<i32>} : memref<80x128xf32, #tpu.memory_space<vmem>>, vector<1x16xf32>,
        %parallel_loop3A_210 = vector.shape_cast %parallel_loop3A_209 : vector<1x16xf32> to vector<16xf32>
        %parallel_loop3A_211 = arith.addf %parallel_loop3A_206, %parallel_loop3A_210 : vector<16xf32>
        %parallel_loop3A_212 = arith.constant 0.000000e+00 : f32
        %parallel_loop3A_213 = vector.broadcast %parallel_loop3A_212 : f32 to vector<16xf32>
        %parallel_loop3A_214 = arith.maximumf %parallel_loop3A_211, %parallel_loop3A_213 : vector<16xf32>
        %parallel_loop3A_215 = arith.index_cast %parallel_loop3A_151 : i32 to index
        %parallel_loop3A_216 = arith.constant 48 : index
        %parallel_loop3A_217 = tpu.vector_load %arg12[%parallel_loop3A_215, %parallel_loop3A_216] {strides = array<i32>} : memref<80x128xf32, #tpu.memory_space<vmem>>, vector<1x16xf32>,
        %parallel_loop3A_218 = vector.shape_cast %parallel_loop3A_217 : vector<1x16xf32> to vector<16xf32>
        %parallel_loop3A_219 = vector.shape_cast %parallel_loop3A_214 : vector<16xf32> to vector<1x16xf32>
        tpu.vector_store %arg12[%parallel_loop3A_215, %parallel_loop3A_216], %parallel_loop3A_219 {strides = array<i32>} : memref<80x128xf32, #tpu.memory_space<vmem>>, vector<1x16xf32>,
        %parallel_loop3A_220 = arith.index_cast %parallel_loop3A_151 : i32 to index
        %parallel_loop3A_221 = arith.constant 64 : index
        %parallel_loop3A_222 = tpu.vector_load %arg12[%parallel_loop3A_220, %parallel_loop3A_221] {strides = array<i32>} : memref<80x128xf32, #tpu.memory_space<vmem>>, vector<1x16xf32>,
        %parallel_loop3A_223 = vector.shape_cast %parallel_loop3A_222 : vector<1x16xf32> to vector<16xf32>
        %parallel_loop3A_224 = arith.index_cast %parallel_loop3A_151 : i32 to index
        %parallel_loop3A_225 = arith.constant 64 : index
        %parallel_loop3A_226 = tpu.vector_load %arg11[%parallel_loop3A_224, %parallel_loop3A_225] {strides = array<i32>} : memref<80x128xf32, #tpu.memory_space<vmem>>, vector<1x16xf32>,
        %parallel_loop3A_227 = vector.shape_cast %parallel_loop3A_226 : vector<1x16xf32> to vector<16xf32>
        %parallel_loop3A_228 = arith.addf %parallel_loop3A_223, %parallel_loop3A_227 : vector<16xf32>
        %parallel_loop3A_229 = arith.constant 0.000000e+00 : f32
        %parallel_loop3A_230 = vector.broadcast %parallel_loop3A_229 : f32 to vector<16xf32>
        %parallel_loop3A_231 = arith.maximumf %parallel_loop3A_228, %parallel_loop3A_230 : vector<16xf32>
        %parallel_loop3A_232 = arith.index_cast %parallel_loop3A_151 : i32 to index
        %parallel_loop3A_233 = arith.constant 64 : index
        %parallel_loop3A_234 = tpu.vector_load %arg12[%parallel_loop3A_232, %parallel_loop3A_233] {strides = array<i32>} : memref<80x128xf32, #tpu.memory_space<vmem>>, vector<1x16xf32>,
        %parallel_loop3A_235 = vector.shape_cast %parallel_loop3A_234 : vector<1x16xf32> to vector<16xf32>
        %parallel_loop3A_236 = vector.shape_cast %parallel_loop3A_231 : vector<16xf32> to vector<1x16xf32>
        tpu.vector_store %arg12[%parallel_loop3A_232, %parallel_loop3A_233], %parallel_loop3A_236 {strides = array<i32>} : memref<80x128xf32, #tpu.memory_space<vmem>>, vector<1x16xf32>,
        %parallel_loop3A_237 = arith.index_cast %parallel_loop3A_151 : i32 to index
        %parallel_loop3A_238 = arith.constant 80 : index
        %parallel_loop3A_239 = tpu.vector_load %arg12[%parallel_loop3A_237, %parallel_loop3A_238] {strides = array<i32>} : memref<80x128xf32, #tpu.memory_space<vmem>>, vector<1x16xf32>,
        %parallel_loop3A_240 = vector.shape_cast %parallel_loop3A_239 : vector<1x16xf32> to vector<16xf32>
        %parallel_loop3A_241 = arith.index_cast %parallel_loop3A_151 : i32 to index
        %parallel_loop3A_242 = arith.constant 80 : index
        %parallel_loop3A_243 = tpu.vector_load %arg11[%parallel_loop3A_241, %parallel_loop3A_242] {strides = array<i32>} : memref<80x128xf32, #tpu.memory_space<vmem>>, vector<1x16xf32>,
        %parallel_loop3A_244 = vector.shape_cast %parallel_loop3A_243 : vector<1x16xf32> to vector<16xf32>
        %parallel_loop3A_245 = arith.addf %parallel_loop3A_240, %parallel_loop3A_244 : vector<16xf32>
        %parallel_loop3A_246 = arith.constant 0.000000e+00 : f32
        %parallel_loop3A_247 = vector.broadcast %parallel_loop3A_246 : f32 to vector<16xf32>
        %parallel_loop3A_248 = arith.maximumf %parallel_loop3A_245, %parallel_loop3A_247 : vector<16xf32>
        %parallel_loop3A_249 = arith.index_cast %parallel_loop3A_151 : i32 to index
        %parallel_loop3A_250 = arith.constant 80 : index
        %parallel_loop3A_251 = tpu.vector_load %arg12[%parallel_loop3A_249, %parallel_loop3A_250] {strides = array<i32>} : memref<80x128xf32, #tpu.memory_space<vmem>>, vector<1x16xf32>,
        %parallel_loop3A_252 = vector.shape_cast %parallel_loop3A_251 : vector<1x16xf32> to vector<16xf32>
        %parallel_loop3A_253 = vector.shape_cast %parallel_loop3A_248 : vector<16xf32> to vector<1x16xf32>
        tpu.vector_store %arg12[%parallel_loop3A_249, %parallel_loop3A_250], %parallel_loop3A_253 {strides = array<i32>} : memref<80x128xf32, #tpu.memory_space<vmem>>, vector<1x16xf32>,
        %parallel_loop3A_254 = arith.index_cast %parallel_loop3A_151 : i32 to index
        %parallel_loop3A_255 = arith.constant 96 : index
        %parallel_loop3A_256 = tpu.vector_load %arg12[%parallel_loop3A_254, %parallel_loop3A_255] {strides = array<i32>} : memref<80x128xf32, #tpu.memory_space<vmem>>, vector<1x16xf32>,
        %parallel_loop3A_257 = vector.shape_cast %parallel_loop3A_256 : vector<1x16xf32> to vector<16xf32>
        %parallel_loop3A_258 = arith.index_cast %parallel_loop3A_151 : i32 to index
        %parallel_loop3A_259 = arith.constant 96 : index
        %parallel_loop3A_260 = tpu.vector_load %arg11[%parallel_loop3A_258, %parallel_loop3A_259] {strides = array<i32>} : memref<80x128xf32, #tpu.memory_space<vmem>>, vector<1x16xf32>,
        %parallel_loop3A_261 = vector.shape_cast %parallel_loop3A_260 : vector<1x16xf32> to vector<16xf32>
        %parallel_loop3A_262 = arith.addf %parallel_loop3A_257, %parallel_loop3A_261 : vector<16xf32>
        %parallel_loop3A_263 = arith.constant 0.000000e+00 : f32
        %parallel_loop3A_264 = vector.broadcast %parallel_loop3A_263 : f32 to vector<16xf32>
        %parallel_loop3A_265 = arith.maximumf %parallel_loop3A_262, %parallel_loop3A_264 : vector<16xf32>
        %parallel_loop3A_266 = arith.index_cast %parallel_loop3A_151 : i32 to index
        %parallel_loop3A_267 = arith.constant 96 : index
        %parallel_loop3A_268 = tpu.vector_load %arg12[%parallel_loop3A_266, %parallel_loop3A_267] {strides = array<i32>} : memref<80x128xf32, #tpu.memory_space<vmem>>, vector<1x16xf32>,
        %parallel_loop3A_269 = vector.shape_cast %parallel_loop3A_268 : vector<1x16xf32> to vector<16xf32>
        %parallel_loop3A_270 = vector.shape_cast %parallel_loop3A_265 : vector<16xf32> to vector<1x16xf32>
        tpu.vector_store %arg12[%parallel_loop3A_266, %parallel_loop3A_267], %parallel_loop3A_270 {strides = array<i32>} : memref<80x128xf32, #tpu.memory_space<vmem>>, vector<1x16xf32>,
        %parallel_loop3A_271 = arith.index_cast %parallel_loop3A_151 : i32 to index
        %parallel_loop3A_272 = arith.constant 112 : index
        %parallel_loop3A_273 = tpu.vector_load %arg12[%parallel_loop3A_271, %parallel_loop3A_272] {strides = array<i32>} : memref<80x128xf32, #tpu.memory_space<vmem>>, vector<1x16xf32>,
        %parallel_loop3A_274 = vector.shape_cast %parallel_loop3A_273 : vector<1x16xf32> to vector<16xf32>
        %parallel_loop3A_275 = arith.index_cast %parallel_loop3A_151 : i32 to index
        %parallel_loop3A_276 = arith.constant 112 : index
        %parallel_loop3A_277 = tpu.vector_load %arg11[%parallel_loop3A_275, %parallel_loop3A_276] {strides = array<i32>} : memref<80x128xf32, #tpu.memory_space<vmem>>, vector<1x16xf32>,
        %parallel_loop3A_278 = vector.shape_cast %parallel_loop3A_277 : vector<1x16xf32> to vector<16xf32>
        %parallel_loop3A_279 = arith.addf %parallel_loop3A_274, %parallel_loop3A_278 : vector<16xf32>
        %parallel_loop3A_280 = arith.constant 0.000000e+00 : f32
        %parallel_loop3A_281 = vector.broadcast %parallel_loop3A_280 : f32 to vector<16xf32>
        %parallel_loop3A_282 = arith.maximumf %parallel_loop3A_279, %parallel_loop3A_281 : vector<16xf32>
        %parallel_loop3A_283 = arith.index_cast %parallel_loop3A_151 : i32 to index
        %parallel_loop3A_284 = arith.constant 112 : index
        %parallel_loop3A_285 = tpu.vector_load %arg12[%parallel_loop3A_283, %parallel_loop3A_284] {strides = array<i32>} : memref<80x128xf32, #tpu.memory_space<vmem>>, vector<1x16xf32>,
        %parallel_loop3A_286 = vector.shape_cast %parallel_loop3A_285 : vector<1x16xf32> to vector<16xf32>
        %parallel_loop3A_287 = vector.shape_cast %parallel_loop3A_282 : vector<16xf32> to vector<1x16xf32>
        tpu.vector_store %arg12[%parallel_loop3A_283, %parallel_loop3A_284], %parallel_loop3A_287 {strides = array<i32>} : memref<80x128xf32, #tpu.memory_space<vmem>>, vector<1x16xf32>,
      } {sc.loop_unroll_factor = 8 : i64, sc.parallel_access}
      %add3A_113 = arith.constant 1 : i32
      %add3A_114 = arith.addi %mul3A_90, %add3A_113 : i32
      %lt3A_115 = arith.constant 125 : i32
      %lt3A_116 = arith.cmpi slt, %add3A_114, %lt3A_115 : i32
      %convert_element_type3A_117 = arith.extui %lt3A_116 : i1 to i32
      %cond3A_118 = arith.constant 0 : i32
      %cond3A_119 = arith.cmpi ne, %convert_element_type3A_117, %cond3A_118 : i32
      scf.if %cond3A_119 {
        %dma_wait3A_151 = arith.constant 0 : i32
        %dma_wait3A_152 = tpu.memref_slice %arg4[%dma_wait3A_151] : memref<320000xi32, #tpu.memory_space<hbm>> -> memref<80xi32, #tpu.memory_space<hbm>>
        %dma_wait3A_153 = arith.constant 0 : i32
        %dma_wait3A_154 = tpu.memref_slice %arg4[%dma_wait3A_153] : memref<320000xi32, #tpu.memory_space<hbm>> -> memref<80xi32, #tpu.memory_space<hbm>>
        tpu.wait_dma2 semaphore(%arg16 : memref<!tpu.dma_semaphore, #tpu.memory_space<semaphore_mem>>) src(%dma_wait3A_154 : memref<80xi32, #tpu.memory_space<hbm>>) dst(%arg9 : memref<80xi32, #tpu.memory_space<vmem>>)
        %dma_wait3A_155 = arith.constant 0 : i32
        %dma_wait3A_156 = tpu.memref_slice %arg5[%dma_wait3A_155] : memref<320000xi32, #tpu.memory_space<hbm>> -> memref<80xi32, #tpu.memory_space<hbm>>
        %dma_wait3A_157 = arith.constant 0 : i32
        %dma_wait3A_158 = tpu.memref_slice %arg5[%dma_wait3A_157] : memref<320000xi32, #tpu.memory_space<hbm>> -> memref<80xi32, #tpu.memory_space<hbm>>
        tpu.wait_dma2 semaphore(%arg16 : memref<!tpu.dma_semaphore, #tpu.memory_space<semaphore_mem>>) src(%dma_wait3A_158 : memref<80xi32, #tpu.memory_space<hbm>>) dst(%arg10 : memref<80xi32, #tpu.memory_space<vmem>>)
        %mul3A_159 = arith.constant 80 : i32
        %mul3A_160 = arith.muli %add3A_114, %mul3A_159 : i32
        %add3A_161 = arith.addi %mul3A_2, %mul3A_160 : i32
        %dma_start3A_162 = arith.constant 0 : i32
        %dma_start3A_163 = tpu.memref_slice %arg3[%add3A_161, %dma_start3A_162] : memref<320000x128xf32, #tpu.memory_space<hbm>> -> memref<80x128xf32, #tpu.memory_space<hbm>>
        %dma_start3A_164 = arith.constant 0 : i32
        %dma_start3A_165 = tpu.memref_slice %arg3[%add3A_161, %dma_start3A_164] : memref<320000x128xf32, #tpu.memory_space<hbm>> -> memref<80x128xf32, #tpu.memory_space<hbm>>
        tpu.enqueue_dma source(%dma_start3A_165 : memref<80x128xf32, #tpu.memory_space<hbm>>) target(%arg11 : memref<80x128xf32, #tpu.memory_space<vmem>>) target_semaphore(%arg17 : memref<!tpu.dma_semaphore, #tpu.memory_space<semaphore_mem>>)
        %dma_start3A_166 = arith.constant 0 : i32
        %dma_start3A_167 = arith.constant 0 : i32
        %dma_start3A_168 = tpu.memref_slice %arg2[%dma_start3A_166, %dma_start3A_167] : memref<10000x128xf32, #tpu.memory_space<hbm>> -> memref<10000x128xf32, #tpu.memory_space<hbm>>
        tpu.enqueue_indirect_dma source(%dma_start3A_168 : memref<10000x128xf32, #tpu.memory_space<hbm>>) target(%arg13 : memref<80x128xf32, #tpu.memory_space<vmem>>) offsets(%arg9 : memref<80xi32, #tpu.memory_space<vmem>>) semaphore(%arg19 : memref<!tpu.dma_semaphore, #tpu.memory_space<semaphore_mem>>)
      } else {
      }
      "tpu.region"() ({
        %run_scoped3A = tpu.sem_alloc : memref<!tpu.dma_semaphore, #tpu.memory_space<semaphore_mem>>
        %dma_start3A_151 = arith.constant 0 : i32
        %dma_start3A_152 = arith.constant 0 : i32
        %dma_start3A_153 = tpu.memref_slice %arg14[%dma_start3A_151, %dma_start3A_152] : memref<10000x128xf32, #tpu.memory_space<vmem_shared>> -> memref<10000x128xf32, #tpu.memory_space<vmem_shared>>
        tpu.enqueue_indirect_dma source(%arg12 : memref<80x128xf32, #tpu.memory_space<vmem>>) target(%dma_start3A_153 : memref<10000x128xf32, #tpu.memory_space<vmem_shared>>) offsets(%arg8 : memref<80xi32, #tpu.memory_space<vmem>>) semaphore(%run_scoped3A : memref<!tpu.dma_semaphore, #tpu.memory_space<semaphore_mem>>) {add = true}
        %dma_wait3A_154 = arith.constant 0 : i32
        %dma_wait3A_155 = arith.constant 0 : i32
        %dma_wait3A_156 = tpu.memref_slice %arg14[%dma_wait3A_154, %dma_wait3A_155] : memref<10000x128xf32, #tpu.memory_space<vmem_shared>> -> memref<10000x128xf32, #tpu.memory_space<vmem_shared>>
        tpu.wait_indirect_dma semaphore(%run_scoped3A : memref<!tpu.dma_semaphore, #tpu.memory_space<semaphore_mem>>) src(%arg12 : memref<80x128xf32, #tpu.memory_space<vmem>>) dst(%dma_wait3A_156 : memref<10000x128xf32, #tpu.memory_space<vmem_shared>>)
        tpu.yield
      }) : () -> ()
      %add3A_120 = arith.constant 1 : i32
      %add3A_121 = arith.addi %mul3A_90, %add3A_120 : i32
      %add3A_122 = arith.constant 1 : i32
      %add3A_123 = arith.addi %add3A_121, %add3A_122 : i32
      %lt3A_124 = arith.constant 125 : i32
      %lt3A_125 = arith.cmpi slt, %add3A_123, %lt3A_124 : i32
      %convert_element_type3A_126 = arith.extui %lt3A_125 : i1 to i32
      %cond3A_127 = arith.constant 0 : i32
      %cond3A_128 = arith.cmpi ne, %convert_element_type3A_126, %cond3A_127 : i32
      scf.if %cond3A_128 {
        %mul3A_151 = arith.constant 80 : i32
        %mul3A_152 = arith.muli %add3A_123, %mul3A_151 : i32
        %add3A_153 = arith.addi %mul3A_2, %mul3A_152 : i32
        %dma_start3A_154 = tpu.memref_slice %arg4[%add3A_153] : memref<320000xi32, #tpu.memory_space<hbm>> -> memref<80xi32, #tpu.memory_space<hbm>>
        %dma_start3A_155 = tpu.memref_slice %arg4[%add3A_153] : memref<320000xi32, #tpu.memory_space<hbm>> -> memref<80xi32, #tpu.memory_space<hbm>>
        tpu.enqueue_dma source(%dma_start3A_155 : memref<80xi32, #tpu.memory_space<hbm>>) target(%arg7 : memref<80xi32, #tpu.memory_space<vmem>>) target_semaphore(%arg15 : memref<!tpu.dma_semaphore, #tpu.memory_space<semaphore_mem>>)
        %dma_start3A_156 = tpu.memref_slice %arg5[%add3A_153] : memref<320000xi32, #tpu.memory_space<hbm>> -> memref<80xi32, #tpu.memory_space<hbm>>
        %dma_start3A_157 = tpu.memref_slice %arg5[%add3A_153] : memref<320000xi32, #tpu.memory_space<hbm>> -> memref<80xi32, #tpu.memory_space<hbm>>
        tpu.enqueue_dma source(%dma_start3A_157 : memref<80xi32, #tpu.memory_space<hbm>>) target(%arg8 : memref<80xi32, #tpu.memory_space<vmem>>) target_semaphore(%arg15 : memref<!tpu.dma_semaphore, #tpu.memory_space<semaphore_mem>>)
      } else {
      }
      %dma_wait3A_129 = arith.constant 0 : i32
      %dma_wait3A_130 = arith.constant 0 : i32
      %dma_wait3A_131 = tpu.memref_slice %arg3[%dma_wait3A_129, %dma_wait3A_130] : memref<320000x128xf32, #tpu.memory_space<hbm>> -> memref<80x128xf32, #tpu.memory_space<hbm>>
      %dma_wait3A_132 = arith.constant 0 : i32
      %dma_wait3A_133 = arith.constant 0 : i32
      %dma_wait3A_134 = tpu.memref_slice %arg3[%dma_wait3A_132, %dma_wait3A_133] : memref<320000x128xf32, #tpu.memory_space<hbm>> -> memref<80x128xf32, #tpu.memory_space<hbm>>
      tpu.wait_dma2 semaphore(%arg17 : memref<!tpu.dma_semaphore, #tpu.memory_space<semaphore_mem>>) src(%dma_wait3A_134 : memref<80x128xf32, #tpu.memory_space<hbm>>) dst(%arg11 : memref<80x128xf32, #tpu.memory_space<vmem>>)
      %dma_wait3A_135 = arith.constant 0 : i32
      %dma_wait3A_136 = arith.constant 0 : i32
      %dma_wait3A_137 = tpu.memref_slice %arg2[%dma_wait3A_135, %dma_wait3A_136] : memref<10000x128xf32, #tpu.memory_space<hbm>> -> memref<80x128xf32, #tpu.memory_space<hbm>>
      %dma_wait3A_138 = arith.constant 0 : i32
      %dma_wait3A_139 = arith.constant 0 : i32
      %dma_wait3A_140 = tpu.memref_slice %arg2[%dma_wait3A_138, %dma_wait3A_139] : memref<10000x128xf32, #tpu.memory_space<hbm>> -> memref<80x128xf32, #tpu.memory_space<hbm>>
      tpu.wait_dma2 semaphore(%arg19 : memref<!tpu.dma_semaphore, #tpu.memory_space<semaphore_mem>>) src(%dma_wait3A_140 : memref<80x128xf32, #tpu.memory_space<hbm>>) dst(%arg13 : memref<80x128xf32, #tpu.memory_space<vmem>>)
      %parallel_loop3A_141 = arith.constant 0 : i32
      %parallel_loop3A_142 = arith.constant 80 : i32
      %parallel_loop3A_143 = arith.constant 1 : i32
      scf.for %parallel_loop3A_151 = %parallel_loop3A_141 to %parallel_loop3A_142 step %parallel_loop3A_143  : i32 {
        %parallel_loop3A_152 = arith.index_cast %parallel_loop3A_151 : i32 to index
        %parallel_loop3A_153 = arith.constant 0 : index
        %parallel_loop3A_154 = tpu.vector_load %arg13[%parallel_loop3A_152, %parallel_loop3A_153] {strides = array<i32>} : memref<80x128xf32, #tpu.memory_space<vmem>>, vector<1x16xf32>,
        %parallel_loop3A_155 = vector.shape_cast %parallel_loop3A_154 : vector<1x16xf32> to vector<16xf32>
        %parallel_loop3A_156 = arith.index_cast %parallel_loop3A_151 : i32 to index
        %parallel_loop3A_157 = arith.constant 0 : index
        %parallel_loop3A_158 = tpu.vector_load %arg11[%parallel_loop3A_156, %parallel_loop3A_157] {strides = array<i32>} : memref<80x128xf32, #tpu.memory_space<vmem>>, vector<1x16xf32>,
        %parallel_loop3A_159 = vector.shape_cast %parallel_loop3A_158 : vector<1x16xf32> to vector<16xf32>
        %parallel_loop3A_160 = arith.addf %parallel_loop3A_155, %parallel_loop3A_159 : vector<16xf32>
        %parallel_loop3A_161 = arith.constant 0.000000e+00 : f32
        %parallel_loop3A_162 = vector.broadcast %parallel_loop3A_161 : f32 to vector<16xf32>
        %parallel_loop3A_163 = arith.maximumf %parallel_loop3A_160, %parallel_loop3A_162 : vector<16xf32>
        %parallel_loop3A_164 = arith.index_cast %parallel_loop3A_151 : i32 to index
        %parallel_loop3A_165 = arith.constant 0 : index
        %parallel_loop3A_166 = tpu.vector_load %arg13[%parallel_loop3A_164, %parallel_loop3A_165] {strides = array<i32>} : memref<80x128xf32, #tpu.memory_space<vmem>>, vector<1x16xf32>,
        %parallel_loop3A_167 = vector.shape_cast %parallel_loop3A_166 : vector<1x16xf32> to vector<16xf32>
        %parallel_loop3A_168 = vector.shape_cast %parallel_loop3A_163 : vector<16xf32> to vector<1x16xf32>
        tpu.vector_store %arg13[%parallel_loop3A_164, %parallel_loop3A_165], %parallel_loop3A_168 {strides = array<i32>} : memref<80x128xf32, #tpu.memory_space<vmem>>, vector<1x16xf32>,
        %parallel_loop3A_169 = arith.index_cast %parallel_loop3A_151 : i32 to index
        %parallel_loop3A_170 = arith.constant 16 : index
        %parallel_loop3A_171 = tpu.vector_load %arg13[%parallel_loop3A_169, %parallel_loop3A_170] {strides = array<i32>} : memref<80x128xf32, #tpu.memory_space<vmem>>, vector<1x16xf32>,
        %parallel_loop3A_172 = vector.shape_cast %parallel_loop3A_171 : vector<1x16xf32> to vector<16xf32>
        %parallel_loop3A_173 = arith.index_cast %parallel_loop3A_151 : i32 to index
        %parallel_loop3A_174 = arith.constant 16 : index
        %parallel_loop3A_175 = tpu.vector_load %arg11[%parallel_loop3A_173, %parallel_loop3A_174] {strides = array<i32>} : memref<80x128xf32, #tpu.memory_space<vmem>>, vector<1x16xf32>,
        %parallel_loop3A_176 = vector.shape_cast %parallel_loop3A_175 : vector<1x16xf32> to vector<16xf32>
        %parallel_loop3A_177 = arith.addf %parallel_loop3A_172, %parallel_loop3A_176 : vector<16xf32>
        %parallel_loop3A_178 = arith.constant 0.000000e+00 : f32
        %parallel_loop3A_179 = vector.broadcast %parallel_loop3A_178 : f32 to vector<16xf32>
        %parallel_loop3A_180 = arith.maximumf %parallel_loop3A_177, %parallel_loop3A_179 : vector<16xf32>
        %parallel_loop3A_181 = arith.index_cast %parallel_loop3A_151 : i32 to index
        %parallel_loop3A_182 = arith.constant 16 : index
        %parallel_loop3A_183 = tpu.vector_load %arg13[%parallel_loop3A_181, %parallel_loop3A_182] {strides = array<i32>} : memref<80x128xf32, #tpu.memory_space<vmem>>, vector<1x16xf32>,
        %parallel_loop3A_184 = vector.shape_cast %parallel_loop3A_183 : vector<1x16xf32> to vector<16xf32>
        %parallel_loop3A_185 = vector.shape_cast %parallel_loop3A_180 : vector<16xf32> to vector<1x16xf32>
        tpu.vector_store %arg13[%parallel_loop3A_181, %parallel_loop3A_182], %parallel_loop3A_185 {strides = array<i32>} : memref<80x128xf32, #tpu.memory_space<vmem>>, vector<1x16xf32>,
        %parallel_loop3A_186 = arith.index_cast %parallel_loop3A_151 : i32 to index
        %parallel_loop3A_187 = arith.constant 32 : index
        %parallel_loop3A_188 = tpu.vector_load %arg13[%parallel_loop3A_186, %parallel_loop3A_187] {strides = array<i32>} : memref<80x128xf32, #tpu.memory_space<vmem>>, vector<1x16xf32>,
        %parallel_loop3A_189 = vector.shape_cast %parallel_loop3A_188 : vector<1x16xf32> to vector<16xf32>
        %parallel_loop3A_190 = arith.index_cast %parallel_loop3A_151 : i32 to index
        %parallel_loop3A_191 = arith.constant 32 : index
        %parallel_loop3A_192 = tpu.vector_load %arg11[%parallel_loop3A_190, %parallel_loop3A_191] {strides = array<i32>} : memref<80x128xf32, #tpu.memory_space<vmem>>, vector<1x16xf32>,
        %parallel_loop3A_193 = vector.shape_cast %parallel_loop3A_192 : vector<1x16xf32> to vector<16xf32>
        %parallel_loop3A_194 = arith.addf %parallel_loop3A_189, %parallel_loop3A_193 : vector<16xf32>
        %parallel_loop3A_195 = arith.constant 0.000000e+00 : f32
        %parallel_loop3A_196 = vector.broadcast %parallel_loop3A_195 : f32 to vector<16xf32>
        %parallel_loop3A_197 = arith.maximumf %parallel_loop3A_194, %parallel_loop3A_196 : vector<16xf32>
        %parallel_loop3A_198 = arith.index_cast %parallel_loop3A_151 : i32 to index
        %parallel_loop3A_199 = arith.constant 32 : index
        %parallel_loop3A_200 = tpu.vector_load %arg13[%parallel_loop3A_198, %parallel_loop3A_199] {strides = array<i32>} : memref<80x128xf32, #tpu.memory_space<vmem>>, vector<1x16xf32>,
        %parallel_loop3A_201 = vector.shape_cast %parallel_loop3A_200 : vector<1x16xf32> to vector<16xf32>
        %parallel_loop3A_202 = vector.shape_cast %parallel_loop3A_197 : vector<16xf32> to vector<1x16xf32>
        tpu.vector_store %arg13[%parallel_loop3A_198, %parallel_loop3A_199], %parallel_loop3A_202 {strides = array<i32>} : memref<80x128xf32, #tpu.memory_space<vmem>>, vector<1x16xf32>,
        %parallel_loop3A_203 = arith.index_cast %parallel_loop3A_151 : i32 to index
        %parallel_loop3A_204 = arith.constant 48 : index
        %parallel_loop3A_205 = tpu.vector_load %arg13[%parallel_loop3A_203, %parallel_loop3A_204] {strides = array<i32>} : memref<80x128xf32, #tpu.memory_space<vmem>>, vector<1x16xf32>,
        %parallel_loop3A_206 = vector.shape_cast %parallel_loop3A_205 : vector<1x16xf32> to vector<16xf32>
        %parallel_loop3A_207 = arith.index_cast %parallel_loop3A_151 : i32 to index
        %parallel_loop3A_208 = arith.constant 48 : index
        %parallel_loop3A_209 = tpu.vector_load %arg11[%parallel_loop3A_207, %parallel_loop3A_208] {strides = array<i32>} : memref<80x128xf32, #tpu.memory_space<vmem>>, vector<1x16xf32>,
        %parallel_loop3A_210 = vector.shape_cast %parallel_loop3A_209 : vector<1x16xf32> to vector<16xf32>
        %parallel_loop3A_211 = arith.addf %parallel_loop3A_206, %parallel_loop3A_210 : vector<16xf32>
        %parallel_loop3A_212 = arith.constant 0.000000e+00 : f32
        %parallel_loop3A_213 = vector.broadcast %parallel_loop3A_212 : f32 to vector<16xf32>
        %parallel_loop3A_214 = arith.maximumf %parallel_loop3A_211, %parallel_loop3A_213 : vector<16xf32>
        %parallel_loop3A_215 = arith.index_cast %parallel_loop3A_151 : i32 to index
        %parallel_loop3A_216 = arith.constant 48 : index
        %parallel_loop3A_217 = tpu.vector_load %arg13[%parallel_loop3A_215, %parallel_loop3A_216] {strides = array<i32>} : memref<80x128xf32, #tpu.memory_space<vmem>>, vector<1x16xf32>,
        %parallel_loop3A_218 = vector.shape_cast %parallel_loop3A_217 : vector<1x16xf32> to vector<16xf32>
        %parallel_loop3A_219 = vector.shape_cast %parallel_loop3A_214 : vector<16xf32> to vector<1x16xf32>
        tpu.vector_store %arg13[%parallel_loop3A_215, %parallel_loop3A_216], %parallel_loop3A_219 {strides = array<i32>} : memref<80x128xf32, #tpu.memory_space<vmem>>, vector<1x16xf32>,
        %parallel_loop3A_220 = arith.index_cast %parallel_loop3A_151 : i32 to index
        %parallel_loop3A_221 = arith.constant 64 : index
        %parallel_loop3A_222 = tpu.vector_load %arg13[%parallel_loop3A_220, %parallel_loop3A_221] {strides = array<i32>} : memref<80x128xf32, #tpu.memory_space<vmem>>, vector<1x16xf32>,
        %parallel_loop3A_223 = vector.shape_cast %parallel_loop3A_222 : vector<1x16xf32> to vector<16xf32>
        %parallel_loop3A_224 = arith.index_cast %parallel_loop3A_151 : i32 to index
        %parallel_loop3A_225 = arith.constant 64 : index
        %parallel_loop3A_226 = tpu.vector_load %arg11[%parallel_loop3A_224, %parallel_loop3A_225] {strides = array<i32>} : memref<80x128xf32, #tpu.memory_space<vmem>>, vector<1x16xf32>,
        %parallel_loop3A_227 = vector.shape_cast %parallel_loop3A_226 : vector<1x16xf32> to vector<16xf32>
        %parallel_loop3A_228 = arith.addf %parallel_loop3A_223, %parallel_loop3A_227 : vector<16xf32>
        %parallel_loop3A_229 = arith.constant 0.000000e+00 : f32
        %parallel_loop3A_230 = vector.broadcast %parallel_loop3A_229 : f32 to vector<16xf32>
        %parallel_loop3A_231 = arith.maximumf %parallel_loop3A_228, %parallel_loop3A_230 : vector<16xf32>
        %parallel_loop3A_232 = arith.index_cast %parallel_loop3A_151 : i32 to index
        %parallel_loop3A_233 = arith.constant 64 : index
        %parallel_loop3A_234 = tpu.vector_load %arg13[%parallel_loop3A_232, %parallel_loop3A_233] {strides = array<i32>} : memref<80x128xf32, #tpu.memory_space<vmem>>, vector<1x16xf32>,
        %parallel_loop3A_235 = vector.shape_cast %parallel_loop3A_234 : vector<1x16xf32> to vector<16xf32>
        %parallel_loop3A_236 = vector.shape_cast %parallel_loop3A_231 : vector<16xf32> to vector<1x16xf32>
        tpu.vector_store %arg13[%parallel_loop3A_232, %parallel_loop3A_233], %parallel_loop3A_236 {strides = array<i32>} : memref<80x128xf32, #tpu.memory_space<vmem>>, vector<1x16xf32>,
        %parallel_loop3A_237 = arith.index_cast %parallel_loop3A_151 : i32 to index
        %parallel_loop3A_238 = arith.constant 80 : index
        %parallel_loop3A_239 = tpu.vector_load %arg13[%parallel_loop3A_237, %parallel_loop3A_238] {strides = array<i32>} : memref<80x128xf32, #tpu.memory_space<vmem>>, vector<1x16xf32>,
        %parallel_loop3A_240 = vector.shape_cast %parallel_loop3A_239 : vector<1x16xf32> to vector<16xf32>
        %parallel_loop3A_241 = arith.index_cast %parallel_loop3A_151 : i32 to index
        %parallel_loop3A_242 = arith.constant 80 : index
        %parallel_loop3A_243 = tpu.vector_load %arg11[%parallel_loop3A_241, %parallel_loop3A_242] {strides = array<i32>} : memref<80x128xf32, #tpu.memory_space<vmem>>, vector<1x16xf32>,
        %parallel_loop3A_244 = vector.shape_cast %parallel_loop3A_243 : vector<1x16xf32> to vector<16xf32>
        %parallel_loop3A_245 = arith.addf %parallel_loop3A_240, %parallel_loop3A_244 : vector<16xf32>
        %parallel_loop3A_246 = arith.constant 0.000000e+00 : f32
        %parallel_loop3A_247 = vector.broadcast %parallel_loop3A_246 : f32 to vector<16xf32>
        %parallel_loop3A_248 = arith.maximumf %parallel_loop3A_245, %parallel_loop3A_247 : vector<16xf32>
        %parallel_loop3A_249 = arith.index_cast %parallel_loop3A_151 : i32 to index
        %parallel_loop3A_250 = arith.constant 80 : index
        %parallel_loop3A_251 = tpu.vector_load %arg13[%parallel_loop3A_249, %parallel_loop3A_250] {strides = array<i32>} : memref<80x128xf32, #tpu.memory_space<vmem>>, vector<1x16xf32>,
        %parallel_loop3A_252 = vector.shape_cast %parallel_loop3A_251 : vector<1x16xf32> to vector<16xf32>
        %parallel_loop3A_253 = vector.shape_cast %parallel_loop3A_248 : vector<16xf32> to vector<1x16xf32>
        tpu.vector_store %arg13[%parallel_loop3A_249, %parallel_loop3A_250], %parallel_loop3A_253 {strides = array<i32>} : memref<80x128xf32, #tpu.memory_space<vmem>>, vector<1x16xf32>,
        %parallel_loop3A_254 = arith.index_cast %parallel_loop3A_151 : i32 to index
        %parallel_loop3A_255 = arith.constant 96 : index
        %parallel_loop3A_256 = tpu.vector_load %arg13[%parallel_loop3A_254, %parallel_loop3A_255] {strides = array<i32>} : memref<80x128xf32, #tpu.memory_space<vmem>>, vector<1x16xf32>,
        %parallel_loop3A_257 = vector.shape_cast %parallel_loop3A_256 : vector<1x16xf32> to vector<16xf32>
        %parallel_loop3A_258 = arith.index_cast %parallel_loop3A_151 : i32 to index
        %parallel_loop3A_259 = arith.constant 96 : index
        %parallel_loop3A_260 = tpu.vector_load %arg11[%parallel_loop3A_258, %parallel_loop3A_259] {strides = array<i32>} : memref<80x128xf32, #tpu.memory_space<vmem>>, vector<1x16xf32>,
        %parallel_loop3A_261 = vector.shape_cast %parallel_loop3A_260 : vector<1x16xf32> to vector<16xf32>
        %parallel_loop3A_262 = arith.addf %parallel_loop3A_257, %parallel_loop3A_261 : vector<16xf32>
        %parallel_loop3A_263 = arith.constant 0.000000e+00 : f32
        %parallel_loop3A_264 = vector.broadcast %parallel_loop3A_263 : f32 to vector<16xf32>
        %parallel_loop3A_265 = arith.maximumf %parallel_loop3A_262, %parallel_loop3A_264 : vector<16xf32>
        %parallel_loop3A_266 = arith.index_cast %parallel_loop3A_151 : i32 to index
        %parallel_loop3A_267 = arith.constant 96 : index
        %parallel_loop3A_268 = tpu.vector_load %arg13[%parallel_loop3A_266, %parallel_loop3A_267] {strides = array<i32>} : memref<80x128xf32, #tpu.memory_space<vmem>>, vector<1x16xf32>,
        %parallel_loop3A_269 = vector.shape_cast %parallel_loop3A_268 : vector<1x16xf32> to vector<16xf32>
        %parallel_loop3A_270 = vector.shape_cast %parallel_loop3A_265 : vector<16xf32> to vector<1x16xf32>
        tpu.vector_store %arg13[%parallel_loop3A_266, %parallel_loop3A_267], %parallel_loop3A_270 {strides = array<i32>} : memref<80x128xf32, #tpu.memory_space<vmem>>, vector<1x16xf32>,
        %parallel_loop3A_271 = arith.index_cast %parallel_loop3A_151 : i32 to index
        %parallel_loop3A_272 = arith.constant 112 : index
        %parallel_loop3A_273 = tpu.vector_load %arg13[%parallel_loop3A_271, %parallel_loop3A_272] {strides = array<i32>} : memref<80x128xf32, #tpu.memory_space<vmem>>, vector<1x16xf32>,
        %parallel_loop3A_274 = vector.shape_cast %parallel_loop3A_273 : vector<1x16xf32> to vector<16xf32>
        %parallel_loop3A_275 = arith.index_cast %parallel_loop3A_151 : i32 to index
        %parallel_loop3A_276 = arith.constant 112 : index
        %parallel_loop3A_277 = tpu.vector_load %arg11[%parallel_loop3A_275, %parallel_loop3A_276] {strides = array<i32>} : memref<80x128xf32, #tpu.memory_space<vmem>>, vector<1x16xf32>,
        %parallel_loop3A_278 = vector.shape_cast %parallel_loop3A_277 : vector<1x16xf32> to vector<16xf32>
        %parallel_loop3A_279 = arith.addf %parallel_loop3A_274, %parallel_loop3A_278 : vector<16xf32>
        %parallel_loop3A_280 = arith.constant 0.000000e+00 : f32
        %parallel_loop3A_281 = vector.broadcast %parallel_loop3A_280 : f32 to vector<16xf32>
        %parallel_loop3A_282 = arith.maximumf %parallel_loop3A_279, %parallel_loop3A_281 : vector<16xf32>
        %parallel_loop3A_283 = arith.index_cast %parallel_loop3A_151 : i32 to index
        %parallel_loop3A_284 = arith.constant 112 : index
        %parallel_loop3A_285 = tpu.vector_load %arg13[%parallel_loop3A_283, %parallel_loop3A_284] {strides = array<i32>} : memref<80x128xf32, #tpu.memory_space<vmem>>, vector<1x16xf32>,
        %parallel_loop3A_286 = vector.shape_cast %parallel_loop3A_285 : vector<1x16xf32> to vector<16xf32>
        %parallel_loop3A_287 = vector.shape_cast %parallel_loop3A_282 : vector<16xf32> to vector<1x16xf32>
        tpu.vector_store %arg13[%parallel_loop3A_283, %parallel_loop3A_284], %parallel_loop3A_287 {strides = array<i32>} : memref<80x128xf32, #tpu.memory_space<vmem>>, vector<1x16xf32>,
      } {sc.loop_unroll_factor = 8 : i64, sc.parallel_access}
      %add3A_144 = arith.constant 1 : i32
      %add3A_145 = arith.addi %add3A_121, %add3A_144 : i32
      %lt3A_146 = arith.constant 125 : i32
      %lt3A_147 = arith.cmpi slt, %add3A_145, %lt3A_146 : i32
      %convert_element_type3A_148 = arith.extui %lt3A_147 : i1 to i32
      %cond3A_149 = arith.constant 0 : i32
      %cond3A_150 = arith.cmpi ne, %convert_element_type3A_148, %cond3A_149 : i32
      scf.if %cond3A_150 {
        %dma_wait3A_151 = arith.constant 0 : i32
        %dma_wait3A_152 = tpu.memref_slice %arg4[%dma_wait3A_151] : memref<320000xi32, #tpu.memory_space<hbm>> -> memref<80xi32, #tpu.memory_space<hbm>>
        %dma_wait3A_153 = arith.constant 0 : i32
        %dma_wait3A_154 = tpu.memref_slice %arg4[%dma_wait3A_153] : memref<320000xi32, #tpu.memory_space<hbm>> -> memref<80xi32, #tpu.memory_space<hbm>>
        tpu.wait_dma2 semaphore(%arg15 : memref<!tpu.dma_semaphore, #tpu.memory_space<semaphore_mem>>) src(%dma_wait3A_154 : memref<80xi32, #tpu.memory_space<hbm>>) dst(%arg7 : memref<80xi32, #tpu.memory_space<vmem>>)
        %dma_wait3A_155 = arith.constant 0 : i32
        %dma_wait3A_156 = tpu.memref_slice %arg5[%dma_wait3A_155] : memref<320000xi32, #tpu.memory_space<hbm>> -> memref<80xi32, #tpu.memory_space<hbm>>
        %dma_wait3A_157 = arith.constant 0 : i32
        %dma_wait3A_158 = tpu.memref_slice %arg5[%dma_wait3A_157] : memref<320000xi32, #tpu.memory_space<hbm>> -> memref<80xi32, #tpu.memory_space<hbm>>
        tpu.wait_dma2 semaphore(%arg15 : memref<!tpu.dma_semaphore, #tpu.memory_space<semaphore_mem>>) src(%dma_wait3A_158 : memref<80xi32, #tpu.memory_space<hbm>>) dst(%arg8 : memref<80xi32, #tpu.memory_space<vmem>>)
        %mul3A_159 = arith.constant 80 : i32
        %mul3A_160 = arith.muli %add3A_145, %mul3A_159 : i32
        %add3A_161 = arith.addi %mul3A_2, %mul3A_160 : i32
        %dma_start3A_162 = arith.constant 0 : i32
        %dma_start3A_163 = tpu.memref_slice %arg3[%add3A_161, %dma_start3A_162] : memref<320000x128xf32, #tpu.memory_space<hbm>> -> memref<80x128xf32, #tpu.memory_space<hbm>>
        %dma_start3A_164 = arith.constant 0 : i32
        %dma_start3A_165 = tpu.memref_slice %arg3[%add3A_161, %dma_start3A_164] : memref<320000x128xf32, #tpu.memory_space<hbm>> -> memref<80x128xf32, #tpu.memory_space<hbm>>
        tpu.enqueue_dma source(%dma_start3A_165 : memref<80x128xf32, #tpu.memory_space<hbm>>) target(%arg11 : memref<80x128xf32, #tpu.memory_space<vmem>>) target_semaphore(%arg17 : memref<!tpu.dma_semaphore, #tpu.memory_space<semaphore_mem>>)
        %dma_start3A_166 = arith.constant 0 : i32
        %dma_start3A_167 = arith.constant 0 : i32
        %dma_start3A_168 = tpu.memref_slice %arg2[%dma_start3A_166, %dma_start3A_167] : memref<10000x128xf32, #tpu.memory_space<hbm>> -> memref<10000x128xf32, #tpu.memory_space<hbm>>
        tpu.enqueue_indirect_dma source(%dma_start3A_168 : memref<10000x128xf32, #tpu.memory_space<hbm>>) target(%arg12 : memref<80x128xf32, #tpu.memory_space<vmem>>) offsets(%arg7 : memref<80xi32, #tpu.memory_space<vmem>>) semaphore(%arg18 : memref<!tpu.dma_semaphore, #tpu.memory_space<semaphore_mem>>)
      } else {
      }
      "tpu.region"() ({
        %run_scoped3A = tpu.sem_alloc : memref<!tpu.dma_semaphore, #tpu.memory_space<semaphore_mem>>
        %dma_start3A_151 = arith.constant 0 : i32
        %dma_start3A_152 = arith.constant 0 : i32
        %dma_start3A_153 = tpu.memref_slice %arg14[%dma_start3A_151, %dma_start3A_152] : memref<10000x128xf32, #tpu.memory_space<vmem_shared>> -> memref<10000x128xf32, #tpu.memory_space<vmem_shared>>
        tpu.enqueue_indirect_dma source(%arg13 : memref<80x128xf32, #tpu.memory_space<vmem>>) target(%dma_start3A_153 : memref<10000x128xf32, #tpu.memory_space<vmem_shared>>) offsets(%arg10 : memref<80xi32, #tpu.memory_space<vmem>>) semaphore(%run_scoped3A : memref<!tpu.dma_semaphore, #tpu.memory_space<semaphore_mem>>) {add = true}
        %dma_wait3A_154 = arith.constant 0 : i32
        %dma_wait3A_155 = arith.constant 0 : i32
        %dma_wait3A_156 = tpu.memref_slice %arg14[%dma_wait3A_154, %dma_wait3A_155] : memref<10000x128xf32, #tpu.memory_space<vmem_shared>> -> memref<10000x128xf32, #tpu.memory_space<vmem_shared>>
        tpu.wait_indirect_dma semaphore(%run_scoped3A : memref<!tpu.dma_semaphore, #tpu.memory_space<semaphore_mem>>) src(%arg13 : memref<80x128xf32, #tpu.memory_space<vmem>>) dst(%dma_wait3A_156 : memref<10000x128xf32, #tpu.memory_space<vmem_shared>>)
        tpu.yield
      }) : () -> ()
    }
    %scan3A_68 = arith.constant 62 : i32
    %dma_wait3A = arith.constant 0 : i32
    %dma_wait3A_69 = arith.constant 0 : i32
    %dma_wait3A_70 = tpu.memref_slice %arg3[%dma_wait3A, %dma_wait3A_69] : memref<320000x128xf32, #tpu.memory_space<hbm>> -> memref<80x128xf32, #tpu.memory_space<hbm>>
    %dma_wait3A_71 = arith.constant 0 : i32
    %dma_wait3A_72 = arith.constant 0 : i32
    %dma_wait3A_73 = tpu.memref_slice %arg3[%dma_wait3A_71, %dma_wait3A_72] : memref<320000x128xf32, #tpu.memory_space<hbm>> -> memref<80x128xf32, #tpu.memory_space<hbm>>
    tpu.wait_dma2 semaphore(%arg17 : memref<!tpu.dma_semaphore, #tpu.memory_space<semaphore_mem>>) src(%dma_wait3A_73 : memref<80x128xf32, #tpu.memory_space<hbm>>) dst(%arg11 : memref<80x128xf32, #tpu.memory_space<vmem>>)
    %dma_wait3A_74 = arith.constant 0 : i32
    %dma_wait3A_75 = arith.constant 0 : i32
    %dma_wait3A_76 = tpu.memref_slice %arg2[%dma_wait3A_74, %dma_wait3A_75] : memref<10000x128xf32, #tpu.memory_space<hbm>> -> memref<80x128xf32, #tpu.memory_space<hbm>>
    %dma_wait3A_77 = arith.constant 0 : i32
    %dma_wait3A_78 = arith.constant 0 : i32
    %dma_wait3A_79 = tpu.memref_slice %arg2[%dma_wait3A_77, %dma_wait3A_78] : memref<10000x128xf32, #tpu.memory_space<hbm>> -> memref<80x128xf32, #tpu.memory_space<hbm>>
    tpu.wait_dma2 semaphore(%arg18 : memref<!tpu.dma_semaphore, #tpu.memory_space<semaphore_mem>>) src(%dma_wait3A_79 : memref<80x128xf32, #tpu.memory_space<hbm>>) dst(%arg12 : memref<80x128xf32, #tpu.memory_space<vmem>>)
    %parallel_loop3A_80 = arith.constant 0 : i32
    %parallel_loop3A_81 = arith.constant 80 : i32
    %parallel_loop3A_82 = arith.constant 1 : i32
    scf.for %parallel_loop3A_88 = %parallel_loop3A_80 to %parallel_loop3A_81 step %parallel_loop3A_82  : i32 {
      %parallel_loop3A_89 = arith.index_cast %parallel_loop3A_88 : i32 to index
      %parallel_loop3A_90 = arith.constant 0 : index
      %parallel_loop3A_91 = tpu.vector_load %arg12[%parallel_loop3A_89, %parallel_loop3A_90] {strides = array<i32>} : memref<80x128xf32, #tpu.memory_space<vmem>>, vector<1x16xf32>,
      %parallel_loop3A_92 = vector.shape_cast %parallel_loop3A_91 : vector<1x16xf32> to vector<16xf32>
      %parallel_loop3A_93 = arith.index_cast %parallel_loop3A_88 : i32 to index
      %parallel_loop3A_94 = arith.constant 0 : index
      %parallel_loop3A_95 = tpu.vector_load %arg11[%parallel_loop3A_93, %parallel_loop3A_94] {strides = array<i32>} : memref<80x128xf32, #tpu.memory_space<vmem>>, vector<1x16xf32>,
      %parallel_loop3A_96 = vector.shape_cast %parallel_loop3A_95 : vector<1x16xf32> to vector<16xf32>
      %parallel_loop3A_97 = arith.addf %parallel_loop3A_92, %parallel_loop3A_96 : vector<16xf32>
      %parallel_loop3A_98 = arith.constant 0.000000e+00 : f32
      %parallel_loop3A_99 = vector.broadcast %parallel_loop3A_98 : f32 to vector<16xf32>
      %parallel_loop3A_100 = arith.maximumf %parallel_loop3A_97, %parallel_loop3A_99 : vector<16xf32>
      %parallel_loop3A_101 = arith.index_cast %parallel_loop3A_88 : i32 to index
      %parallel_loop3A_102 = arith.constant 0 : index
      %parallel_loop3A_103 = tpu.vector_load %arg12[%parallel_loop3A_101, %parallel_loop3A_102] {strides = array<i32>} : memref<80x128xf32, #tpu.memory_space<vmem>>, vector<1x16xf32>,
      %parallel_loop3A_104 = vector.shape_cast %parallel_loop3A_103 : vector<1x16xf32> to vector<16xf32>
      %parallel_loop3A_105 = vector.shape_cast %parallel_loop3A_100 : vector<16xf32> to vector<1x16xf32>
      tpu.vector_store %arg12[%parallel_loop3A_101, %parallel_loop3A_102], %parallel_loop3A_105 {strides = array<i32>} : memref<80x128xf32, #tpu.memory_space<vmem>>, vector<1x16xf32>,
      %parallel_loop3A_106 = arith.index_cast %parallel_loop3A_88 : i32 to index
      %parallel_loop3A_107 = arith.constant 16 : index
      %parallel_loop3A_108 = tpu.vector_load %arg12[%parallel_loop3A_106, %parallel_loop3A_107] {strides = array<i32>} : memref<80x128xf32, #tpu.memory_space<vmem>>, vector<1x16xf32>,
      %parallel_loop3A_109 = vector.shape_cast %parallel_loop3A_108 : vector<1x16xf32> to vector<16xf32>
      %parallel_loop3A_110 = arith.index_cast %parallel_loop3A_88 : i32 to index
      %parallel_loop3A_111 = arith.constant 16 : index
      %parallel_loop3A_112 = tpu.vector_load %arg11[%parallel_loop3A_110, %parallel_loop3A_111] {strides = array<i32>} : memref<80x128xf32, #tpu.memory_space<vmem>>, vector<1x16xf32>,
      %parallel_loop3A_113 = vector.shape_cast %parallel_loop3A_112 : vector<1x16xf32> to vector<16xf32>
      %parallel_loop3A_114 = arith.addf %parallel_loop3A_109, %parallel_loop3A_113 : vector<16xf32>
      %parallel_loop3A_115 = arith.constant 0.000000e+00 : f32
      %parallel_loop3A_116 = vector.broadcast %parallel_loop3A_115 : f32 to vector<16xf32>
      %parallel_loop3A_117 = arith.maximumf %parallel_loop3A_114, %parallel_loop3A_116 : vector<16xf32>
      %parallel_loop3A_118 = arith.index_cast %parallel_loop3A_88 : i32 to index
      %parallel_loop3A_119 = arith.constant 16 : index
      %parallel_loop3A_120 = tpu.vector_load %arg12[%parallel_loop3A_118, %parallel_loop3A_119] {strides = array<i32>} : memref<80x128xf32, #tpu.memory_space<vmem>>, vector<1x16xf32>,
      %parallel_loop3A_121 = vector.shape_cast %parallel_loop3A_120 : vector<1x16xf32> to vector<16xf32>
      %parallel_loop3A_122 = vector.shape_cast %parallel_loop3A_117 : vector<16xf32> to vector<1x16xf32>
      tpu.vector_store %arg12[%parallel_loop3A_118, %parallel_loop3A_119], %parallel_loop3A_122 {strides = array<i32>} : memref<80x128xf32, #tpu.memory_space<vmem>>, vector<1x16xf32>,
      %parallel_loop3A_123 = arith.index_cast %parallel_loop3A_88 : i32 to index
      %parallel_loop3A_124 = arith.constant 32 : index
      %parallel_loop3A_125 = tpu.vector_load %arg12[%parallel_loop3A_123, %parallel_loop3A_124] {strides = array<i32>} : memref<80x128xf32, #tpu.memory_space<vmem>>, vector<1x16xf32>,
      %parallel_loop3A_126 = vector.shape_cast %parallel_loop3A_125 : vector<1x16xf32> to vector<16xf32>
      %parallel_loop3A_127 = arith.index_cast %parallel_loop3A_88 : i32 to index
      %parallel_loop3A_128 = arith.constant 32 : index
      %parallel_loop3A_129 = tpu.vector_load %arg11[%parallel_loop3A_127, %parallel_loop3A_128] {strides = array<i32>} : memref<80x128xf32, #tpu.memory_space<vmem>>, vector<1x16xf32>,
      %parallel_loop3A_130 = vector.shape_cast %parallel_loop3A_129 : vector<1x16xf32> to vector<16xf32>
      %parallel_loop3A_131 = arith.addf %parallel_loop3A_126, %parallel_loop3A_130 : vector<16xf32>
      %parallel_loop3A_132 = arith.constant 0.000000e+00 : f32
      %parallel_loop3A_133 = vector.broadcast %parallel_loop3A_132 : f32 to vector<16xf32>
      %parallel_loop3A_134 = arith.maximumf %parallel_loop3A_131, %parallel_loop3A_133 : vector<16xf32>
      %parallel_loop3A_135 = arith.index_cast %parallel_loop3A_88 : i32 to index
      %parallel_loop3A_136 = arith.constant 32 : index
      %parallel_loop3A_137 = tpu.vector_load %arg12[%parallel_loop3A_135, %parallel_loop3A_136] {strides = array<i32>} : memref<80x128xf32, #tpu.memory_space<vmem>>, vector<1x16xf32>,
      %parallel_loop3A_138 = vector.shape_cast %parallel_loop3A_137 : vector<1x16xf32> to vector<16xf32>
      %parallel_loop3A_139 = vector.shape_cast %parallel_loop3A_134 : vector<16xf32> to vector<1x16xf32>
      tpu.vector_store %arg12[%parallel_loop3A_135, %parallel_loop3A_136], %parallel_loop3A_139 {strides = array<i32>} : memref<80x128xf32, #tpu.memory_space<vmem>>, vector<1x16xf32>,
      %parallel_loop3A_140 = arith.index_cast %parallel_loop3A_88 : i32 to index
      %parallel_loop3A_141 = arith.constant 48 : index
      %parallel_loop3A_142 = tpu.vector_load %arg12[%parallel_loop3A_140, %parallel_loop3A_141] {strides = array<i32>} : memref<80x128xf32, #tpu.memory_space<vmem>>, vector<1x16xf32>,
      %parallel_loop3A_143 = vector.shape_cast %parallel_loop3A_142 : vector<1x16xf32> to vector<16xf32>
      %parallel_loop3A_144 = arith.index_cast %parallel_loop3A_88 : i32 to index
      %parallel_loop3A_145 = arith.constant 48 : index
      %parallel_loop3A_146 = tpu.vector_load %arg11[%parallel_loop3A_144, %parallel_loop3A_145] {strides = array<i32>} : memref<80x128xf32, #tpu.memory_space<vmem>>, vector<1x16xf32>,
      %parallel_loop3A_147 = vector.shape_cast %parallel_loop3A_146 : vector<1x16xf32> to vector<16xf32>
      %parallel_loop3A_148 = arith.addf %parallel_loop3A_143, %parallel_loop3A_147 : vector<16xf32>
      %parallel_loop3A_149 = arith.constant 0.000000e+00 : f32
      %parallel_loop3A_150 = vector.broadcast %parallel_loop3A_149 : f32 to vector<16xf32>
      %parallel_loop3A_151 = arith.maximumf %parallel_loop3A_148, %parallel_loop3A_150 : vector<16xf32>
      %parallel_loop3A_152 = arith.index_cast %parallel_loop3A_88 : i32 to index
      %parallel_loop3A_153 = arith.constant 48 : index
      %parallel_loop3A_154 = tpu.vector_load %arg12[%parallel_loop3A_152, %parallel_loop3A_153] {strides = array<i32>} : memref<80x128xf32, #tpu.memory_space<vmem>>, vector<1x16xf32>,
      %parallel_loop3A_155 = vector.shape_cast %parallel_loop3A_154 : vector<1x16xf32> to vector<16xf32>
      %parallel_loop3A_156 = vector.shape_cast %parallel_loop3A_151 : vector<16xf32> to vector<1x16xf32>
      tpu.vector_store %arg12[%parallel_loop3A_152, %parallel_loop3A_153], %parallel_loop3A_156 {strides = array<i32>} : memref<80x128xf32, #tpu.memory_space<vmem>>, vector<1x16xf32>,
      %parallel_loop3A_157 = arith.index_cast %parallel_loop3A_88 : i32 to index
      %parallel_loop3A_158 = arith.constant 64 : index
      %parallel_loop3A_159 = tpu.vector_load %arg12[%parallel_loop3A_157, %parallel_loop3A_158] {strides = array<i32>} : memref<80x128xf32, #tpu.memory_space<vmem>>, vector<1x16xf32>,
      %parallel_loop3A_160 = vector.shape_cast %parallel_loop3A_159 : vector<1x16xf32> to vector<16xf32>
      %parallel_loop3A_161 = arith.index_cast %parallel_loop3A_88 : i32 to index
      %parallel_loop3A_162 = arith.constant 64 : index
      %parallel_loop3A_163 = tpu.vector_load %arg11[%parallel_loop3A_161, %parallel_loop3A_162] {strides = array<i32>} : memref<80x128xf32, #tpu.memory_space<vmem>>, vector<1x16xf32>,
      %parallel_loop3A_164 = vector.shape_cast %parallel_loop3A_163 : vector<1x16xf32> to vector<16xf32>
      %parallel_loop3A_165 = arith.addf %parallel_loop3A_160, %parallel_loop3A_164 : vector<16xf32>
      %parallel_loop3A_166 = arith.constant 0.000000e+00 : f32
      %parallel_loop3A_167 = vector.broadcast %parallel_loop3A_166 : f32 to vector<16xf32>
      %parallel_loop3A_168 = arith.maximumf %parallel_loop3A_165, %parallel_loop3A_167 : vector<16xf32>
      %parallel_loop3A_169 = arith.index_cast %parallel_loop3A_88 : i32 to index
      %parallel_loop3A_170 = arith.constant 64 : index
      %parallel_loop3A_171 = tpu.vector_load %arg12[%parallel_loop3A_169, %parallel_loop3A_170] {strides = array<i32>} : memref<80x128xf32, #tpu.memory_space<vmem>>, vector<1x16xf32>,
      %parallel_loop3A_172 = vector.shape_cast %parallel_loop3A_171 : vector<1x16xf32> to vector<16xf32>
      %parallel_loop3A_173 = vector.shape_cast %parallel_loop3A_168 : vector<16xf32> to vector<1x16xf32>
      tpu.vector_store %arg12[%parallel_loop3A_169, %parallel_loop3A_170], %parallel_loop3A_173 {strides = array<i32>} : memref<80x128xf32, #tpu.memory_space<vmem>>, vector<1x16xf32>,
      %parallel_loop3A_174 = arith.index_cast %parallel_loop3A_88 : i32 to index
      %parallel_loop3A_175 = arith.constant 80 : index
      %parallel_loop3A_176 = tpu.vector_load %arg12[%parallel_loop3A_174, %parallel_loop3A_175] {strides = array<i32>} : memref<80x128xf32, #tpu.memory_space<vmem>>, vector<1x16xf32>,
      %parallel_loop3A_177 = vector.shape_cast %parallel_loop3A_176 : vector<1x16xf32> to vector<16xf32>
      %parallel_loop3A_178 = arith.index_cast %parallel_loop3A_88 : i32 to index
      %parallel_loop3A_179 = arith.constant 80 : index
      %parallel_loop3A_180 = tpu.vector_load %arg11[%parallel_loop3A_178, %parallel_loop3A_179] {strides = array<i32>} : memref<80x128xf32, #tpu.memory_space<vmem>>, vector<1x16xf32>,
      %parallel_loop3A_181 = vector.shape_cast %parallel_loop3A_180 : vector<1x16xf32> to vector<16xf32>
      %parallel_loop3A_182 = arith.addf %parallel_loop3A_177, %parallel_loop3A_181 : vector<16xf32>
      %parallel_loop3A_183 = arith.constant 0.000000e+00 : f32
      %parallel_loop3A_184 = vector.broadcast %parallel_loop3A_183 : f32 to vector<16xf32>
      %parallel_loop3A_185 = arith.maximumf %parallel_loop3A_182, %parallel_loop3A_184 : vector<16xf32>
      %parallel_loop3A_186 = arith.index_cast %parallel_loop3A_88 : i32 to index
      %parallel_loop3A_187 = arith.constant 80 : index
      %parallel_loop3A_188 = tpu.vector_load %arg12[%parallel_loop3A_186, %parallel_loop3A_187] {strides = array<i32>} : memref<80x128xf32, #tpu.memory_space<vmem>>, vector<1x16xf32>,
      %parallel_loop3A_189 = vector.shape_cast %parallel_loop3A_188 : vector<1x16xf32> to vector<16xf32>
      %parallel_loop3A_190 = vector.shape_cast %parallel_loop3A_185 : vector<16xf32> to vector<1x16xf32>
      tpu.vector_store %arg12[%parallel_loop3A_186, %parallel_loop3A_187], %parallel_loop3A_190 {strides = array<i32>} : memref<80x128xf32, #tpu.memory_space<vmem>>, vector<1x16xf32>,
      %parallel_loop3A_191 = arith.index_cast %parallel_loop3A_88 : i32 to index
      %parallel_loop3A_192 = arith.constant 96 : index
      %parallel_loop3A_193 = tpu.vector_load %arg12[%parallel_loop3A_191, %parallel_loop3A_192] {strides = array<i32>} : memref<80x128xf32, #tpu.memory_space<vmem>>, vector<1x16xf32>,
      %parallel_loop3A_194 = vector.shape_cast %parallel_loop3A_193 : vector<1x16xf32> to vector<16xf32>
      %parallel_loop3A_195 = arith.index_cast %parallel_loop3A_88 : i32 to index
      %parallel_loop3A_196 = arith.constant 96 : index
      %parallel_loop3A_197 = tpu.vector_load %arg11[%parallel_loop3A_195, %parallel_loop3A_196] {strides = array<i32>} : memref<80x128xf32, #tpu.memory_space<vmem>>, vector<1x16xf32>,
      %parallel_loop3A_198 = vector.shape_cast %parallel_loop3A_197 : vector<1x16xf32> to vector<16xf32>
      %parallel_loop3A_199 = arith.addf %parallel_loop3A_194, %parallel_loop3A_198 : vector<16xf32>
      %parallel_loop3A_200 = arith.constant 0.000000e+00 : f32
      %parallel_loop3A_201 = vector.broadcast %parallel_loop3A_200 : f32 to vector<16xf32>
      %parallel_loop3A_202 = arith.maximumf %parallel_loop3A_199, %parallel_loop3A_201 : vector<16xf32>
      %parallel_loop3A_203 = arith.index_cast %parallel_loop3A_88 : i32 to index
      %parallel_loop3A_204 = arith.constant 96 : index
      %parallel_loop3A_205 = tpu.vector_load %arg12[%parallel_loop3A_203, %parallel_loop3A_204] {strides = array<i32>} : memref<80x128xf32, #tpu.memory_space<vmem>>, vector<1x16xf32>,
      %parallel_loop3A_206 = vector.shape_cast %parallel_loop3A_205 : vector<1x16xf32> to vector<16xf32>
      %parallel_loop3A_207 = vector.shape_cast %parallel_loop3A_202 : vector<16xf32> to vector<1x16xf32>
      tpu.vector_store %arg12[%parallel_loop3A_203, %parallel_loop3A_204], %parallel_loop3A_207 {strides = array<i32>} : memref<80x128xf32, #tpu.memory_space<vmem>>, vector<1x16xf32>,
      %parallel_loop3A_208 = arith.index_cast %parallel_loop3A_88 : i32 to index
      %parallel_loop3A_209 = arith.constant 112 : index
      %parallel_loop3A_210 = tpu.vector_load %arg12[%parallel_loop3A_208, %parallel_loop3A_209] {strides = array<i32>} : memref<80x128xf32, #tpu.memory_space<vmem>>, vector<1x16xf32>,
      %parallel_loop3A_211 = vector.shape_cast %parallel_loop3A_210 : vector<1x16xf32> to vector<16xf32>
      %parallel_loop3A_212 = arith.index_cast %parallel_loop3A_88 : i32 to index
      %parallel_loop3A_213 = arith.constant 112 : index
      %parallel_loop3A_214 = tpu.vector_load %arg11[%parallel_loop3A_212, %parallel_loop3A_213] {strides = array<i32>} : memref<80x128xf32, #tpu.memory_space<vmem>>, vector<1x16xf32>,
      %parallel_loop3A_215 = vector.shape_cast %parallel_loop3A_214 : vector<1x16xf32> to vector<16xf32>
      %parallel_loop3A_216 = arith.addf %parallel_loop3A_211, %parallel_loop3A_215 : vector<16xf32>
      %parallel_loop3A_217 = arith.constant 0.000000e+00 : f32
      %parallel_loop3A_218 = vector.broadcast %parallel_loop3A_217 : f32 to vector<16xf32>
      %parallel_loop3A_219 = arith.maximumf %parallel_loop3A_216, %parallel_loop3A_218 : vector<16xf32>
      %parallel_loop3A_220 = arith.index_cast %parallel_loop3A_88 : i32 to index
      %parallel_loop3A_221 = arith.constant 112 : index
      %parallel_loop3A_222 = tpu.vector_load %arg12[%parallel_loop3A_220, %parallel_loop3A_221] {strides = array<i32>} : memref<80x128xf32, #tpu.memory_space<vmem>>, vector<1x16xf32>,
      %parallel_loop3A_223 = vector.shape_cast %parallel_loop3A_222 : vector<1x16xf32> to vector<16xf32>
      %parallel_loop3A_224 = vector.shape_cast %parallel_loop3A_219 : vector<16xf32> to vector<1x16xf32>
      tpu.vector_store %arg12[%parallel_loop3A_220, %parallel_loop3A_221], %parallel_loop3A_224 {strides = array<i32>} : memref<80x128xf32, #tpu.memory_space<vmem>>, vector<1x16xf32>,
    } {sc.loop_unroll_factor = 8 : i64, sc.parallel_access}
    "tpu.region"() ({
      %run_scoped3A = tpu.sem_alloc : memref<!tpu.dma_semaphore, #tpu.memory_space<semaphore_mem>>
      %dma_start3A_88 = arith.constant 0 : i32
      %dma_start3A_89 = arith.constant 0 : i32
      %dma_start3A_90 = tpu.memref_slice %arg14[%dma_start3A_88, %dma_start3A_89] : memref<10000x128xf32, #tpu.memory_space<vmem_shared>> -> memref<10000x128xf32, #tpu.memory_space<vmem_shared>>
      tpu.enqueue_indirect_dma source(%arg12 : memref<80x128xf32, #tpu.memory_space<vmem>>) target(%dma_start3A_90 : memref<10000x128xf32, #tpu.memory_space<vmem_shared>>) offsets(%arg8 : memref<80xi32, #tpu.memory_space<vmem>>) semaphore(%run_scoped3A : memref<!tpu.dma_semaphore, #tpu.memory_space<semaphore_mem>>) {add = true}
      %dma_wait3A_91 = arith.constant 0 : i32
      %dma_wait3A_92 = arith.constant 0 : i32
      %dma_wait3A_93 = tpu.memref_slice %arg14[%dma_wait3A_91, %dma_wait3A_92] : memref<10000x128xf32, #tpu.memory_space<vmem_shared>> -> memref<10000x128xf32, #tpu.memory_space<vmem_shared>>
      tpu.wait_indirect_dma semaphore(%run_scoped3A : memref<!tpu.dma_semaphore, #tpu.memory_space<semaphore_mem>>) src(%arg12 : memref<80x128xf32, #tpu.memory_space<vmem>>) dst(%dma_wait3A_93 : memref<10000x128xf32, #tpu.memory_space<vmem_shared>>)
      tpu.yield
    }) : () -> ()
    %barrier3A_83 = arith.constant 0 : index
    tpu.barrier barrier_id(%barrier3A_83)
    %eq3A = arith.constant 0 : i32
    %eq3A_84 = arith.cmpi eq, %arg1, %eq3A : i32
    %convert_element_type3A_85 = arith.extui %eq3A_84 : i1 to i32
    %cond3A_86 = arith.constant 0 : i32
    %cond3A_87 = arith.cmpi ne, %convert_element_type3A_85, %cond3A_86 : i32
    scf.if %cond3A_87 {
      "tpu.region"() ({
        %run_scoped3A = tpu.sem_alloc : memref<!tpu.dma_semaphore, #tpu.memory_space<semaphore_mem>>
        %dma_start3A_88 = arith.constant 0 : i32
        %dma_start3A_89 = arith.constant 0 : i32
        %dma_start3A_90 = tpu.memref_slice %arg6[%arg0, %dma_start3A_88, %dma_start3A_89] : memref<2x10000x128xf32, #tpu.memory_space<hbm>> -> memref<1x10000x128xf32, #tpu.memory_space<hbm>>
        %dma_start3A_91 = tpu.memref_squeeze %dma_start3A_90 : memref<1x10000x128xf32, #tpu.memory_space<hbm>> -> memref<10000x128xf32, #tpu.memory_space<hbm>>
        tpu.enqueue_dma source(%arg14 : memref<10000x128xf32, #tpu.memory_space<vmem_shared>>) target(%dma_start3A_91 : memref<10000x128xf32, #tpu.memory_space<hbm>>) target_semaphore(%run_scoped3A : memref<!tpu.dma_semaphore, #tpu.memory_space<semaphore_mem>>)
        %dma_wait3A_92 = arith.constant 0 : i32
        %dma_wait3A_93 = arith.constant 0 : i32
        %dma_wait3A_94 = tpu.memref_slice %arg6[%arg0, %dma_wait3A_92, %dma_wait3A_93] : memref<2x10000x128xf32, #tpu.memory_space<hbm>> -> memref<1x10000x128xf32, #tpu.memory_space<hbm>>
        %dma_wait3A_95 = tpu.memref_squeeze %dma_wait3A_94 : memref<1x10000x128xf32, #tpu.memory_space<hbm>> -> memref<10000x128xf32, #tpu.memory_space<hbm>>
        tpu.wait_dma2 semaphore(%run_scoped3A : memref<!tpu.dma_semaphore, #tpu.memory_space<semaphore_mem>>) src(%arg14 : memref<10000x128xf32, #tpu.memory_space<vmem_shared>>) dst(%dma_wait3A_95 : memref<10000x128xf32, #tpu.memory_space<hbm>>)
        tpu.yield
      }) : () -> ()
    } else {
    }
    return
  }
}

#map = affine_map<(d0, d1) -> (0, 0)>
#map1 = affine_map<(d0, d1) -> (0)>
#map2 = affine_map<(d0, d1) -> (0, 0, 0)>
module attributes {stable_mosaic.version = 14 : i64} {
  func.func @_sc_edge_body(%arg0: i32, %arg1: i32, %arg2: memref<10000x128xf32, #tpu.memory_space<hbm>>, %arg3: memref<320000x128xf32, #tpu.memory_space<hbm>>, %arg4: memref<320000xi32, #tpu.memory_space<hbm>>, %arg5: memref<320000xi32, #tpu.memory_space<hbm>>, %arg6: memref<2x10000x128xf32, #tpu.memory_space<hbm>>, %arg7: memref<80xi32, #tpu.memory_space<vmem>>, %arg8: memref<80xi32, #tpu.memory_space<vmem>>, %arg9: memref<80xi32, #tpu.memory_space<vmem>>, %arg10: memref<80xi32, #tpu.memory_space<vmem>>, %arg11: memref<80x128xf32, #tpu.memory_space<vmem>>, %arg12: memref<80x128xf32, #tpu.memory_space<vmem>>, %arg13: memref<80x128xf32, #tpu.memory_space<vmem>>, %arg14: memref<10000x128xf32, #tpu.memory_space<vmem_shared>>, %arg15: memref<!tpu.dma_semaphore, #tpu.memory_space<semaphore_mem>>, %arg16: memref<!tpu.dma_semaphore, #tpu.memory_space<semaphore_mem>>, %arg17: memref<!tpu.dma_semaphore, #tpu.memory_space<semaphore_mem>>, %arg18: memref<!tpu.dma_semaphore, #tpu.memory_space<semaphore_mem>>, %arg19: memref<!tpu.dma_semaphore, #tpu.memory_space<semaphore_mem>>) attributes {dimension_semantics = [#tpu.dimension_semantics<core_parallel>, #tpu.dimension_semantics<subcore_parallel>], iteration_bounds = array<i64: 2, 16>, scalar_prefetch = 0 : i64, scratch_operands = 13 : i64, tpu.core_type = #tpu.core_type<sc_vector_subcore>, window_params = [{transform_indices = #map}, {transform_indices = #map}, {transform_indices = #map1}, {transform_indices = #map1}, {transform_indices = #map2}]} {
    %mul3A = arith.constant 16 : i32
    %mul3A_0 = arith.muli %arg0, %mul3A : i32
    %add3A = arith.addi %mul3A_0, %arg1 : i32
    %mul3A_1 = arith.constant 10000 : i32
    %mul3A_2 = arith.muli %add3A, %mul3A_1 : i32
    %parallel_loop3A = arith.constant 0 : i32
    %parallel_loop3A_3 = arith.constant 80 : i32
    %parallel_loop3A_4 = arith.constant 1 : i32
    scf.for %parallel_loop3A_88 = %parallel_loop3A to %parallel_loop3A_3 step %parallel_loop3A_4  : i32 {
      %parallel_loop3A_89 = arith.constant 0.000000e+00 : f32
      %parallel_loop3A_90 = vector.broadcast %parallel_loop3A_89 : f32 to vector<16xf32>
      %parallel_loop3A_91 = arith.index_cast %parallel_loop3A_88 : i32 to index
      %parallel_loop3A_92 = arith.constant 0 : index
      %parallel_loop3A_93 = tpu.vector_load %arg12[%parallel_loop3A_91, %parallel_loop3A_92] {strides = array<i32>} : memref<80x128xf32, #tpu.memory_space<vmem>>, vector<1x16xf32>,
      %parallel_loop3A_94 = vector.shape_cast %parallel_loop3A_93 : vector<1x16xf32> to vector<16xf32>
      %parallel_loop3A_95 = vector.shape_cast %parallel_loop3A_90 : vector<16xf32> to vector<1x16xf32>
      tpu.vector_store %arg12[%parallel_loop3A_91, %parallel_loop3A_92], %parallel_loop3A_95 {strides = array<i32>} : memref<80x128xf32, #tpu.memory_space<vmem>>, vector<1x16xf32>,
      %parallel_loop3A_96 = arith.constant 0.000000e+00 : f32
      %parallel_loop3A_97 = vector.broadcast %parallel_loop3A_96 : f32 to vector<16xf32>
      %parallel_loop3A_98 = arith.index_cast %parallel_loop3A_88 : i32 to index
      %parallel_loop3A_99 = arith.constant 16 : index
      %parallel_loop3A_100 = tpu.vector_load %arg12[%parallel_loop3A_98, %parallel_loop3A_99] {strides = array<i32>} : memref<80x128xf32, #tpu.memory_space<vmem>>, vector<1x16xf32>,
      %parallel_loop3A_101 = vector.shape_cast %parallel_loop3A_100 : vector<1x16xf32> to vector<16xf32>
      %parallel_loop3A_102 = vector.shape_cast %parallel_loop3A_97 : vector<16xf32> to vector<1x16xf32>
      tpu.vector_store %arg12[%parallel_loop3A_98, %parallel_loop3A_99], %parallel_loop3A_102 {strides = array<i32>} : memref<80x128xf32, #tpu.memory_space<vmem>>, vector<1x16xf32>,
      %parallel_loop3A_103 = arith.constant 0.000000e+00 : f32
      %parallel_loop3A_104 = vector.broadcast %parallel_loop3A_103 : f32 to vector<16xf32>
      %parallel_loop3A_105 = arith.index_cast %parallel_loop3A_88 : i32 to index
      %parallel_loop3A_106 = arith.constant 32 : index
      %parallel_loop3A_107 = tpu.vector_load %arg12[%parallel_loop3A_105, %parallel_loop3A_106] {strides = array<i32>} : memref<80x128xf32, #tpu.memory_space<vmem>>, vector<1x16xf32>,
      %parallel_loop3A_108 = vector.shape_cast %parallel_loop3A_107 : vector<1x16xf32> to vector<16xf32>
      %parallel_loop3A_109 = vector.shape_cast %parallel_loop3A_104 : vector<16xf32> to vector<1x16xf32>
      tpu.vector_store %arg12[%parallel_loop3A_105, %parallel_loop3A_106], %parallel_loop3A_109 {strides = array<i32>} : memref<80x128xf32, #tpu.memory_space<vmem>>, vector<1x16xf32>,
      %parallel_loop3A_110 = arith.constant 0.000000e+00 : f32
      %parallel_loop3A_111 = vector.broadcast %parallel_loop3A_110 : f32 to vector<16xf32>
      %parallel_loop3A_112 = arith.index_cast %parallel_loop3A_88 : i32 to index
      %parallel_loop3A_113 = arith.constant 48 : index
      %parallel_loop3A_114 = tpu.vector_load %arg12[%parallel_loop3A_112, %parallel_loop3A_113] {strides = array<i32>} : memref<80x128xf32, #tpu.memory_space<vmem>>, vector<1x16xf32>,
      %parallel_loop3A_115 = vector.shape_cast %parallel_loop3A_114 : vector<1x16xf32> to vector<16xf32>
      %parallel_loop3A_116 = vector.shape_cast %parallel_loop3A_111 : vector<16xf32> to vector<1x16xf32>
      tpu.vector_store %arg12[%parallel_loop3A_112, %parallel_loop3A_113], %parallel_loop3A_116 {strides = array<i32>} : memref<80x128xf32, #tpu.memory_space<vmem>>, vector<1x16xf32>,
      %parallel_loop3A_117 = arith.constant 0.000000e+00 : f32
      %parallel_loop3A_118 = vector.broadcast %parallel_loop3A_117 : f32 to vector<16xf32>
      %parallel_loop3A_119 = arith.index_cast %parallel_loop3A_88 : i32 to index
      %parallel_loop3A_120 = arith.constant 64 : index
      %parallel_loop3A_121 = tpu.vector_load %arg12[%parallel_loop3A_119, %parallel_loop3A_120] {strides = array<i32>} : memref<80x128xf32, #tpu.memory_space<vmem>>, vector<1x16xf32>,
      %parallel_loop3A_122 = vector.shape_cast %parallel_loop3A_121 : vector<1x16xf32> to vector<16xf32>
      %parallel_loop3A_123 = vector.shape_cast %parallel_loop3A_118 : vector<16xf32> to vector<1x16xf32>
      tpu.vector_store %arg12[%parallel_loop3A_119, %parallel_loop3A_120], %parallel_loop3A_123 {strides = array<i32>} : memref<80x128xf32, #tpu.memory_space<vmem>>, vector<1x16xf32>,
      %parallel_loop3A_124 = arith.constant 0.000000e+00 : f32
      %parallel_loop3A_125 = vector.broadcast %parallel_loop3A_124 : f32 to vector<16xf32>
      %parallel_loop3A_126 = arith.index_cast %parallel_loop3A_88 : i32 to index
      %parallel_loop3A_127 = arith.constant 80 : index
      %parallel_loop3A_128 = tpu.vector_load %arg12[%parallel_loop3A_126, %parallel_loop3A_127] {strides = array<i32>} : memref<80x128xf32, #tpu.memory_space<vmem>>, vector<1x16xf32>,
      %parallel_loop3A_129 = vector.shape_cast %parallel_loop3A_128 : vector<1x16xf32> to vector<16xf32>
      %parallel_loop3A_130 = vector.shape_cast %parallel_loop3A_125 : vector<16xf32> to vector<1x16xf32>
      tpu.vector_store %arg12[%parallel_loop3A_126, %parallel_loop3A_127], %parallel_loop3A_130 {strides = array<i32>} : memref<80x128xf32, #tpu.memory_space<vmem>>, vector<1x16xf32>,
      %parallel_loop3A_131 = arith.constant 0.000000e+00 : f32
      %parallel_loop3A_132 = vector.broadcast %parallel_loop3A_131 : f32 to vector<16xf32>
      %parallel_loop3A_133 = arith.index_cast %parallel_loop3A_88 : i32 to index
      %parallel_loop3A_134 = arith.constant 96 : index
      %parallel_loop3A_135 = tpu.vector_load %arg12[%parallel_loop3A_133, %parallel_loop3A_134] {strides = array<i32>} : memref<80x128xf32, #tpu.memory_space<vmem>>, vector<1x16xf32>,
      %parallel_loop3A_136 = vector.shape_cast %parallel_loop3A_135 : vector<1x16xf32> to vector<16xf32>
      %parallel_loop3A_137 = vector.shape_cast %parallel_loop3A_132 : vector<16xf32> to vector<1x16xf32>
      tpu.vector_store %arg12[%parallel_loop3A_133, %parallel_loop3A_134], %parallel_loop3A_137 {strides = array<i32>} : memref<80x128xf32, #tpu.memory_space<vmem>>, vector<1x16xf32>,
      %parallel_loop3A_138 = arith.constant 0.000000e+00 : f32
      %parallel_loop3A_139 = vector.broadcast %parallel_loop3A_138 : f32 to vector<16xf32>
      %parallel_loop3A_140 = arith.index_cast %parallel_loop3A_88 : i32 to index
      %parallel_loop3A_141 = arith.constant 112 : index
      %parallel_loop3A_142 = tpu.vector_load %arg12[%parallel_loop3A_140, %parallel_loop3A_141] {strides = array<i32>} : memref<80x128xf32, #tpu.memory_space<vmem>>, vector<1x16xf32>,
      %parallel_loop3A_143 = vector.shape_cast %parallel_loop3A_142 : vector<1x16xf32> to vector<16xf32>
      %parallel_loop3A_144 = vector.shape_cast %parallel_loop3A_139 : vector<16xf32> to vector<1x16xf32>
      tpu.vector_store %arg12[%parallel_loop3A_140, %parallel_loop3A_141], %parallel_loop3A_144 {strides = array<i32>} : memref<80x128xf32, #tpu.memory_space<vmem>>, vector<1x16xf32>,
    } {sc.loop_unroll_factor = 4 : i64, sc.parallel_access}
    %add3A_5 = arith.constant 0 : i32
    %add3A_6 = arith.addi %arg1, %add3A_5 : i32
    %lt3A = arith.constant 125 : i32
    %lt3A_7 = arith.cmpi slt, %add3A_6, %lt3A : i32
    %convert_element_type3A = arith.extui %lt3A_7 : i1 to i32
    %cond3A = arith.constant 0 : i32
    %cond3A_8 = arith.cmpi ne, %convert_element_type3A, %cond3A : i32
    scf.if %cond3A_8 {
      %mul3A_88 = arith.constant 80 : i32
      %mul3A_89 = arith.muli %add3A_6, %mul3A_88 : i32
      "tpu.region"() ({
        %run_scoped3A = tpu.sem_alloc : memref<!tpu.dma_semaphore, #tpu.memory_space<semaphore_mem>>
        %dma_start3A_90 = arith.constant 0 : i32
        %dma_start3A_91 = tpu.memref_slice %arg14[%mul3A_89, %dma_start3A_90] : memref<10000x128xf32, #tpu.memory_space<vmem_shared>> -> memref<80x128xf32, #tpu.memory_space<vmem_shared>>
        %dma_start3A_92 = arith.constant 0 : i32
        %dma_start3A_93 = tpu.memref_slice %arg14[%mul3A_89, %dma_start3A_92] : memref<10000x128xf32, #tpu.memory_space<vmem_shared>> -> memref<80x128xf32, #tpu.memory_space<vmem_shared>>
        tpu.enqueue_dma source(%arg12 : memref<80x128xf32, #tpu.memory_space<vmem>>) target(%dma_start3A_93 : memref<80x128xf32, #tpu.memory_space<vmem_shared>>) target_semaphore(%run_scoped3A : memref<!tpu.dma_semaphore, #tpu.memory_space<semaphore_mem>>)
        %dma_wait3A_94 = arith.constant 0 : i32
        %dma_wait3A_95 = tpu.memref_slice %arg14[%mul3A_89, %dma_wait3A_94] : memref<10000x128xf32, #tpu.memory_space<vmem_shared>> -> memref<80x128xf32, #tpu.memory_space<vmem_shared>>
        %dma_wait3A_96 = arith.constant 0 : i32
        %dma_wait3A_97 = tpu.memref_slice %arg14[%mul3A_89, %dma_wait3A_96] : memref<10000x128xf32, #tpu.memory_space<vmem_shared>> -> memref<80x128xf32, #tpu.memory_space<vmem_shared>>
        tpu.wait_dma2 semaphore(%run_scoped3A : memref<!tpu.dma_semaphore, #tpu.memory_space<semaphore_mem>>) src(%arg12 : memref<80x128xf32, #tpu.memory_space<vmem>>) dst(%dma_wait3A_97 : memref<80x128xf32, #tpu.memory_space<vmem_shared>>)
        tpu.yield
      }) : () -> ()
    } else {
    }
    %add3A_9 = arith.constant 16 : i32
    %add3A_10 = arith.addi %arg1, %add3A_9 : i32
    %lt3A_11 = arith.constant 125 : i32
    %lt3A_12 = arith.cmpi slt, %add3A_10, %lt3A_11 : i32
    %convert_element_type3A_13 = arith.extui %lt3A_12 : i1 to i32
    %cond3A_14 = arith.constant 0 : i32
    %cond3A_15 = arith.cmpi ne, %convert_element_type3A_13, %cond3A_14 : i32
    scf.if %cond3A_15 {
      %mul3A_88 = arith.constant 80 : i32
      %mul3A_89 = arith.muli %add3A_10, %mul3A_88 : i32
      "tpu.region"() ({
        %run_scoped3A = tpu.sem_alloc : memref<!tpu.dma_semaphore, #tpu.memory_space<semaphore_mem>>
        %dma_start3A_90 = arith.constant 0 : i32
        %dma_start3A_91 = tpu.memref_slice %arg14[%mul3A_89, %dma_start3A_90] : memref<10000x128xf32, #tpu.memory_space<vmem_shared>> -> memref<80x128xf32, #tpu.memory_space<vmem_shared>>
        %dma_start3A_92 = arith.constant 0 : i32
        %dma_start3A_93 = tpu.memref_slice %arg14[%mul3A_89, %dma_start3A_92] : memref<10000x128xf32, #tpu.memory_space<vmem_shared>> -> memref<80x128xf32, #tpu.memory_space<vmem_shared>>
        tpu.enqueue_dma source(%arg12 : memref<80x128xf32, #tpu.memory_space<vmem>>) target(%dma_start3A_93 : memref<80x128xf32, #tpu.memory_space<vmem_shared>>) target_semaphore(%run_scoped3A : memref<!tpu.dma_semaphore, #tpu.memory_space<semaphore_mem>>)
        %dma_wait3A_94 = arith.constant 0 : i32
        %dma_wait3A_95 = tpu.memref_slice %arg14[%mul3A_89, %dma_wait3A_94] : memref<10000x128xf32, #tpu.memory_space<vmem_shared>> -> memref<80x128xf32, #tpu.memory_space<vmem_shared>>
        %dma_wait3A_96 = arith.constant 0 : i32
        %dma_wait3A_97 = tpu.memref_slice %arg14[%mul3A_89, %dma_wait3A_96] : memref<10000x128xf32, #tpu.memory_space<vmem_shared>> -> memref<80x128xf32, #tpu.memory_space<vmem_shared>>
        tpu.wait_dma2 semaphore(%run_scoped3A : memref<!tpu.dma_semaphore, #tpu.memory_space<semaphore_mem>>) src(%arg12 : memref<80x128xf32, #tpu.memory_space<vmem>>) dst(%dma_wait3A_97 : memref<80x128xf32, #tpu.memory_space<vmem_shared>>)
        tpu.yield
      }) : () -> ()
    } else {
    }
    %add3A_16 = arith.constant 32 : i32
    %add3A_17 = arith.addi %arg1, %add3A_16 : i32
    %lt3A_18 = arith.constant 125 : i32
    %lt3A_19 = arith.cmpi slt, %add3A_17, %lt3A_18 : i32
    %convert_element_type3A_20 = arith.extui %lt3A_19 : i1 to i32
    %cond3A_21 = arith.constant 0 : i32
    %cond3A_22 = arith.cmpi ne, %convert_element_type3A_20, %cond3A_21 : i32
    scf.if %cond3A_22 {
      %mul3A_88 = arith.constant 80 : i32
      %mul3A_89 = arith.muli %add3A_17, %mul3A_88 : i32
      "tpu.region"() ({
        %run_scoped3A = tpu.sem_alloc : memref<!tpu.dma_semaphore, #tpu.memory_space<semaphore_mem>>
        %dma_start3A_90 = arith.constant 0 : i32
        %dma_start3A_91 = tpu.memref_slice %arg14[%mul3A_89, %dma_start3A_90] : memref<10000x128xf32, #tpu.memory_space<vmem_shared>> -> memref<80x128xf32, #tpu.memory_space<vmem_shared>>
        %dma_start3A_92 = arith.constant 0 : i32
        %dma_start3A_93 = tpu.memref_slice %arg14[%mul3A_89, %dma_start3A_92] : memref<10000x128xf32, #tpu.memory_space<vmem_shared>> -> memref<80x128xf32, #tpu.memory_space<vmem_shared>>
        tpu.enqueue_dma source(%arg12 : memref<80x128xf32, #tpu.memory_space<vmem>>) target(%dma_start3A_93 : memref<80x128xf32, #tpu.memory_space<vmem_shared>>) target_semaphore(%run_scoped3A : memref<!tpu.dma_semaphore, #tpu.memory_space<semaphore_mem>>)
        %dma_wait3A_94 = arith.constant 0 : i32
        %dma_wait3A_95 = tpu.memref_slice %arg14[%mul3A_89, %dma_wait3A_94] : memref<10000x128xf32, #tpu.memory_space<vmem_shared>> -> memref<80x128xf32, #tpu.memory_space<vmem_shared>>
        %dma_wait3A_96 = arith.constant 0 : i32
        %dma_wait3A_97 = tpu.memref_slice %arg14[%mul3A_89, %dma_wait3A_96] : memref<10000x128xf32, #tpu.memory_space<vmem_shared>> -> memref<80x128xf32, #tpu.memory_space<vmem_shared>>
        tpu.wait_dma2 semaphore(%run_scoped3A : memref<!tpu.dma_semaphore, #tpu.memory_space<semaphore_mem>>) src(%arg12 : memref<80x128xf32, #tpu.memory_space<vmem>>) dst(%dma_wait3A_97 : memref<80x128xf32, #tpu.memory_space<vmem_shared>>)
        tpu.yield
      }) : () -> ()
    } else {
    }
    %add3A_23 = arith.constant 48 : i32
    %add3A_24 = arith.addi %arg1, %add3A_23 : i32
    %lt3A_25 = arith.constant 125 : i32
    %lt3A_26 = arith.cmpi slt, %add3A_24, %lt3A_25 : i32
    %convert_element_type3A_27 = arith.extui %lt3A_26 : i1 to i32
    %cond3A_28 = arith.constant 0 : i32
    %cond3A_29 = arith.cmpi ne, %convert_element_type3A_27, %cond3A_28 : i32
    scf.if %cond3A_29 {
      %mul3A_88 = arith.constant 80 : i32
      %mul3A_89 = arith.muli %add3A_24, %mul3A_88 : i32
      "tpu.region"() ({
        %run_scoped3A = tpu.sem_alloc : memref<!tpu.dma_semaphore, #tpu.memory_space<semaphore_mem>>
        %dma_start3A_90 = arith.constant 0 : i32
        %dma_start3A_91 = tpu.memref_slice %arg14[%mul3A_89, %dma_start3A_90] : memref<10000x128xf32, #tpu.memory_space<vmem_shared>> -> memref<80x128xf32, #tpu.memory_space<vmem_shared>>
        %dma_start3A_92 = arith.constant 0 : i32
        %dma_start3A_93 = tpu.memref_slice %arg14[%mul3A_89, %dma_start3A_92] : memref<10000x128xf32, #tpu.memory_space<vmem_shared>> -> memref<80x128xf32, #tpu.memory_space<vmem_shared>>
        tpu.enqueue_dma source(%arg12 : memref<80x128xf32, #tpu.memory_space<vmem>>) target(%dma_start3A_93 : memref<80x128xf32, #tpu.memory_space<vmem_shared>>) target_semaphore(%run_scoped3A : memref<!tpu.dma_semaphore, #tpu.memory_space<semaphore_mem>>)
        %dma_wait3A_94 = arith.constant 0 : i32
        %dma_wait3A_95 = tpu.memref_slice %arg14[%mul3A_89, %dma_wait3A_94] : memref<10000x128xf32, #tpu.memory_space<vmem_shared>> -> memref<80x128xf32, #tpu.memory_space<vmem_shared>>
        %dma_wait3A_96 = arith.constant 0 : i32
        %dma_wait3A_97 = tpu.memref_slice %arg14[%mul3A_89, %dma_wait3A_96] : memref<10000x128xf32, #tpu.memory_space<vmem_shared>> -> memref<80x128xf32, #tpu.memory_space<vmem_shared>>
        tpu.wait_dma2 semaphore(%run_scoped3A : memref<!tpu.dma_semaphore, #tpu.memory_space<semaphore_mem>>) src(%arg12 : memref<80x128xf32, #tpu.memory_space<vmem>>) dst(%dma_wait3A_97 : memref<80x128xf32, #tpu.memory_space<vmem_shared>>)
        tpu.yield
      }) : () -> ()
    } else {
    }
    %add3A_30 = arith.constant 64 : i32
    %add3A_31 = arith.addi %arg1, %add3A_30 : i32
    %lt3A_32 = arith.constant 125 : i32
    %lt3A_33 = arith.cmpi slt, %add3A_31, %lt3A_32 : i32
    %convert_element_type3A_34 = arith.extui %lt3A_33 : i1 to i32
    %cond3A_35 = arith.constant 0 : i32
    %cond3A_36 = arith.cmpi ne, %convert_element_type3A_34, %cond3A_35 : i32
    scf.if %cond3A_36 {
      %mul3A_88 = arith.constant 80 : i32
      %mul3A_89 = arith.muli %add3A_31, %mul3A_88 : i32
      "tpu.region"() ({
        %run_scoped3A = tpu.sem_alloc : memref<!tpu.dma_semaphore, #tpu.memory_space<semaphore_mem>>
        %dma_start3A_90 = arith.constant 0 : i32
        %dma_start3A_91 = tpu.memref_slice %arg14[%mul3A_89, %dma_start3A_90] : memref<10000x128xf32, #tpu.memory_space<vmem_shared>> -> memref<80x128xf32, #tpu.memory_space<vmem_shared>>
        %dma_start3A_92 = arith.constant 0 : i32
        %dma_start3A_93 = tpu.memref_slice %arg14[%mul3A_89, %dma_start3A_92] : memref<10000x128xf32, #tpu.memory_space<vmem_shared>> -> memref<80x128xf32, #tpu.memory_space<vmem_shared>>
        tpu.enqueue_dma source(%arg12 : memref<80x128xf32, #tpu.memory_space<vmem>>) target(%dma_start3A_93 : memref<80x128xf32, #tpu.memory_space<vmem_shared>>) target_semaphore(%run_scoped3A : memref<!tpu.dma_semaphore, #tpu.memory_space<semaphore_mem>>)
        %dma_wait3A_94 = arith.constant 0 : i32
        %dma_wait3A_95 = tpu.memref_slice %arg14[%mul3A_89, %dma_wait3A_94] : memref<10000x128xf32, #tpu.memory_space<vmem_shared>> -> memref<80x128xf32, #tpu.memory_space<vmem_shared>>
        %dma_wait3A_96 = arith.constant 0 : i32
        %dma_wait3A_97 = tpu.memref_slice %arg14[%mul3A_89, %dma_wait3A_96] : memref<10000x128xf32, #tpu.memory_space<vmem_shared>> -> memref<80x128xf32, #tpu.memory_space<vmem_shared>>
        tpu.wait_dma2 semaphore(%run_scoped3A : memref<!tpu.dma_semaphore, #tpu.memory_space<semaphore_mem>>) src(%arg12 : memref<80x128xf32, #tpu.memory_space<vmem>>) dst(%dma_wait3A_97 : memref<80x128xf32, #tpu.memory_space<vmem_shared>>)
        tpu.yield
      }) : () -> ()
    } else {
    }
    %add3A_37 = arith.constant 80 : i32
    %add3A_38 = arith.addi %arg1, %add3A_37 : i32
    %lt3A_39 = arith.constant 125 : i32
    %lt3A_40 = arith.cmpi slt, %add3A_38, %lt3A_39 : i32
    %convert_element_type3A_41 = arith.extui %lt3A_40 : i1 to i32
    %cond3A_42 = arith.constant 0 : i32
    %cond3A_43 = arith.cmpi ne, %convert_element_type3A_41, %cond3A_42 : i32
    scf.if %cond3A_43 {
      %mul3A_88 = arith.constant 80 : i32
      %mul3A_89 = arith.muli %add3A_38, %mul3A_88 : i32
      "tpu.region"() ({
        %run_scoped3A = tpu.sem_alloc : memref<!tpu.dma_semaphore, #tpu.memory_space<semaphore_mem>>
        %dma_start3A_90 = arith.constant 0 : i32
        %dma_start3A_91 = tpu.memref_slice %arg14[%mul3A_89, %dma_start3A_90] : memref<10000x128xf32, #tpu.memory_space<vmem_shared>> -> memref<80x128xf32, #tpu.memory_space<vmem_shared>>
        %dma_start3A_92 = arith.constant 0 : i32
        %dma_start3A_93 = tpu.memref_slice %arg14[%mul3A_89, %dma_start3A_92] : memref<10000x128xf32, #tpu.memory_space<vmem_shared>> -> memref<80x128xf32, #tpu.memory_space<vmem_shared>>
        tpu.enqueue_dma source(%arg12 : memref<80x128xf32, #tpu.memory_space<vmem>>) target(%dma_start3A_93 : memref<80x128xf32, #tpu.memory_space<vmem_shared>>) target_semaphore(%run_scoped3A : memref<!tpu.dma_semaphore, #tpu.memory_space<semaphore_mem>>)
        %dma_wait3A_94 = arith.constant 0 : i32
        %dma_wait3A_95 = tpu.memref_slice %arg14[%mul3A_89, %dma_wait3A_94] : memref<10000x128xf32, #tpu.memory_space<vmem_shared>> -> memref<80x128xf32, #tpu.memory_space<vmem_shared>>
        %dma_wait3A_96 = arith.constant 0 : i32
        %dma_wait3A_97 = tpu.memref_slice %arg14[%mul3A_89, %dma_wait3A_96] : memref<10000x128xf32, #tpu.memory_space<vmem_shared>> -> memref<80x128xf32, #tpu.memory_space<vmem_shared>>
        tpu.wait_dma2 semaphore(%run_scoped3A : memref<!tpu.dma_semaphore, #tpu.memory_space<semaphore_mem>>) src(%arg12 : memref<80x128xf32, #tpu.memory_space<vmem>>) dst(%dma_wait3A_97 : memref<80x128xf32, #tpu.memory_space<vmem_shared>>)
        tpu.yield
      }) : () -> ()
    } else {
    }
    %add3A_44 = arith.constant 96 : i32
    %add3A_45 = arith.addi %arg1, %add3A_44 : i32
    %lt3A_46 = arith.constant 125 : i32
    %lt3A_47 = arith.cmpi slt, %add3A_45, %lt3A_46 : i32
    %convert_element_type3A_48 = arith.extui %lt3A_47 : i1 to i32
    %cond3A_49 = arith.constant 0 : i32
    %cond3A_50 = arith.cmpi ne, %convert_element_type3A_48, %cond3A_49 : i32
    scf.if %cond3A_50 {
      %mul3A_88 = arith.constant 80 : i32
      %mul3A_89 = arith.muli %add3A_45, %mul3A_88 : i32
      "tpu.region"() ({
        %run_scoped3A = tpu.sem_alloc : memref<!tpu.dma_semaphore, #tpu.memory_space<semaphore_mem>>
        %dma_start3A_90 = arith.constant 0 : i32
        %dma_start3A_91 = tpu.memref_slice %arg14[%mul3A_89, %dma_start3A_90] : memref<10000x128xf32, #tpu.memory_space<vmem_shared>> -> memref<80x128xf32, #tpu.memory_space<vmem_shared>>
        %dma_start3A_92 = arith.constant 0 : i32
        %dma_start3A_93 = tpu.memref_slice %arg14[%mul3A_89, %dma_start3A_92] : memref<10000x128xf32, #tpu.memory_space<vmem_shared>> -> memref<80x128xf32, #tpu.memory_space<vmem_shared>>
        tpu.enqueue_dma source(%arg12 : memref<80x128xf32, #tpu.memory_space<vmem>>) target(%dma_start3A_93 : memref<80x128xf32, #tpu.memory_space<vmem_shared>>) target_semaphore(%run_scoped3A : memref<!tpu.dma_semaphore, #tpu.memory_space<semaphore_mem>>)
        %dma_wait3A_94 = arith.constant 0 : i32
        %dma_wait3A_95 = tpu.memref_slice %arg14[%mul3A_89, %dma_wait3A_94] : memref<10000x128xf32, #tpu.memory_space<vmem_shared>> -> memref<80x128xf32, #tpu.memory_space<vmem_shared>>
        %dma_wait3A_96 = arith.constant 0 : i32
        %dma_wait3A_97 = tpu.memref_slice %arg14[%mul3A_89, %dma_wait3A_96] : memref<10000x128xf32, #tpu.memory_space<vmem_shared>> -> memref<80x128xf32, #tpu.memory_space<vmem_shared>>
        tpu.wait_dma2 semaphore(%run_scoped3A : memref<!tpu.dma_semaphore, #tpu.memory_space<semaphore_mem>>) src(%arg12 : memref<80x128xf32, #tpu.memory_space<vmem>>) dst(%dma_wait3A_97 : memref<80x128xf32, #tpu.memory_space<vmem_shared>>)
        tpu.yield
      }) : () -> ()
    } else {
    }
    %add3A_51 = arith.constant 112 : i32
    %add3A_52 = arith.addi %arg1, %add3A_51 : i32
    %lt3A_53 = arith.constant 125 : i32
    %lt3A_54 = arith.cmpi slt, %add3A_52, %lt3A_53 : i32
    %convert_element_type3A_55 = arith.extui %lt3A_54 : i1 to i32
    %cond3A_56 = arith.constant 0 : i32
    %cond3A_57 = arith.cmpi ne, %convert_element_type3A_55, %cond3A_56 : i32
    scf.if %cond3A_57 {
      %mul3A_88 = arith.constant 80 : i32
      %mul3A_89 = arith.muli %add3A_52, %mul3A_88 : i32
      "tpu.region"() ({
        %run_scoped3A = tpu.sem_alloc : memref<!tpu.dma_semaphore, #tpu.memory_space<semaphore_mem>>
        %dma_start3A_90 = arith.constant 0 : i32
        %dma_start3A_91 = tpu.memref_slice %arg14[%mul3A_89, %dma_start3A_90] : memref<10000x128xf32, #tpu.memory_space<vmem_shared>> -> memref<80x128xf32, #tpu.memory_space<vmem_shared>>
        %dma_start3A_92 = arith.constant 0 : i32
        %dma_start3A_93 = tpu.memref_slice %arg14[%mul3A_89, %dma_start3A_92] : memref<10000x128xf32, #tpu.memory_space<vmem_shared>> -> memref<80x128xf32, #tpu.memory_space<vmem_shared>>
        tpu.enqueue_dma source(%arg12 : memref<80x128xf32, #tpu.memory_space<vmem>>) target(%dma_start3A_93 : memref<80x128xf32, #tpu.memory_space<vmem_shared>>) target_semaphore(%run_scoped3A : memref<!tpu.dma_semaphore, #tpu.memory_space<semaphore_mem>>)
        %dma_wait3A_94 = arith.constant 0 : i32
        %dma_wait3A_95 = tpu.memref_slice %arg14[%mul3A_89, %dma_wait3A_94] : memref<10000x128xf32, #tpu.memory_space<vmem_shared>> -> memref<80x128xf32, #tpu.memory_space<vmem_shared>>
        %dma_wait3A_96 = arith.constant 0 : i32
        %dma_wait3A_97 = tpu.memref_slice %arg14[%mul3A_89, %dma_wait3A_96] : memref<10000x128xf32, #tpu.memory_space<vmem_shared>> -> memref<80x128xf32, #tpu.memory_space<vmem_shared>>
        tpu.wait_dma2 semaphore(%run_scoped3A : memref<!tpu.dma_semaphore, #tpu.memory_space<semaphore_mem>>) src(%arg12 : memref<80x128xf32, #tpu.memory_space<vmem>>) dst(%dma_wait3A_97 : memref<80x128xf32, #tpu.memory_space<vmem_shared>>)
        tpu.yield
      }) : () -> ()
    } else {
    }
    %barrier3A = arith.constant 0 : index
    tpu.barrier barrier_id(%barrier3A)
    "tpu.region"() ({
      %run_scoped3A = tpu.sem_alloc : memref<!tpu.dma_semaphore, #tpu.memory_space<semaphore_mem>>
      %dma_start3A_88 = tpu.memref_slice %arg4[%mul3A_2] : memref<320000xi32, #tpu.memory_space<hbm>> -> memref<80xi32, #tpu.memory_space<hbm>>
      %dma_start3A_89 = tpu.memref_slice %arg4[%mul3A_2] : memref<320000xi32, #tpu.memory_space<hbm>> -> memref<80xi32, #tpu.memory_space<hbm>>
      tpu.enqueue_dma source(%dma_start3A_89 : memref<80xi32, #tpu.memory_space<hbm>>) target(%arg7 : memref<80xi32, #tpu.memory_space<vmem>>) target_semaphore(%run_scoped3A : memref<!tpu.dma_semaphore, #tpu.memory_space<semaphore_mem>>)
      %dma_wait3A_90 = tpu.memref_slice %arg4[%mul3A_2] : memref<320000xi32, #tpu.memory_space<hbm>> -> memref<80xi32, #tpu.memory_space<hbm>>
      %dma_wait3A_91 = tpu.memref_slice %arg4[%mul3A_2] : memref<320000xi32, #tpu.memory_space<hbm>> -> memref<80xi32, #tpu.memory_space<hbm>>
      tpu.wait_dma2 semaphore(%run_scoped3A : memref<!tpu.dma_semaphore, #tpu.memory_space<semaphore_mem>>) src(%dma_wait3A_91 : memref<80xi32, #tpu.memory_space<hbm>>) dst(%arg7 : memref<80xi32, #tpu.memory_space<vmem>>)
      tpu.yield
    }) : () -> ()
    "tpu.region"() ({
      %run_scoped3A = tpu.sem_alloc : memref<!tpu.dma_semaphore, #tpu.memory_space<semaphore_mem>>
      %dma_start3A_88 = tpu.memref_slice %arg5[%mul3A_2] : memref<320000xi32, #tpu.memory_space<hbm>> -> memref<80xi32, #tpu.memory_space<hbm>>
      %dma_start3A_89 = tpu.memref_slice %arg5[%mul3A_2] : memref<320000xi32, #tpu.memory_space<hbm>> -> memref<80xi32, #tpu.memory_space<hbm>>
      tpu.enqueue_dma source(%dma_start3A_89 : memref<80xi32, #tpu.memory_space<hbm>>) target(%arg8 : memref<80xi32, #tpu.memory_space<vmem>>) target_semaphore(%run_scoped3A : memref<!tpu.dma_semaphore, #tpu.memory_space<semaphore_mem>>)
      %dma_wait3A_90 = tpu.memref_slice %arg5[%mul3A_2] : memref<320000xi32, #tpu.memory_space<hbm>> -> memref<80xi32, #tpu.memory_space<hbm>>
      %dma_wait3A_91 = tpu.memref_slice %arg5[%mul3A_2] : memref<320000xi32, #tpu.memory_space<hbm>> -> memref<80xi32, #tpu.memory_space<hbm>>
      tpu.wait_dma2 semaphore(%run_scoped3A : memref<!tpu.dma_semaphore, #tpu.memory_space<semaphore_mem>>) src(%dma_wait3A_91 : memref<80xi32, #tpu.memory_space<hbm>>) dst(%arg8 : memref<80xi32, #tpu.memory_space<vmem>>)
      tpu.yield
    }) : () -> ()
    %dma_start3A = arith.constant 0 : i32
    %dma_start3A_58 = tpu.memref_slice %arg3[%mul3A_2, %dma_start3A] : memref<320000x128xf32, #tpu.memory_space<hbm>> -> memref<80x128xf32, #tpu.memory_space<hbm>>
    %dma_start3A_59 = arith.constant 0 : i32
    %dma_start3A_60 = tpu.memref_slice %arg3[%mul3A_2, %dma_start3A_59] : memref<320000x128xf32, #tpu.memory_space<hbm>> -> memref<80x128xf32, #tpu.memory_space<hbm>>
    tpu.enqueue_dma source(%dma_start3A_60 : memref<80x128xf32, #tpu.memory_space<hbm>>) target(%arg11 : memref<80x128xf32, #tpu.memory_space<vmem>>) target_semaphore(%arg17 : memref<!tpu.dma_semaphore, #tpu.memory_space<semaphore_mem>>)
    %dma_start3A_61 = arith.constant 0 : i32
    %dma_start3A_62 = arith.constant 0 : i32
    %dma_start3A_63 = tpu.memref_slice %arg2[%dma_start3A_61, %dma_start3A_62] : memref<10000x128xf32, #tpu.memory_space<hbm>> -> memref<10000x128xf32, #tpu.memory_space<hbm>>
    tpu.enqueue_indirect_dma source(%dma_start3A_63 : memref<10000x128xf32, #tpu.memory_space<hbm>>) target(%arg12 : memref<80x128xf32, #tpu.memory_space<vmem>>) offsets(%arg7 : memref<80xi32, #tpu.memory_space<vmem>>) semaphore(%arg18 : memref<!tpu.dma_semaphore, #tpu.memory_space<semaphore_mem>>)
    %scan3A = arith.constant 0 : i32
    %scan3A_64 = arith.constant 0 : i32
    %scan3A_65 = arith.constant 62 : i32
    %scan3A_66 = arith.addi %scan3A_64, %scan3A_65 : i32
    %scan3A_67 = arith.constant 1 : i32
    scf.for %scan3A_88 = %scan3A_64 to %scan3A_66 step %scan3A_67  : i32 {
      %mul3A_89 = arith.constant 2 : i32
      %mul3A_90 = arith.muli %mul3A_89, %scan3A_88 : i32
      %add3A_91 = arith.constant 1 : i32
      %add3A_92 = arith.addi %mul3A_90, %add3A_91 : i32
      %lt3A_93 = arith.constant 125 : i32
      %lt3A_94 = arith.cmpi slt, %add3A_92, %lt3A_93 : i32
      %convert_element_type3A_95 = arith.extui %lt3A_94 : i1 to i32
      %cond3A_96 = arith.constant 0 : i32
      %cond3A_97 = arith.cmpi ne, %convert_element_type3A_95, %cond3A_96 : i32
      scf.if %cond3A_97 {
        %mul3A_151 = arith.constant 80 : i32
        %mul3A_152 = arith.muli %add3A_92, %mul3A_151 : i32
        %add3A_153 = arith.addi %mul3A_2, %mul3A_152 : i32
        %dma_start3A_154 = tpu.memref_slice %arg4[%add3A_153] : memref<320000xi32, #tpu.memory_space<hbm>> -> memref<80xi32, #tpu.memory_space<hbm>>
        %dma_start3A_155 = tpu.memref_slice %arg4[%add3A_153] : memref<320000xi32, #tpu.memory_space<hbm>> -> memref<80xi32, #tpu.memory_space<hbm>>
        tpu.enqueue_dma source(%dma_start3A_155 : memref<80xi32, #tpu.memory_space<hbm>>) target(%arg9 : memref<80xi32, #tpu.memory_space<vmem>>) target_semaphore(%arg16 : memref<!tpu.dma_semaphore, #tpu.memory_space<semaphore_mem>>)
        %dma_start3A_156 = tpu.memref_slice %arg5[%add3A_153] : memref<320000xi32, #tpu.memory_space<hbm>> -> memref<80xi32, #tpu.memory_space<hbm>>
        %dma_start3A_157 = tpu.memref_slice %arg5[%add3A_153] : memref<320000xi32, #tpu.memory_space<hbm>> -> memref<80xi32, #tpu.memory_space<hbm>>
        tpu.enqueue_dma source(%dma_start3A_157 : memref<80xi32, #tpu.memory_space<hbm>>) target(%arg10 : memref<80xi32, #tpu.memory_space<vmem>>) target_semaphore(%arg16 : memref<!tpu.dma_semaphore, #tpu.memory_space<semaphore_mem>>)
      } else {
      }
      %dma_wait3A_98 = arith.constant 0 : i32
      %dma_wait3A_99 = arith.constant 0 : i32
      %dma_wait3A_100 = tpu.memref_slice %arg3[%dma_wait3A_98, %dma_wait3A_99] : memref<320000x128xf32, #tpu.memory_space<hbm>> -> memref<80x128xf32, #tpu.memory_space<hbm>>
      %dma_wait3A_101 = arith.constant 0 : i32
      %dma_wait3A_102 = arith.constant 0 : i32
      %dma_wait3A_103 = tpu.memref_slice %arg3[%dma_wait3A_101, %dma_wait3A_102] : memref<320000x128xf32, #tpu.memory_space<hbm>> -> memref<80x128xf32, #tpu.memory_space<hbm>>
      tpu.wait_dma2 semaphore(%arg17 : memref<!tpu.dma_semaphore, #tpu.memory_space<semaphore_mem>>) src(%dma_wait3A_103 : memref<80x128xf32, #tpu.memory_space<hbm>>) dst(%arg11 : memref<80x128xf32, #tpu.memory_space<vmem>>)
      %dma_wait3A_104 = arith.constant 0 : i32
      %dma_wait3A_105 = arith.constant 0 : i32
      %dma_wait3A_106 = tpu.memref_slice %arg2[%dma_wait3A_104, %dma_wait3A_105] : memref<10000x128xf32, #tpu.memory_space<hbm>> -> memref<80x128xf32, #tpu.memory_space<hbm>>
      %dma_wait3A_107 = arith.constant 0 : i32
      %dma_wait3A_108 = arith.constant 0 : i32
      %dma_wait3A_109 = tpu.memref_slice %arg2[%dma_wait3A_107, %dma_wait3A_108] : memref<10000x128xf32, #tpu.memory_space<hbm>> -> memref<80x128xf32, #tpu.memory_space<hbm>>
      tpu.wait_dma2 semaphore(%arg18 : memref<!tpu.dma_semaphore, #tpu.memory_space<semaphore_mem>>) src(%dma_wait3A_109 : memref<80x128xf32, #tpu.memory_space<hbm>>) dst(%arg12 : memref<80x128xf32, #tpu.memory_space<vmem>>)
      %parallel_loop3A_110 = arith.constant 0 : i32
      %parallel_loop3A_111 = arith.constant 80 : i32
      %parallel_loop3A_112 = arith.constant 1 : i32
      scf.for %parallel_loop3A_151 = %parallel_loop3A_110 to %parallel_loop3A_111 step %parallel_loop3A_112  : i32 {
        %parallel_loop3A_152 = arith.index_cast %parallel_loop3A_151 : i32 to index
        %parallel_loop3A_153 = arith.constant 0 : index
        %parallel_loop3A_154 = tpu.vector_load %arg12[%parallel_loop3A_152, %parallel_loop3A_153] {strides = array<i32>} : memref<80x128xf32, #tpu.memory_space<vmem>>, vector<1x16xf32>,
        %parallel_loop3A_155 = vector.shape_cast %parallel_loop3A_154 : vector<1x16xf32> to vector<16xf32>
        %parallel_loop3A_156 = arith.index_cast %parallel_loop3A_151 : i32 to index
        %parallel_loop3A_157 = arith.constant 0 : index
        %parallel_loop3A_158 = tpu.vector_load %arg11[%parallel_loop3A_156, %parallel_loop3A_157] {strides = array<i32>} : memref<80x128xf32, #tpu.memory_space<vmem>>, vector<1x16xf32>,
        %parallel_loop3A_159 = vector.shape_cast %parallel_loop3A_158 : vector<1x16xf32> to vector<16xf32>
        %parallel_loop3A_160 = arith.addf %parallel_loop3A_155, %parallel_loop3A_159 : vector<16xf32>
        %parallel_loop3A_161 = arith.constant 0.000000e+00 : f32
        %parallel_loop3A_162 = vector.broadcast %parallel_loop3A_161 : f32 to vector<16xf32>
        %parallel_loop3A_163 = arith.maximumf %parallel_loop3A_160, %parallel_loop3A_162 : vector<16xf32>
        %parallel_loop3A_164 = arith.index_cast %parallel_loop3A_151 : i32 to index
        %parallel_loop3A_165 = arith.constant 0 : index
        %parallel_loop3A_166 = tpu.vector_load %arg12[%parallel_loop3A_164, %parallel_loop3A_165] {strides = array<i32>} : memref<80x128xf32, #tpu.memory_space<vmem>>, vector<1x16xf32>,
        %parallel_loop3A_167 = vector.shape_cast %parallel_loop3A_166 : vector<1x16xf32> to vector<16xf32>
        %parallel_loop3A_168 = vector.shape_cast %parallel_loop3A_163 : vector<16xf32> to vector<1x16xf32>
        tpu.vector_store %arg12[%parallel_loop3A_164, %parallel_loop3A_165], %parallel_loop3A_168 {strides = array<i32>} : memref<80x128xf32, #tpu.memory_space<vmem>>, vector<1x16xf32>,
        %parallel_loop3A_169 = arith.index_cast %parallel_loop3A_151 : i32 to index
        %parallel_loop3A_170 = arith.constant 16 : index
        %parallel_loop3A_171 = tpu.vector_load %arg12[%parallel_loop3A_169, %parallel_loop3A_170] {strides = array<i32>} : memref<80x128xf32, #tpu.memory_space<vmem>>, vector<1x16xf32>,
        %parallel_loop3A_172 = vector.shape_cast %parallel_loop3A_171 : vector<1x16xf32> to vector<16xf32>
        %parallel_loop3A_173 = arith.index_cast %parallel_loop3A_151 : i32 to index
        %parallel_loop3A_174 = arith.constant 16 : index
        %parallel_loop3A_175 = tpu.vector_load %arg11[%parallel_loop3A_173, %parallel_loop3A_174] {strides = array<i32>} : memref<80x128xf32, #tpu.memory_space<vmem>>, vector<1x16xf32>,
        %parallel_loop3A_176 = vector.shape_cast %parallel_loop3A_175 : vector<1x16xf32> to vector<16xf32>
        %parallel_loop3A_177 = arith.addf %parallel_loop3A_172, %parallel_loop3A_176 : vector<16xf32>
        %parallel_loop3A_178 = arith.constant 0.000000e+00 : f32
        %parallel_loop3A_179 = vector.broadcast %parallel_loop3A_178 : f32 to vector<16xf32>
        %parallel_loop3A_180 = arith.maximumf %parallel_loop3A_177, %parallel_loop3A_179 : vector<16xf32>
        %parallel_loop3A_181 = arith.index_cast %parallel_loop3A_151 : i32 to index
        %parallel_loop3A_182 = arith.constant 16 : index
        %parallel_loop3A_183 = tpu.vector_load %arg12[%parallel_loop3A_181, %parallel_loop3A_182] {strides = array<i32>} : memref<80x128xf32, #tpu.memory_space<vmem>>, vector<1x16xf32>,
        %parallel_loop3A_184 = vector.shape_cast %parallel_loop3A_183 : vector<1x16xf32> to vector<16xf32>
        %parallel_loop3A_185 = vector.shape_cast %parallel_loop3A_180 : vector<16xf32> to vector<1x16xf32>
        tpu.vector_store %arg12[%parallel_loop3A_181, %parallel_loop3A_182], %parallel_loop3A_185 {strides = array<i32>} : memref<80x128xf32, #tpu.memory_space<vmem>>, vector<1x16xf32>,
        %parallel_loop3A_186 = arith.index_cast %parallel_loop3A_151 : i32 to index
        %parallel_loop3A_187 = arith.constant 32 : index
        %parallel_loop3A_188 = tpu.vector_load %arg12[%parallel_loop3A_186, %parallel_loop3A_187] {strides = array<i32>} : memref<80x128xf32, #tpu.memory_space<vmem>>, vector<1x16xf32>,
        %parallel_loop3A_189 = vector.shape_cast %parallel_loop3A_188 : vector<1x16xf32> to vector<16xf32>
        %parallel_loop3A_190 = arith.index_cast %parallel_loop3A_151 : i32 to index
        %parallel_loop3A_191 = arith.constant 32 : index
        %parallel_loop3A_192 = tpu.vector_load %arg11[%parallel_loop3A_190, %parallel_loop3A_191] {strides = array<i32>} : memref<80x128xf32, #tpu.memory_space<vmem>>, vector<1x16xf32>,
        %parallel_loop3A_193 = vector.shape_cast %parallel_loop3A_192 : vector<1x16xf32> to vector<16xf32>
        %parallel_loop3A_194 = arith.addf %parallel_loop3A_189, %parallel_loop3A_193 : vector<16xf32>
        %parallel_loop3A_195 = arith.constant 0.000000e+00 : f32
        %parallel_loop3A_196 = vector.broadcast %parallel_loop3A_195 : f32 to vector<16xf32>
        %parallel_loop3A_197 = arith.maximumf %parallel_loop3A_194, %parallel_loop3A_196 : vector<16xf32>
        %parallel_loop3A_198 = arith.index_cast %parallel_loop3A_151 : i32 to index
        %parallel_loop3A_199 = arith.constant 32 : index
        %parallel_loop3A_200 = tpu.vector_load %arg12[%parallel_loop3A_198, %parallel_loop3A_199] {strides = array<i32>} : memref<80x128xf32, #tpu.memory_space<vmem>>, vector<1x16xf32>,
        %parallel_loop3A_201 = vector.shape_cast %parallel_loop3A_200 : vector<1x16xf32> to vector<16xf32>
        %parallel_loop3A_202 = vector.shape_cast %parallel_loop3A_197 : vector<16xf32> to vector<1x16xf32>
        tpu.vector_store %arg12[%parallel_loop3A_198, %parallel_loop3A_199], %parallel_loop3A_202 {strides = array<i32>} : memref<80x128xf32, #tpu.memory_space<vmem>>, vector<1x16xf32>,
        %parallel_loop3A_203 = arith.index_cast %parallel_loop3A_151 : i32 to index
        %parallel_loop3A_204 = arith.constant 48 : index
        %parallel_loop3A_205 = tpu.vector_load %arg12[%parallel_loop3A_203, %parallel_loop3A_204] {strides = array<i32>} : memref<80x128xf32, #tpu.memory_space<vmem>>, vector<1x16xf32>,
        %parallel_loop3A_206 = vector.shape_cast %parallel_loop3A_205 : vector<1x16xf32> to vector<16xf32>
        %parallel_loop3A_207 = arith.index_cast %parallel_loop3A_151 : i32 to index
        %parallel_loop3A_208 = arith.constant 48 : index
        %parallel_loop3A_209 = tpu.vector_load %arg11[%parallel_loop3A_207, %parallel_loop3A_208] {strides = array<i32>} : memref<80x128xf32, #tpu.memory_space<vmem>>, vector<1x16xf32>,
        %parallel_loop3A_210 = vector.shape_cast %parallel_loop3A_209 : vector<1x16xf32> to vector<16xf32>
        %parallel_loop3A_211 = arith.addf %parallel_loop3A_206, %parallel_loop3A_210 : vector<16xf32>
        %parallel_loop3A_212 = arith.constant 0.000000e+00 : f32
        %parallel_loop3A_213 = vector.broadcast %parallel_loop3A_212 : f32 to vector<16xf32>
        %parallel_loop3A_214 = arith.maximumf %parallel_loop3A_211, %parallel_loop3A_213 : vector<16xf32>
        %parallel_loop3A_215 = arith.index_cast %parallel_loop3A_151 : i32 to index
        %parallel_loop3A_216 = arith.constant 48 : index
        %parallel_loop3A_217 = tpu.vector_load %arg12[%parallel_loop3A_215, %parallel_loop3A_216] {strides = array<i32>} : memref<80x128xf32, #tpu.memory_space<vmem>>, vector<1x16xf32>,
        %parallel_loop3A_218 = vector.shape_cast %parallel_loop3A_217 : vector<1x16xf32> to vector<16xf32>
        %parallel_loop3A_219 = vector.shape_cast %parallel_loop3A_214 : vector<16xf32> to vector<1x16xf32>
        tpu.vector_store %arg12[%parallel_loop3A_215, %parallel_loop3A_216], %parallel_loop3A_219 {strides = array<i32>} : memref<80x128xf32, #tpu.memory_space<vmem>>, vector<1x16xf32>,
        %parallel_loop3A_220 = arith.index_cast %parallel_loop3A_151 : i32 to index
        %parallel_loop3A_221 = arith.constant 64 : index
        %parallel_loop3A_222 = tpu.vector_load %arg12[%parallel_loop3A_220, %parallel_loop3A_221] {strides = array<i32>} : memref<80x128xf32, #tpu.memory_space<vmem>>, vector<1x16xf32>,
        %parallel_loop3A_223 = vector.shape_cast %parallel_loop3A_222 : vector<1x16xf32> to vector<16xf32>
        %parallel_loop3A_224 = arith.index_cast %parallel_loop3A_151 : i32 to index
        %parallel_loop3A_225 = arith.constant 64 : index
        %parallel_loop3A_226 = tpu.vector_load %arg11[%parallel_loop3A_224, %parallel_loop3A_225] {strides = array<i32>} : memref<80x128xf32, #tpu.memory_space<vmem>>, vector<1x16xf32>,
        %parallel_loop3A_227 = vector.shape_cast %parallel_loop3A_226 : vector<1x16xf32> to vector<16xf32>
        %parallel_loop3A_228 = arith.addf %parallel_loop3A_223, %parallel_loop3A_227 : vector<16xf32>
        %parallel_loop3A_229 = arith.constant 0.000000e+00 : f32
        %parallel_loop3A_230 = vector.broadcast %parallel_loop3A_229 : f32 to vector<16xf32>
        %parallel_loop3A_231 = arith.maximumf %parallel_loop3A_228, %parallel_loop3A_230 : vector<16xf32>
        %parallel_loop3A_232 = arith.index_cast %parallel_loop3A_151 : i32 to index
        %parallel_loop3A_233 = arith.constant 64 : index
        %parallel_loop3A_234 = tpu.vector_load %arg12[%parallel_loop3A_232, %parallel_loop3A_233] {strides = array<i32>} : memref<80x128xf32, #tpu.memory_space<vmem>>, vector<1x16xf32>,
        %parallel_loop3A_235 = vector.shape_cast %parallel_loop3A_234 : vector<1x16xf32> to vector<16xf32>
        %parallel_loop3A_236 = vector.shape_cast %parallel_loop3A_231 : vector<16xf32> to vector<1x16xf32>
        tpu.vector_store %arg12[%parallel_loop3A_232, %parallel_loop3A_233], %parallel_loop3A_236 {strides = array<i32>} : memref<80x128xf32, #tpu.memory_space<vmem>>, vector<1x16xf32>,
        %parallel_loop3A_237 = arith.index_cast %parallel_loop3A_151 : i32 to index
        %parallel_loop3A_238 = arith.constant 80 : index
        %parallel_loop3A_239 = tpu.vector_load %arg12[%parallel_loop3A_237, %parallel_loop3A_238] {strides = array<i32>} : memref<80x128xf32, #tpu.memory_space<vmem>>, vector<1x16xf32>,
        %parallel_loop3A_240 = vector.shape_cast %parallel_loop3A_239 : vector<1x16xf32> to vector<16xf32>
        %parallel_loop3A_241 = arith.index_cast %parallel_loop3A_151 : i32 to index
        %parallel_loop3A_242 = arith.constant 80 : index
        %parallel_loop3A_243 = tpu.vector_load %arg11[%parallel_loop3A_241, %parallel_loop3A_242] {strides = array<i32>} : memref<80x128xf32, #tpu.memory_space<vmem>>, vector<1x16xf32>,
        %parallel_loop3A_244 = vector.shape_cast %parallel_loop3A_243 : vector<1x16xf32> to vector<16xf32>
        %parallel_loop3A_245 = arith.addf %parallel_loop3A_240, %parallel_loop3A_244 : vector<16xf32>
        %parallel_loop3A_246 = arith.constant 0.000000e+00 : f32
        %parallel_loop3A_247 = vector.broadcast %parallel_loop3A_246 : f32 to vector<16xf32>
        %parallel_loop3A_248 = arith.maximumf %parallel_loop3A_245, %parallel_loop3A_247 : vector<16xf32>
        %parallel_loop3A_249 = arith.index_cast %parallel_loop3A_151 : i32 to index
        %parallel_loop3A_250 = arith.constant 80 : index
        %parallel_loop3A_251 = tpu.vector_load %arg12[%parallel_loop3A_249, %parallel_loop3A_250] {strides = array<i32>} : memref<80x128xf32, #tpu.memory_space<vmem>>, vector<1x16xf32>,
        %parallel_loop3A_252 = vector.shape_cast %parallel_loop3A_251 : vector<1x16xf32> to vector<16xf32>
        %parallel_loop3A_253 = vector.shape_cast %parallel_loop3A_248 : vector<16xf32> to vector<1x16xf32>
        tpu.vector_store %arg12[%parallel_loop3A_249, %parallel_loop3A_250], %parallel_loop3A_253 {strides = array<i32>} : memref<80x128xf32, #tpu.memory_space<vmem>>, vector<1x16xf32>,
        %parallel_loop3A_254 = arith.index_cast %parallel_loop3A_151 : i32 to index
        %parallel_loop3A_255 = arith.constant 96 : index
        %parallel_loop3A_256 = tpu.vector_load %arg12[%parallel_loop3A_254, %parallel_loop3A_255] {strides = array<i32>} : memref<80x128xf32, #tpu.memory_space<vmem>>, vector<1x16xf32>,
        %parallel_loop3A_257 = vector.shape_cast %parallel_loop3A_256 : vector<1x16xf32> to vector<16xf32>
        %parallel_loop3A_258 = arith.index_cast %parallel_loop3A_151 : i32 to index
        %parallel_loop3A_259 = arith.constant 96 : index
        %parallel_loop3A_260 = tpu.vector_load %arg11[%parallel_loop3A_258, %parallel_loop3A_259] {strides = array<i32>} : memref<80x128xf32, #tpu.memory_space<vmem>>, vector<1x16xf32>,
        %parallel_loop3A_261 = vector.shape_cast %parallel_loop3A_260 : vector<1x16xf32> to vector<16xf32>
        %parallel_loop3A_262 = arith.addf %parallel_loop3A_257, %parallel_loop3A_261 : vector<16xf32>
        %parallel_loop3A_263 = arith.constant 0.000000e+00 : f32
        %parallel_loop3A_264 = vector.broadcast %parallel_loop3A_263 : f32 to vector<16xf32>
        %parallel_loop3A_265 = arith.maximumf %parallel_loop3A_262, %parallel_loop3A_264 : vector<16xf32>
        %parallel_loop3A_266 = arith.index_cast %parallel_loop3A_151 : i32 to index
        %parallel_loop3A_267 = arith.constant 96 : index
        %parallel_loop3A_268 = tpu.vector_load %arg12[%parallel_loop3A_266, %parallel_loop3A_267] {strides = array<i32>} : memref<80x128xf32, #tpu.memory_space<vmem>>, vector<1x16xf32>,
        %parallel_loop3A_269 = vector.shape_cast %parallel_loop3A_268 : vector<1x16xf32> to vector<16xf32>
        %parallel_loop3A_270 = vector.shape_cast %parallel_loop3A_265 : vector<16xf32> to vector<1x16xf32>
        tpu.vector_store %arg12[%parallel_loop3A_266, %parallel_loop3A_267], %parallel_loop3A_270 {strides = array<i32>} : memref<80x128xf32, #tpu.memory_space<vmem>>, vector<1x16xf32>,
        %parallel_loop3A_271 = arith.index_cast %parallel_loop3A_151 : i32 to index
        %parallel_loop3A_272 = arith.constant 112 : index
        %parallel_loop3A_273 = tpu.vector_load %arg12[%parallel_loop3A_271, %parallel_loop3A_272] {strides = array<i32>} : memref<80x128xf32, #tpu.memory_space<vmem>>, vector<1x16xf32>,
        %parallel_loop3A_274 = vector.shape_cast %parallel_loop3A_273 : vector<1x16xf32> to vector<16xf32>
        %parallel_loop3A_275 = arith.index_cast %parallel_loop3A_151 : i32 to index
        %parallel_loop3A_276 = arith.constant 112 : index
        %parallel_loop3A_277 = tpu.vector_load %arg11[%parallel_loop3A_275, %parallel_loop3A_276] {strides = array<i32>} : memref<80x128xf32, #tpu.memory_space<vmem>>, vector<1x16xf32>,
        %parallel_loop3A_278 = vector.shape_cast %parallel_loop3A_277 : vector<1x16xf32> to vector<16xf32>
        %parallel_loop3A_279 = arith.addf %parallel_loop3A_274, %parallel_loop3A_278 : vector<16xf32>
        %parallel_loop3A_280 = arith.constant 0.000000e+00 : f32
        %parallel_loop3A_281 = vector.broadcast %parallel_loop3A_280 : f32 to vector<16xf32>
        %parallel_loop3A_282 = arith.maximumf %parallel_loop3A_279, %parallel_loop3A_281 : vector<16xf32>
        %parallel_loop3A_283 = arith.index_cast %parallel_loop3A_151 : i32 to index
        %parallel_loop3A_284 = arith.constant 112 : index
        %parallel_loop3A_285 = tpu.vector_load %arg12[%parallel_loop3A_283, %parallel_loop3A_284] {strides = array<i32>} : memref<80x128xf32, #tpu.memory_space<vmem>>, vector<1x16xf32>,
        %parallel_loop3A_286 = vector.shape_cast %parallel_loop3A_285 : vector<1x16xf32> to vector<16xf32>
        %parallel_loop3A_287 = vector.shape_cast %parallel_loop3A_282 : vector<16xf32> to vector<1x16xf32>
        tpu.vector_store %arg12[%parallel_loop3A_283, %parallel_loop3A_284], %parallel_loop3A_287 {strides = array<i32>} : memref<80x128xf32, #tpu.memory_space<vmem>>, vector<1x16xf32>,
      } {sc.loop_unroll_factor = 8 : i64, sc.parallel_access}
      %add3A_113 = arith.constant 1 : i32
      %add3A_114 = arith.addi %mul3A_90, %add3A_113 : i32
      %lt3A_115 = arith.constant 125 : i32
      %lt3A_116 = arith.cmpi slt, %add3A_114, %lt3A_115 : i32
      %convert_element_type3A_117 = arith.extui %lt3A_116 : i1 to i32
      %cond3A_118 = arith.constant 0 : i32
      %cond3A_119 = arith.cmpi ne, %convert_element_type3A_117, %cond3A_118 : i32
      scf.if %cond3A_119 {
        %dma_wait3A_151 = arith.constant 0 : i32
        %dma_wait3A_152 = tpu.memref_slice %arg4[%dma_wait3A_151] : memref<320000xi32, #tpu.memory_space<hbm>> -> memref<80xi32, #tpu.memory_space<hbm>>
        %dma_wait3A_153 = arith.constant 0 : i32
        %dma_wait3A_154 = tpu.memref_slice %arg4[%dma_wait3A_153] : memref<320000xi32, #tpu.memory_space<hbm>> -> memref<80xi32, #tpu.memory_space<hbm>>
        tpu.wait_dma2 semaphore(%arg16 : memref<!tpu.dma_semaphore, #tpu.memory_space<semaphore_mem>>) src(%dma_wait3A_154 : memref<80xi32, #tpu.memory_space<hbm>>) dst(%arg9 : memref<80xi32, #tpu.memory_space<vmem>>)
        %dma_wait3A_155 = arith.constant 0 : i32
        %dma_wait3A_156 = tpu.memref_slice %arg5[%dma_wait3A_155] : memref<320000xi32, #tpu.memory_space<hbm>> -> memref<80xi32, #tpu.memory_space<hbm>>
        %dma_wait3A_157 = arith.constant 0 : i32
        %dma_wait3A_158 = tpu.memref_slice %arg5[%dma_wait3A_157] : memref<320000xi32, #tpu.memory_space<hbm>> -> memref<80xi32, #tpu.memory_space<hbm>>
        tpu.wait_dma2 semaphore(%arg16 : memref<!tpu.dma_semaphore, #tpu.memory_space<semaphore_mem>>) src(%dma_wait3A_158 : memref<80xi32, #tpu.memory_space<hbm>>) dst(%arg10 : memref<80xi32, #tpu.memory_space<vmem>>)
        %mul3A_159 = arith.constant 80 : i32
        %mul3A_160 = arith.muli %add3A_114, %mul3A_159 : i32
        %add3A_161 = arith.addi %mul3A_2, %mul3A_160 : i32
        %dma_start3A_162 = arith.constant 0 : i32
        %dma_start3A_163 = tpu.memref_slice %arg3[%add3A_161, %dma_start3A_162] : memref<320000x128xf32, #tpu.memory_space<hbm>> -> memref<80x128xf32, #tpu.memory_space<hbm>>
        %dma_start3A_164 = arith.constant 0 : i32
        %dma_start3A_165 = tpu.memref_slice %arg3[%add3A_161, %dma_start3A_164] : memref<320000x128xf32, #tpu.memory_space<hbm>> -> memref<80x128xf32, #tpu.memory_space<hbm>>
        tpu.enqueue_dma source(%dma_start3A_165 : memref<80x128xf32, #tpu.memory_space<hbm>>) target(%arg11 : memref<80x128xf32, #tpu.memory_space<vmem>>) target_semaphore(%arg17 : memref<!tpu.dma_semaphore, #tpu.memory_space<semaphore_mem>>)
        %dma_start3A_166 = arith.constant 0 : i32
        %dma_start3A_167 = arith.constant 0 : i32
        %dma_start3A_168 = tpu.memref_slice %arg2[%dma_start3A_166, %dma_start3A_167] : memref<10000x128xf32, #tpu.memory_space<hbm>> -> memref<10000x128xf32, #tpu.memory_space<hbm>>
        tpu.enqueue_indirect_dma source(%dma_start3A_168 : memref<10000x128xf32, #tpu.memory_space<hbm>>) target(%arg13 : memref<80x128xf32, #tpu.memory_space<vmem>>) offsets(%arg9 : memref<80xi32, #tpu.memory_space<vmem>>) semaphore(%arg19 : memref<!tpu.dma_semaphore, #tpu.memory_space<semaphore_mem>>)
      } else {
      }
      "tpu.region"() ({
        %run_scoped3A = tpu.sem_alloc : memref<!tpu.dma_semaphore, #tpu.memory_space<semaphore_mem>>
        %dma_start3A_151 = arith.constant 0 : i32
        %dma_start3A_152 = arith.constant 0 : i32
        %dma_start3A_153 = tpu.memref_slice %arg14[%dma_start3A_151, %dma_start3A_152] : memref<10000x128xf32, #tpu.memory_space<vmem_shared>> -> memref<10000x128xf32, #tpu.memory_space<vmem_shared>>
        tpu.enqueue_indirect_dma source(%arg12 : memref<80x128xf32, #tpu.memory_space<vmem>>) target(%dma_start3A_153 : memref<10000x128xf32, #tpu.memory_space<vmem_shared>>) offsets(%arg8 : memref<80xi32, #tpu.memory_space<vmem>>) semaphore(%run_scoped3A : memref<!tpu.dma_semaphore, #tpu.memory_space<semaphore_mem>>) {add = true}
        %dma_wait3A_154 = arith.constant 0 : i32
        %dma_wait3A_155 = arith.constant 0 : i32
        %dma_wait3A_156 = tpu.memref_slice %arg14[%dma_wait3A_154, %dma_wait3A_155] : memref<10000x128xf32, #tpu.memory_space<vmem_shared>> -> memref<10000x128xf32, #tpu.memory_space<vmem_shared>>
        tpu.wait_indirect_dma semaphore(%run_scoped3A : memref<!tpu.dma_semaphore, #tpu.memory_space<semaphore_mem>>) src(%arg12 : memref<80x128xf32, #tpu.memory_space<vmem>>) dst(%dma_wait3A_156 : memref<10000x128xf32, #tpu.memory_space<vmem_shared>>)
        tpu.yield
      }) : () -> ()
      %add3A_120 = arith.constant 1 : i32
      %add3A_121 = arith.addi %mul3A_90, %add3A_120 : i32
      %add3A_122 = arith.constant 1 : i32
      %add3A_123 = arith.addi %add3A_121, %add3A_122 : i32
      %lt3A_124 = arith.constant 125 : i32
      %lt3A_125 = arith.cmpi slt, %add3A_123, %lt3A_124 : i32
      %convert_element_type3A_126 = arith.extui %lt3A_125 : i1 to i32
      %cond3A_127 = arith.constant 0 : i32
      %cond3A_128 = arith.cmpi ne, %convert_element_type3A_126, %cond3A_127 : i32
      scf.if %cond3A_128 {
        %mul3A_151 = arith.constant 80 : i32
        %mul3A_152 = arith.muli %add3A_123, %mul3A_151 : i32
        %add3A_153 = arith.addi %mul3A_2, %mul3A_152 : i32
        %dma_start3A_154 = tpu.memref_slice %arg4[%add3A_153] : memref<320000xi32, #tpu.memory_space<hbm>> -> memref<80xi32, #tpu.memory_space<hbm>>
        %dma_start3A_155 = tpu.memref_slice %arg4[%add3A_153] : memref<320000xi32, #tpu.memory_space<hbm>> -> memref<80xi32, #tpu.memory_space<hbm>>
        tpu.enqueue_dma source(%dma_start3A_155 : memref<80xi32, #tpu.memory_space<hbm>>) target(%arg7 : memref<80xi32, #tpu.memory_space<vmem>>) target_semaphore(%arg15 : memref<!tpu.dma_semaphore, #tpu.memory_space<semaphore_mem>>)
        %dma_start3A_156 = tpu.memref_slice %arg5[%add3A_153] : memref<320000xi32, #tpu.memory_space<hbm>> -> memref<80xi32, #tpu.memory_space<hbm>>
        %dma_start3A_157 = tpu.memref_slice %arg5[%add3A_153] : memref<320000xi32, #tpu.memory_space<hbm>> -> memref<80xi32, #tpu.memory_space<hbm>>
        tpu.enqueue_dma source(%dma_start3A_157 : memref<80xi32, #tpu.memory_space<hbm>>) target(%arg8 : memref<80xi32, #tpu.memory_space<vmem>>) target_semaphore(%arg15 : memref<!tpu.dma_semaphore, #tpu.memory_space<semaphore_mem>>)
      } else {
      }
      %dma_wait3A_129 = arith.constant 0 : i32
      %dma_wait3A_130 = arith.constant 0 : i32
      %dma_wait3A_131 = tpu.memref_slice %arg3[%dma_wait3A_129, %dma_wait3A_130] : memref<320000x128xf32, #tpu.memory_space<hbm>> -> memref<80x128xf32, #tpu.memory_space<hbm>>
      %dma_wait3A_132 = arith.constant 0 : i32
      %dma_wait3A_133 = arith.constant 0 : i32
      %dma_wait3A_134 = tpu.memref_slice %arg3[%dma_wait3A_132, %dma_wait3A_133] : memref<320000x128xf32, #tpu.memory_space<hbm>> -> memref<80x128xf32, #tpu.memory_space<hbm>>
      tpu.wait_dma2 semaphore(%arg17 : memref<!tpu.dma_semaphore, #tpu.memory_space<semaphore_mem>>) src(%dma_wait3A_134 : memref<80x128xf32, #tpu.memory_space<hbm>>) dst(%arg11 : memref<80x128xf32, #tpu.memory_space<vmem>>)
      %dma_wait3A_135 = arith.constant 0 : i32
      %dma_wait3A_136 = arith.constant 0 : i32
      %dma_wait3A_137 = tpu.memref_slice %arg2[%dma_wait3A_135, %dma_wait3A_136] : memref<10000x128xf32, #tpu.memory_space<hbm>> -> memref<80x128xf32, #tpu.memory_space<hbm>>
      %dma_wait3A_138 = arith.constant 0 : i32
      %dma_wait3A_139 = arith.constant 0 : i32
      %dma_wait3A_140 = tpu.memref_slice %arg2[%dma_wait3A_138, %dma_wait3A_139] : memref<10000x128xf32, #tpu.memory_space<hbm>> -> memref<80x128xf32, #tpu.memory_space<hbm>>
      tpu.wait_dma2 semaphore(%arg19 : memref<!tpu.dma_semaphore, #tpu.memory_space<semaphore_mem>>) src(%dma_wait3A_140 : memref<80x128xf32, #tpu.memory_space<hbm>>) dst(%arg13 : memref<80x128xf32, #tpu.memory_space<vmem>>)
      %parallel_loop3A_141 = arith.constant 0 : i32
      %parallel_loop3A_142 = arith.constant 80 : i32
      %parallel_loop3A_143 = arith.constant 1 : i32
      scf.for %parallel_loop3A_151 = %parallel_loop3A_141 to %parallel_loop3A_142 step %parallel_loop3A_143  : i32 {
        %parallel_loop3A_152 = arith.index_cast %parallel_loop3A_151 : i32 to index
        %parallel_loop3A_153 = arith.constant 0 : index
        %parallel_loop3A_154 = tpu.vector_load %arg13[%parallel_loop3A_152, %parallel_loop3A_153] {strides = array<i32>} : memref<80x128xf32, #tpu.memory_space<vmem>>, vector<1x16xf32>,
        %parallel_loop3A_155 = vector.shape_cast %parallel_loop3A_154 : vector<1x16xf32> to vector<16xf32>
        %parallel_loop3A_156 = arith.index_cast %parallel_loop3A_151 : i32 to index
        %parallel_loop3A_157 = arith.constant 0 : index
        %parallel_loop3A_158 = tpu.vector_load %arg11[%parallel_loop3A_156, %parallel_loop3A_157] {strides = array<i32>} : memref<80x128xf32, #tpu.memory_space<vmem>>, vector<1x16xf32>,
        %parallel_loop3A_159 = vector.shape_cast %parallel_loop3A_158 : vector<1x16xf32> to vector<16xf32>
        %parallel_loop3A_160 = arith.addf %parallel_loop3A_155, %parallel_loop3A_159 : vector<16xf32>
        %parallel_loop3A_161 = arith.constant 0.000000e+00 : f32
        %parallel_loop3A_162 = vector.broadcast %parallel_loop3A_161 : f32 to vector<16xf32>
        %parallel_loop3A_163 = arith.maximumf %parallel_loop3A_160, %parallel_loop3A_162 : vector<16xf32>
        %parallel_loop3A_164 = arith.index_cast %parallel_loop3A_151 : i32 to index
        %parallel_loop3A_165 = arith.constant 0 : index
        %parallel_loop3A_166 = tpu.vector_load %arg13[%parallel_loop3A_164, %parallel_loop3A_165] {strides = array<i32>} : memref<80x128xf32, #tpu.memory_space<vmem>>, vector<1x16xf32>,
        %parallel_loop3A_167 = vector.shape_cast %parallel_loop3A_166 : vector<1x16xf32> to vector<16xf32>
        %parallel_loop3A_168 = vector.shape_cast %parallel_loop3A_163 : vector<16xf32> to vector<1x16xf32>
        tpu.vector_store %arg13[%parallel_loop3A_164, %parallel_loop3A_165], %parallel_loop3A_168 {strides = array<i32>} : memref<80x128xf32, #tpu.memory_space<vmem>>, vector<1x16xf32>,
        %parallel_loop3A_169 = arith.index_cast %parallel_loop3A_151 : i32 to index
        %parallel_loop3A_170 = arith.constant 16 : index
        %parallel_loop3A_171 = tpu.vector_load %arg13[%parallel_loop3A_169, %parallel_loop3A_170] {strides = array<i32>} : memref<80x128xf32, #tpu.memory_space<vmem>>, vector<1x16xf32>,
        %parallel_loop3A_172 = vector.shape_cast %parallel_loop3A_171 : vector<1x16xf32> to vector<16xf32>
        %parallel_loop3A_173 = arith.index_cast %parallel_loop3A_151 : i32 to index
        %parallel_loop3A_174 = arith.constant 16 : index
        %parallel_loop3A_175 = tpu.vector_load %arg11[%parallel_loop3A_173, %parallel_loop3A_174] {strides = array<i32>} : memref<80x128xf32, #tpu.memory_space<vmem>>, vector<1x16xf32>,
        %parallel_loop3A_176 = vector.shape_cast %parallel_loop3A_175 : vector<1x16xf32> to vector<16xf32>
        %parallel_loop3A_177 = arith.addf %parallel_loop3A_172, %parallel_loop3A_176 : vector<16xf32>
        %parallel_loop3A_178 = arith.constant 0.000000e+00 : f32
        %parallel_loop3A_179 = vector.broadcast %parallel_loop3A_178 : f32 to vector<16xf32>
        %parallel_loop3A_180 = arith.maximumf %parallel_loop3A_177, %parallel_loop3A_179 : vector<16xf32>
        %parallel_loop3A_181 = arith.index_cast %parallel_loop3A_151 : i32 to index
        %parallel_loop3A_182 = arith.constant 16 : index
        %parallel_loop3A_183 = tpu.vector_load %arg13[%parallel_loop3A_181, %parallel_loop3A_182] {strides = array<i32>} : memref<80x128xf32, #tpu.memory_space<vmem>>, vector<1x16xf32>,
        %parallel_loop3A_184 = vector.shape_cast %parallel_loop3A_183 : vector<1x16xf32> to vector<16xf32>
        %parallel_loop3A_185 = vector.shape_cast %parallel_loop3A_180 : vector<16xf32> to vector<1x16xf32>
        tpu.vector_store %arg13[%parallel_loop3A_181, %parallel_loop3A_182], %parallel_loop3A_185 {strides = array<i32>} : memref<80x128xf32, #tpu.memory_space<vmem>>, vector<1x16xf32>,
        %parallel_loop3A_186 = arith.index_cast %parallel_loop3A_151 : i32 to index
        %parallel_loop3A_187 = arith.constant 32 : index
        %parallel_loop3A_188 = tpu.vector_load %arg13[%parallel_loop3A_186, %parallel_loop3A_187] {strides = array<i32>} : memref<80x128xf32, #tpu.memory_space<vmem>>, vector<1x16xf32>,
        %parallel_loop3A_189 = vector.shape_cast %parallel_loop3A_188 : vector<1x16xf32> to vector<16xf32>
        %parallel_loop3A_190 = arith.index_cast %parallel_loop3A_151 : i32 to index
        %parallel_loop3A_191 = arith.constant 32 : index
        %parallel_loop3A_192 = tpu.vector_load %arg11[%parallel_loop3A_190, %parallel_loop3A_191] {strides = array<i32>} : memref<80x128xf32, #tpu.memory_space<vmem>>, vector<1x16xf32>,
        %parallel_loop3A_193 = vector.shape_cast %parallel_loop3A_192 : vector<1x16xf32> to vector<16xf32>
        %parallel_loop3A_194 = arith.addf %parallel_loop3A_189, %parallel_loop3A_193 : vector<16xf32>
        %parallel_loop3A_195 = arith.constant 0.000000e+00 : f32
        %parallel_loop3A_196 = vector.broadcast %parallel_loop3A_195 : f32 to vector<16xf32>
        %parallel_loop3A_197 = arith.maximumf %parallel_loop3A_194, %parallel_loop3A_196 : vector<16xf32>
        %parallel_loop3A_198 = arith.index_cast %parallel_loop3A_151 : i32 to index
        %parallel_loop3A_199 = arith.constant 32 : index
        %parallel_loop3A_200 = tpu.vector_load %arg13[%parallel_loop3A_198, %parallel_loop3A_199] {strides = array<i32>} : memref<80x128xf32, #tpu.memory_space<vmem>>, vector<1x16xf32>,
        %parallel_loop3A_201 = vector.shape_cast %parallel_loop3A_200 : vector<1x16xf32> to vector<16xf32>
        %parallel_loop3A_202 = vector.shape_cast %parallel_loop3A_197 : vector<16xf32> to vector<1x16xf32>
        tpu.vector_store %arg13[%parallel_loop3A_198, %parallel_loop3A_199], %parallel_loop3A_202 {strides = array<i32>} : memref<80x128xf32, #tpu.memory_space<vmem>>, vector<1x16xf32>,
        %parallel_loop3A_203 = arith.index_cast %parallel_loop3A_151 : i32 to index
        %parallel_loop3A_204 = arith.constant 48 : index
        %parallel_loop3A_205 = tpu.vector_load %arg13[%parallel_loop3A_203, %parallel_loop3A_204] {strides = array<i32>} : memref<80x128xf32, #tpu.memory_space<vmem>>, vector<1x16xf32>,
        %parallel_loop3A_206 = vector.shape_cast %parallel_loop3A_205 : vector<1x16xf32> to vector<16xf32>
        %parallel_loop3A_207 = arith.index_cast %parallel_loop3A_151 : i32 to index
        %parallel_loop3A_208 = arith.constant 48 : index
        %parallel_loop3A_209 = tpu.vector_load %arg11[%parallel_loop3A_207, %parallel_loop3A_208] {strides = array<i32>} : memref<80x128xf32, #tpu.memory_space<vmem>>, vector<1x16xf32>,
        %parallel_loop3A_210 = vector.shape_cast %parallel_loop3A_209 : vector<1x16xf32> to vector<16xf32>
        %parallel_loop3A_211 = arith.addf %parallel_loop3A_206, %parallel_loop3A_210 : vector<16xf32>
        %parallel_loop3A_212 = arith.constant 0.000000e+00 : f32
        %parallel_loop3A_213 = vector.broadcast %parallel_loop3A_212 : f32 to vector<16xf32>
        %parallel_loop3A_214 = arith.maximumf %parallel_loop3A_211, %parallel_loop3A_213 : vector<16xf32>
        %parallel_loop3A_215 = arith.index_cast %parallel_loop3A_151 : i32 to index
        %parallel_loop3A_216 = arith.constant 48 : index
        %parallel_loop3A_217 = tpu.vector_load %arg13[%parallel_loop3A_215, %parallel_loop3A_216] {strides = array<i32>} : memref<80x128xf32, #tpu.memory_space<vmem>>, vector<1x16xf32>,
        %parallel_loop3A_218 = vector.shape_cast %parallel_loop3A_217 : vector<1x16xf32> to vector<16xf32>
        %parallel_loop3A_219 = vector.shape_cast %parallel_loop3A_214 : vector<16xf32> to vector<1x16xf32>
        tpu.vector_store %arg13[%parallel_loop3A_215, %parallel_loop3A_216], %parallel_loop3A_219 {strides = array<i32>} : memref<80x128xf32, #tpu.memory_space<vmem>>, vector<1x16xf32>,
        %parallel_loop3A_220 = arith.index_cast %parallel_loop3A_151 : i32 to index
        %parallel_loop3A_221 = arith.constant 64 : index
        %parallel_loop3A_222 = tpu.vector_load %arg13[%parallel_loop3A_220, %parallel_loop3A_221] {strides = array<i32>} : memref<80x128xf32, #tpu.memory_space<vmem>>, vector<1x16xf32>,
        %parallel_loop3A_223 = vector.shape_cast %parallel_loop3A_222 : vector<1x16xf32> to vector<16xf32>
        %parallel_loop3A_224 = arith.index_cast %parallel_loop3A_151 : i32 to index
        %parallel_loop3A_225 = arith.constant 64 : index
        %parallel_loop3A_226 = tpu.vector_load %arg11[%parallel_loop3A_224, %parallel_loop3A_225] {strides = array<i32>} : memref<80x128xf32, #tpu.memory_space<vmem>>, vector<1x16xf32>,
        %parallel_loop3A_227 = vector.shape_cast %parallel_loop3A_226 : vector<1x16xf32> to vector<16xf32>
        %parallel_loop3A_228 = arith.addf %parallel_loop3A_223, %parallel_loop3A_227 : vector<16xf32>
        %parallel_loop3A_229 = arith.constant 0.000000e+00 : f32
        %parallel_loop3A_230 = vector.broadcast %parallel_loop3A_229 : f32 to vector<16xf32>
        %parallel_loop3A_231 = arith.maximumf %parallel_loop3A_228, %parallel_loop3A_230 : vector<16xf32>
        %parallel_loop3A_232 = arith.index_cast %parallel_loop3A_151 : i32 to index
        %parallel_loop3A_233 = arith.constant 64 : index
        %parallel_loop3A_234 = tpu.vector_load %arg13[%parallel_loop3A_232, %parallel_loop3A_233] {strides = array<i32>} : memref<80x128xf32, #tpu.memory_space<vmem>>, vector<1x16xf32>,
        %parallel_loop3A_235 = vector.shape_cast %parallel_loop3A_234 : vector<1x16xf32> to vector<16xf32>
        %parallel_loop3A_236 = vector.shape_cast %parallel_loop3A_231 : vector<16xf32> to vector<1x16xf32>
        tpu.vector_store %arg13[%parallel_loop3A_232, %parallel_loop3A_233], %parallel_loop3A_236 {strides = array<i32>} : memref<80x128xf32, #tpu.memory_space<vmem>>, vector<1x16xf32>,
        %parallel_loop3A_237 = arith.index_cast %parallel_loop3A_151 : i32 to index
        %parallel_loop3A_238 = arith.constant 80 : index
        %parallel_loop3A_239 = tpu.vector_load %arg13[%parallel_loop3A_237, %parallel_loop3A_238] {strides = array<i32>} : memref<80x128xf32, #tpu.memory_space<vmem>>, vector<1x16xf32>,
        %parallel_loop3A_240 = vector.shape_cast %parallel_loop3A_239 : vector<1x16xf32> to vector<16xf32>
        %parallel_loop3A_241 = arith.index_cast %parallel_loop3A_151 : i32 to index
        %parallel_loop3A_242 = arith.constant 80 : index
        %parallel_loop3A_243 = tpu.vector_load %arg11[%parallel_loop3A_241, %parallel_loop3A_242] {strides = array<i32>} : memref<80x128xf32, #tpu.memory_space<vmem>>, vector<1x16xf32>,
        %parallel_loop3A_244 = vector.shape_cast %parallel_loop3A_243 : vector<1x16xf32> to vector<16xf32>
        %parallel_loop3A_245 = arith.addf %parallel_loop3A_240, %parallel_loop3A_244 : vector<16xf32>
        %parallel_loop3A_246 = arith.constant 0.000000e+00 : f32
        %parallel_loop3A_247 = vector.broadcast %parallel_loop3A_246 : f32 to vector<16xf32>
        %parallel_loop3A_248 = arith.maximumf %parallel_loop3A_245, %parallel_loop3A_247 : vector<16xf32>
        %parallel_loop3A_249 = arith.index_cast %parallel_loop3A_151 : i32 to index
        %parallel_loop3A_250 = arith.constant 80 : index
        %parallel_loop3A_251 = tpu.vector_load %arg13[%parallel_loop3A_249, %parallel_loop3A_250] {strides = array<i32>} : memref<80x128xf32, #tpu.memory_space<vmem>>, vector<1x16xf32>,
        %parallel_loop3A_252 = vector.shape_cast %parallel_loop3A_251 : vector<1x16xf32> to vector<16xf32>
        %parallel_loop3A_253 = vector.shape_cast %parallel_loop3A_248 : vector<16xf32> to vector<1x16xf32>
        tpu.vector_store %arg13[%parallel_loop3A_249, %parallel_loop3A_250], %parallel_loop3A_253 {strides = array<i32>} : memref<80x128xf32, #tpu.memory_space<vmem>>, vector<1x16xf32>,
        %parallel_loop3A_254 = arith.index_cast %parallel_loop3A_151 : i32 to index
        %parallel_loop3A_255 = arith.constant 96 : index
        %parallel_loop3A_256 = tpu.vector_load %arg13[%parallel_loop3A_254, %parallel_loop3A_255] {strides = array<i32>} : memref<80x128xf32, #tpu.memory_space<vmem>>, vector<1x16xf32>,
        %parallel_loop3A_257 = vector.shape_cast %parallel_loop3A_256 : vector<1x16xf32> to vector<16xf32>
        %parallel_loop3A_258 = arith.index_cast %parallel_loop3A_151 : i32 to index
        %parallel_loop3A_259 = arith.constant 96 : index
        %parallel_loop3A_260 = tpu.vector_load %arg11[%parallel_loop3A_258, %parallel_loop3A_259] {strides = array<i32>} : memref<80x128xf32, #tpu.memory_space<vmem>>, vector<1x16xf32>,
        %parallel_loop3A_261 = vector.shape_cast %parallel_loop3A_260 : vector<1x16xf32> to vector<16xf32>
        %parallel_loop3A_262 = arith.addf %parallel_loop3A_257, %parallel_loop3A_261 : vector<16xf32>
        %parallel_loop3A_263 = arith.constant 0.000000e+00 : f32
        %parallel_loop3A_264 = vector.broadcast %parallel_loop3A_263 : f32 to vector<16xf32>
        %parallel_loop3A_265 = arith.maximumf %parallel_loop3A_262, %parallel_loop3A_264 : vector<16xf32>
        %parallel_loop3A_266 = arith.index_cast %parallel_loop3A_151 : i32 to index
        %parallel_loop3A_267 = arith.constant 96 : index
        %parallel_loop3A_268 = tpu.vector_load %arg13[%parallel_loop3A_266, %parallel_loop3A_267] {strides = array<i32>} : memref<80x128xf32, #tpu.memory_space<vmem>>, vector<1x16xf32>,
        %parallel_loop3A_269 = vector.shape_cast %parallel_loop3A_268 : vector<1x16xf32> to vector<16xf32>
        %parallel_loop3A_270 = vector.shape_cast %parallel_loop3A_265 : vector<16xf32> to vector<1x16xf32>
        tpu.vector_store %arg13[%parallel_loop3A_266, %parallel_loop3A_267], %parallel_loop3A_270 {strides = array<i32>} : memref<80x128xf32, #tpu.memory_space<vmem>>, vector<1x16xf32>,
        %parallel_loop3A_271 = arith.index_cast %parallel_loop3A_151 : i32 to index
        %parallel_loop3A_272 = arith.constant 112 : index
        %parallel_loop3A_273 = tpu.vector_load %arg13[%parallel_loop3A_271, %parallel_loop3A_272] {strides = array<i32>} : memref<80x128xf32, #tpu.memory_space<vmem>>, vector<1x16xf32>,
        %parallel_loop3A_274 = vector.shape_cast %parallel_loop3A_273 : vector<1x16xf32> to vector<16xf32>
        %parallel_loop3A_275 = arith.index_cast %parallel_loop3A_151 : i32 to index
        %parallel_loop3A_276 = arith.constant 112 : index
        %parallel_loop3A_277 = tpu.vector_load %arg11[%parallel_loop3A_275, %parallel_loop3A_276] {strides = array<i32>} : memref<80x128xf32, #tpu.memory_space<vmem>>, vector<1x16xf32>,
        %parallel_loop3A_278 = vector.shape_cast %parallel_loop3A_277 : vector<1x16xf32> to vector<16xf32>
        %parallel_loop3A_279 = arith.addf %parallel_loop3A_274, %parallel_loop3A_278 : vector<16xf32>
        %parallel_loop3A_280 = arith.constant 0.000000e+00 : f32
        %parallel_loop3A_281 = vector.broadcast %parallel_loop3A_280 : f32 to vector<16xf32>
        %parallel_loop3A_282 = arith.maximumf %parallel_loop3A_279, %parallel_loop3A_281 : vector<16xf32>
        %parallel_loop3A_283 = arith.index_cast %parallel_loop3A_151 : i32 to index
        %parallel_loop3A_284 = arith.constant 112 : index
        %parallel_loop3A_285 = tpu.vector_load %arg13[%parallel_loop3A_283, %parallel_loop3A_284] {strides = array<i32>} : memref<80x128xf32, #tpu.memory_space<vmem>>, vector<1x16xf32>,
        %parallel_loop3A_286 = vector.shape_cast %parallel_loop3A_285 : vector<1x16xf32> to vector<16xf32>
        %parallel_loop3A_287 = vector.shape_cast %parallel_loop3A_282 : vector<16xf32> to vector<1x16xf32>
        tpu.vector_store %arg13[%parallel_loop3A_283, %parallel_loop3A_284], %parallel_loop3A_287 {strides = array<i32>} : memref<80x128xf32, #tpu.memory_space<vmem>>, vector<1x16xf32>,
      } {sc.loop_unroll_factor = 8 : i64, sc.parallel_access}
      %add3A_144 = arith.constant 1 : i32
      %add3A_145 = arith.addi %add3A_121, %add3A_144 : i32
      %lt3A_146 = arith.constant 125 : i32
      %lt3A_147 = arith.cmpi slt, %add3A_145, %lt3A_146 : i32
      %convert_element_type3A_148 = arith.extui %lt3A_147 : i1 to i32
      %cond3A_149 = arith.constant 0 : i32
      %cond3A_150 = arith.cmpi ne, %convert_element_type3A_148, %cond3A_149 : i32
      scf.if %cond3A_150 {
        %dma_wait3A_151 = arith.constant 0 : i32
        %dma_wait3A_152 = tpu.memref_slice %arg4[%dma_wait3A_151] : memref<320000xi32, #tpu.memory_space<hbm>> -> memref<80xi32, #tpu.memory_space<hbm>>
        %dma_wait3A_153 = arith.constant 0 : i32
        %dma_wait3A_154 = tpu.memref_slice %arg4[%dma_wait3A_153] : memref<320000xi32, #tpu.memory_space<hbm>> -> memref<80xi32, #tpu.memory_space<hbm>>
        tpu.wait_dma2 semaphore(%arg15 : memref<!tpu.dma_semaphore, #tpu.memory_space<semaphore_mem>>) src(%dma_wait3A_154 : memref<80xi32, #tpu.memory_space<hbm>>) dst(%arg7 : memref<80xi32, #tpu.memory_space<vmem>>)
        %dma_wait3A_155 = arith.constant 0 : i32
        %dma_wait3A_156 = tpu.memref_slice %arg5[%dma_wait3A_155] : memref<320000xi32, #tpu.memory_space<hbm>> -> memref<80xi32, #tpu.memory_space<hbm>>
        %dma_wait3A_157 = arith.constant 0 : i32
        %dma_wait3A_158 = tpu.memref_slice %arg5[%dma_wait3A_157] : memref<320000xi32, #tpu.memory_space<hbm>> -> memref<80xi32, #tpu.memory_space<hbm>>
        tpu.wait_dma2 semaphore(%arg15 : memref<!tpu.dma_semaphore, #tpu.memory_space<semaphore_mem>>) src(%dma_wait3A_158 : memref<80xi32, #tpu.memory_space<hbm>>) dst(%arg8 : memref<80xi32, #tpu.memory_space<vmem>>)
        %mul3A_159 = arith.constant 80 : i32
        %mul3A_160 = arith.muli %add3A_145, %mul3A_159 : i32
        %add3A_161 = arith.addi %mul3A_2, %mul3A_160 : i32
        %dma_start3A_162 = arith.constant 0 : i32
        %dma_start3A_163 = tpu.memref_slice %arg3[%add3A_161, %dma_start3A_162] : memref<320000x128xf32, #tpu.memory_space<hbm>> -> memref<80x128xf32, #tpu.memory_space<hbm>>
        %dma_start3A_164 = arith.constant 0 : i32
        %dma_start3A_165 = tpu.memref_slice %arg3[%add3A_161, %dma_start3A_164] : memref<320000x128xf32, #tpu.memory_space<hbm>> -> memref<80x128xf32, #tpu.memory_space<hbm>>
        tpu.enqueue_dma source(%dma_start3A_165 : memref<80x128xf32, #tpu.memory_space<hbm>>) target(%arg11 : memref<80x128xf32, #tpu.memory_space<vmem>>) target_semaphore(%arg17 : memref<!tpu.dma_semaphore, #tpu.memory_space<semaphore_mem>>)
        %dma_start3A_166 = arith.constant 0 : i32
        %dma_start3A_167 = arith.constant 0 : i32
        %dma_start3A_168 = tpu.memref_slice %arg2[%dma_start3A_166, %dma_start3A_167] : memref<10000x128xf32, #tpu.memory_space<hbm>> -> memref<10000x128xf32, #tpu.memory_space<hbm>>
        tpu.enqueue_indirect_dma source(%dma_start3A_168 : memref<10000x128xf32, #tpu.memory_space<hbm>>) target(%arg12 : memref<80x128xf32, #tpu.memory_space<vmem>>) offsets(%arg7 : memref<80xi32, #tpu.memory_space<vmem>>) semaphore(%arg18 : memref<!tpu.dma_semaphore, #tpu.memory_space<semaphore_mem>>)
      } else {
      }
      "tpu.region"() ({
        %run_scoped3A = tpu.sem_alloc : memref<!tpu.dma_semaphore, #tpu.memory_space<semaphore_mem>>
        %dma_start3A_151 = arith.constant 0 : i32
        %dma_start3A_152 = arith.constant 0 : i32
        %dma_start3A_153 = tpu.memref_slice %arg14[%dma_start3A_151, %dma_start3A_152] : memref<10000x128xf32, #tpu.memory_space<vmem_shared>> -> memref<10000x128xf32, #tpu.memory_space<vmem_shared>>
        tpu.enqueue_indirect_dma source(%arg13 : memref<80x128xf32, #tpu.memory_space<vmem>>) target(%dma_start3A_153 : memref<10000x128xf32, #tpu.memory_space<vmem_shared>>) offsets(%arg10 : memref<80xi32, #tpu.memory_space<vmem>>) semaphore(%run_scoped3A : memref<!tpu.dma_semaphore, #tpu.memory_space<semaphore_mem>>) {add = true}
        %dma_wait3A_154 = arith.constant 0 : i32
        %dma_wait3A_155 = arith.constant 0 : i32
        %dma_wait3A_156 = tpu.memref_slice %arg14[%dma_wait3A_154, %dma_wait3A_155] : memref<10000x128xf32, #tpu.memory_space<vmem_shared>> -> memref<10000x128xf32, #tpu.memory_space<vmem_shared>>
        tpu.wait_indirect_dma semaphore(%run_scoped3A : memref<!tpu.dma_semaphore, #tpu.memory_space<semaphore_mem>>) src(%arg13 : memref<80x128xf32, #tpu.memory_space<vmem>>) dst(%dma_wait3A_156 : memref<10000x128xf32, #tpu.memory_space<vmem_shared>>)
        tpu.yield
      }) : () -> ()
    }
    %scan3A_68 = arith.constant 62 : i32
    %dma_wait3A = arith.constant 0 : i32
    %dma_wait3A_69 = arith.constant 0 : i32
    %dma_wait3A_70 = tpu.memref_slice %arg3[%dma_wait3A, %dma_wait3A_69] : memref<320000x128xf32, #tpu.memory_space<hbm>> -> memref<80x128xf32, #tpu.memory_space<hbm>>
    %dma_wait3A_71 = arith.constant 0 : i32
    %dma_wait3A_72 = arith.constant 0 : i32
    %dma_wait3A_73 = tpu.memref_slice %arg3[%dma_wait3A_71, %dma_wait3A_72] : memref<320000x128xf32, #tpu.memory_space<hbm>> -> memref<80x128xf32, #tpu.memory_space<hbm>>
    tpu.wait_dma2 semaphore(%arg17 : memref<!tpu.dma_semaphore, #tpu.memory_space<semaphore_mem>>) src(%dma_wait3A_73 : memref<80x128xf32, #tpu.memory_space<hbm>>) dst(%arg11 : memref<80x128xf32, #tpu.memory_space<vmem>>)
    %dma_wait3A_74 = arith.constant 0 : i32
    %dma_wait3A_75 = arith.constant 0 : i32
    %dma_wait3A_76 = tpu.memref_slice %arg2[%dma_wait3A_74, %dma_wait3A_75] : memref<10000x128xf32, #tpu.memory_space<hbm>> -> memref<80x128xf32, #tpu.memory_space<hbm>>
    %dma_wait3A_77 = arith.constant 0 : i32
    %dma_wait3A_78 = arith.constant 0 : i32
    %dma_wait3A_79 = tpu.memref_slice %arg2[%dma_wait3A_77, %dma_wait3A_78] : memref<10000x128xf32, #tpu.memory_space<hbm>> -> memref<80x128xf32, #tpu.memory_space<hbm>>
    tpu.wait_dma2 semaphore(%arg18 : memref<!tpu.dma_semaphore, #tpu.memory_space<semaphore_mem>>) src(%dma_wait3A_79 : memref<80x128xf32, #tpu.memory_space<hbm>>) dst(%arg12 : memref<80x128xf32, #tpu.memory_space<vmem>>)
    %parallel_loop3A_80 = arith.constant 0 : i32
    %parallel_loop3A_81 = arith.constant 80 : i32
    %parallel_loop3A_82 = arith.constant 1 : i32
    scf.for %parallel_loop3A_88 = %parallel_loop3A_80 to %parallel_loop3A_81 step %parallel_loop3A_82  : i32 {
      %parallel_loop3A_89 = arith.index_cast %parallel_loop3A_88 : i32 to index
      %parallel_loop3A_90 = arith.constant 0 : index
      %parallel_loop3A_91 = tpu.vector_load %arg12[%parallel_loop3A_89, %parallel_loop3A_90] {strides = array<i32>} : memref<80x128xf32, #tpu.memory_space<vmem>>, vector<1x16xf32>,
      %parallel_loop3A_92 = vector.shape_cast %parallel_loop3A_91 : vector<1x16xf32> to vector<16xf32>
      %parallel_loop3A_93 = arith.index_cast %parallel_loop3A_88 : i32 to index
      %parallel_loop3A_94 = arith.constant 0 : index
      %parallel_loop3A_95 = tpu.vector_load %arg11[%parallel_loop3A_93, %parallel_loop3A_94] {strides = array<i32>} : memref<80x128xf32, #tpu.memory_space<vmem>>, vector<1x16xf32>,
      %parallel_loop3A_96 = vector.shape_cast %parallel_loop3A_95 : vector<1x16xf32> to vector<16xf32>
      %parallel_loop3A_97 = arith.addf %parallel_loop3A_92, %parallel_loop3A_96 : vector<16xf32>
      %parallel_loop3A_98 = arith.constant 0.000000e+00 : f32
      %parallel_loop3A_99 = vector.broadcast %parallel_loop3A_98 : f32 to vector<16xf32>
      %parallel_loop3A_100 = arith.maximumf %parallel_loop3A_97, %parallel_loop3A_99 : vector<16xf32>
      %parallel_loop3A_101 = arith.index_cast %parallel_loop3A_88 : i32 to index
      %parallel_loop3A_102 = arith.constant 0 : index
      %parallel_loop3A_103 = tpu.vector_load %arg12[%parallel_loop3A_101, %parallel_loop3A_102] {strides = array<i32>} : memref<80x128xf32, #tpu.memory_space<vmem>>, vector<1x16xf32>,
      %parallel_loop3A_104 = vector.shape_cast %parallel_loop3A_103 : vector<1x16xf32> to vector<16xf32>
      %parallel_loop3A_105 = vector.shape_cast %parallel_loop3A_100 : vector<16xf32> to vector<1x16xf32>
      tpu.vector_store %arg12[%parallel_loop3A_101, %parallel_loop3A_102], %parallel_loop3A_105 {strides = array<i32>} : memref<80x128xf32, #tpu.memory_space<vmem>>, vector<1x16xf32>,
      %parallel_loop3A_106 = arith.index_cast %parallel_loop3A_88 : i32 to index
      %parallel_loop3A_107 = arith.constant 16 : index
      %parallel_loop3A_108 = tpu.vector_load %arg12[%parallel_loop3A_106, %parallel_loop3A_107] {strides = array<i32>} : memref<80x128xf32, #tpu.memory_space<vmem>>, vector<1x16xf32>,
      %parallel_loop3A_109 = vector.shape_cast %parallel_loop3A_108 : vector<1x16xf32> to vector<16xf32>
      %parallel_loop3A_110 = arith.index_cast %parallel_loop3A_88 : i32 to index
      %parallel_loop3A_111 = arith.constant 16 : index
      %parallel_loop3A_112 = tpu.vector_load %arg11[%parallel_loop3A_110, %parallel_loop3A_111] {strides = array<i32>} : memref<80x128xf32, #tpu.memory_space<vmem>>, vector<1x16xf32>,
      %parallel_loop3A_113 = vector.shape_cast %parallel_loop3A_112 : vector<1x16xf32> to vector<16xf32>
      %parallel_loop3A_114 = arith.addf %parallel_loop3A_109, %parallel_loop3A_113 : vector<16xf32>
      %parallel_loop3A_115 = arith.constant 0.000000e+00 : f32
      %parallel_loop3A_116 = vector.broadcast %parallel_loop3A_115 : f32 to vector<16xf32>
      %parallel_loop3A_117 = arith.maximumf %parallel_loop3A_114, %parallel_loop3A_116 : vector<16xf32>
      %parallel_loop3A_118 = arith.index_cast %parallel_loop3A_88 : i32 to index
      %parallel_loop3A_119 = arith.constant 16 : index
      %parallel_loop3A_120 = tpu.vector_load %arg12[%parallel_loop3A_118, %parallel_loop3A_119] {strides = array<i32>} : memref<80x128xf32, #tpu.memory_space<vmem>>, vector<1x16xf32>,
      %parallel_loop3A_121 = vector.shape_cast %parallel_loop3A_120 : vector<1x16xf32> to vector<16xf32>
      %parallel_loop3A_122 = vector.shape_cast %parallel_loop3A_117 : vector<16xf32> to vector<1x16xf32>
      tpu.vector_store %arg12[%parallel_loop3A_118, %parallel_loop3A_119], %parallel_loop3A_122 {strides = array<i32>} : memref<80x128xf32, #tpu.memory_space<vmem>>, vector<1x16xf32>,
      %parallel_loop3A_123 = arith.index_cast %parallel_loop3A_88 : i32 to index
      %parallel_loop3A_124 = arith.constant 32 : index
      %parallel_loop3A_125 = tpu.vector_load %arg12[%parallel_loop3A_123, %parallel_loop3A_124] {strides = array<i32>} : memref<80x128xf32, #tpu.memory_space<vmem>>, vector<1x16xf32>,
      %parallel_loop3A_126 = vector.shape_cast %parallel_loop3A_125 : vector<1x16xf32> to vector<16xf32>
      %parallel_loop3A_127 = arith.index_cast %parallel_loop3A_88 : i32 to index
      %parallel_loop3A_128 = arith.constant 32 : index
      %parallel_loop3A_129 = tpu.vector_load %arg11[%parallel_loop3A_127, %parallel_loop3A_128] {strides = array<i32>} : memref<80x128xf32, #tpu.memory_space<vmem>>, vector<1x16xf32>,
      %parallel_loop3A_130 = vector.shape_cast %parallel_loop3A_129 : vector<1x16xf32> to vector<16xf32>
      %parallel_loop3A_131 = arith.addf %parallel_loop3A_126, %parallel_loop3A_130 : vector<16xf32>
      %parallel_loop3A_132 = arith.constant 0.000000e+00 : f32
      %parallel_loop3A_133 = vector.broadcast %parallel_loop3A_132 : f32 to vector<16xf32>
      %parallel_loop3A_134 = arith.maximumf %parallel_loop3A_131, %parallel_loop3A_133 : vector<16xf32>
      %parallel_loop3A_135 = arith.index_cast %parallel_loop3A_88 : i32 to index
      %parallel_loop3A_136 = arith.constant 32 : index
      %parallel_loop3A_137 = tpu.vector_load %arg12[%parallel_loop3A_135, %parallel_loop3A_136] {strides = array<i32>} : memref<80x128xf32, #tpu.memory_space<vmem>>, vector<1x16xf32>,
      %parallel_loop3A_138 = vector.shape_cast %parallel_loop3A_137 : vector<1x16xf32> to vector<16xf32>
      %parallel_loop3A_139 = vector.shape_cast %parallel_loop3A_134 : vector<16xf32> to vector<1x16xf32>
      tpu.vector_store %arg12[%parallel_loop3A_135, %parallel_loop3A_136], %parallel_loop3A_139 {strides = array<i32>} : memref<80x128xf32, #tpu.memory_space<vmem>>, vector<1x16xf32>,
      %parallel_loop3A_140 = arith.index_cast %parallel_loop3A_88 : i32 to index
      %parallel_loop3A_141 = arith.constant 48 : index
      %parallel_loop3A_142 = tpu.vector_load %arg12[%parallel_loop3A_140, %parallel_loop3A_141] {strides = array<i32>} : memref<80x128xf32, #tpu.memory_space<vmem>>, vector<1x16xf32>,
      %parallel_loop3A_143 = vector.shape_cast %parallel_loop3A_142 : vector<1x16xf32> to vector<16xf32>
      %parallel_loop3A_144 = arith.index_cast %parallel_loop3A_88 : i32 to index
      %parallel_loop3A_145 = arith.constant 48 : index
      %parallel_loop3A_146 = tpu.vector_load %arg11[%parallel_loop3A_144, %parallel_loop3A_145] {strides = array<i32>} : memref<80x128xf32, #tpu.memory_space<vmem>>, vector<1x16xf32>,
      %parallel_loop3A_147 = vector.shape_cast %parallel_loop3A_146 : vector<1x16xf32> to vector<16xf32>
      %parallel_loop3A_148 = arith.addf %parallel_loop3A_143, %parallel_loop3A_147 : vector<16xf32>
      %parallel_loop3A_149 = arith.constant 0.000000e+00 : f32
      %parallel_loop3A_150 = vector.broadcast %parallel_loop3A_149 : f32 to vector<16xf32>
      %parallel_loop3A_151 = arith.maximumf %parallel_loop3A_148, %parallel_loop3A_150 : vector<16xf32>
      %parallel_loop3A_152 = arith.index_cast %parallel_loop3A_88 : i32 to index
      %parallel_loop3A_153 = arith.constant 48 : index
      %parallel_loop3A_154 = tpu.vector_load %arg12[%parallel_loop3A_152, %parallel_loop3A_153] {strides = array<i32>} : memref<80x128xf32, #tpu.memory_space<vmem>>, vector<1x16xf32>,
      %parallel_loop3A_155 = vector.shape_cast %parallel_loop3A_154 : vector<1x16xf32> to vector<16xf32>
      %parallel_loop3A_156 = vector.shape_cast %parallel_loop3A_151 : vector<16xf32> to vector<1x16xf32>
      tpu.vector_store %arg12[%parallel_loop3A_152, %parallel_loop3A_153], %parallel_loop3A_156 {strides = array<i32>} : memref<80x128xf32, #tpu.memory_space<vmem>>, vector<1x16xf32>,
      %parallel_loop3A_157 = arith.index_cast %parallel_loop3A_88 : i32 to index
      %parallel_loop3A_158 = arith.constant 64 : index
      %parallel_loop3A_159 = tpu.vector_load %arg12[%parallel_loop3A_157, %parallel_loop3A_158] {strides = array<i32>} : memref<80x128xf32, #tpu.memory_space<vmem>>, vector<1x16xf32>,
      %parallel_loop3A_160 = vector.shape_cast %parallel_loop3A_159 : vector<1x16xf32> to vector<16xf32>
      %parallel_loop3A_161 = arith.index_cast %parallel_loop3A_88 : i32 to index
      %parallel_loop3A_162 = arith.constant 64 : index
      %parallel_loop3A_163 = tpu.vector_load %arg11[%parallel_loop3A_161, %parallel_loop3A_162] {strides = array<i32>} : memref<80x128xf32, #tpu.memory_space<vmem>>, vector<1x16xf32>,
      %parallel_loop3A_164 = vector.shape_cast %parallel_loop3A_163 : vector<1x16xf32> to vector<16xf32>
      %parallel_loop3A_165 = arith.addf %parallel_loop3A_160, %parallel_loop3A_164 : vector<16xf32>
      %parallel_loop3A_166 = arith.constant 0.000000e+00 : f32
      %parallel_loop3A_167 = vector.broadcast %parallel_loop3A_166 : f32 to vector<16xf32>
      %parallel_loop3A_168 = arith.maximumf %parallel_loop3A_165, %parallel_loop3A_167 : vector<16xf32>
      %parallel_loop3A_169 = arith.index_cast %parallel_loop3A_88 : i32 to index
      %parallel_loop3A_170 = arith.constant 64 : index
      %parallel_loop3A_171 = tpu.vector_load %arg12[%parallel_loop3A_169, %parallel_loop3A_170] {strides = array<i32>} : memref<80x128xf32, #tpu.memory_space<vmem>>, vector<1x16xf32>,
      %parallel_loop3A_172 = vector.shape_cast %parallel_loop3A_171 : vector<1x16xf32> to vector<16xf32>
      %parallel_loop3A_173 = vector.shape_cast %parallel_loop3A_168 : vector<16xf32> to vector<1x16xf32>
      tpu.vector_store %arg12[%parallel_loop3A_169, %parallel_loop3A_170], %parallel_loop3A_173 {strides = array<i32>} : memref<80x128xf32, #tpu.memory_space<vmem>>, vector<1x16xf32>,
      %parallel_loop3A_174 = arith.index_cast %parallel_loop3A_88 : i32 to index
      %parallel_loop3A_175 = arith.constant 80 : index
      %parallel_loop3A_176 = tpu.vector_load %arg12[%parallel_loop3A_174, %parallel_loop3A_175] {strides = array<i32>} : memref<80x128xf32, #tpu.memory_space<vmem>>, vector<1x16xf32>,
      %parallel_loop3A_177 = vector.shape_cast %parallel_loop3A_176 : vector<1x16xf32> to vector<16xf32>
      %parallel_loop3A_178 = arith.index_cast %parallel_loop3A_88 : i32 to index
      %parallel_loop3A_179 = arith.constant 80 : index
      %parallel_loop3A_180 = tpu.vector_load %arg11[%parallel_loop3A_178, %parallel_loop3A_179] {strides = array<i32>} : memref<80x128xf32, #tpu.memory_space<vmem>>, vector<1x16xf32>,
      %parallel_loop3A_181 = vector.shape_cast %parallel_loop3A_180 : vector<1x16xf32> to vector<16xf32>
      %parallel_loop3A_182 = arith.addf %parallel_loop3A_177, %parallel_loop3A_181 : vector<16xf32>
      %parallel_loop3A_183 = arith.constant 0.000000e+00 : f32
      %parallel_loop3A_184 = vector.broadcast %parallel_loop3A_183 : f32 to vector<16xf32>
      %parallel_loop3A_185 = arith.maximumf %parallel_loop3A_182, %parallel_loop3A_184 : vector<16xf32>
      %parallel_loop3A_186 = arith.index_cast %parallel_loop3A_88 : i32 to index
      %parallel_loop3A_187 = arith.constant 80 : index
      %parallel_loop3A_188 = tpu.vector_load %arg12[%parallel_loop3A_186, %parallel_loop3A_187] {strides = array<i32>} : memref<80x128xf32, #tpu.memory_space<vmem>>, vector<1x16xf32>,
      %parallel_loop3A_189 = vector.shape_cast %parallel_loop3A_188 : vector<1x16xf32> to vector<16xf32>
      %parallel_loop3A_190 = vector.shape_cast %parallel_loop3A_185 : vector<16xf32> to vector<1x16xf32>
      tpu.vector_store %arg12[%parallel_loop3A_186, %parallel_loop3A_187], %parallel_loop3A_190 {strides = array<i32>} : memref<80x128xf32, #tpu.memory_space<vmem>>, vector<1x16xf32>,
      %parallel_loop3A_191 = arith.index_cast %parallel_loop3A_88 : i32 to index
      %parallel_loop3A_192 = arith.constant 96 : index
      %parallel_loop3A_193 = tpu.vector_load %arg12[%parallel_loop3A_191, %parallel_loop3A_192] {strides = array<i32>} : memref<80x128xf32, #tpu.memory_space<vmem>>, vector<1x16xf32>,
      %parallel_loop3A_194 = vector.shape_cast %parallel_loop3A_193 : vector<1x16xf32> to vector<16xf32>
      %parallel_loop3A_195 = arith.index_cast %parallel_loop3A_88 : i32 to index
      %parallel_loop3A_196 = arith.constant 96 : index
      %parallel_loop3A_197 = tpu.vector_load %arg11[%parallel_loop3A_195, %parallel_loop3A_196] {strides = array<i32>} : memref<80x128xf32, #tpu.memory_space<vmem>>, vector<1x16xf32>,
      %parallel_loop3A_198 = vector.shape_cast %parallel_loop3A_197 : vector<1x16xf32> to vector<16xf32>
      %parallel_loop3A_199 = arith.addf %parallel_loop3A_194, %parallel_loop3A_198 : vector<16xf32>
      %parallel_loop3A_200 = arith.constant 0.000000e+00 : f32
      %parallel_loop3A_201 = vector.broadcast %parallel_loop3A_200 : f32 to vector<16xf32>
      %parallel_loop3A_202 = arith.maximumf %parallel_loop3A_199, %parallel_loop3A_201 : vector<16xf32>
      %parallel_loop3A_203 = arith.index_cast %parallel_loop3A_88 : i32 to index
      %parallel_loop3A_204 = arith.constant 96 : index
      %parallel_loop3A_205 = tpu.vector_load %arg12[%parallel_loop3A_203, %parallel_loop3A_204] {strides = array<i32>} : memref<80x128xf32, #tpu.memory_space<vmem>>, vector<1x16xf32>,
      %parallel_loop3A_206 = vector.shape_cast %parallel_loop3A_205 : vector<1x16xf32> to vector<16xf32>
      %parallel_loop3A_207 = vector.shape_cast %parallel_loop3A_202 : vector<16xf32> to vector<1x16xf32>
      tpu.vector_store %arg12[%parallel_loop3A_203, %parallel_loop3A_204], %parallel_loop3A_207 {strides = array<i32>} : memref<80x128xf32, #tpu.memory_space<vmem>>, vector<1x16xf32>,
      %parallel_loop3A_208 = arith.index_cast %parallel_loop3A_88 : i32 to index
      %parallel_loop3A_209 = arith.constant 112 : index
      %parallel_loop3A_210 = tpu.vector_load %arg12[%parallel_loop3A_208, %parallel_loop3A_209] {strides = array<i32>} : memref<80x128xf32, #tpu.memory_space<vmem>>, vector<1x16xf32>,
      %parallel_loop3A_211 = vector.shape_cast %parallel_loop3A_210 : vector<1x16xf32> to vector<16xf32>
      %parallel_loop3A_212 = arith.index_cast %parallel_loop3A_88 : i32 to index
      %parallel_loop3A_213 = arith.constant 112 : index
      %parallel_loop3A_214 = tpu.vector_load %arg11[%parallel_loop3A_212, %parallel_loop3A_213] {strides = array<i32>} : memref<80x128xf32, #tpu.memory_space<vmem>>, vector<1x16xf32>,
      %parallel_loop3A_215 = vector.shape_cast %parallel_loop3A_214 : vector<1x16xf32> to vector<16xf32>
      %parallel_loop3A_216 = arith.addf %parallel_loop3A_211, %parallel_loop3A_215 : vector<16xf32>
      %parallel_loop3A_217 = arith.constant 0.000000e+00 : f32
      %parallel_loop3A_218 = vector.broadcast %parallel_loop3A_217 : f32 to vector<16xf32>
      %parallel_loop3A_219 = arith.maximumf %parallel_loop3A_216, %parallel_loop3A_218 : vector<16xf32>
      %parallel_loop3A_220 = arith.index_cast %parallel_loop3A_88 : i32 to index
      %parallel_loop3A_221 = arith.constant 112 : index
      %parallel_loop3A_222 = tpu.vector_load %arg12[%parallel_loop3A_220, %parallel_loop3A_221] {strides = array<i32>} : memref<80x128xf32, #tpu.memory_space<vmem>>, vector<1x16xf32>,
      %parallel_loop3A_223 = vector.shape_cast %parallel_loop3A_222 : vector<1x16xf32> to vector<16xf32>
      %parallel_loop3A_224 = vector.shape_cast %parallel_loop3A_219 : vector<16xf32> to vector<1x16xf32>
      tpu.vector_store %arg12[%parallel_loop3A_220, %parallel_loop3A_221], %parallel_loop3A_224 {strides = array<i32>} : memref<80x128xf32, #tpu.memory_space<vmem>>, vector<1x16xf32>,
    } {sc.loop_unroll_factor = 8 : i64, sc.parallel_access}
    "tpu.region"() ({
      %run_scoped3A = tpu.sem_alloc : memref<!tpu.dma_semaphore, #tpu.memory_space<semaphore_mem>>
      %dma_start3A_88 = arith.constant 0 : i32
      %dma_start3A_89 = arith.constant 0 : i32
      %dma_start3A_90 = tpu.memref_slice %arg14[%dma_start3A_88, %dma_start3A_89] : memref<10000x128xf32, #tpu.memory_space<vmem_shared>> -> memref<10000x128xf32, #tpu.memory_space<vmem_shared>>
      tpu.enqueue_indirect_dma source(%arg12 : memref<80x128xf32, #tpu.memory_space<vmem>>) target(%dma_start3A_90 : memref<10000x128xf32, #tpu.memory_space<vmem_shared>>) offsets(%arg8 : memref<80xi32, #tpu.memory_space<vmem>>) semaphore(%run_scoped3A : memref<!tpu.dma_semaphore, #tpu.memory_space<semaphore_mem>>) {add = true}
      %dma_wait3A_91 = arith.constant 0 : i32
      %dma_wait3A_92 = arith.constant 0 : i32
      %dma_wait3A_93 = tpu.memref_slice %arg14[%dma_wait3A_91, %dma_wait3A_92] : memref<10000x128xf32, #tpu.memory_space<vmem_shared>> -> memref<10000x128xf32, #tpu.memory_space<vmem_shared>>
      tpu.wait_indirect_dma semaphore(%run_scoped3A : memref<!tpu.dma_semaphore, #tpu.memory_space<semaphore_mem>>) src(%arg12 : memref<80x128xf32, #tpu.memory_space<vmem>>) dst(%dma_wait3A_93 : memref<10000x128xf32, #tpu.memory_space<vmem_shared>>)
      tpu.yield
    }) : () -> ()
    %barrier3A_83 = arith.constant 0 : index
    tpu.barrier barrier_id(%barrier3A_83)
    %eq3A = arith.constant 0 : i32
    %eq3A_84 = arith.cmpi eq, %arg1, %eq3A : i32
    %convert_element_type3A_85 = arith.extui %eq3A_84 : i1 to i32
    %cond3A_86 = arith.constant 0 : i32
    %cond3A_87 = arith.cmpi ne, %convert_element_type3A_85, %cond3A_86 : i32
    scf.if %cond3A_87 {
      "tpu.region"() ({
        %run_scoped3A = tpu.sem_alloc : memref<!tpu.dma_semaphore, #tpu.memory_space<semaphore_mem>>
        %dma_start3A_88 = arith.constant 0 : i32
        %dma_start3A_89 = arith.constant 0 : i32
        %dma_start3A_90 = tpu.memref_slice %arg6[%arg0, %dma_start3A_88, %dma_start3A_89] : memref<2x10000x128xf32, #tpu.memory_space<hbm>> -> memref<1x10000x128xf32, #tpu.memory_space<hbm>>
        %dma_start3A_91 = tpu.memref_squeeze %dma_start3A_90 : memref<1x10000x128xf32, #tpu.memory_space<hbm>> -> memref<10000x128xf32, #tpu.memory_space<hbm>>
        tpu.enqueue_dma source(%arg14 : memref<10000x128xf32, #tpu.memory_space<vmem_shared>>) target(%dma_start3A_91 : memref<10000x128xf32, #tpu.memory_space<hbm>>) target_semaphore(%run_scoped3A : memref<!tpu.dma_semaphore, #tpu.memory_space<semaphore_mem>>)
        %dma_wait3A_92 = arith.constant 0 : i32
        %dma_wait3A_93 = arith.constant 0 : i32
        %dma_wait3A_94 = tpu.memref_slice %arg6[%arg0, %dma_wait3A_92, %dma_wait3A_93] : memref<2x10000x128xf32, #tpu.memory_space<hbm>> -> memref<1x10000x128xf32, #tpu.memory_space<hbm>>
        %dma_wait3A_95 = tpu.memref_squeeze %dma_wait3A_94 : memref<1x10000x128xf32, #tpu.memory_space<hbm>> -> memref<10000x128xf32, #tpu.memory_space<hbm>>
        tpu.wait_dma2 semaphore(%run_scoped3A : memref<!tpu.dma_semaphore, #tpu.memory_space<semaphore_mem>>) src(%arg14 : memref<10000x128xf32, #tpu.memory_space<vmem_shared>>) dst(%dma_wait3A_95 : memref<10000x128xf32, #tpu.memory_space<hbm>>)
        tpu.yield
      }) : () -> ()
    } else {
    }
    return
  }
}

module attributes {stable_mosaic.version = 14 : i64} {
  func.func @_in_body(%arg0: i32, %arg1: memref<1000x128xf32, #tpu.memory_space<vmem>>, %arg2: memref<128x128xf32, #tpu.memory_space<vmem>>, %arg3: memref<1x128xf32, #tpu.memory_space<vmem>>, %arg4: memref<128x128xf32, #tpu.memory_space<vmem>>, %arg5: memref<1000x128xf32, #tpu.memory_space<vmem>>, %arg6: memref<1000x128xf32, #tpu.memory_space<vmem>>) attributes {dimension_semantics = [#tpu.dimension_semantics<arbitrary>], iteration_bounds = array<i64: 10>, scalar_prefetch = 0 : i64, scratch_operands = 0 : i64, tpu.core_type = #tpu.core_type<tc>, window_params = [{transform_indices = @transform_0, window_bounds = array<i64: 1000, 128>}, {pipeline_mode = #tpu.pipeline_mode<synchronous>, transform_indices = @transform_1, window_bounds = array<i64: 128, 128>}, {pipeline_mode = #tpu.pipeline_mode<synchronous>, transform_indices = @transform_2, window_bounds = array<i64: 1, 128>}, {pipeline_mode = #tpu.pipeline_mode<synchronous>, transform_indices = @transform_3, window_bounds = array<i64: 128, 128>}, {transform_indices = @transform_4, window_bounds = array<i64: 1000, 128>}, {transform_indices = @transform_5, window_bounds = array<i64: 1000, 128>}]} {
    %get3A = arith.constant 0 : index
    %get3A_0 = arith.constant 0 : index
    %get3A_1 = vector.load %arg1[%get3A, %get3A_0] : memref<1000x128xf32, #tpu.memory_space<vmem>>, vector<1000x128xf32>
    %get3A_2 = arith.constant 0 : index
    %get3A_3 = arith.constant 0 : index
    %get3A_4 = vector.load %arg2[%get3A_2, %get3A_3] : memref<128x128xf32, #tpu.memory_space<vmem>>, vector<128x128xf32>
    %dot_general3A = arith.constant dense<0.000000e+00> : vector<1000x128xf32>
    %dot_general3A_5 = tpu.matmul %get3A_1, %get3A_4, %dot_general3A {dimension_numbers = #tpu.dot_dimension_numbers<[1], [0], [0], [1], [0, 0, 1, 1], [], []>, transpose_lhs_hint = false} : vector<1000x128xf32>, vector<128x128xf32>, vector<1000x128xf32> -> vector<1000x128xf32>
    %get3A_6 = arith.constant 0 : index
    %get3A_7 = arith.constant 0 : index
    %get3A_8 = vector.load %arg3[%get3A_6, %get3A_7] : memref<1x128xf32, #tpu.memory_space<vmem>>, vector<1x128xf32>
    %add3A = vector.broadcast %get3A_8 : vector<1x128xf32> to vector<1000x128xf32>
    %add3A_9 = arith.addf %dot_general3A_5, %add3A : vector<1000x128xf32>
    %max3A = arith.constant 0.000000e+00 : f32
    %max3A_10 = vector.broadcast %max3A : f32 to vector<1000x128xf32>
    %max3A_11 = arith.maximumf %add3A_9, %max3A_10 : vector<1000x128xf32>
    %swap3A = arith.constant 0 : index
    %swap3A_12 = arith.constant 0 : index
    %swap3A_13 = vector.load %arg5[%swap3A, %swap3A_12] : memref<1000x128xf32, #tpu.memory_space<vmem>>, vector<1000x128xf32>
    tpu.vector_store %arg5[%swap3A, %swap3A_12], %max3A_11 {strides = array<i32>} : memref<1000x128xf32, #tpu.memory_space<vmem>>, vector<1000x128xf32>,
    %get3A_14 = arith.constant 0 : index
    %get3A_15 = arith.constant 0 : index
    %get3A_16 = vector.load %arg4[%get3A_14, %get3A_15] : memref<128x128xf32, #tpu.memory_space<vmem>>, vector<128x128xf32>
    %dot_general3A_17 = arith.constant dense<0.000000e+00> : vector<1000x128xf32>
    %dot_general3A_18 = tpu.matmul %max3A_11, %get3A_16, %dot_general3A_17 {dimension_numbers = #tpu.dot_dimension_numbers<[1], [0], [0], [1], [0, 0, 1, 1], [], []>, transpose_lhs_hint = false} : vector<1000x128xf32>, vector<128x128xf32>, vector<1000x128xf32> -> vector<1000x128xf32>
    %swap3A_19 = arith.constant 0 : index
    %swap3A_20 = arith.constant 0 : index
    %swap3A_21 = vector.load %arg6[%swap3A_19, %swap3A_20] : memref<1000x128xf32, #tpu.memory_space<vmem>>, vector<1000x128xf32>
    tpu.vector_store %arg6[%swap3A_19, %swap3A_20], %dot_general3A_18 {strides = array<i32>} : memref<1000x128xf32, #tpu.memory_space<vmem>>, vector<1000x128xf32>,
    return
  }
  func.func @transform_0(%arg0: i32) -> (i32, i32) {
    %c0_i32 = arith.constant 0 : i32
    %c0_i32_0 = arith.constant 0 : i32
    return %arg0, %c0_i32 : i32, i32
  }
  func.func @transform_1(%arg0: i32) -> (i32, i32) {
    %c0_i32 = arith.constant 0 : i32
    %c0_i32_0 = arith.constant 0 : i32
    %c0_i32_1 = arith.constant 0 : i32
    return %c0_i32, %c0_i32_0 : i32, i32
  }
  func.func @transform_2(%arg0: i32) -> (i32, i32) {
    %c0_i32 = arith.constant 0 : i32
    %c0_i32_0 = arith.constant 0 : i32
    %c0_i32_1 = arith.constant 0 : i32
    return %c0_i32, %c0_i32_0 : i32, i32
  }
  func.func @transform_3(%arg0: i32) -> (i32, i32) {
    %c0_i32 = arith.constant 0 : i32
    %c0_i32_0 = arith.constant 0 : i32
    %c0_i32_1 = arith.constant 0 : i32
    return %c0_i32, %c0_i32_0 : i32, i32
  }
  func.func @transform_4(%arg0: i32) -> (i32, i32) {
    %c0_i32 = arith.constant 0 : i32
    %c0_i32_0 = arith.constant 0 : i32
    return %arg0, %c0_i32 : i32, i32
  }
  func.func @transform_5(%arg0: i32) -> (i32, i32) {
    %c0_i32 = arith.constant 0 : i32
    %c0_i32_0 = arith.constant 0 : i32
    return %arg0, %c0_i32 : i32, i32
  }
}

module attributes {stable_mosaic.version = 14 : i64} {
  func.func @_eterm_body(%arg0: i32, %arg1: memref<4000x16xf32, #tpu.memory_space<vmem>>, %arg2: memref<4000x2xf32, #tpu.memory_space<vmem>>, %arg3: memref<16x128xf32, #tpu.memory_space<vmem>>, %arg4: memref<2x128xf32, #tpu.memory_space<vmem>>, %arg5: memref<1x128xf32, #tpu.memory_space<vmem>>, %arg6: memref<4000x128xf32, #tpu.memory_space<vmem>>) attributes {dimension_semantics = [#tpu.dimension_semantics<arbitrary>], iteration_bounds = array<i64: 80>, scalar_prefetch = 0 : i64, scratch_operands = 0 : i64, tpu.core_type = #tpu.core_type<tc>, window_params = [{transform_indices = @transform_0, window_bounds = array<i64: 4000, 16>}, {transform_indices = @transform_1, window_bounds = array<i64: 4000, 2>}, {pipeline_mode = #tpu.pipeline_mode<synchronous>, transform_indices = @transform_2, window_bounds = array<i64: 16, 128>}, {pipeline_mode = #tpu.pipeline_mode<synchronous>, transform_indices = @transform_3, window_bounds = array<i64: 2, 128>}, {pipeline_mode = #tpu.pipeline_mode<synchronous>, transform_indices = @transform_4, window_bounds = array<i64: 1, 128>}, {transform_indices = @transform_5, window_bounds = array<i64: 4000, 128>}]} {
    %get3A = arith.constant 0 : index
    %get3A_0 = arith.constant 0 : index
    %get3A_1 = vector.load %arg1[%get3A, %get3A_0] : memref<4000x16xf32, #tpu.memory_space<vmem>>, vector<4000x16xf32>
    %get3A_2 = arith.constant 0 : index
    %get3A_3 = arith.constant 0 : index
    %get3A_4 = vector.load %arg3[%get3A_2, %get3A_3] : memref<16x128xf32, #tpu.memory_space<vmem>>, vector<16x128xf32>
    %dot_general3A = arith.constant dense<0.000000e+00> : vector<4000x128xf32>
    %dot_general3A_5 = tpu.matmul %get3A_1, %get3A_4, %dot_general3A {dimension_numbers = #tpu.dot_dimension_numbers<[1], [0], [0], [1], [0, 0, 1, 1], [], []>, transpose_lhs_hint = false} : vector<4000x16xf32>, vector<16x128xf32>, vector<4000x128xf32> -> vector<4000x128xf32>
    %get3A_6 = arith.constant 0 : index
    %get3A_7 = arith.constant 0 : index
    %get3A_8 = vector.load %arg2[%get3A_6, %get3A_7] : memref<4000x2xf32, #tpu.memory_space<vmem>>, vector<4000x2xf32>
    %get3A_9 = arith.constant 0 : index
    %get3A_10 = arith.constant 0 : index
    %get3A_11 = vector.load %arg4[%get3A_9, %get3A_10] : memref<2x128xf32, #tpu.memory_space<vmem>>, vector<2x128xf32>
    %dot_general3A_12 = arith.constant dense<0.000000e+00> : vector<4000x128xf32>
    %dot_general3A_13 = tpu.matmul %get3A_8, %get3A_11, %dot_general3A_12 {dimension_numbers = #tpu.dot_dimension_numbers<[1], [0], [0], [1], [0, 0, 1, 1], [], []>, transpose_lhs_hint = false} : vector<4000x2xf32>, vector<2x128xf32>, vector<4000x128xf32> -> vector<4000x128xf32>
    %add3A = arith.addf %dot_general3A_5, %dot_general3A_13 : vector<4000x128xf32>
    %get3A_14 = arith.constant 0 : index
    %get3A_15 = arith.constant 0 : index
    %get3A_16 = vector.load %arg5[%get3A_14, %get3A_15] : memref<1x128xf32, #tpu.memory_space<vmem>>, vector<1x128xf32>
    %add3A_17 = vector.broadcast %get3A_16 : vector<1x128xf32> to vector<4000x128xf32>
    %add3A_18 = arith.addf %add3A, %add3A_17 : vector<4000x128xf32>
    %swap3A = arith.constant 0 : index
    %swap3A_19 = arith.constant 0 : index
    %swap3A_20 = vector.load %arg6[%swap3A, %swap3A_19] : memref<4000x128xf32, #tpu.memory_space<vmem>>, vector<4000x128xf32>
    tpu.vector_store %arg6[%swap3A, %swap3A_19], %add3A_18 {strides = array<i32>} : memref<4000x128xf32, #tpu.memory_space<vmem>>, vector<4000x128xf32>,
    return
  }
  func.func @transform_0(%arg0: i32) -> (i32, i32) {
    %c0_i32 = arith.constant 0 : i32
    %c0_i32_0 = arith.constant 0 : i32
    return %arg0, %c0_i32 : i32, i32
  }
  func.func @transform_1(%arg0: i32) -> (i32, i32) {
    %c0_i32 = arith.constant 0 : i32
    %c0_i32_0 = arith.constant 0 : i32
    return %arg0, %c0_i32 : i32, i32
  }
  func.func @transform_2(%arg0: i32) -> (i32, i32) {
    %c0_i32 = arith.constant 0 : i32
    %c0_i32_0 = arith.constant 0 : i32
    %c0_i32_1 = arith.constant 0 : i32
    return %c0_i32, %c0_i32_0 : i32, i32
  }
  func.func @transform_3(%arg0: i32) -> (i32, i32) {
    %c0_i32 = arith.constant 0 : i32
    %c0_i32_0 = arith.constant 0 : i32
    %c0_i32_1 = arith.constant 0 : i32
    return %c0_i32, %c0_i32_0 : i32, i32
  }
  func.func @transform_4(%arg0: i32) -> (i32, i32) {
    %c0_i32 = arith.constant 0 : i32
    %c0_i32_0 = arith.constant 0 : i32
    %c0_i32_1 = arith.constant 0 : i32
    return %c0_i32, %c0_i32_0 : i32, i32
  }
  func.func @transform_5(%arg0: i32) -> (i32, i32) {
    %c0_i32 = arith.constant 0 : i32
    %c0_i32_0 = arith.constant 0 : i32
    return %arg0, %c0_i32 : i32, i32
  }
}

module attributes {stable_mosaic.version = 14 : i64} {
  func.func @_upd_body_mid(%arg0: i32, %arg1: memref<2x1000x128xf32, #tpu.memory_space<vmem>>, %arg2: memref<1000x128xf32, #tpu.memory_space<vmem>>, %arg3: memref<1000x1xf32, #tpu.memory_space<vmem>>, %arg4: memref<128x128xf32, #tpu.memory_space<vmem>>, %arg5: memref<128x128xf32, #tpu.memory_space<vmem>>, %arg6: memref<128x128xf32, #tpu.memory_space<vmem>>, %arg7: memref<1x128xf32, #tpu.memory_space<vmem>>, %arg8: memref<128x128xf32, #tpu.memory_space<vmem>>, %arg9: memref<1x128xf32, #tpu.memory_space<vmem>>, %arg10: memref<128x128xf32, #tpu.memory_space<vmem>>, %arg11: memref<1000x128xf32, #tpu.memory_space<vmem>>, %arg12: memref<1000x128xf32, #tpu.memory_space<vmem>>) attributes {dimension_semantics = [#tpu.dimension_semantics<arbitrary>], iteration_bounds = array<i64: 10>, scalar_prefetch = 0 : i64, scratch_operands = 0 : i64, tpu.core_type = #tpu.core_type<tc>, window_params = [{transform_indices = @transform_0, window_bounds = array<i64: 2, 1000, 128>}, {transform_indices = @transform_1, window_bounds = array<i64: 1000, 128>}, {transform_indices = @transform_2, window_bounds = array<i64: 1000, 1>}, {pipeline_mode = #tpu.pipeline_mode<synchronous>, transform_indices = @transform_3, window_bounds = array<i64: 128, 128>}, {pipeline_mode = #tpu.pipeline_mode<synchronous>, transform_indices = @transform_4, window_bounds = array<i64: 128, 128>}, {pipeline_mode = #tpu.pipeline_mode<synchronous>, transform_indices = @transform_5, window_bounds = array<i64: 128, 128>}, {pipeline_mode = #tpu.pipeline_mode<synchronous>, transform_indices = @transform_6, window_bounds = array<i64: 1, 128>}, {pipeline_mode = #tpu.pipeline_mode<synchronous>, transform_indices = @transform_7, window_bounds = array<i64: 128, 128>}, {pipeline_mode = #tpu.pipeline_mode<synchronous>, transform_indices = @transform_8, window_bounds = array<i64: 1, 128>}, {pipeline_mode = #tpu.pipeline_mode<synchronous>, transform_indices = @transform_9, window_bounds = array<i64: 128, 128>}, {transform_indices = @transform_10, window_bounds = array<i64: 1000, 128>}, {transform_indices = @transform_11, window_bounds = array<i64: 1000, 128>}]} {
    %get3A = arith.constant 0 : index
    %get3A_0 = arith.constant 0 : index
    %get3A_1 = arith.constant 0 : index
    %get3A_2 = vector.load %arg1[%get3A, %get3A_0, %get3A_1] : memref<2x1000x128xf32, #tpu.memory_space<vmem>>, vector<1x1000x128xf32>
    %get3A_3 = vector.shape_cast %get3A_2 : vector<1x1000x128xf32> to vector<1000x128xf32>
    %get3A_4 = arith.constant 1 : index
    %get3A_5 = arith.constant 0 : index
    %get3A_6 = arith.constant 0 : index
    %get3A_7 = vector.load %arg1[%get3A_4, %get3A_5, %get3A_6] : memref<2x1000x128xf32, #tpu.memory_space<vmem>>, vector<1x1000x128xf32>
    %get3A_8 = vector.shape_cast %get3A_7 : vector<1x1000x128xf32> to vector<1000x128xf32>
    %add3A = arith.addf %get3A_3, %get3A_8 : vector<1000x128xf32>
    %get3A_9 = arith.constant 0 : index
    %get3A_10 = arith.constant 0 : index
    %get3A_11 = vector.load %arg4[%get3A_9, %get3A_10] : memref<128x128xf32, #tpu.memory_space<vmem>>, vector<128x128xf32>
    %dot_general3A = arith.constant dense<0.000000e+00> : vector<1000x128xf32>
    %dot_general3A_12 = tpu.matmul %add3A, %get3A_11, %dot_general3A {dimension_numbers = #tpu.dot_dimension_numbers<[1], [0], [0], [1], [0, 0, 1, 1], [], []>, transpose_lhs_hint = false} : vector<1000x128xf32>, vector<128x128xf32>, vector<1000x128xf32> -> vector<1000x128xf32>
    %get3A_13 = arith.constant 0 : index
    %get3A_14 = arith.constant 0 : index
    %get3A_15 = vector.load %arg3[%get3A_13, %get3A_14] : memref<1000x1xf32, #tpu.memory_space<vmem>>, vector<1000x1xf32>
    %eq3A = arith.constant 0.000000e+00 : f32
    %eq3A_16 = vector.broadcast %eq3A : f32 to vector<1000x1xf32>
    %eq3A_17 = arith.cmpf oeq, %get3A_15, %eq3A_16 : vector<1000x1xf32>
    %jit3A = arith.constant 1.000000e+00 : f32
    %broadcast_in_dim3A = vector.broadcast %jit3A : f32 to vector<1000x1xf32>
    %select_n3A = arith.select %eq3A_17, %broadcast_in_dim3A, %get3A_15 : vector<1000x1xi1>, vector<1000x1xf32>
    %div3A = vector.broadcast %select_n3A : vector<1000x1xf32> to vector<1000x128xf32>
    %div3A_18 = arith.divf %dot_general3A_12, %div3A : vector<1000x128xf32>
    %get3A_19 = arith.constant 0 : index
    %get3A_20 = arith.constant 0 : index
    %get3A_21 = vector.load %arg2[%get3A_19, %get3A_20] : memref<1000x128xf32, #tpu.memory_space<vmem>>, vector<1000x128xf32>
    %get3A_22 = arith.constant 0 : index
    %get3A_23 = arith.constant 0 : index
    %get3A_24 = vector.load %arg5[%get3A_22, %get3A_23] : memref<128x128xf32, #tpu.memory_space<vmem>>, vector<128x128xf32>
    %dot_general3A_25 = arith.constant dense<0.000000e+00> : vector<1000x128xf32>
    %dot_general3A_26 = tpu.matmul %get3A_21, %get3A_24, %dot_general3A_25 {dimension_numbers = #tpu.dot_dimension_numbers<[1], [0], [0], [1], [0, 0, 1, 1], [], []>, transpose_lhs_hint = false} : vector<1000x128xf32>, vector<128x128xf32>, vector<1000x128xf32> -> vector<1000x128xf32>
    %get3A_27 = arith.constant 0 : index
    %get3A_28 = arith.constant 0 : index
    %get3A_29 = vector.load %arg6[%get3A_27, %get3A_28] : memref<128x128xf32, #tpu.memory_space<vmem>>, vector<128x128xf32>
    %dot_general3A_30 = arith.constant dense<0.000000e+00> : vector<1000x128xf32>
    %dot_general3A_31 = tpu.matmul %div3A_18, %get3A_29, %dot_general3A_30 {dimension_numbers = #tpu.dot_dimension_numbers<[1], [0], [0], [1], [0, 0, 1, 1], [], []>, transpose_lhs_hint = false} : vector<1000x128xf32>, vector<128x128xf32>, vector<1000x128xf32> -> vector<1000x128xf32>
    %add3A_32 = arith.addf %dot_general3A_26, %dot_general3A_31 : vector<1000x128xf32>
    %get3A_33 = arith.constant 0 : index
    %get3A_34 = arith.constant 0 : index
    %get3A_35 = vector.load %arg7[%get3A_33, %get3A_34] : memref<1x128xf32, #tpu.memory_space<vmem>>, vector<1x128xf32>
    %add3A_36 = vector.broadcast %get3A_35 : vector<1x128xf32> to vector<1000x128xf32>
    %add3A_37 = arith.addf %add3A_32, %add3A_36 : vector<1000x128xf32>
    %max3A = arith.constant 0.000000e+00 : f32
    %max3A_38 = vector.broadcast %max3A : f32 to vector<1000x128xf32>
    %max3A_39 = arith.maximumf %add3A_37, %max3A_38 : vector<1000x128xf32>
    %get3A_40 = arith.constant 0 : index
    %get3A_41 = arith.constant 0 : index
    %get3A_42 = vector.load %arg8[%get3A_40, %get3A_41] : memref<128x128xf32, #tpu.memory_space<vmem>>, vector<128x128xf32>
    %dot_general3A_43 = arith.constant dense<0.000000e+00> : vector<1000x128xf32>
    %dot_general3A_44 = tpu.matmul %max3A_39, %get3A_42, %dot_general3A_43 {dimension_numbers = #tpu.dot_dimension_numbers<[1], [0], [0], [1], [0, 0, 1, 1], [], []>, transpose_lhs_hint = false} : vector<1000x128xf32>, vector<128x128xf32>, vector<1000x128xf32> -> vector<1000x128xf32>
    %add3A_45 = arith.addf %get3A_21, %dot_general3A_44 : vector<1000x128xf32>
    %get3A_46 = arith.constant 0 : index
    %get3A_47 = arith.constant 0 : index
    %get3A_48 = vector.load %arg9[%get3A_46, %get3A_47] : memref<1x128xf32, #tpu.memory_space<vmem>>, vector<1x128xf32>
    %add3A_49 = vector.broadcast %get3A_48 : vector<1x128xf32> to vector<1000x128xf32>
    %add3A_50 = arith.addf %add3A_45, %add3A_49 : vector<1000x128xf32>
    %max3A_51 = arith.constant 0.000000e+00 : f32
    %max3A_52 = vector.broadcast %max3A_51 : f32 to vector<1000x128xf32>
    %max3A_53 = arith.maximumf %add3A_50, %max3A_52 : vector<1000x128xf32>
    %swap3A = arith.constant 0 : index
    %swap3A_54 = arith.constant 0 : index
    %swap3A_55 = vector.load %arg11[%swap3A, %swap3A_54] : memref<1000x128xf32, #tpu.memory_space<vmem>>, vector<1000x128xf32>
    tpu.vector_store %arg11[%swap3A, %swap3A_54], %max3A_53 {strides = array<i32>} : memref<1000x128xf32, #tpu.memory_space<vmem>>, vector<1000x128xf32>,
    %get3A_56 = arith.constant 0 : index
    %get3A_57 = arith.constant 0 : index
    %get3A_58 = vector.load %arg10[%get3A_56, %get3A_57] : memref<128x128xf32, #tpu.memory_space<vmem>>, vector<128x128xf32>
    %dot_general3A_59 = arith.constant dense<0.000000e+00> : vector<1000x128xf32>
    %dot_general3A_60 = tpu.matmul %max3A_53, %get3A_58, %dot_general3A_59 {dimension_numbers = #tpu.dot_dimension_numbers<[1], [0], [0], [1], [0, 0, 1, 1], [], []>, transpose_lhs_hint = false} : vector<1000x128xf32>, vector<128x128xf32>, vector<1000x128xf32> -> vector<1000x128xf32>
    %swap3A_61 = arith.constant 0 : index
    %swap3A_62 = arith.constant 0 : index
    %swap3A_63 = vector.load %arg12[%swap3A_61, %swap3A_62] : memref<1000x128xf32, #tpu.memory_space<vmem>>, vector<1000x128xf32>
    tpu.vector_store %arg12[%swap3A_61, %swap3A_62], %dot_general3A_60 {strides = array<i32>} : memref<1000x128xf32, #tpu.memory_space<vmem>>, vector<1000x128xf32>,
    return
  }
  func.func @transform_0(%arg0: i32) -> (i32, i32, i32) {
    %c0_i32 = arith.constant 0 : i32
    %c0_i32_0 = arith.constant 0 : i32
    %c0_i32_1 = arith.constant 0 : i32
    return %c0_i32, %arg0, %c0_i32_0 : i32, i32, i32
  }
  func.func @transform_1(%arg0: i32) -> (i32, i32) {
    %c0_i32 = arith.constant 0 : i32
    %c0_i32_0 = arith.constant 0 : i32
    return %arg0, %c0_i32 : i32, i32
  }
  func.func @transform_2(%arg0: i32) -> (i32, i32) {
    %c0_i32 = arith.constant 0 : i32
    %c0_i32_0 = arith.constant 0 : i32
    return %arg0, %c0_i32 : i32, i32
  }
  func.func @transform_3(%arg0: i32) -> (i32, i32) {
    %c0_i32 = arith.constant 0 : i32
    %c0_i32_0 = arith.constant 0 : i32
    %c0_i32_1 = arith.constant 0 : i32
    return %c0_i32, %c0_i32_0 : i32, i32
  }
  func.func @transform_4(%arg0: i32) -> (i32, i32) {
    %c0_i32 = arith.constant 0 : i32
    %c0_i32_0 = arith.constant 0 : i32
    %c0_i32_1 = arith.constant 0 : i32
    return %c0_i32, %c0_i32_0 : i32, i32
  }
  func.func @transform_5(%arg0: i32) -> (i32, i32) {
    %c0_i32 = arith.constant 0 : i32
    %c0_i32_0 = arith.constant 0 : i32
    %c0_i32_1 = arith.constant 0 : i32
    return %c0_i32, %c0_i32_0 : i32, i32
  }
  func.func @transform_6(%arg0: i32) -> (i32, i32) {
    %c0_i32 = arith.constant 0 : i32
    %c0_i32_0 = arith.constant 0 : i32
    %c0_i32_1 = arith.constant 0 : i32
    return %c0_i32, %c0_i32_0 : i32, i32
  }
  func.func @transform_7(%arg0: i32) -> (i32, i32) {
    %c0_i32 = arith.constant 0 : i32
    %c0_i32_0 = arith.constant 0 : i32
    %c0_i32_1 = arith.constant 0 : i32
    return %c0_i32, %c0_i32_0 : i32, i32
  }
  func.func @transform_8(%arg0: i32) -> (i32, i32) {
    %c0_i32 = arith.constant 0 : i32
    %c0_i32_0 = arith.constant 0 : i32
    %c0_i32_1 = arith.constant 0 : i32
    return %c0_i32, %c0_i32_0 : i32, i32
  }
  func.func @transform_9(%arg0: i32) -> (i32, i32) {
    %c0_i32 = arith.constant 0 : i32
    %c0_i32_0 = arith.constant 0 : i32
    %c0_i32_1 = arith.constant 0 : i32
    return %c0_i32, %c0_i32_0 : i32, i32
  }
  func.func @transform_10(%arg0: i32) -> (i32, i32) {
    %c0_i32 = arith.constant 0 : i32
    %c0_i32_0 = arith.constant 0 : i32
    return %arg0, %c0_i32 : i32, i32
  }
  func.func @transform_11(%arg0: i32) -> (i32, i32) {
    %c0_i32 = arith.constant 0 : i32
    %c0_i32_0 = arith.constant 0 : i32
    return %arg0, %c0_i32 : i32, i32
  }
}

module attributes {stable_mosaic.version = 14 : i64} {
  func.func @_upd_body_last(%arg0: i32, %arg1: memref<2x1000x128xf32, #tpu.memory_space<vmem>>, %arg2: memref<1000x128xf32, #tpu.memory_space<vmem>>, %arg3: memref<1000x1xf32, #tpu.memory_space<vmem>>, %arg4: memref<128x128xf32, #tpu.memory_space<vmem>>, %arg5: memref<128x128xf32, #tpu.memory_space<vmem>>, %arg6: memref<128x128xf32, #tpu.memory_space<vmem>>, %arg7: memref<1x128xf32, #tpu.memory_space<vmem>>, %arg8: memref<128x128xf32, #tpu.memory_space<vmem>>, %arg9: memref<1x128xf32, #tpu.memory_space<vmem>>, %arg10: memref<1000x128xf32, #tpu.memory_space<vmem>>) attributes {dimension_semantics = [#tpu.dimension_semantics<arbitrary>], iteration_bounds = array<i64: 10>, scalar_prefetch = 0 : i64, scratch_operands = 0 : i64, tpu.core_type = #tpu.core_type<tc>, window_params = [{transform_indices = @transform_0, window_bounds = array<i64: 2, 1000, 128>}, {transform_indices = @transform_1, window_bounds = array<i64: 1000, 128>}, {transform_indices = @transform_2, window_bounds = array<i64: 1000, 1>}, {pipeline_mode = #tpu.pipeline_mode<synchronous>, transform_indices = @transform_3, window_bounds = array<i64: 128, 128>}, {pipeline_mode = #tpu.pipeline_mode<synchronous>, transform_indices = @transform_4, window_bounds = array<i64: 128, 128>}, {pipeline_mode = #tpu.pipeline_mode<synchronous>, transform_indices = @transform_5, window_bounds = array<i64: 128, 128>}, {pipeline_mode = #tpu.pipeline_mode<synchronous>, transform_indices = @transform_6, window_bounds = array<i64: 1, 128>}, {pipeline_mode = #tpu.pipeline_mode<synchronous>, transform_indices = @transform_7, window_bounds = array<i64: 128, 128>}, {pipeline_mode = #tpu.pipeline_mode<synchronous>, transform_indices = @transform_8, window_bounds = array<i64: 1, 128>}, {transform_indices = @transform_9, window_bounds = array<i64: 1000, 128>}]} {
    %get3A = arith.constant 0 : index
    %get3A_0 = arith.constant 0 : index
    %get3A_1 = arith.constant 0 : index
    %get3A_2 = vector.load %arg1[%get3A, %get3A_0, %get3A_1] : memref<2x1000x128xf32, #tpu.memory_space<vmem>>, vector<1x1000x128xf32>
    %get3A_3 = vector.shape_cast %get3A_2 : vector<1x1000x128xf32> to vector<1000x128xf32>
    %get3A_4 = arith.constant 1 : index
    %get3A_5 = arith.constant 0 : index
    %get3A_6 = arith.constant 0 : index
    %get3A_7 = vector.load %arg1[%get3A_4, %get3A_5, %get3A_6] : memref<2x1000x128xf32, #tpu.memory_space<vmem>>, vector<1x1000x128xf32>
    %get3A_8 = vector.shape_cast %get3A_7 : vector<1x1000x128xf32> to vector<1000x128xf32>
    %add3A = arith.addf %get3A_3, %get3A_8 : vector<1000x128xf32>
    %get3A_9 = arith.constant 0 : index
    %get3A_10 = arith.constant 0 : index
    %get3A_11 = vector.load %arg4[%get3A_9, %get3A_10] : memref<128x128xf32, #tpu.memory_space<vmem>>, vector<128x128xf32>
    %dot_general3A = arith.constant dense<0.000000e+00> : vector<1000x128xf32>
    %dot_general3A_12 = tpu.matmul %add3A, %get3A_11, %dot_general3A {dimension_numbers = #tpu.dot_dimension_numbers<[1], [0], [0], [1], [0, 0, 1, 1], [], []>, transpose_lhs_hint = false} : vector<1000x128xf32>, vector<128x128xf32>, vector<1000x128xf32> -> vector<1000x128xf32>
    %get3A_13 = arith.constant 0 : index
    %get3A_14 = arith.constant 0 : index
    %get3A_15 = vector.load %arg3[%get3A_13, %get3A_14] : memref<1000x1xf32, #tpu.memory_space<vmem>>, vector<1000x1xf32>
    %eq3A = arith.constant 0.000000e+00 : f32
    %eq3A_16 = vector.broadcast %eq3A : f32 to vector<1000x1xf32>
    %eq3A_17 = arith.cmpf oeq, %get3A_15, %eq3A_16 : vector<1000x1xf32>
    %jit3A = arith.constant 1.000000e+00 : f32
    %broadcast_in_dim3A = vector.broadcast %jit3A : f32 to vector<1000x1xf32>
    %select_n3A = arith.select %eq3A_17, %broadcast_in_dim3A, %get3A_15 : vector<1000x1xi1>, vector<1000x1xf32>
    %div3A = vector.broadcast %select_n3A : vector<1000x1xf32> to vector<1000x128xf32>
    %div3A_18 = arith.divf %dot_general3A_12, %div3A : vector<1000x128xf32>
    %get3A_19 = arith.constant 0 : index
    %get3A_20 = arith.constant 0 : index
    %get3A_21 = vector.load %arg2[%get3A_19, %get3A_20] : memref<1000x128xf32, #tpu.memory_space<vmem>>, vector<1000x128xf32>
    %get3A_22 = arith.constant 0 : index
    %get3A_23 = arith.constant 0 : index
    %get3A_24 = vector.load %arg5[%get3A_22, %get3A_23] : memref<128x128xf32, #tpu.memory_space<vmem>>, vector<128x128xf32>
    %dot_general3A_25 = arith.constant dense<0.000000e+00> : vector<1000x128xf32>
    %dot_general3A_26 = tpu.matmul %get3A_21, %get3A_24, %dot_general3A_25 {dimension_numbers = #tpu.dot_dimension_numbers<[1], [0], [0], [1], [0, 0, 1, 1], [], []>, transpose_lhs_hint = false} : vector<1000x128xf32>, vector<128x128xf32>, vector<1000x128xf32> -> vector<1000x128xf32>
    %get3A_27 = arith.constant 0 : index
    %get3A_28 = arith.constant 0 : index
    %get3A_29 = vector.load %arg6[%get3A_27, %get3A_28] : memref<128x128xf32, #tpu.memory_space<vmem>>, vector<128x128xf32>
    %dot_general3A_30 = arith.constant dense<0.000000e+00> : vector<1000x128xf32>
    %dot_general3A_31 = tpu.matmul %div3A_18, %get3A_29, %dot_general3A_30 {dimension_numbers = #tpu.dot_dimension_numbers<[1], [0], [0], [1], [0, 0, 1, 1], [], []>, transpose_lhs_hint = false} : vector<1000x128xf32>, vector<128x128xf32>, vector<1000x128xf32> -> vector<1000x128xf32>
    %add3A_32 = arith.addf %dot_general3A_26, %dot_general3A_31 : vector<1000x128xf32>
    %get3A_33 = arith.constant 0 : index
    %get3A_34 = arith.constant 0 : index
    %get3A_35 = vector.load %arg7[%get3A_33, %get3A_34] : memref<1x128xf32, #tpu.memory_space<vmem>>, vector<1x128xf32>
    %add3A_36 = vector.broadcast %get3A_35 : vector<1x128xf32> to vector<1000x128xf32>
    %add3A_37 = arith.addf %add3A_32, %add3A_36 : vector<1000x128xf32>
    %max3A = arith.constant 0.000000e+00 : f32
    %max3A_38 = vector.broadcast %max3A : f32 to vector<1000x128xf32>
    %max3A_39 = arith.maximumf %add3A_37, %max3A_38 : vector<1000x128xf32>
    %get3A_40 = arith.constant 0 : index
    %get3A_41 = arith.constant 0 : index
    %get3A_42 = vector.load %arg8[%get3A_40, %get3A_41] : memref<128x128xf32, #tpu.memory_space<vmem>>, vector<128x128xf32>
    %dot_general3A_43 = arith.constant dense<0.000000e+00> : vector<1000x128xf32>
    %dot_general3A_44 = tpu.matmul %max3A_39, %get3A_42, %dot_general3A_43 {dimension_numbers = #tpu.dot_dimension_numbers<[1], [0], [0], [1], [0, 0, 1, 1], [], []>, transpose_lhs_hint = false} : vector<1000x128xf32>, vector<128x128xf32>, vector<1000x128xf32> -> vector<1000x128xf32>
    %add3A_45 = arith.addf %get3A_21, %dot_general3A_44 : vector<1000x128xf32>
    %get3A_46 = arith.constant 0 : index
    %get3A_47 = arith.constant 0 : index
    %get3A_48 = vector.load %arg9[%get3A_46, %get3A_47] : memref<1x128xf32, #tpu.memory_space<vmem>>, vector<1x128xf32>
    %add3A_49 = vector.broadcast %get3A_48 : vector<1x128xf32> to vector<1000x128xf32>
    %add3A_50 = arith.addf %add3A_45, %add3A_49 : vector<1000x128xf32>
    %max3A_51 = arith.constant 0.000000e+00 : f32
    %max3A_52 = vector.broadcast %max3A_51 : f32 to vector<1000x128xf32>
    %max3A_53 = arith.maximumf %add3A_50, %max3A_52 : vector<1000x128xf32>
    %swap3A = arith.constant 0 : index
    %swap3A_54 = arith.constant 0 : index
    %swap3A_55 = vector.load %arg10[%swap3A, %swap3A_54] : memref<1000x128xf32, #tpu.memory_space<vmem>>, vector<1000x128xf32>
    tpu.vector_store %arg10[%swap3A, %swap3A_54], %max3A_53 {strides = array<i32>} : memref<1000x128xf32, #tpu.memory_space<vmem>>, vector<1000x128xf32>,
    return
  }
  func.func @transform_0(%arg0: i32) -> (i32, i32, i32) {
    %c0_i32 = arith.constant 0 : i32
    %c0_i32_0 = arith.constant 0 : i32
    %c0_i32_1 = arith.constant 0 : i32
    return %c0_i32, %arg0, %c0_i32_0 : i32, i32, i32
  }
  func.func @transform_1(%arg0: i32) -> (i32, i32) {
    %c0_i32 = arith.constant 0 : i32
    %c0_i32_0 = arith.constant 0 : i32
    return %arg0, %c0_i32 : i32, i32
  }
  func.func @transform_2(%arg0: i32) -> (i32, i32) {
    %c0_i32 = arith.constant 0 : i32
    %c0_i32_0 = arith.constant 0 : i32
    return %arg0, %c0_i32 : i32, i32
  }
  func.func @transform_3(%arg0: i32) -> (i32, i32) {
    %c0_i32 = arith.constant 0 : i32
    %c0_i32_0 = arith.constant 0 : i32
    %c0_i32_1 = arith.constant 0 : i32
    return %c0_i32, %c0_i32_0 : i32, i32
  }
  func.func @transform_4(%arg0: i32) -> (i32, i32) {
    %c0_i32 = arith.constant 0 : i32
    %c0_i32_0 = arith.constant 0 : i32
    %c0_i32_1 = arith.constant 0 : i32
    return %c0_i32, %c0_i32_0 : i32, i32
  }
  func.func @transform_5(%arg0: i32) -> (i32, i32) {
    %c0_i32 = arith.constant 0 : i32
    %c0_i32_0 = arith.constant 0 : i32
    %c0_i32_1 = arith.constant 0 : i32
    return %c0_i32, %c0_i32_0 : i32, i32
  }
  func.func @transform_6(%arg0: i32) -> (i32, i32) {
    %c0_i32 = arith.constant 0 : i32
    %c0_i32_0 = arith.constant 0 : i32
    %c0_i32_1 = arith.constant 0 : i32
    return %c0_i32, %c0_i32_0 : i32, i32
  }
  func.func @transform_7(%arg0: i32) -> (i32, i32) {
    %c0_i32 = arith.constant 0 : i32
    %c0_i32_0 = arith.constant 0 : i32
    %c0_i32_1 = arith.constant 0 : i32
    return %c0_i32, %c0_i32_0 : i32, i32
  }
  func.func @transform_8(%arg0: i32) -> (i32, i32) {
    %c0_i32 = arith.constant 0 : i32
    %c0_i32_0 = arith.constant 0 : i32
    %c0_i32_1 = arith.constant 0 : i32
    return %c0_i32, %c0_i32_0 : i32, i32
  }
  func.func @transform_9(%arg0: i32) -> (i32, i32) {
    %c0_i32 = arith.constant 0 : i32
    %c0_i32_0 = arith.constant 0 : i32
    return %arg0, %c0_i32 : i32, i32
  }
}

module attributes {stable_mosaic.version = 14 : i64} {
  func.func @_pool_body(%arg0: i32, %arg1: memref<1000x128xf32, #tpu.memory_space<vmem>>, %arg2: memref<1000x1xi32, #tpu.memory_space<vmem>>, %arg3: memref<1000x1xi32, #tpu.memory_space<vmem>>, %arg4: memref<1x64xi32, #tpu.memory_space<vmem>>, %arg5: memref<128x64xf32, #tpu.memory_space<vmem>>, %arg6: memref<1x64xf32, #tpu.memory_space<vmem>>, %arg7: memref<64x1xf32, #tpu.memory_space<vmem>>, %arg8: memref<1x1xf32, #tpu.memory_space<vmem>>, %arg9: memref<64x1xf32, #tpu.memory_space<vmem>>, %arg10: memref<64x128xf32, #tpu.memory_space<vmem>>, %arg11: memref<64x1xf32, #tpu.memory_space<vmem>>) attributes {dimension_semantics = [#tpu.dimension_semantics<arbitrary>], iteration_bounds = array<i64: 10>, scalar_prefetch = 0 : i64, scratch_operands = 2 : i64, tpu.core_type = #tpu.core_type<tc>, window_params = [{transform_indices = @transform_0, window_bounds = array<i64: 1000, 128>}, {transform_indices = @transform_1, window_bounds = array<i64: 1000, 1>}, {transform_indices = @transform_2, window_bounds = array<i64: 1000, 1>}, {pipeline_mode = #tpu.pipeline_mode<synchronous>, transform_indices = @transform_3, window_bounds = array<i64: 1, 64>}, {pipeline_mode = #tpu.pipeline_mode<synchronous>, transform_indices = @transform_4, window_bounds = array<i64: 128, 64>}, {pipeline_mode = #tpu.pipeline_mode<synchronous>, transform_indices = @transform_5, window_bounds = array<i64: 1, 64>}, {pipeline_mode = #tpu.pipeline_mode<synchronous>, transform_indices = @transform_6, window_bounds = array<i64: 64, 1>}, {pipeline_mode = #tpu.pipeline_mode<synchronous>, transform_indices = @transform_7, window_bounds = array<i64: 1, 1>}, {pipeline_mode = #tpu.pipeline_mode<synchronous>, transform_indices = @transform_8, window_bounds = array<i64: 64, 1>}]} {
    %eq3A = arith.constant 0 : i32
    %eq3A_0 = arith.cmpi eq, %arg0, %eq3A : i32
    %convert_element_type3A = arith.extui %eq3A_0 : i1 to i32
    %cond3A = arith.constant 0 : i32
    %cond3A_1 = arith.cmpi ne, %convert_element_type3A, %cond3A : i32
    scf.if %cond3A_1 {
      %broadcast_in_dim3A_77 = arith.constant 0.000000e+00 : f32
      %broadcast_in_dim3A_78 = vector.broadcast %broadcast_in_dim3A_77 : f32 to vector<64x128xf32>
      %swap3A_79 = arith.constant 0 : index
      %swap3A_80 = arith.constant 0 : index
      %swap3A_81 = vector.load %arg10[%swap3A_79, %swap3A_80] : memref<64x128xf32, #tpu.memory_space<vmem>>, vector<64x128xf32>
      tpu.vector_store %arg10[%swap3A_79, %swap3A_80], %broadcast_in_dim3A_78 {strides = array<i32>} : memref<64x128xf32, #tpu.memory_space<vmem>>, vector<64x128xf32>,
      %broadcast_in_dim3A_82 = arith.constant 0.000000e+00 : f32
      %broadcast_in_dim3A_83 = vector.broadcast %broadcast_in_dim3A_82 : f32 to vector<64x1xf32>
      %swap3A_84 = arith.constant 0 : index
      %swap3A_85 = arith.constant 0 : index
      %swap3A_86 = vector.load %arg11[%swap3A_84, %swap3A_85] : memref<64x1xf32, #tpu.memory_space<vmem>>, vector<64x1xf32>
      tpu.vector_store %arg11[%swap3A_84, %swap3A_85], %broadcast_in_dim3A_83 {strides = array<i32>} : memref<64x1xf32, #tpu.memory_space<vmem>>, vector<64x1xf32>,
    } else {
    }
    %iota3A = tpu.iota {dimensions = array<i32: 1>} : vector<1000x64xi32>
    %get3A = arith.constant 0 : index
    %get3A_2 = arith.constant 0 : index
    %get3A_3 = vector.load %arg2[%get3A, %get3A_2] : memref<1000x1xi32, #tpu.memory_space<vmem>>, vector<1000x1xi32>
    %eq3A_4 = vector.broadcast %get3A_3 : vector<1000x1xi32> to vector<1000x64xi32>
    %eq3A_5 = arith.cmpi eq, %eq3A_4, %iota3A : vector<1000x64xi32>
    %get3A_6 = arith.constant 0 : index
    %get3A_7 = arith.constant 0 : index
    %get3A_8 = vector.load %arg3[%get3A_6, %get3A_7] : memref<1000x1xi32, #tpu.memory_space<vmem>>, vector<1000x1xi32>
    %get3A_9 = arith.constant 0 : index
    %get3A_10 = arith.constant 0 : index
    %get3A_11 = vector.load %arg4[%get3A_9, %get3A_10] : memref<1x64xi32, #tpu.memory_space<vmem>>, vector<1x64xi32>
    %ge3A = vector.broadcast %get3A_8 : vector<1000x1xi32> to vector<1000x64xi32>
    %ge3A_12 = vector.broadcast %get3A_11 : vector<1x64xi32> to vector<1000x64xi32>
    %ge3A_13 = arith.cmpi sge, %ge3A, %ge3A_12 : vector<1000x64xi32>
    %and3A = arith.andi %eq3A_5, %ge3A_13 : vector<1000x64xi1>
    %jit3A = arith.constant 1.000000e+00 : f32
    %jit3A_14 = arith.constant 0.000000e+00 : f32
    %broadcast_in_dim3A = vector.broadcast %jit3A : f32 to vector<1000x64xf32>
    %broadcast_in_dim3A_15 = vector.broadcast %jit3A_14 : f32 to vector<1000x64xf32>
    %select_n3A = arith.select %and3A, %broadcast_in_dim3A, %broadcast_in_dim3A_15 : vector<1000x64xi1>, vector<1000x64xf32>
    %get3A_16 = arith.constant 0 : index
    %get3A_17 = arith.constant 0 : index
    %get3A_18 = vector.load %arg10[%get3A_16, %get3A_17] : memref<64x128xf32, #tpu.memory_space<vmem>>, vector<64x128xf32>
    %get3A_19 = arith.constant 0 : index
    %get3A_20 = arith.constant 0 : index
    %get3A_21 = vector.load %arg1[%get3A_19, %get3A_20] : memref<1000x128xf32, #tpu.memory_space<vmem>>, vector<1000x128xf32>
    %dot_general3A = arith.constant dense<0.000000e+00> : vector<64x128xf32>
    %dot_general3A_22 = tpu.matmul %select_n3A, %get3A_21, %dot_general3A {dimension_numbers = #tpu.dot_dimension_numbers<[0], [0], [1], [1], [0, 1, 1, 1], [], []>, transpose_lhs_hint = false} : vector<1000x64xf32>, vector<1000x128xf32>, vector<64x128xf32> -> vector<64x128xf32>
    %add3A = arith.addf %get3A_18, %dot_general3A_22 : vector<64x128xf32>
    %swap3A = arith.constant 0 : index
    %swap3A_23 = arith.constant 0 : index
    %swap3A_24 = vector.load %arg10[%swap3A, %swap3A_23] : memref<64x128xf32, #tpu.memory_space<vmem>>, vector<64x128xf32>
    tpu.vector_store %arg10[%swap3A, %swap3A_23], %add3A {strides = array<i32>} : memref<64x128xf32, #tpu.memory_space<vmem>>, vector<64x128xf32>,
    %get3A_25 = arith.constant 0 : index
    %get3A_26 = arith.constant 0 : index
    %get3A_27 = vector.load %arg11[%get3A_25, %get3A_26] : memref<64x1xf32, #tpu.memory_space<vmem>>, vector<64x1xf32>
    %broadcast_in_dim3A_28 = arith.constant 1.000000e+00 : f32
    %broadcast_in_dim3A_29 = vector.broadcast %broadcast_in_dim3A_28 : f32 to vector<1000x1xf32>
    %dot_general3A_30 = arith.constant dense<0.000000e+00> : vector<64x1xf32>
    %dot_general3A_31 = tpu.matmul %select_n3A, %broadcast_in_dim3A_29, %dot_general3A_30 {dimension_numbers = #tpu.dot_dimension_numbers<[0], [0], [1], [1], [0, 1, 1, 1], [], []>, transpose_lhs_hint = false} : vector<1000x64xf32>, vector<1000x1xf32>, vector<64x1xf32> -> vector<64x1xf32>
    %add3A_32 = arith.addf %get3A_27, %dot_general3A_31 : vector<64x1xf32>
    %swap3A_33 = arith.constant 0 : index
    %swap3A_34 = arith.constant 0 : index
    %swap3A_35 = vector.load %arg11[%swap3A_33, %swap3A_34] : memref<64x1xf32, #tpu.memory_space<vmem>>, vector<64x1xf32>
    tpu.vector_store %arg11[%swap3A_33, %swap3A_34], %add3A_32 {strides = array<i32>} : memref<64x1xf32, #tpu.memory_space<vmem>>, vector<64x1xf32>,
    %get3A_36 = arith.constant 0 : index
    %get3A_37 = arith.constant 0 : index
    %get3A_38 = vector.load %arg11[%get3A_36, %get3A_37] : memref<64x1xf32, #tpu.memory_space<vmem>>, vector<64x1xf32>
    %eq3A_39 = arith.constant 0.000000e+00 : f32
    %eq3A_40 = vector.broadcast %eq3A_39 : f32 to vector<64x1xf32>
    %eq3A_41 = arith.cmpf oeq, %get3A_38, %eq3A_40 : vector<64x1xf32>
    %get3A_42 = arith.constant 0 : index
    %get3A_43 = arith.constant 0 : index
    %get3A_44 = vector.load %arg11[%get3A_42, %get3A_43] : memref<64x1xf32, #tpu.memory_space<vmem>>, vector<64x1xf32>
    %jit3A_45 = arith.constant 1.000000e+00 : f32
    %broadcast_in_dim3A_46 = vector.broadcast %jit3A_45 : f32 to vector<64x1xf32>
    %select_n3A_47 = arith.select %eq3A_41, %broadcast_in_dim3A_46, %get3A_44 : vector<64x1xi1>, vector<64x1xf32>
    %get3A_48 = arith.constant 0 : index
    %get3A_49 = arith.constant 0 : index
    %get3A_50 = vector.load %arg10[%get3A_48, %get3A_49] : memref<64x128xf32, #tpu.memory_space<vmem>>, vector<64x128xf32>
    %div3A = vector.broadcast %select_n3A_47 : vector<64x1xf32> to vector<64x128xf32>
    %div3A_51 = arith.divf %get3A_50, %div3A : vector<64x128xf32>
    %get3A_52 = arith.constant 0 : index
    %get3A_53 = arith.constant 0 : index
    %get3A_54 = vector.load %arg5[%get3A_52, %get3A_53] : memref<128x64xf32, #tpu.memory_space<vmem>>, vector<128x64xf32>
    %dot_general3A_55 = arith.constant dense<0.000000e+00> : vector<64x64xf32>
    %dot_general3A_56 = tpu.matmul %div3A_51, %get3A_54, %dot_general3A_55 {dimension_numbers = #tpu.dot_dimension_numbers<[1], [0], [0], [1], [0, 0, 1, 1], [], []>, transpose_lhs_hint = false} : vector<64x128xf32>, vector<128x64xf32>, vector<64x64xf32> -> vector<64x64xf32>
    %get3A_57 = arith.constant 0 : index
    %get3A_58 = arith.constant 0 : index
    %get3A_59 = vector.load %arg6[%get3A_57, %get3A_58] : memref<1x64xf32, #tpu.memory_space<vmem>>, vector<1x64xf32>
    %add3A_60 = vector.broadcast %get3A_59 : vector<1x64xf32> to vector<64x64xf32>
    %add3A_61 = arith.addf %dot_general3A_56, %add3A_60 : vector<64x64xf32>
    %max3A = arith.constant 0.000000e+00 : f32
    %max3A_62 = vector.broadcast %max3A : f32 to vector<64x64xf32>
    %max3A_63 = arith.maximumf %add3A_61, %max3A_62 : vector<64x64xf32>
    %get3A_64 = arith.constant 0 : index
    %get3A_65 = arith.constant 0 : index
    %get3A_66 = vector.load %arg7[%get3A_64, %get3A_65] : memref<64x1xf32, #tpu.memory_space<vmem>>, vector<64x1xf32>
    %dot_general3A_67 = arith.constant dense<0.000000e+00> : vector<64x1xf32>
    %dot_general3A_68 = tpu.matmul %max3A_63, %get3A_66, %dot_general3A_67 {dimension_numbers = #tpu.dot_dimension_numbers<[1], [0], [0], [1], [0, 0, 1, 1], [], []>, transpose_lhs_hint = false} : vector<64x64xf32>, vector<64x1xf32>, vector<64x1xf32> -> vector<64x1xf32>
    %get3A_69 = arith.constant 0 : index
    %get3A_70 = arith.constant 0 : index
    %get3A_71 = vector.load %arg8[%get3A_69, %get3A_70] : memref<1x1xf32, #tpu.memory_space<vmem>>, vector<1x1xf32>
    %add3A_72 = vector.broadcast %get3A_71 : vector<1x1xf32> to vector<64x1xf32>
    %add3A_73 = arith.addf %dot_general3A_68, %add3A_72 : vector<64x1xf32>
    %swap3A_74 = arith.constant 0 : index
    %swap3A_75 = arith.constant 0 : index
    %swap3A_76 = vector.load %arg9[%swap3A_74, %swap3A_75] : memref<64x1xf32, #tpu.memory_space<vmem>>, vector<64x1xf32>
    tpu.vector_store %arg9[%swap3A_74, %swap3A_75], %add3A_73 {strides = array<i32>} : memref<64x1xf32, #tpu.memory_space<vmem>>, vector<64x1xf32>,
    return
  }
  func.func @transform_0(%arg0: i32) -> (i32, i32) {
    %c0_i32 = arith.constant 0 : i32
    %c0_i32_0 = arith.constant 0 : i32
    return %arg0, %c0_i32 : i32, i32
  }
  func.func @transform_1(%arg0: i32) -> (i32, i32) {
    %c0_i32 = arith.constant 0 : i32
    %c0_i32_0 = arith.constant 0 : i32
    return %arg0, %c0_i32 : i32, i32
  }
  func.func @transform_2(%arg0: i32) -> (i32, i32) {
    %c0_i32 = arith.constant 0 : i32
    %c0_i32_0 = arith.constant 0 : i32
    return %arg0, %c0_i32 : i32, i32
  }
  func.func @transform_3(%arg0: i32) -> (i32, i32) {
    %c0_i32 = arith.constant 0 : i32
    %c0_i32_0 = arith.constant 0 : i32
    %c0_i32_1 = arith.constant 0 : i32
    return %c0_i32, %c0_i32_0 : i32, i32
  }
  func.func @transform_4(%arg0: i32) -> (i32, i32) {
    %c0_i32 = arith.constant 0 : i32
    %c0_i32_0 = arith.constant 0 : i32
    %c0_i32_1 = arith.constant 0 : i32
    return %c0_i32, %c0_i32_0 : i32, i32
  }
  func.func @transform_5(%arg0: i32) -> (i32, i32) {
    %c0_i32 = arith.constant 0 : i32
    %c0_i32_0 = arith.constant 0 : i32
    %c0_i32_1 = arith.constant 0 : i32
    return %c0_i32, %c0_i32_0 : i32, i32
  }
  func.func @transform_6(%arg0: i32) -> (i32, i32) {
    %c0_i32 = arith.constant 0 : i32
    %c0_i32_0 = arith.constant 0 : i32
    %c0_i32_1 = arith.constant 0 : i32
    return %c0_i32, %c0_i32_0 : i32, i32
  }
  func.func @transform_7(%arg0: i32) -> (i32, i32) {
    %c0_i32 = arith.constant 0 : i32
    %c0_i32_0 = arith.constant 0 : i32
    %c0_i32_1 = arith.constant 0 : i32
    return %c0_i32, %c0_i32_0 : i32, i32
  }
  func.func @transform_8(%arg0: i32) -> (i32, i32) {
    %c0_i32 = arith.constant 0 : i32
    %c0_i32_0 = arith.constant 0 : i32
    %c0_i32_1 = arith.constant 0 : i32
    return %c0_i32, %c0_i32_0 : i32, i32
  }
}

</mosaic_0001>

<sc_bundles>
// kernel: kernel.10.cloned.1.call-start
scs
__scs_entry_jumppad:
0x0: {  	(pc) =	sbr.rel $0x88, $3  }
0x1: {  	(tag) =	ssettag $0x0;
	lr =	simm.s32 $0x1  }
0x2: {  	[smem:$0x3F85] =	sst lr;
	_ =	strace $0xD0000000  }
0x3: {  	_ = 	snop  }
0x4: {  	_ = 	snop  }
0x5: {  	_ = 	snop  }
0x6: {  	_ = 	snop  }
0x7: {  	_ = 	snop  }
__scs_overlays_trampoline_lowered:
0x8: {  	[smem:$0x3F94] =	sst s0  }
0x9: {  	[smem:$0x3F95] =	sst s1  }
0xa: {  	[smem:$0x3F96] =	sst s2  }
0xb: {  	[smem:$0x3F97] =	sst s3  }
0xc: {  	[smem:$0x3F98] =	sst s4  }
0xd: {  	[smem:$0x3F99] =	sst s5  }
0xe: {  	[smem:$0x3F9A] =	sst s6  }
0xf: {  	[smem:$0x3F9B] =	sst s7  }
0x10: {  	[smem:$0x3F9C] =	sst s8  }
0x11: {  	[smem:$0x3F9D] =	sst s9;
	s0 =	simm.s32 @!p0 $0x0  }
0x12: {  	s1 =	sld [smem:$0x3F83];
	s0 =	simm.s32 @p0 $0x1  }
0x13: {  	[smem:$0x3F9E] =	sst s0;
	s0 =	simm.s32 @!p1 $0x0  }
0x14: {  	s2 =	sld [smem:$0x3F82];
	s0 =	simm.s32 @p1 $0x1  }
0x15: {  	[smem:$0x3F9F] =	sst s0;
	s0 =	simm.s32 @!p2 $0x0  }
0x16: {  	s3 =	sld [smem:$0x3FDB];
	s0 =	simm.s32 @p2 $0x1  }
0x17: {  	s4 =	simm.s32 $0x1BF5;
	[smem:$0x3FA1] =	sst s0  }
0x18: {  	s0 =	sld [smem:$0x3F84];
	_ =	swait.ge [sflag:s4], $0x0  }
0x19: {  	s7 =	sld [smem:$0x3F85]  }
0x1a: {  	s8 =	sadd.s32 $0xFFFFE003, lr  }
0x1b: {  	s9 =	sadd.s32 $0xFFFFFEF7, lr;
	s5 =	simm.s32 $0xFFFFFFFF;
	p2 =	slt.u32 s8, $0xFFFFF086  }
0x1c: {  	p1 =	slt.u32 s9, $0xF7A;
	s5 =	simm.s32 @!p2 $0x0  }
0x1d: {  	s5 =	simm.s32 @p1 $0x1;
	p0 =	seq.s32 s7, s2  }
0x1e: {  	s7 =	smul.u32 @!p0 $0xF7A, s2;
	p2 =	seq.s32 @!p0 s5, $0x0  }
0x1f: {  	s9 =	smul.u32 $0xF7A, s1;
	s8 =	simm.s32 @!p0 $0x1BF5;
	p2 =	por !p2, p0  }
0x20: {  	[sflag:s8] =	ssyncset.s32 @!p0 $0xFFFFF086;
	s6 =	sadd.s32 @!p0 s3, s7;
	s7 =	simm.s32 @!p0 $0x108  }
0x21: {  	s3 =	sadd.s32 s3, s9;
	s6 =	sadd.s32 @!p0 $0x88, s6;
	s7 =	simm.s32 @p2 $0x1082  }
0x22: {  	[simem:s7], [sflag:s8] =	dma.local @!p0 [hbm:s6], $0xF7A  }
0x23: {  	s9 =	sor.u32 $0xD0000000, s2;
	s6 =	simm.s32 $0x108;
	_ =	swait.ge @!p0 [sflag:s8], $0x0  }
0x24: {  	s3 =	sadd.s32 $0x88, s3;
	s6 =	simm.s32 @!p1 $0x1082;
	[sflag:s4] =	ssyncset.s32 $0xFFFFF086  }
0x25: {  	[simem:s6], [sflag:s4] =	dma.local [hbm:s3], $0xF7A  }
0x26: {  	[smem:$0x3F85] =	sst s1;
	(tag) =	ssettag s2;
	_ =	strace s9  }
0x27: {  	s1 =	sld [smem:$0x3F95]  }
0x28: {  	s2 =	sld [smem:$0x3F96]  }
0x29: {  	s4 =	sld [smem:$0x3F98]  }
0x2a: {  	p0 =	seq.s32 s5, $0x0;
	s5 =	sld [smem:$0x3F99]  }
0x2b: {  	s6 =	sld [smem:$0x3F9A]  }
0x2c: {  	s7 =	sld [smem:$0x3F9B]  }
0x2d: {  	s3 =	simm.s32 $0x108;
	s8 =	sld [smem:$0x3F9C]  }
0x2e: {  	s3 =	simm.s32 @!p0 $0x1082;
	s9 =	sld [smem:$0x3F9D]  }
0x2f: {  	lr =	sadd.s32 s0, s3;
	s0 =	sld [smem:$0x3F94]  }
0x30: {  	s3 =	sld [smem:$0x3F97]  }
0x31: {  	[smem:$0x3FA0] =	sst s10  }
0x32: {  	s10 =	sld [smem:$0x3F9E];
	_ =	sdelay $0x3  }
0x33: {  	p0 =	seq.s32 s10, $0x1;
	s10 =	sld [smem:$0x3FA0];
	_ =	sdelay $0x3  }
0x34: {  	[smem:$0x3FA0] =	sst s10  }
0x35: {  	s10 =	sld [smem:$0x3F9F];
	_ =	sdelay $0x3  }
0x36: {  	p1 =	seq.s32 s10, $0x1;
	s10 =	sld [smem:$0x3FA0];
	_ =	sdelay $0x3  }
0x37: {  	[smem:$0x3FA0] =	sst s10  }
0x38: {  	s10 =	sld [smem:$0x3FA1]  }
0x39: {  	_ = 	snop;
	(pc) =	sbr.ind lr, $3  }
0x3a: {  	_ = 	snop  }
0x3b: {  	_ = 	snop  }
0x3c: {  	p2 =	seq.s32 s10, $0x1;
	s10 =	sld [smem:$0x3FA0]  }
0x3d: {  	_ =	shalt  }
0x3e: {  	_ =	shalt  }
0x3f: {  	_ =	shalt  }
0x40: {  	_ =	shalt  }
0x41: {  	_ =	shalt  }
0x42: {  	_ =	shalt  }
0x43: {  	_ =	shalt  }
0x44: {  	_ =	shalt  }
0x45: {  	_ =	shalt  }
0x46: {  	_ =	shalt  }
0x47: {  	_ =	shalt  }
0x48: {  	_ =	shalt  }
0x49: {  	_ =	shalt  }
0x4a: {  	_ =	shalt  }
0x4b: {  	_ =	shalt  }
0x4c: {  	_ =	shalt  }
0x4d: {  	_ =	shalt  }
0x4e: {  	_ =	shalt  }
0x4f: {  	_ =	shalt  }
0x50: {  	_ =	shalt  }
0x51: {  	_ =	shalt  }
0x52: {  	_ =	shalt  }
0x53: {  	_ =	shalt  }
0x54: {  	_ =	shalt  }
0x55: {  	_ =	shalt  }
0x56: {  	_ =	shalt  }
0x57: {  	_ =	shalt  }
0x58: {  	_ =	shalt  }
0x59: {  	_ =	shalt  }
0x5a: {  	_ =	shalt  }
0x5b: {  	_ =	shalt  }
0x5c: {  	_ =	shalt  }
0x5d: {  	_ =	shalt  }
0x5e: {  	_ =	shalt  }
0x5f: {  	_ =	shalt  }
0x60: {  	_ =	shalt  }
0x61: {  	_ =	shalt  }
0x62: {  	_ =	shalt  }
0x63: {  	_ =	shalt  }
0x64: {  	_ =	shalt  }
0x65: {  	_ =	shalt  }
0x66: {  	_ =	shalt  }
0x67: {  	_ =	shalt  }
0x68: {  	_ =	shalt  }
0x69: {  	_ =	shalt  }
0x6a: {  	_ =	shalt  }
0x6b: {  	_ =	shalt  }
0x6c: {  	_ =	shalt  }
0x6d: {  	_ =	shalt  }
0x6e: {  	_ =	shalt  }
0x6f: {  	_ =	shalt  }
0x70: {  	_ =	shalt  }
0x71: {  	_ =	shalt  }
0x72: {  	_ =	shalt  }
0x73: {  	_ =	shalt  }
0x74: {  	_ =	shalt  }
0x75: {  	_ =	shalt  }
0x76: {  	_ =	shalt  }
0x77: {  	_ =	shalt  }
0x78: {  	_ =	shalt  }
0x79: {  	_ =	shalt  }
0x7a: {  	_ =	shalt  }
0x7b: {  	_ =	shalt  }
0x7c: {  	_ =	shalt  }
0x7d: {  	_ =	shalt  }
0x7e: {  	_ =	shalt  }
0x7f: {  	_ =	shalt  }
0x80: {  	_ =	shalt  }
0x81: {  	_ =	shalt  }
0x82: {  	_ =	shalt  }
0x83: {  	_ =	shalt  }
0x84: {  	_ =	shalt  }
0x85: {  	_ =	shalt  }
0x86: {  	_ =	shalt  }
0x87: {  	_ =	shalt  }
.Lfunc_end0:
.L_simem_size_0:
called_computation_lowered:
.L_overlay_start_0:
0x88: {  	s2 =	sld [smem:$0x3FD9]  }
0x89: {  	s3 =	sld [smem:$0x3FFE];
	_ =	sdelay $0x1  }
0x8a: {  	s1 =	srdreg.scid  }
0x8b: {  	s0 =	sand.u32 $0x1, s1  }
0x8c: {  	s16 =	sshll.u32 s0, $0xA;
	s2 =	sadd.s32 s3, s2  }
0x8d: {  	s2 =	sadd.s32 s2, s16  }
0x8e: {  	[smem:$0x3FAC] =	sst s2  }
0x8f: {  	_ = 	snop  }
0x90: {  	(tm) =	ssettm $0x1  }
0x91: {  	s17 =	sld [smem:$0x3FFB];
	_ =	sdelay $0x3  }
0x92: {  	_ =	strace s17  }
0x93: {  	s2 =	sld [smem:$0x3FFC];
	_ =	sdelay $0x3  }
0x94: {  	_ =	strace s2  }
0x95: {  	s2 =	sld [smem:$0x3FFD];
	_ =	sdelay $0x3  }
0x96: {  	_ =	strace s2  }
0x97: {  	_ =	strace $0x8FFFFFFF  }
0x98: {  	s18 =	sld [smem:$0x3FDB];
	_ =	sdelay $0x1  }
0x99: {  	s19 =	simm.s32 $_scs_section_size  }
0x9a: {  	s4 =	simm.s32 $_size__tile_overlayer_lowered;
	s5 =	simm.s32 $_tile_overlayer_lowered  }
0x9b: {  	s22 =	simm.s32 $0x1BFF;
	s21 =	sshll.u32 s5, $0x1;
	s2 =	sadd.s32 s19, s18  }
0x9c: {  	s6 =	simm.s32 $0x0;
	s20 =	sshll.u32 s4, $0x1;
	s4 =	sadd.s32 s21, s2  }
0x9d: {  	[timem:s6], [sflag:s22] =	dma.local [hbm:s4], s20  }
0x9e: {  	_ =	swait.ge [sflag:s22], s20  }
0x9f: {  	s3 =	ssub.s32 $0x0, s20;
	[sflag:s22] =	ssyncset.done $0x0  }
0xa0: {  	[sflag:s22] =	ssyncadd.s32 s3;
	_ =	sdelay $0x1  }
0xa1: {  	s23 =	simm.s32 $0x1B8B  }
0xa2: {  	_ =	swait.ge [sflag:s23], $0x1  }
0xa3: {  	[sflag:s23] =	ssyncset.done $0x0  }
0xa4: {  	s25 =	simm.s32 $0x1B8E;
	s24 =	sld [smem:$0x3FFE];
	[sflag:s23] =	ssyncadd.s32 $0xFFFFFFFF  }
0xa5: {  	s26 =	simm.s32 $execute0_lowered;
	[smem:$0x3FD2] =	sst s25  }
0xa6: {  	s4 =	sshll.u32 s26, $0x1;
	_ =	strace $0x80000046;
	[dreg:$0x1] =	wrdreg $0xFFFFFFFF  }
0xa7: {  	s28 =	simm.s32 $_size_execute0_lowered;
	s2 =	sadd.s32 s2, s4;
	[dreg:$0x0] =	wrdreg $0x0  }
0xa8: {  	s4 =	sshll.u32 s28, $0x1;
	[dreg:$0x2] =	wrdreg s2  }
0xa9: {  	[dreg:$0x3] =	wrdreg s4  }
0xaa: {  	[dreg:$0x4] =	wrdreg $0xC0  }
0xab: {  	_ =	task [dreg:s6], $0x5FFFF  }
0xac: {  	[dreg:$0x1] =	wrdreg $0xFFFFFFFF  }
0xad: {  	[dreg:$0x0] =	wrdreg $0x60  }
0xae: {  	[dreg:$0x2] =	wrdreg s24  }
0xaf: {  	[dreg:$0x3] =	wrdreg $0x7A000  }
0xb0: {  	[dreg:$0x4] =	wrdreg $0x9  }
0xb1: {  	_ =	task.clear_ibuf [dreg:s6], $0x5FFFF;
	_ =	strace $0x90000046  }
0xb2: {  	s29 =	simm.s32 $0x9;
	_ =	strace $0x80000048  }
0xb3: {  	_ =	swait.ge [sflag:s29], $0x1  }
0xb4: {  	[sflag:s29] =	ssyncadd.s32 $0xFFFFFFFF  }
0xb5: {  	_ =	strace $0x90000048  }
0xb6: {  	_ =	sfence  }
0xb7: {  	s30 =	sld [smem:$0x0];
	_ =	sdelay $0x2  }
0xb8: {  	s31 =	sshll.u32 s1, $0xD;
	s1 =	sshrl.u32 s1, $0x2  }
0xb9: {  	s3 =	sand.u32 $0x4000, s31;
	s1 =	sadd.s32 s1, s30  }
0xba: {  	s0 =	sor.u32 s3, s0;
	s1 =	sshll.u32 s1, $0x11  }
0xbb: {  	s0 =	sor.u32 s1, s0  }
0xbc: {  	s0 =	sadd.s32 $0x8F2B, s0  }
0xbd: {  	[sflag:s0] =	ssyncadd.remote.s32 $0x1  }
0xbe: {  	_ =	sfence.sel $0xFFFF  }
0xbf: {  	[dreg:$0x0] =	wrdreg $0xFFFFFFFF;
	(pc) =	sbr.abs _section_cstart, $3  }
0xc0: {  	[dreg:$0x1] =	wrdreg $0xFFFFFFFF  }
0xc1: {  	_ =	task.clear_ibuf [dreg:s6], $0x2FFFF;
	_ =	strace $0x9FFFFFFF  }
0xc2: {  	(tm) =	ssettm $0x7FFFFFFF  }
0xc3: {  	_ =	shalt  }
tec
execute0_lowered:
.L_overlay_start_1:
0x0: {  	(tag) =	ssettag $0x1  }
0x1: {  	s0 =	rddreg [dreg:$0x0]  }
0x2: {  	s1 =	rddreg [dreg:$0x1];
	s2 =	simm.s32 $0x0  }
0x3: {  	s3 =	srdreg.scid;
	s9 =	stileid.u32;
	s28 =	simm.s32 $0x100  }
0x4: {  	s29 =	simm.s32 $0x180;
	s30 =	simm.s32 $0x3;
	s31 =	simm.s32 $0x4  }
0x5: {  	[smem:$0x7FF] =	sst s2;
	s7 =	sand.u32 $0x1, s3;
	s3 =	sadd.s32 $0xA2A400, s0  }
0x6: {  	s4 =	sadd.s32 $0x9DC000, s0;
	s5 =	sadd.s32 $0x9D2200, s0;
	s10 =	smul.u32 $0xA000, s9  }
0x7: {  	s6 =	sadd.s32 $0x9C8400, s0;
	p1 =	sgt.u32 s9, $0xC;
	s8 =	smul.u32 $0x27100, s7  }
0x8: {  	s17 =	ssub.s32 $0x2, s7;
	s7 =	sshll.u32 s7, $0x4;
	s10 =	sshrl.u32 s10, $0x2  }
0x9: {  	p0 =	sne.s32 s9, $0x0;
	s18 =	sor.u32 s9, s7;
	s7 =	sadd.s32 s10, s1  }
0xa: {  	_ =	strace $0x80000047;
	s11 =	sshrl.u32 s17, $0x1;
	s12 =	sadd.s32 $0x28000, s7  }
0xb: {  	s9 =	simm.s32 $0x5;
	s20 =	sadd.s32 $0x50000, s7;
	[dreg:$0x3] =	wrdreg s12  }
0xc: {  	s0 =	sadd.s32 s8, s0;
	s21 =	sadd.s32 $0x78000, s7;
	[dreg:$0x4] =	wrdreg s20  }
0xd: {  	s8 =	ssub.s32 s17, s11;
	s22 =	sadd.s32 $0xA0000, s7;
	[dreg:$0x5] =	wrdreg s21  }
0xe: {  	s19 =	smul.u32 $0x2710, s18;
	s23 =	sadd.s32 $0xC8000, s7;
	[dreg:$0x6] =	wrdreg s22  }
0xf: {  	s11 =	smul.u32 $0x27100, s18;
	s24 =	sadd.s32 $0xF0000, s7;
	[dreg:$0x7] =	wrdreg s23  }
0x10: {  	s10 =	simm.s32 $0x1;
	s13 =	sadd.s32 $0x118000, s7;
	[dreg:$0x8] =	wrdreg s24  }
0x11: {  	s0 =	sadd.s32 $0xF0C400, s0;
	s25 =	sshrl.u32 s19, $0x3;
	[dreg:$0x9] =	wrdreg s13  }
0x12: {  	s11 =	sadd.s32 s3, s11;
	s18 =	sadd.s32 $0xA0, s19;
	[dreg:$0xd] =	wrdreg s0  }
0x13: {  	s20 =	smax.u32 s8, $0x1;
	s21 =	sadd.s32 $0x50, s19;
	s22 =	simm.s32 $0x2A00  }
0x14: {  	s23 =	simm.s32 $0x6;
	s24 =	simm.s32 $0x80;
	s0 =	simm.s32 $0x2  }
0x15: {  	s8 =	simm.s32 $0x5200;
	s26 =	sadd.s32 s5, s25;
	[dreg:$0xc] =	wrdreg s11  }
0x16: {  	s12 =	sadd.s32 s6, s25;
	s25 =	simm.s32 $0x200;
	[dreg:$0xa] =	wrdreg s26  }
0x17: {  	v0 =	vimm.f32 $0.0e+00;
	s11 =	simm.s32 $0x0;
	[dreg:$0xb] =	wrdreg s12;
	s26 =	simm.s32 $0x50  }
.LBB2_1:
0x18: {  	s12 =	simm.s32 $0x2B00  }
0x19: {  	[tilespmem:s12+$0xFFFFFF00] =	vst v0  }
0x1a: {  	[tilespmem:s12+$0xF0] =	vst v0  }
0x1b: {  	[tilespmem:s12+$0xE0] =	vst v0  }
0x1c: {  	[tilespmem:s12+$0xD0] =	vst v0  }
0x1d: {  	[tilespmem:s12+$0xC0] =	vst v0  }
0x1e: {  	[tilespmem:s12+$0xB0] =	vst v0  }
0x1f: {  	[tilespmem:s12+$0xA0] =	vst v0  }
0x20: {  	[tilespmem:s12+$0x90] =	vst v0  }
0x21: {  	[tilespmem:s12+$0x80] =	vst v0  }
0x22: {  	[tilespmem:s12+$0x70] =	vst v0  }
0x23: {  	[tilespmem:s12+$0x60] =	vst v0  }
0x24: {  	[tilespmem:s12+$0x50] =	vst v0  }
0x25: {  	[tilespmem:s12+$0x40] =	vst v0  }
0x26: {  	[tilespmem:s12+$0x30] =	vst v0  }
0x27: {  	[tilespmem:s12+$0x20] =	vst v0  }
0x28: {  	[tilespmem:s12+$0x10] =	vst v0  }
0x29: {  	[tilespmem:s12+$0x0] =	vst v0  }
0x2a: {  	[tilespmem:s12+$0xFFFFFFF0] =	vst v0  }
0x2b: {  	[tilespmem:s12+$0xFFFFFFE0] =	vst v0  }
0x2c: {  	[tilespmem:s12+$0xFFFFFFD0] =	vst v0  }
0x2d: {  	[tilespmem:s12+$0xFFFFFFC0] =	vst v0  }
0x2e: {  	[tilespmem:s12+$0xFFFFFFB0] =	vst v0  }
0x2f: {  	[tilespmem:s12+$0xFFFFFFA0] =	vst v0  }
0x30: {  	[tilespmem:s12+$0xFFFFFF90] =	vst v0  }
0x31: {  	[tilespmem:s12+$0xFFFFFF80] =	vst v0  }
0x32: {  	[tilespmem:s12+$0xFFFFFF70] =	vst v0  }
0x33: {  	[tilespmem:s12+$0xFFFFFF60] =	vst v0  }
0x34: {  	[tilespmem:s12+$0xFFFFFF50] =	vst v0  }
0x35: {  	[tilespmem:s12+$0xFFFFFF40] =	vst v0  }
0x36: {  	[tilespmem:s12+$0xFFFFFF30] =	vst v0  }
0x37: {  	s13 =	simm.s32 $0x0;
	[tilespmem:s12+$0xFFFFFF20] =	vst v0  }
.LBB2_2:
0x38: {  	s13 =	sadd.s32 $0x4, s13;
	[tilespmem:s12+$0xFFFFFF10] =	vst v0;
	s12 =	sadd.s32 $0x200, s12  }
0x39: {  	[tilespmem:s12+$0xFFFFFF00] =	vst v0;
	p2 =	slt.u32 s13, $0x4C  }
0x3a: {  	[tilespmem:s12+$0xF0] =	vst v0  }
0x3b: {  	[tilespmem:s12+$0xE0] =	vst v0  }
0x3c: {  	[tilespmem:s12+$0xD0] =	vst v0  }
0x3d: {  	[tilespmem:s12+$0xC0] =	vst v0  }
0x3e: {  	[tilespmem:s12+$0xB0] =	vst v0  }
0x3f: {  	[tilespmem:s12+$0xA0] =	vst v0  }
0x40: {  	[tilespmem:s12+$0x90] =	vst v0  }
0x41: {  	[tilespmem:s12+$0x80] =	vst v0  }
0x42: {  	[tilespmem:s12+$0x70] =	vst v0  }
0x43: {  	[tilespmem:s12+$0x60] =	vst v0  }
0x44: {  	[tilespmem:s12+$0x50] =	vst v0  }
0x45: {  	[tilespmem:s12+$0x40] =	vst v0  }
0x46: {  	[tilespmem:s12+$0x30] =	vst v0  }
0x47: {  	[tilespmem:s12+$0x20] =	vst v0  }
0x48: {  	[tilespmem:s12+$0x10] =	vst v0  }
0x49: {  	[tilespmem:s12+$0x0] =	vst v0  }
0x4a: {  	[tilespmem:s12+$0xFFFFFFF0] =	vst v0  }
0x4b: {  	[tilespmem:s12+$0xFFFFFFE0] =	vst v0  }
0x4c: {  	[tilespmem:s12+$0xFFFFFFD0] =	vst v0  }
0x4d: {  	[tilespmem:s12+$0xFFFFFFC0] =	vst v0  }
0x4e: {  	[tilespmem:s12+$0xFFFFFFB0] =	vst v0  }
0x4f: {  	[tilespmem:s12+$0xFFFFFFA0] =	vst v0  }
0x50: {  	[tilespmem:s12+$0xFFFFFF90] =	vst v0  }
0x51: {  	[tilespmem:s12+$0xFFFFFF80] =	vst v0  }
0x52: {  	[tilespmem:s12+$0xFFFFFF70] =	vst v0  }
.Ltmp0:
0x53: {  	[tilespmem:s12+$0xFFFFFF60] =	vst v0;
	(pc) =	sbr.rel @p2 .LBB2_2-.Ltmp0, $4  }
0x54: {  	[tilespmem:s12+$0xFFFFFF50] =	vst v0  }
0x55: {  	[tilespmem:s12+$0xFFFFFF40] =	vst v0  }
0x56: {  	[tilespmem:s12+$0xFFFFFF30] =	vst v0  }
0x57: {  	[tilespmem:s12+$0xFFFFFF20] =	vst v0  }
0x58: {  	[tilespmem:s12+$0xFFFFFF10] =	vst v0  }
0x59: {  	[spmem:s7] =	stream.linear.scatter [tilespmem:s22], [sflag:$0x6], $0x2800, $0x38;
	[tilespmem:$0x1B280] =	vst v63  }
0x5a: {  	_ =	swait.ge [sflag:s23], $0x2800  }
0x5b: {  	[sflag:s23] =	ssyncset.done $0x0  }
0x5c: {  	s16 =	rddreg [dreg:$0x3];
	[sflag:s23] =	ssyncadd.s32 $0xFFFFD800  }
0x5d: {  	[spmem:s16] =	stream.linear.scatter [tilespmem:s22], [sflag:$0x6], $0x2800, $0x38;
	[tilespmem:$0x1B280] =	vst v63  }
0x5e: {  	_ =	swait.ge [sflag:s23], $0x2800  }
0x5f: {  	[sflag:s23] =	ssyncset.done $0x0  }
0x60: {  	s17 =	rddreg [dreg:$0x4];
	[sflag:s23] =	ssyncadd.s32 $0xFFFFD800  }
0x61: {  	[spmem:s17] =	stream.linear.scatter [tilespmem:s22], [sflag:$0x6], $0x2800, $0x38;
	[tilespmem:$0x1B280] =	vst v63  }
0x62: {  	_ =	swait.ge [sflag:s23], $0x2800  }
0x63: {  	[sflag:s23] =	ssyncset.done $0x0  }
0x64: {  	s19 =	rddreg [dreg:$0x5];
	[sflag:s23] =	ssyncadd.s32 $0xFFFFD800  }
0x65: {  	[spmem:s19] =	stream.linear.scatter [tilespmem:s22], [sflag:$0x6], $0x2800, $0x38;
	[tilespmem:$0x1B280] =	vst v63  }
0x66: {  	_ =	swait.ge [sflag:s23], $0x2800  }
0x67: {  	[sflag:s23] =	ssyncset.done $0x0  }
0x68: {  	s13 =	rddreg [dreg:$0x6];
	[sflag:s23] =	ssyncadd.s32 $0xFFFFD800  }
0x69: {  	[spmem:s13] =	stream.linear.scatter [tilespmem:s22], [sflag:$0x6], $0x2800, $0x38;
	[tilespmem:$0x1B280] =	vst v63  }
0x6a: {  	_ =	swait.ge [sflag:s23], $0x2800  }
0x6b: {  	[sflag:s23] =	ssyncset.done $0x0  }
0x6c: {  	s14 =	rddreg [dreg:$0x7];
	[sflag:s23] =	ssyncadd.s32 $0xFFFFD800  }
0x6d: {  	[spmem:s14] =	stream.linear.scatter [tilespmem:s22], [sflag:$0x6], $0x2800, $0x38;
	[tilespmem:$0x1B280] =	vst v63  }
0x6e: {  	_ =	swait.ge [sflag:s23], $0x2800  }
0x6f: {  	[sflag:s23] =	ssyncset.done $0x0  }
0x70: {  	s15 =	rddreg [dreg:$0x8];
	[sflag:s23] =	ssyncadd.s32 $0xFFFFD800  }
0x71: {  	[spmem:s15] =	stream.linear.scatter [tilespmem:s22], [sflag:$0x6], $0x2800, $0x38;
	[tilespmem:$0x1B280] =	vst v63  }
0x72: {  	_ =	swait.ge [sflag:s23], $0x2800  }
0x73: {  	[sflag:s23] =	ssyncset.done $0x0  }
0x74: {  	s12 =	simm.s32 @!p1 $0x2A00;
	s13 =	rddreg [dreg:$0x9];
	[sflag:s23] =	ssyncadd.s32 $0xFFFFD800  }
0x75: {  	[spmem:s13] =	stream.linear.scatter @!p1 [tilespmem:s12], [sflag:$0x6], $0x2800, $0x38;
	[tilespmem:$0x1B280] =	vst v63  }
0x76: {  	s12 =	simm.s32 @!p1 $0x6  }
0x77: {  	_ =	swait.ge @!p1 [sflag:s12], $0x2800  }
0x78: {  	[sflag:s12] =	ssyncset.done @!p1 $0x0  }
0x79: {  	[sflag:s12] =	ssyncadd.s32 @!p1 $0xFFFFD800  }
0x7a: {  	[bflag:$0x0] =	sbarrier.arrive $0xFFFF  }
0x7b: {  	s12 =	simm.s32 $0x0;
	s16 =	rddreg [dreg:$0xa]  }
0x7c: {  	[tilespmem:s12], [sflag:$0x6] =	stream.linear.gather [hbm4b:s16+s12], $0x50, $0x38;
	[tilespmem:$0x1B280] =	vst v63  }
0x7d: {  	_ =	swait.ge [sflag:s23], $0x50  }
0x7e: {  	[sflag:s23] =	ssyncset.done $0x0  }
0x7f: {  	s17 =	rddreg [dreg:$0xb];
	[sflag:s23] =	ssyncadd.s32 $0xFFFFFFB0  }
0x80: {  	[tilespmem:s24], [sflag:$0x6] =	stream.linear.gather [hbm4b:s17+s12], $0x50, $0x38;
	[tilespmem:$0x1B280] =	vst v63  }
0x81: {  	_ =	swait.ge [sflag:s23], $0x50  }
0x82: {  	[sflag:s23] =	ssyncset.done $0x0  }
0x83: {  	s19 =	rddreg [dreg:$0xc];
	[sflag:s23] =	ssyncadd.s32 $0xFFFFFFB0  }
0x84: {  	[tilespmem:s25], [sflag:$0x3] =	stream.linear.gather [hbm4b:s19+s12], $0x2800, $0x38;
	[tilespmem:$0x1B280] =	vst v63  }
0x85: {  	_ = 	snop  }
0x86: {  	[tilespmem:s22], [sflag:$0x4] =	stream.indirect.gather [hbm4b:s4+s26], $0x80, s12, s26, $0xb8;
	[tilespmem:$0x1B280] =	vst v63  }
.LBB2_4:
0x87: {  	s13 =	smul.u32 $0xA0, s12;
	_ =	sdelay $0x1  }
0x88: {  	s14 =	sadd.s32 s21, s13  }
0x89: {  	s15 =	sshrl.u32 s14, $0x3  }
0x8a: {  	s16 =	sadd.s32 s5, s15  }
0x8b: {  	[tilespmem:s28], [sflag:$0x2] =	stream.linear.gather [hbm4b:s16+s2], $0x50, $0x38;
	[tilespmem:$0x1B280] =	vst v63  }
0x8c: {  	s15 =	sadd.s32 s6, s15  }
0x8d: {  	[tilespmem:s29], [sflag:$0x2] =	stream.linear.gather [hbm4b:s15+s2], $0x50, $0x38;
	[tilespmem:$0x1B280] =	vst v63  }
0x8e: {  	_ =	swait.ge [sflag:s30], $0x2800  }
0x8f: {  	[sflag:s30] =	ssyncset.done $0x0  }
0x90: {  	[sflag:s30] =	ssyncadd.s32 $0xFFFFD800  }
0x91: {  	_ =	swait.ge [sflag:s31], $0x2800  }
0x92: {  	[sflag:s31] =	ssyncset.done $0x0  }
0x93: {  	s15 =	simm.s32 $0x2C00;
	[sflag:s31] =	ssyncadd.s32 $0xFFFFD800  }
0x94: {  	s16 =	simm.s32 $0x400;
	v1 =	vld [tilespmem:s15+$0x180]  }
0x95: {  	v2 =	vld [tilespmem:s16+$0x180]  }
0x96: {  	v3 =	vld [tilespmem:s15+$0xFFFFFE80]  }
0x97: {  	v5 =	vld [tilespmem:s16+$0xFFFFFE80]  }
0x98: {  	v6 =	vld [tilespmem:s15+$0xFFFFFF00]  }
0x99: {  	v7 =	vld [tilespmem:s16+$0xFFFFFF00]  }
0x9a: {  	v8 =	vld [tilespmem:s15+$0xFFFFFF80]  }
0x9b: {  	v9 =	vld [tilespmem:s16+$0xFFFFFF80]  }
0x9c: {  	v10 =	vld [tilespmem:s16+$0x0]  }
0x9d: {  	v11 =	vld [tilespmem:s15+$0x80]  }
0x9e: {  	v44 =	vld [tilespmem:s15+$0xFFFFFE90]  }
0x9f: {  	v13 =	vld [tilespmem:s15+$0xFFFFFF10]  }
0xa0: {  	v14 =	vld [tilespmem:s15+$0x90]  }
0xa1: {  	v45 =	vld [tilespmem:s15+$0x110]  }
0xa2: {  	v46 =	vld [tilespmem:s15+$0xFFFFFF20]  }
0xa3: {  	v47 =	vld [tilespmem:s15+$0xFFFFFFA0]  }
0xa4: {  	v48 =	vld [tilespmem:s15+$0xA0]  }
0xa5: {  	v49 =	vld [tilespmem:s15+$0xFFFFFF30];
	v1 =	vadd.f32 v2, v1  }
0xa6: {  	v50 =	vld [tilespmem:s15+$0xFFFFFFB0]  }
0xa7: {  	v51 =	vld [tilespmem:s15+$0x30];
	v1 =	vmax.f32 v1, $0.0e+00  }
0xa8: {  	[tilespmem:s15+$0x180] =	vst v1;
	v1 =	vld [tilespmem:s15+$0x190]  }
0xa9: {  	v4 =	vld [tilespmem:s16+$0x190]  }
0xaa: {  	v52 =	vld [tilespmem:s15+$0xFFFFFE40]  }
0xab: {  	v54 =	vld [tilespmem:s15+$0xFFFFFFC0]  }
0xac: {  	v55 =	vld [tilespmem:s15+$0xC0]  }
0xad: {  	v56 =	vld [tilespmem:s15+$0xFFFFFE50]  }
0xae: {  	v57 =	vld [tilespmem:s15+$0xFFFFFFD0];
	v1 =	vadd.f32 v4, v1  }
0xaf: {  	v58 =	vld [tilespmem:s15+$0xD0]  }
0xb0: {  	v2 =	vld [tilespmem:s16+$0xFFFFFE00];
	v1 =	vmax.f32 v1, $0.0e+00  }
0xb1: {  	[tilespmem:s15+$0x190] =	vst v1;
	v1 =	vld [tilespmem:s15+$0x1A0]  }
0xb2: {  	v12 =	vld [tilespmem:s16+$0x1A0]  }
0xb3: {  	v3 =	vadd.f32 v5, v3;
	v5 =	vld [tilespmem:s16+$0x80]  }
0xb4: {  	v8 =	vadd.f32 v9, v8;
	v9 =	vld [tilespmem:s15+$0xFFFFFE00]  }
0xb5: {  	v6 =	vadd.f32 v7, v6;
	v7 =	vld [tilespmem:s15+$0x100]  }
0xb6: {  	v3 =	vmax.f32 v3, $0.0e+00;
	v4 =	vld [tilespmem:s15+$0x0]  }
0xb7: {  	[tilespmem:s15+$0xFFFFFE80] =	vst v3;
	v3 =	vmax.f32 v6, $0.0e+00;
	v6 =	vld [tilespmem:s16+$0x100];
	v1 =	vadd.f32 v12, v1  }
0xb8: {  	[tilespmem:s15+$0xFFFFFF00] =	vst v3;
	v3 =	vmax.f32 v8, $0.0e+00;
	v8 =	vld [tilespmem:s16+$0xFFFFFE90];
	v5 =	vadd.f32 v5, v11  }
0xb9: {  	v2 =	vadd.f32 v2, v9;
	v11 =	vld [tilespmem:s15+$0xFFFFFE10];
	v1 =	vmax.f32 v1, $0.0e+00  }
0xba: {  	[tilespmem:s15+$0x1A0] =	vst v1;
	v1 =	vmax.f32 v5, $0.0e+00;
	v5 =	vld [tilespmem:s15+$0x1B0]  }
0xbb: {  	v4 =	vadd.f32 v10, v4;
	[tilespmem:s15+$0x80] =	vst v1;
	v1 =	vmax.f32 v2, $0.0e+00;
	v2 =	vld [tilespmem:s16+$0x1B0]  }
0xbc: {  	[tilespmem:s15+$0xFFFFFF80] =	vst v3;
	v6 =	vadd.f32 v6, v7;
	v7 =	vld [tilespmem:s15+$0x10]  }
0xbd: {  	v3 =	vmax.f32 v4, $0.0e+00;
	v4 =	vld [tilespmem:s16+$0xFFFFFF10];
	[tilespmem:s15+$0xFFFFFE00] =	vst v1  }
0xbe: {  	v1 =	vld [tilespmem:s16+$0xFFFFFE10]  }
0xbf: {  	[tilespmem:s15+$0x0] =	vst v3;
	v3 =	vld [tilespmem:s16+$0xFFFFFF90]  }
0xc0: {  	v9 =	vld [tilespmem:s16+$0x10];
	v2 =	vadd.f32 v2, v5  }
0xc1: {  	v5 =	vld [tilespmem:s15+$0xFFFFFF90]  }
0xc2: {  	v10 =	vld [tilespmem:s16+$0x90];
	v2 =	vmax.f32 v2, $0.0e+00  }
0xc3: {  	v1 =	vadd.f32 v1, v11;
	[tilespmem:s15+$0x1B0] =	vst v2;
	v2 =	vmax.f32 v6, $0.0e+00;
	v6 =	vld [tilespmem:s15+$0x1C0]  }
0xc4: {  	[tilespmem:s15+$0x100] =	vst v2;
	v2 =	vadd.f32 v8, v44;
	v8 =	vld [tilespmem:s16+$0x1C0]  }
0xc5: {  	v4 =	vadd.f32 v4, v13;
	v1 =	vmax.f32 v1, $0.0e+00;
	v11 =	vld [tilespmem:s16+$0x110]  }
0xc6: {  	v59 =	vld [tilespmem:s15+$0xFFFFFE60];
	[tilespmem:s15+$0xFFFFFE10] =	vst v1;
	v1 =	vmax.f32 v2, $0.0e+00;
	v2 =	vadd.f32 v3, v5  }
0xc7: {  	v60 =	vld [tilespmem:s15+$0xFFFFFFE0];
	[tilespmem:s15+$0xFFFFFE90] =	vst v1;
	v1 =	vmax.f32 v4, $0.0e+00;
	v4 =	vadd.f32 v9, v7  }
0xc8: {  	v61 =	vld [tilespmem:s15+$0xE0];
	[tilespmem:s15+$0xFFFFFF10] =	vst v1;
	v1 =	vmax.f32 v2, $0.0e+00;
	v2 =	vadd.f32 v10, v14  }
0xc9: {  	v3 =	vld [tilespmem:s16+$0xFFFFFE20];
	[tilespmem:s15+$0xFFFFFF90] =	vst v1;
	v1 =	vmax.f32 v4, $0.0e+00;
	v4 =	vadd.f32 v8, v6  }
0xca: {  	v5 =	vld [tilespmem:s16+$0xFFFFFEA0];
	[tilespmem:s15+$0x10] =	vst v1;
	v1 =	vmax.f32 v2, $0.0e+00;
	v2 =	vadd.f32 v11, v45  }
0xcb: {  	v10 =	vld [tilespmem:s15+$0xFFFFFE20];
	[tilespmem:s15+$0x90] =	vst v1;
	v1 =	vmax.f32 v4, $0.0e+00  }
0xcc: {  	[tilespmem:s15+$0x1C0] =	vst v1;
	v1 =	vmax.f32 v2, $0.0e+00;
	v2 =	vld [tilespmem:s15+$0x1D0]  }
0xcd: {  	[tilespmem:s15+$0x110] =	vst v1;
	v1 =	vld [tilespmem:s16+$0x1D0]  }
0xce: {  	v7 =	vld [tilespmem:s16+$0xFFFFFF20]  }
0xcf: {  	v6 =	vld [tilespmem:s16+$0xFFFFFFA0]  }
0xd0: {  	v11 =	vld [tilespmem:s15+$0xFFFFFEA0]  }
0xd1: {  	v8 =	vld [tilespmem:s16+$0x20];
	v3 =	vadd.f32 v3, v10  }
0xd2: {  	v4 =	vld [tilespmem:s16+$0xA0];
	v1 =	vadd.f32 v1, v2  }
0xd3: {  	v10 =	vld [tilespmem:s15+$0x120];
	v3 =	vmax.f32 v3, $0.0e+00  }
0xd4: {  	[tilespmem:s15+$0xFFFFFE20] =	vst v3;
	v2 =	vld [tilespmem:s15+$0x20];
	v1 =	vmax.f32 v1, $0.0e+00  }
0xd5: {  	v9 =	vld [tilespmem:s16+$0x120];
	[tilespmem:s15+$0x1D0] =	vst v1;
	v1 =	vadd.f32 v5, v11  }
0xd6: {  	v7 =	vadd.f32 v7, v46;
	v3 =	vadd.f32 v6, v47;
	v6 =	vld [tilespmem:s16+$0xFFFFFE30]  }
0xd7: {  	v5 =	vld [tilespmem:s15+$0x1E0];
	v1 =	vmax.f32 v1, $0.0e+00  }
0xd8: {  	v11 =	vld [tilespmem:s16+$0x1E0];
	[tilespmem:s15+$0xFFFFFEA0] =	vst v1;
	v1 =	vmax.f32 v7, $0.0e+00  }
0xd9: {  	v2 =	vadd.f32 v8, v2;
	v7 =	vld [tilespmem:s16+$0xFFFFFEB0];
	[tilespmem:s15+$0xFFFFFF20] =	vst v1  }
0xda: {  	v1 =	vmax.f32 v3, $0.0e+00;
	v3 =	vadd.f32 v4, v48;
	v4 =	vld [tilespmem:s16+$0xFFFFFF30]  }
0xdb: {  	[tilespmem:s15+$0xFFFFFFA0] =	vst v1;
	v1 =	vmax.f32 v2, $0.0e+00;
	v2 =	vadd.f32 v9, v10;
	v10 =	vld [tilespmem:s15+$0xFFFFFE30]  }
0xdc: {  	v8 =	vld [tilespmem:s16+$0xFFFFFFB0]  }
0xdd: {  	[tilespmem:s15+$0x20] =	vst v1;
	v1 =	vmax.f32 v3, $0.0e+00;
	v3 =	vadd.f32 v11, v5;
	v11 =	vld [tilespmem:s15+$0xFFFFFEB0]  }
0xde: {  	v5 =	vld [tilespmem:s16+$0x30];
	[tilespmem:s15+$0xA0] =	vst v1;
	v1 =	vmax.f32 v2, $0.0e+00  }
0xdf: {  	v9 =	vld [tilespmem:s16+$0xB0];
	[tilespmem:s15+$0x120] =	vst v1  }
0xe0: {  	v1 =	vmax.f32 v3, $0.0e+00;
	v3 =	vld [tilespmem:s16+$0x130]  }
0xe1: {  	[tilespmem:s15+$0x1E0] =	vst v1;
	v1 =	vld [tilespmem:s15+$0x1F0]  }
0xe2: {  	v2 =	vld [tilespmem:s16+$0x1F0];
	v6 =	vadd.f32 v6, v10  }
0xe3: {  	v10 =	vld [tilespmem:s15+$0xB0];
	v7 =	vadd.f32 v7, v11  }
0xe4: {  	v4 =	vadd.f32 v4, v49;
	v11 =	vld [tilespmem:s15+$0x130];
	v6 =	vmax.f32 v6, $0.0e+00  }
0xe5: {  	[tilespmem:s15+$0xFFFFFE30] =	vst v6;
	v6 =	vmax.f32 v7, $0.0e+00;
	v7 =	vld [tilespmem:s15+$0xFFFFFEC0]  }
0xe6: {  	v8 =	vadd.f32 v8, v50;
	v4 =	vmax.f32 v4, $0.0e+00;
	v53 =	vld [tilespmem:s16+$0xFFFFFE40];
	[tilespmem:s15+$0xFFFFFEB0] =	vst v6  }
0xe7: {  	v5 =	vadd.f32 v5, v51;
	[tilespmem:s15+$0xFFFFFF30] =	vst v4;
	v6 =	vld [tilespmem:s16+$0xFFFFFEC0]  }
0xe8: {  	v4 =	vmax.f32 v8, $0.0e+00;
	v8 =	vadd.f32 v9, v10;
	v9 =	vld [tilespmem:s16+$0xFFFFFF40]  }
0xe9: {  	[tilespmem:s15+$0xFFFFFFB0] =	vst v4;
	v4 =	vmax.f32 v5, $0.0e+00;
	v10 =	vld [tilespmem:s15+$0xFFFFFF40]  }
0xea: {  	v5 =	vld [tilespmem:s16+$0xFFFFFFC0];
	[tilespmem:s15+$0x30] =	vst v4;
	v3 =	vadd.f32 v3, v11;
	v4 =	vmax.f32 v8, $0.0e+00  }
0xeb: {  	v8 =	vld [tilespmem:s16+$0x40];
	[tilespmem:s15+$0xB0] =	vst v4  }
0xec: {  	v3 =	vmax.f32 v3, $0.0e+00;
	v4 =	vld [tilespmem:s16+$0xC0];
	v11 =	vadd.f32 v53, v52  }
0xed: {  	[tilespmem:s15+$0x130] =	vst v3;
	v6 =	vadd.f32 v6, v7;
	v7 =	vld [tilespmem:s15+$0x40]  }
0xee: {  	v3 =	vld [tilespmem:s16+$0x140];
	v9 =	vadd.f32 v9, v10;
	v11 =	vmax.f32 v11, $0.0e+00  }
0xef: {  	[tilespmem:s15+$0xFFFFFE40] =	vst v11;
	v6 =	vmax.f32 v6, $0.0e+00;
	v11 =	vld [tilespmem:s15+$0x140]  }
0xf0: {  	v5 =	vadd.f32 v5, v54;
	v9 =	vmax.f32 v9, $0.0e+00;
	[tilespmem:s15+$0xFFFFFEC0] =	vst v6;
	v6 =	vld [tilespmem:s16+$0xFFFFFE50]  }
0xf1: {  	[tilespmem:s15+$0xFFFFFF40] =	vst v9;
	v10 =	vld [tilespmem:s16+$0xFFFFFED0]  }
0xf2: {  	v5 =	vmax.f32 v5, $0.0e+00;
	v4 =	vadd.f32 v4, v55;
	v9 =	vld [tilespmem:s16+$0xFFFFFF50];
	v7 =	vadd.f32 v8, v7  }
0xf3: {  	[tilespmem:s15+$0xFFFFFFC0] =	vst v5;
	v8 =	vld [tilespmem:s15+$0xFFFFFED0]  }
0xf4: {  	v4 =	vmax.f32 v4, $0.0e+00;
	v5 =	vmax.f32 v7, $0.0e+00;
	v7 =	vld [tilespmem:s16+$0xFFFFFFD0]  }
0xf5: {  	v3 =	vadd.f32 v3, v11;
	[tilespmem:s15+$0xC0] =	vst v4;
	v11 =	vld [tilespmem:s15+$0xFFFFFF50]  }
0xf6: {  	[tilespmem:s15+$0x40] =	vst v5;
	v4 =	vld [tilespmem:s16+$0xD0]  }
0xf7: {  	v6 =	vadd.f32 v6, v56;
	v5 =	vld [tilespmem:s16+$0x50];
	v3 =	vmax.f32 v3, $0.0e+00  }
0xf8: {  	[tilespmem:s15+$0x140] =	vst v3;
	v8 =	vadd.f32 v10, v8;
	v10 =	vld [tilespmem:s15+$0x50]  }
0xf9: {  	v6 =	vmax.f32 v6, $0.0e+00;
	v3 =	vld [tilespmem:s16+$0x150]  }
0xfa: {  	[tilespmem:s15+$0xFFFFFE50] =	vst v6;
	v6 =	vmax.f32 v8, $0.0e+00;
	v8 =	vld [tilespmem:s15+$0x150];
	v9 =	vadd.f32 v9, v11  }
0xfb: {  	v7 =	vadd.f32 v7, v57;
	[tilespmem:s15+$0xFFFFFED0] =	vst v6;
	v6 =	vld [tilespmem:s16+$0xFFFFFE60]  }
0xfc: {  	v4 =	vadd.f32 v4, v58;
	v11 =	vld [tilespmem:s16+$0xFFFFFEE0];
	v9 =	vmax.f32 v9, $0.0e+00  }
0xfd: {  	v7 =	vmax.f32 v7, $0.0e+00;
	v5 =	vadd.f32 v5, v10;
	v10 =	vld [tilespmem:s15+$0xFFFFFEE0];
	[tilespmem:s15+$0xFFFFFF50] =	vst v9  }
0xfe: {  	[tilespmem:s15+$0xFFFFFFD0] =	vst v7;
	v4 =	vmax.f32 v4, $0.0e+00;
	v9 =	vld [tilespmem:s16+$0xFFFFFF60]  }
0xff: {  	v7 =	vld [tilespmem:s16+$0xFFFFFFE0];
	[tilespmem:s15+$0xD0] =	vst v4;
	v5 =	vmax.f32 v5, $0.0e+00;
	v3 =	vadd.f32 v3, v8  }
0x100: {  	v4 =	vld [tilespmem:s16+$0xE0];
	[tilespmem:s15+$0x50] =	vst v5  }
0x101: {  	v5 =	vld [tilespmem:s16+$0x60];
	v3 =	vmax.f32 v3, $0.0e+00  }
0x102: {  	v6 =	vadd.f32 v6, v59;
	[tilespmem:s15+$0x150] =	vst v3;
	v3 =	vld [tilespmem:s15+$0xFFFFFF60]  }
0x103: {  	v10 =	vadd.f32 v11, v10;
	v11 =	vld [tilespmem:s15+$0x60]  }
0x104: {  	v6 =	vmax.f32 v6, $0.0e+00;
	v8 =	vld [tilespmem:s16+$0x160]  }
0x105: {  	[tilespmem:s15+$0xFFFFFE60] =	vst v6;
	v6 =	vmax.f32 v10, $0.0e+00;
	v10 =	vld [tilespmem:s15+$0x160]  }
0x106: {  	v62 =	vld [tilespmem:s16+$0xFFFFFE70];
	[tilespmem:s15+$0xFFFFFEE0] =	vst v6;
	v6 =	vadd.f32 v7, v60  }
0x107: {  	v7 =	vld [tilespmem:s15+$0xFFFFFE70]  }
0x108: {  	v3 =	vadd.f32 v9, v3;
	v9 =	vld [tilespmem:s16+$0xFFFFFEF0];
	v6 =	vmax.f32 v6, $0.0e+00  }
0x109: {  	v5 =	vadd.f32 v5, v11;
	v11 =	vld [tilespmem:s15+$0xFFFFFEF0];
	[tilespmem:s15+$0xFFFFFFE0] =	vst v6  }
0x10a: {  	v63 =	vadd.f32 v4, v61;
	v3 =	vmax.f32 v3, $0.0e+00;
	v4 =	vld [tilespmem:s16+$0xFFFFFFF0]  }
0x10b: {  	v5 =	vmax.f32 v5, $0.0e+00;
	v6 =	vadd.f32 v8, v10;
	v10 =	vld [tilespmem:s15+$0xFFFFFFF0];
	[tilespmem:s15+$0xFFFFFF60] =	vst v3  }
0x10c: {  	v8 =	vmax.f32 v63, $0.0e+00;
	[tilespmem:s15+$0x60] =	vst v5;
	v3 =	vld [tilespmem:s16+$0xFFFFFF70]  }
0x10d: {  	[tilespmem:s15+$0xE0] =	vst v8;
	v5 =	vld [tilespmem:s16+$0x70]  }
0x10e: {  	v2 =	vadd.f32 v2, v1;
	v8 =	vmax.f32 v6, $0.0e+00;
	v6 =	vld [tilespmem:s16+$0xF0]  }
0x10f: {  	v7 =	vadd.f32 v62, v7;
	[tilespmem:s15+$0x160] =	vst v8;
	v8 =	vld [tilespmem:s15+$0xFFFFFF70]  }
0x110: {  	v2 =	vmax.f32 v2, $0.0e+00;
	v11 =	vadd.f32 v9, v11;
	v9 =	vld [tilespmem:s15+$0x70]  }
0x111: {  	[tilespmem:s15+$0x1F0] =	vst v2;
	v2 =	vmax.f32 v7, $0.0e+00;
	v7 =	vld [tilespmem:s15+$0xF0]  }
0x112: {  	v1 =	vld [tilespmem:s16+$0x170];
	[tilespmem:s15+$0xFFFFFE70] =	vst v2;
	v2 =	vmax.f32 v11, $0.0e+00  }
0x113: {  	s17 =	simm.s32 $0x0;
	s19 =	simm.s32 $0x3000;
	[tilespmem:s15+$0xFFFFFEF0] =	vst v2;
	v2 =	vld [tilespmem:s15+$0x170]  }
.LBB2_5:
0x114: {  	v11 =	vld [tilespmem:s19+$0x180];
	v3 =	vadd.f32 v3, v8;
	s16 =	sadd.s32 $0x400, s16  }
0x115: {  	s17 =	sadd.s32 $0x8, s17;
	v8 =	vld [tilespmem:s16+$0x180];
	v4 =	vadd.f32 v4, v10  }
0x116: {  	p2 =	slt.u32 s17, $0x48;
	v10 =	vld [tilespmem:s16+$0xFFFFFE00];
	v3 =	vmax.f32 v3, $0.0e+00;
	v5 =	vadd.f32 v5, v9  }
0x117: {  	v9 =	vld [tilespmem:s19+$0xFFFFFE80];
	[tilespmem:s15+$0xFFFFFF70] =	vst v3;
	v3 =	vmax.f32 v4, $0.0e+00;
	v4 =	vadd.f32 v6, v7  }
0x118: {  	v6 =	vld [tilespmem:s16+$0xFFFFFE80];
	[tilespmem:s15+$0xFFFFFFF0] =	vst v3;
	v3 =	vmax.f32 v5, $0.0e+00;
	v1 =	vadd.f32 v1, v2  }
0x119: {  	v2 =	vld [tilespmem:s19+$0xFFFFFF00];
	[tilespmem:s15+$0x70] =	vst v3;
	v3 =	vmax.f32 v4, $0.0e+00  }
0x11a: {  	v4 =	vld [tilespmem:s16+$0xFFFFFF00];
	v5 =	vadd.f32 v8, v11;
	[tilespmem:s15+$0xF0] =	vst v3;
	v1 =	vmax.f32 v1, $0.0e+00  }
0x11b: {  	v3 =	vld [tilespmem:s19+$0xFFFFFF80];
	[tilespmem:s15+$0x170] =	vst v1;
	s15 =	smov.u32 s19  }
0x11c: {  	v1 =	vld [tilespmem:s16+$0xFFFFFF80];
	v5 =	vmax.f32 v5, $0.0e+00  }
0x11d: {  	v6 =	vadd.f32 v6, v9;
	[tilespmem:s19+$0x180] =	vst v5;
	v5 =	vld [tilespmem:s19+$0x190]  }
0x11e: {  	v7 =	vld [tilespmem:s16+$0x190]  }
0x11f: {  	v6 =	vmax.f32 v6, $0.0e+00;
	v2 =	vadd.f32 v4, v2;
	v4 =	vld [tilespmem:s19+$0x0]  }
0x120: {  	[tilespmem:s19+$0xFFFFFE80] =	vst v6;
	v6 =	vld [tilespmem:s16+$0x0]  }
0x121: {  	v2 =	vmax.f32 v2, $0.0e+00;
	v1 =	vadd.f32 v1, v3;
	v3 =	vld [tilespmem:s19+$0x80]  }
0x122: {  	[tilespmem:s19+$0xFFFFFF00] =	vst v2;
	v2 =	vld [tilespmem:s16+$0x80]  }
0x123: {  	v1 =	vmax.f32 v1, $0.0e+00;
	v8 =	vld [tilespmem:s19+$0x100];
	v5 =	vadd.f32 v7, v5  }
0x124: {  	[tilespmem:s19+$0xFFFFFF80] =	vst v1;
	v1 =	vld [tilespmem:s16+$0x100]  }
0x125: {  	v7 =	vld [tilespmem:s19+$0xFFFFFE00];
	v4 =	vadd.f32 v6, v4;
	v5 =	vmax.f32 v5, $0.0e+00  }
0x126: {  	[tilespmem:s19+$0x190] =	vst v5;
	v5 =	vld [tilespmem:s19+$0x1A0]  }
0x127: {  	v4 =	vmax.f32 v4, $0.0e+00;
	v2 =	vadd.f32 v2, v3;
	v3 =	vld [tilespmem:s16+$0x1A0]  }
0x128: {  	v6 =	vld [tilespmem:s16+$0xFFFFFE90];
	[tilespmem:s19+$0x0] =	vst v4  }
0x129: {  	v4 =	vld [tilespmem:s16+$0xFFFFFF10];
	v2 =	vmax.f32 v2, $0.0e+00;
	v1 =	vadd.f32 v1, v8  }
0x12a: {  	v7 =	vadd.f32 v10, v7;
	v8 =	vld [tilespmem:s16+$0xFFFFFF90];
	[tilespmem:s19+$0x80] =	vst v2  }
0x12b: {  	v2 =	vld [tilespmem:s16+$0x10];
	v1 =	vmax.f32 v1, $0.0e+00  }
0x12c: {  	v7 =	vmax.f32 v7, $0.0e+00;
	v9 =	vld [tilespmem:s16+$0x90];
	[tilespmem:s19+$0x100] =	vst v1;
	v1 =	vadd.f32 v3, v5  }
0x12d: {  	[tilespmem:s19+$0xFFFFFE00] =	vst v7;
	v3 =	vld [tilespmem:s16+$0x110]  }
0x12e: {  	v5 =	vld [tilespmem:s16+$0xFFFFFE10];
	v1 =	vmax.f32 v1, $0.0e+00  }
0x12f: {  	[tilespmem:s19+$0x1A0] =	vst v1;
	v1 =	vld [tilespmem:s19+$0x1B0]  }
0x130: {  	v7 =	vld [tilespmem:s16+$0x1B0]  }
0x131: {  	v10 =	vld [tilespmem:s19+$0xFFFFFE10]  }
0x132: {  	v11 =	vld [tilespmem:s19+$0xFFFFFE90]  }
0x133: {  	v12 =	vld [tilespmem:s19+$0xFFFFFF10]  }
0x134: {  	v13 =	vld [tilespmem:s19+$0xFFFFFF90]  }
0x135: {  	v14 =	vld [tilespmem:s19+$0x10];
	v1 =	vadd.f32 v7, v1  }
0x136: {  	v5 =	vadd.f32 v5, v10;
	v7 =	vld [tilespmem:s19+$0x90]  }
0x137: {  	v6 =	vadd.f32 v6, v11;
	v10 =	vld [tilespmem:s19+$0x110];
	v1 =	vmax.f32 v1, $0.0e+00  }
0x138: {  	v5 =	vmax.f32 v5, $0.0e+00;
	v4 =	vadd.f32 v4, v12;
	[tilespmem:s19+$0x1B0] =	vst v1;
	v1 =	vld [tilespmem:s19+$0x1C0]  }
0x139: {  	[tilespmem:s19+$0xFFFFFE10] =	vst v5;
	v5 =	vmax.f32 v6, $0.0e+00;
	v6 =	vadd.f32 v8, v13;
	v8 =	vld [tilespmem:s16+$0x1C0]  }
0x13a: {  	v11 =	vld [tilespmem:s16+$0xFFFFFE20];
	[tilespmem:s19+$0xFFFFFE90] =	vst v5;
	v4 =	vmax.f32 v4, $0.0e+00;
	v2 =	vadd.f32 v2, v14  }
0x13b: {  	v5 =	vld [tilespmem:s16+$0xFFFFFEA0];
	[tilespmem:s19+$0xFFFFFF10] =	vst v4;
	v4 =	vmax.f32 v6, $0.0e+00;
	v6 =	vadd.f32 v9, v7  }
0x13c: {  	v7 =	vld [tilespmem:s16+$0xFFFFFF20];
	[tilespmem:s19+$0xFFFFFF90] =	vst v4;
	v2 =	vmax.f32 v2, $0.0e+00;
	v3 =	vadd.f32 v3, v10  }
0x13d: {  	v4 =	vld [tilespmem:s16+$0xFFFFFFA0];
	[tilespmem:s19+$0x10] =	vst v2;
	v2 =	vmax.f32 v6, $0.0e+00  }
0x13e: {  	v6 =	vld [tilespmem:s16+$0x20];
	[tilespmem:s19+$0x90] =	vst v2;
	v2 =	vmax.f32 v3, $0.0e+00;
	v1 =	vadd.f32 v8, v1  }
0x13f: {  	v3 =	vld [tilespmem:s16+$0xA0];
	[tilespmem:s19+$0x110] =	vst v2  }
0x140: {  	v2 =	vld [tilespmem:s16+$0x120];
	v1 =	vmax.f32 v1, $0.0e+00  }
0x141: {  	[tilespmem:s19+$0x1C0] =	vst v1;
	v1 =	vld [tilespmem:s19+$0x1D0]  }
0x142: {  	v8 =	vld [tilespmem:s16+$0x1D0]  }
0x143: {  	v9 =	vld [tilespmem:s19+$0xFFFFFE20]  }
0x144: {  	v10 =	vld [tilespmem:s19+$0xFFFFFEA0]  }
0x145: {  	v12 =	vld [tilespmem:s19+$0xFFFFFF20]  }
0x146: {  	v13 =	vld [tilespmem:s19+$0xFFFFFFA0]  }
0x147: {  	v14 =	vld [tilespmem:s19+$0x20];
	v1 =	vadd.f32 v8, v1  }
0x148: {  	v8 =	vadd.f32 v11, v9;
	v9 =	vld [tilespmem:s19+$0xA0]  }
0x149: {  	v5 =	vadd.f32 v5, v10;
	v10 =	vld [tilespmem:s19+$0x120];
	v1 =	vmax.f32 v1, $0.0e+00  }
0x14a: {  	v8 =	vmax.f32 v8, $0.0e+00;
	v7 =	vadd.f32 v7, v12;
	[tilespmem:s19+$0x1D0] =	vst v1;
	v1 =	vld [tilespmem:s19+$0x1E0]  }
0x14b: {  	[tilespmem:s19+$0xFFFFFE20] =	vst v8;
	v5 =	vmax.f32 v5, $0.0e+00;
	v4 =	vadd.f32 v4, v13;
	v8 =	vld [tilespmem:s16+$0x1E0]  }
0x14c: {  	v11 =	vld [tilespmem:s16+$0xFFFFFE30];
	[tilespmem:s19+$0xFFFFFEA0] =	vst v5;
	v5 =	vmax.f32 v7, $0.0e+00;
	v6 =	vadd.f32 v6, v14  }
0x14d: {  	v7 =	vld [tilespmem:s16+$0xFFFFFEB0];
	[tilespmem:s19+$0xFFFFFF20] =	vst v5;
	v4 =	vmax.f32 v4, $0.0e+00;
	v3 =	vadd.f32 v3, v9  }
0x14e: {  	v5 =	vld [tilespmem:s16+$0xFFFFFF30];
	[tilespmem:s19+$0xFFFFFFA0] =	vst v4;
	v4 =	vmax.f32 v6, $0.0e+00;
	v2 =	vadd.f32 v2, v10  }
0x14f: {  	v6 =	vld [tilespmem:s16+$0xFFFFFFB0];
	[tilespmem:s19+$0x20] =	vst v4;
	v3 =	vmax.f32 v3, $0.0e+00  }
0x150: {  	v4 =	vld [tilespmem:s16+$0x30];
	[tilespmem:s19+$0xA0] =	vst v3;
	v2 =	vmax.f32 v2, $0.0e+00;
	v1 =	vadd.f32 v8, v1  }
0x151: {  	v3 =	vld [tilespmem:s16+$0xB0];
	[tilespmem:s19+$0x120] =	vst v2  }
0x152: {  	v2 =	vld [tilespmem:s16+$0x130];
	v1 =	vmax.f32 v1, $0.0e+00  }
0x153: {  	[tilespmem:s19+$0x1E0] =	vst v1;
	v1 =	vld [tilespmem:s19+$0x1F0]  }
0x154: {  	v8 =	vld [tilespmem:s16+$0x1F0]  }
0x155: {  	v9 =	vld [tilespmem:s19+$0xFFFFFE30]  }
0x156: {  	v10 =	vld [tilespmem:s19+$0xFFFFFEB0]  }
0x157: {  	v12 =	vld [tilespmem:s19+$0xFFFFFF30]  }
0x158: {  	v13 =	vld [tilespmem:s19+$0xFFFFFFB0]  }
0x159: {  	v14 =	vld [tilespmem:s19+$0x30];
	v1 =	vadd.f32 v8, v1  }
0x15a: {  	v8 =	vadd.f32 v11, v9;
	v9 =	vld [tilespmem:s19+$0xB0]  }
0x15b: {  	v7 =	vadd.f32 v7, v10;
	v10 =	vld [tilespmem:s19+$0x130];
	v1 =	vmax.f32 v1, $0.0e+00  }
0x15c: {  	v8 =	vmax.f32 v8, $0.0e+00;
	v11 =	vld [tilespmem:s19+$0xFFFFFE40];
	v5 =	vadd.f32 v5, v12;
	[tilespmem:s19+$0x1F0] =	vst v1  }
0x15d: {  	[tilespmem:s19+$0xFFFFFE30] =	vst v8;
	v1 =	vmax.f32 v7, $0.0e+00;
	v7 =	vld [tilespmem:s19+$0xFFFFFEC0];
	v6 =	vadd.f32 v6, v13  }
0x15e: {  	v8 =	vld [tilespmem:s16+$0xFFFFFE40];
	[tilespmem:s19+$0xFFFFFEB0] =	vst v1;
	v1 =	vmax.f32 v5, $0.0e+00;
	v4 =	vadd.f32 v4, v14  }
0x15f: {  	v5 =	vld [tilespmem:s16+$0xFFFFFEC0];
	[tilespmem:s19+$0xFFFFFF30] =	vst v1;
	v1 =	vmax.f32 v6, $0.0e+00;
	v3 =	vadd.f32 v3, v9  }
0x160: {  	v6 =	vld [tilespmem:s16+$0xFFFFFF40];
	[tilespmem:s19+$0xFFFFFFB0] =	vst v1;
	v1 =	vmax.f32 v4, $0.0e+00;
	v2 =	vadd.f32 v2, v10  }
0x161: {  	v4 =	vld [tilespmem:s16+$0xFFFFFFC0];
	[tilespmem:s19+$0x30] =	vst v1;
	v1 =	vmax.f32 v3, $0.0e+00  }
0x162: {  	v3 =	vld [tilespmem:s16+$0x40];
	[tilespmem:s19+$0xB0] =	vst v1;
	v1 =	vmax.f32 v2, $0.0e+00  }
0x163: {  	v2 =	vadd.f32 v8, v11;
	v8 =	vld [tilespmem:s16+$0xC0];
	[tilespmem:s19+$0x130] =	vst v1  }
0x164: {  	v1 =	vadd.f32 v5, v7;
	v5 =	vld [tilespmem:s16+$0x140]  }
0x165: {  	v2 =	vmax.f32 v2, $0.0e+00;
	v7 =	vld [tilespmem:s19+$0xFFFFFF40]  }
0x166: {  	[tilespmem:s19+$0xFFFFFE40] =	vst v2;
	v1 =	vmax.f32 v1, $0.0e+00;
	v2 =	vld [tilespmem:s19+$0xFFFFFFC0]  }
0x167: {  	[tilespmem:s19+$0xFFFFFEC0] =	vst v1;
	v1 =	vld [tilespmem:s19+$0x40]  }
0x168: {  	v9 =	vld [tilespmem:s19+$0xC0]  }
0x169: {  	v10 =	vld [tilespmem:s19+$0x140]  }
0x16a: {  	v11 =	vld [tilespmem:s16+$0xFFFFFE50];
	v6 =	vadd.f32 v6, v7  }
0x16b: {  	v7 =	vld [tilespmem:s16+$0xFFFFFED0];
	v2 =	vadd.f32 v4, v2  }
0x16c: {  	v4 =	vld [tilespmem:s19+$0xFFFFFE50];
	v6 =	vmax.f32 v6, $0.0e+00;
	v1 =	vadd.f32 v3, v1  }
0x16d: {  	v3 =	vld [tilespmem:s19+$0xFFFFFED0];
	[tilespmem:s19+$0xFFFFFF40] =	vst v6;
	v2 =	vmax.f32 v2, $0.0e+00;
	v6 =	vadd.f32 v8, v9  }
0x16e: {  	v8 =	vld [tilespmem:s16+$0xFFFFFF50];
	[tilespmem:s19+$0xFFFFFFC0] =	vst v2;
	v1 =	vmax.f32 v1, $0.0e+00;
	v2 =	vadd.f32 v5, v10  }
0x16f: {  	v5 =	vld [tilespmem:s16+$0xFFFFFFD0];
	[tilespmem:s19+$0x40] =	vst v1;
	v1 =	vmax.f32 v6, $0.0e+00  }
0x170: {  	v6 =	vld [tilespmem:s16+$0x50];
	[tilespmem:s19+$0xC0] =	vst v1;
	v1 =	vmax.f32 v2, $0.0e+00  }
0x171: {  	v2 =	vadd.f32 v11, v4;
	v4 =	vld [tilespmem:s16+$0xD0];
	[tilespmem:s19+$0x140] =	vst v1  }
0x172: {  	v1 =	vadd.f32 v7, v3;
	v3 =	vld [tilespmem:s16+$0x150]  }
0x173: {  	v2 =	vmax.f32 v2, $0.0e+00;
	v7 =	vld [tilespmem:s19+$0xFFFFFF50]  }
0x174: {  	[tilespmem:s19+$0xFFFFFE50] =	vst v2;
	v1 =	vmax.f32 v1, $0.0e+00;
	v2 =	vld [tilespmem:s19+$0xFFFFFFD0]  }
0x175: {  	[tilespmem:s19+$0xFFFFFED0] =	vst v1;
	v1 =	vld [tilespmem:s19+$0x50]  }
0x176: {  	v9 =	vld [tilespmem:s19+$0xD0]  }
0x177: {  	v10 =	vld [tilespmem:s19+$0x150]  }
0x178: {  	v11 =	vld [tilespmem:s16+$0xFFFFFE60];
	v7 =	vadd.f32 v8, v7  }
0x179: {  	v8 =	vld [tilespmem:s16+$0xFFFFFEE0];
	v2 =	vadd.f32 v5, v2  }
0x17a: {  	v5 =	vld [tilespmem:s19+$0xFFFFFE60];
	v7 =	vmax.f32 v7, $0.0e+00;
	v1 =	vadd.f32 v6, v1  }
0x17b: {  	v6 =	vld [tilespmem:s19+$0xFFFFFEE0];
	[tilespmem:s19+$0xFFFFFF50] =	vst v7;
	v2 =	vmax.f32 v2, $0.0e+00;
	v4 =	vadd.f32 v4, v9  }
0x17c: {  	v7 =	vld [tilespmem:s16+$0xFFFFFF60];
	[tilespmem:s19+$0xFFFFFFD0] =	vst v2;
	v1 =	vmax.f32 v1, $0.0e+00;
	v2 =	vadd.f32 v3, v10  }
0x17d: {  	v3 =	vld [tilespmem:s16+$0xFFFFFFE0];
	[tilespmem:s19+$0x50] =	vst v1;
	v1 =	vmax.f32 v4, $0.0e+00  }
0x17e: {  	v4 =	vld [tilespmem:s16+$0x60];
	[tilespmem:s19+$0xD0] =	vst v1;
	v1 =	vmax.f32 v2, $0.0e+00  }
0x17f: {  	v2 =	vadd.f32 v11, v5;
	v5 =	vld [tilespmem:s16+$0xE0];
	[tilespmem:s19+$0x150] =	vst v1  }
0x180: {  	v1 =	vadd.f32 v8, v6;
	v6 =	vld [tilespmem:s16+$0x160]  }
0x181: {  	v2 =	vmax.f32 v2, $0.0e+00;
	v8 =	vld [tilespmem:s19+$0xFFFFFF60]  }
0x182: {  	[tilespmem:s19+$0xFFFFFE60] =	vst v2;
	v1 =	vmax.f32 v1, $0.0e+00;
	v2 =	vld [tilespmem:s19+$0xFFFFFFE0]  }
0x183: {  	[tilespmem:s19+$0xFFFFFEE0] =	vst v1;
	v1 =	vld [tilespmem:s19+$0x60]  }
0x184: {  	v9 =	vld [tilespmem:s19+$0xE0]  }
0x185: {  	v10 =	vld [tilespmem:s19+$0x160]  }
0x186: {  	v11 =	vld [tilespmem:s16+$0xFFFFFE70];
	v7 =	vadd.f32 v7, v8  }
0x187: {  	v8 =	vld [tilespmem:s16+$0xFFFFFEF0];
	v2 =	vadd.f32 v3, v2  }
0x188: {  	v12 =	vld [tilespmem:s19+$0xFFFFFE70];
	v3 =	vmax.f32 v7, $0.0e+00;
	v1 =	vadd.f32 v4, v1  }
0x189: {  	v7 =	vld [tilespmem:s19+$0xFFFFFEF0];
	[tilespmem:s19+$0xFFFFFF60] =	vst v3;
	v2 =	vmax.f32 v2, $0.0e+00;
	v5 =	vadd.f32 v5, v9  }
0x18a: {  	v3 =	vld [tilespmem:s16+$0xFFFFFF70];
	[tilespmem:s19+$0xFFFFFFE0] =	vst v2;
	v1 =	vmax.f32 v1, $0.0e+00;
	v2 =	vadd.f32 v6, v10  }
0x18b: {  	v4 =	vld [tilespmem:s16+$0xFFFFFFF0];
	[tilespmem:s19+$0x60] =	vst v1;
	v1 =	vmax.f32 v5, $0.0e+00  }
0x18c: {  	v5 =	vld [tilespmem:s16+$0x70];
	[tilespmem:s19+$0xE0] =	vst v1;
	v1 =	vmax.f32 v2, $0.0e+00  }
0x18d: {  	v2 =	vadd.f32 v11, v12;
	v6 =	vld [tilespmem:s16+$0xF0];
	[tilespmem:s19+$0x160] =	vst v1  }
0x18e: {  	v7 =	vadd.f32 v8, v7;
	v1 =	vld [tilespmem:s16+$0x170]  }
.Ltmp1:
0x18f: {  	v2 =	vmax.f32 v2, $0.0e+00;
	v8 =	vld [tilespmem:s19+$0xFFFFFF70];
	(pc) =	sbr.rel @p2 .LBB2_5-.Ltmp1, $4  }
0x190: {  	[tilespmem:s19+$0xFFFFFE70] =	vst v2;
	v2 =	vmax.f32 v7, $0.0e+00;
	v10 =	vld [tilespmem:s19+$0xFFFFFFF0]  }
0x191: {  	[tilespmem:s19+$0xFFFFFEF0] =	vst v2;
	v9 =	vld [tilespmem:s19+$0x70]  }
0x192: {  	v7 =	vld [tilespmem:s19+$0xF0]  }
0x193: {  	s19 =	sadd.s32 $0x400, s19;
	v2 =	vld [tilespmem:s15+$0x170]  }
0x194: {  	v3 =	vadd.f32 v3, v8  }
0x195: {  	v4 =	vadd.f32 v4, v10  }
0x196: {  	v3 =	vmax.f32 v3, $0.0e+00;
	v5 =	vadd.f32 v5, v9  }
0x197: {  	[tilespmem:s15+$0xFFFFFF70] =	vst v3;
	v3 =	vmax.f32 v4, $0.0e+00;
	v4 =	vadd.f32 v6, v7  }
0x198: {  	[tilespmem:s15+$0xFFFFFFF0] =	vst v3;
	v3 =	vmax.f32 v5, $0.0e+00;
	v1 =	vadd.f32 v1, v2  }
0x199: {  	[tilespmem:s15+$0x70] =	vst v3;
	v2 =	vmax.f32 v4, $0.0e+00  }
0x19a: {  	[tilespmem:s15+$0xF0] =	vst v2;
	v1 =	vmax.f32 v1, $0.0e+00  }
0x19b: {  	[tilespmem:s15+$0x170] =	vst v1  }
0x19c: {  	_ =	swait.ge [sflag:s0], $0x50  }
0x19d: {  	[sflag:s0] =	ssyncset.done $0x0  }
0x19e: {  	[sflag:s0] =	ssyncadd.s32 $0xFFFFFFB0  }
0x19f: {  	_ =	swait.ge [sflag:s0], $0x50  }
0x1a0: {  	s14 =	sshll.u32 s14, $0x4;
	[sflag:s0] =	ssyncset.done $0x0  }
0x1a1: {  	s14 =	sadd.s32 s3, s14;
	[sflag:s0] =	ssyncadd.s32 $0xFFFFFFB0  }
0x1a2: {  	[tilespmem:s25], [sflag:$0x3] =	stream.linear.gather [hbm4b:s14+s2], $0x2800, $0x38;
	[tilespmem:$0x1B280] =	vst v63  }
0x1a3: {  	_ = 	snop  }
0x1a4: {  	[tilespmem:s8], [sflag:$0x5] =	stream.indirect.gather [hbm4b:s4+s26], $0x80, s28, s26, $0xb8;
	[tilespmem:$0x1B280] =	vst v63  }
0x1a5: {  	_ = 	snop  }
0x1a6: {  	[spmem:s1] =	stream.indirect.scatter.add.f32 [tilespmem:s22], [sflag:$0x6], $0x80, s24, s26, $0xb8;
	[tilespmem:$0x1B280] =	vst v63  }
0x1a7: {  	s13 =	sadd.s32 s13, s18;
	_ =	swait.ge [sflag:s23], $0x2800  }
0x1a8: {  	s17 =	sshrl.u32 s13, $0x3;
	[sflag:s23] =	ssyncset.done $0x0  }
0x1a9: {  	s19 =	sadd.s32 s5, s17;
	[sflag:s23] =	ssyncadd.s32 $0xFFFFD800  }
0x1aa: {  	[tilespmem:s2], [sflag:$0x1] =	stream.linear.gather [hbm4b:s19+s2], $0x50, $0x38;
	[tilespmem:$0x1B280] =	vst v63  }
0x1ab: {  	s14 =	sadd.s32 s6, s17  }
0x1ac: {  	[tilespmem:s24], [sflag:$0x1] =	stream.linear.gather [hbm4b:s14+s2], $0x50, $0x38;
	[tilespmem:$0x1B280] =	vst v63  }
0x1ad: {  	_ =	swait.ge [sflag:s30], $0x2800  }
0x1ae: {  	[sflag:s30] =	ssyncset.done $0x0  }
0x1af: {  	[sflag:s30] =	ssyncadd.s32 $0xFFFFD800  }
0x1b0: {  	_ =	swait.ge [sflag:s9], $0x2800  }
0x1b1: {  	[sflag:s9] =	ssyncset.done $0x0  }
0x1b2: {  	s14 =	simm.s32 $0x5400;
	[sflag:s9] =	ssyncadd.s32 $0xFFFFD800  }
0x1b3: {  	s15 =	simm.s32 $0x400;
	v1 =	vld [tilespmem:s14+$0x180]  }
0x1b4: {  	v2 =	vld [tilespmem:s15+$0x180]  }
0x1b5: {  	v3 =	vld [tilespmem:s14+$0xFFFFFE80]  }
0x1b6: {  	v5 =	vld [tilespmem:s15+$0xFFFFFE80]  }
0x1b7: {  	v6 =	vld [tilespmem:s14+$0xFFFFFF00]  }
0x1b8: {  	v7 =	vld [tilespmem:s15+$0xFFFFFF00]  }
0x1b9: {  	v8 =	vld [tilespmem:s14+$0xFFFFFF80]  }
0x1ba: {  	v9 =	vld [tilespmem:s15+$0xFFFFFF80]  }
0x1bb: {  	v10 =	vld [tilespmem:s15+$0x0]  }
0x1bc: {  	v11 =	vld [tilespmem:s14+$0x80]  }
0x1bd: {  	v44 =	vld [tilespmem:s14+$0xFFFFFE90]  }
0x1be: {  	v13 =	vld [tilespmem:s14+$0xFFFFFF10]  }
0x1bf: {  	v14 =	vld [tilespmem:s14+$0x90]  }
0x1c0: {  	v45 =	vld [tilespmem:s14+$0x110]  }
0x1c1: {  	v46 =	vld [tilespmem:s14+$0xFFFFFF20]  }
0x1c2: {  	v47 =	vld [tilespmem:s14+$0xFFFFFFA0]  }
0x1c3: {  	v48 =	vld [tilespmem:s14+$0xA0]  }
0x1c4: {  	v49 =	vld [tilespmem:s14+$0xFFFFFF30];
	v1 =	vadd.f32 v2, v1  }
0x1c5: {  	v50 =	vld [tilespmem:s14+$0xFFFFFFB0]  }
0x1c6: {  	v51 =	vld [tilespmem:s14+$0x30];
	v1 =	vmax.f32 v1, $0.0e+00  }
0x1c7: {  	[tilespmem:s14+$0x180] =	vst v1;
	v1 =	vld [tilespmem:s14+$0x190]  }
0x1c8: {  	v4 =	vld [tilespmem:s15+$0x190]  }
0x1c9: {  	v52 =	vld [tilespmem:s14+$0xFFFFFE40]  }
0x1ca: {  	v54 =	vld [tilespmem:s14+$0xFFFFFFC0]  }
0x1cb: {  	v55 =	vld [tilespmem:s14+$0xC0]  }
0x1cc: {  	v56 =	vld [tilespmem:s14+$0xFFFFFE50]  }
0x1cd: {  	v57 =	vld [tilespmem:s14+$0xFFFFFFD0];
	v1 =	vadd.f32 v4, v1  }
0x1ce: {  	v58 =	vld [tilespmem:s14+$0xD0]  }
0x1cf: {  	v2 =	vld [tilespmem:s15+$0xFFFFFE00];
	v1 =	vmax.f32 v1, $0.0e+00  }
0x1d0: {  	[tilespmem:s14+$0x190] =	vst v1;
	v1 =	vld [tilespmem:s14+$0x1A0]  }
0x1d1: {  	v12 =	vld [tilespmem:s15+$0x1A0]  }
0x1d2: {  	v3 =	vadd.f32 v5, v3;
	v5 =	vld [tilespmem:s15+$0x80]  }
0x1d3: {  	v8 =	vadd.f32 v9, v8;
	v9 =	vld [tilespmem:s14+$0xFFFFFE00]  }
0x1d4: {  	v6 =	vadd.f32 v7, v6;
	v7 =	vld [tilespmem:s14+$0x100]  }
0x1d5: {  	v3 =	vmax.f32 v3, $0.0e+00;
	v4 =	vld [tilespmem:s14+$0x0]  }
0x1d6: {  	[tilespmem:s14+$0xFFFFFE80] =	vst v3;
	v3 =	vmax.f32 v6, $0.0e+00;
	v6 =	vld [tilespmem:s15+$0x100];
	v1 =	vadd.f32 v12, v1  }
0x1d7: {  	[tilespmem:s14+$0xFFFFFF00] =	vst v3;
	v3 =	vmax.f32 v8, $0.0e+00;
	v8 =	vld [tilespmem:s15+$0xFFFFFE90];
	v5 =	vadd.f32 v5, v11  }
0x1d8: {  	v2 =	vadd.f32 v2, v9;
	v11 =	vld [tilespmem:s14+$0xFFFFFE10];
	v1 =	vmax.f32 v1, $0.0e+00  }
0x1d9: {  	[tilespmem:s14+$0x1A0] =	vst v1;
	v1 =	vmax.f32 v5, $0.0e+00;
	v5 =	vld [tilespmem:s14+$0x1B0]  }
0x1da: {  	v4 =	vadd.f32 v10, v4;
	[tilespmem:s14+$0x80] =	vst v1;
	v1 =	vmax.f32 v2, $0.0e+00;
	v2 =	vld [tilespmem:s15+$0x1B0]  }
0x1db: {  	[tilespmem:s14+$0xFFFFFF80] =	vst v3;
	v6 =	vadd.f32 v6, v7;
	v7 =	vld [tilespmem:s14+$0x10]  }
0x1dc: {  	v3 =	vmax.f32 v4, $0.0e+00;
	v4 =	vld [tilespmem:s15+$0xFFFFFF10];
	[tilespmem:s14+$0xFFFFFE00] =	vst v1  }
0x1dd: {  	v1 =	vld [tilespmem:s15+$0xFFFFFE10]  }
0x1de: {  	[tilespmem:s14+$0x0] =	vst v3;
	v3 =	vld [tilespmem:s15+$0xFFFFFF90]  }
0x1df: {  	v9 =	vld [tilespmem:s15+$0x10];
	v2 =	vadd.f32 v2, v5  }
0x1e0: {  	v5 =	vld [tilespmem:s14+$0xFFFFFF90]  }
0x1e1: {  	v10 =	vld [tilespmem:s15+$0x90];
	v2 =	vmax.f32 v2, $0.0e+00  }
0x1e2: {  	v1 =	vadd.f32 v1, v11;
	[tilespmem:s14+$0x1B0] =	vst v2;
	v2 =	vmax.f32 v6, $0.0e+00;
	v6 =	vld [tilespmem:s14+$0x1C0]  }
0x1e3: {  	[tilespmem:s14+$0x100] =	vst v2;
	v2 =	vadd.f32 v8, v44;
	v8 =	vld [tilespmem:s15+$0x1C0]  }
0x1e4: {  	v4 =	vadd.f32 v4, v13;
	v1 =	vmax.f32 v1, $0.0e+00;
	v11 =	vld [tilespmem:s15+$0x110]  }
0x1e5: {  	v59 =	vld [tilespmem:s14+$0xFFFFFE60];
	[tilespmem:s14+$0xFFFFFE10] =	vst v1;
	v1 =	vmax.f32 v2, $0.0e+00;
	v2 =	vadd.f32 v3, v5  }
0x1e6: {  	v60 =	vld [tilespmem:s14+$0xFFFFFFE0];
	[tilespmem:s14+$0xFFFFFE90] =	vst v1;
	v1 =	vmax.f32 v4, $0.0e+00;
	v4 =	vadd.f32 v9, v7  }
0x1e7: {  	v61 =	vld [tilespmem:s14+$0xE0];
	[tilespmem:s14+$0xFFFFFF10] =	vst v1;
	v1 =	vmax.f32 v2, $0.0e+00;
	v2 =	vadd.f32 v10, v14  }
0x1e8: {  	v3 =	vld [tilespmem:s15+$0xFFFFFE20];
	[tilespmem:s14+$0xFFFFFF90] =	vst v1;
	v1 =	vmax.f32 v4, $0.0e+00;
	v4 =	vadd.f32 v8, v6  }
0x1e9: {  	v5 =	vld [tilespmem:s15+$0xFFFFFEA0];
	[tilespmem:s14+$0x10] =	vst v1;
	v1 =	vmax.f32 v2, $0.0e+00;
	v2 =	vadd.f32 v11, v45  }
0x1ea: {  	v10 =	vld [tilespmem:s14+$0xFFFFFE20];
	[tilespmem:s14+$0x90] =	vst v1;
	v1 =	vmax.f32 v4, $0.0e+00  }
0x1eb: {  	[tilespmem:s14+$0x1C0] =	vst v1;
	v1 =	vmax.f32 v2, $0.0e+00;
	v2 =	vld [tilespmem:s14+$0x1D0]  }
0x1ec: {  	[tilespmem:s14+$0x110] =	vst v1;
	v1 =	vld [tilespmem:s15+$0x1D0]  }
0x1ed: {  	v7 =	vld [tilespmem:s15+$0xFFFFFF20]  }
0x1ee: {  	v6 =	vld [tilespmem:s15+$0xFFFFFFA0]  }
0x1ef: {  	v11 =	vld [tilespmem:s14+$0xFFFFFEA0]  }
0x1f0: {  	v8 =	vld [tilespmem:s15+$0x20];
	v3 =	vadd.f32 v3, v10  }
0x1f1: {  	v4 =	vld [tilespmem:s15+$0xA0];
	v1 =	vadd.f32 v1, v2  }
0x1f2: {  	v10 =	vld [tilespmem:s14+$0x120];
	v3 =	vmax.f32 v3, $0.0e+00  }
0x1f3: {  	[tilespmem:s14+$0xFFFFFE20] =	vst v3;
	v2 =	vld [tilespmem:s14+$0x20];
	v1 =	vmax.f32 v1, $0.0e+00  }
0x1f4: {  	v9 =	vld [tilespmem:s15+$0x120];
	[tilespmem:s14+$0x1D0] =	vst v1;
	v1 =	vadd.f32 v5, v11  }
0x1f5: {  	v7 =	vadd.f32 v7, v46;
	v3 =	vadd.f32 v6, v47;
	v6 =	vld [tilespmem:s15+$0xFFFFFE30]  }
0x1f6: {  	v5 =	vld [tilespmem:s14+$0x1E0];
	v1 =	vmax.f32 v1, $0.0e+00  }
0x1f7: {  	v11 =	vld [tilespmem:s15+$0x1E0];
	[tilespmem:s14+$0xFFFFFEA0] =	vst v1;
	v1 =	vmax.f32 v7, $0.0e+00  }
0x1f8: {  	v2 =	vadd.f32 v8, v2;
	v7 =	vld [tilespmem:s15+$0xFFFFFEB0];
	[tilespmem:s14+$0xFFFFFF20] =	vst v1  }
0x1f9: {  	v1 =	vmax.f32 v3, $0.0e+00;
	v3 =	vadd.f32 v4, v48;
	v4 =	vld [tilespmem:s15+$0xFFFFFF30]  }
0x1fa: {  	[tilespmem:s14+$0xFFFFFFA0] =	vst v1;
	v1 =	vmax.f32 v2, $0.0e+00;
	v2 =	vadd.f32 v9, v10;
	v10 =	vld [tilespmem:s14+$0xFFFFFE30]  }
0x1fb: {  	v8 =	vld [tilespmem:s15+$0xFFFFFFB0]  }
0x1fc: {  	[tilespmem:s14+$0x20] =	vst v1;
	v1 =	vmax.f32 v3, $0.0e+00;
	v3 =	vadd.f32 v11, v5;
	v11 =	vld [tilespmem:s14+$0xFFFFFEB0]  }
0x1fd: {  	v5 =	vld [tilespmem:s15+$0x30];
	[tilespmem:s14+$0xA0] =	vst v1;
	v1 =	vmax.f32 v2, $0.0e+00  }
0x1fe: {  	v9 =	vld [tilespmem:s15+$0xB0];
	[tilespmem:s14+$0x120] =	vst v1  }
0x1ff: {  	v1 =	vmax.f32 v3, $0.0e+00;
	v3 =	vld [tilespmem:s15+$0x130]  }
0x200: {  	[tilespmem:s14+$0x1E0] =	vst v1;
	v1 =	vld [tilespmem:s14+$0x1F0]  }
0x201: {  	v2 =	vld [tilespmem:s15+$0x1F0];
	v6 =	vadd.f32 v6, v10  }
0x202: {  	v10 =	vld [tilespmem:s14+$0xB0];
	v7 =	vadd.f32 v7, v11  }
0x203: {  	v4 =	vadd.f32 v4, v49;
	v11 =	vld [tilespmem:s14+$0x130];
	v6 =	vmax.f32 v6, $0.0e+00  }
0x204: {  	[tilespmem:s14+$0xFFFFFE30] =	vst v6;
	v6 =	vmax.f32 v7, $0.0e+00;
	v7 =	vld [tilespmem:s14+$0xFFFFFEC0]  }
0x205: {  	v8 =	vadd.f32 v8, v50;
	v4 =	vmax.f32 v4, $0.0e+00;
	v53 =	vld [tilespmem:s15+$0xFFFFFE40];
	[tilespmem:s14+$0xFFFFFEB0] =	vst v6  }
0x206: {  	v5 =	vadd.f32 v5, v51;
	[tilespmem:s14+$0xFFFFFF30] =	vst v4;
	v6 =	vld [tilespmem:s15+$0xFFFFFEC0]  }
0x207: {  	v4 =	vmax.f32 v8, $0.0e+00;
	v8 =	vadd.f32 v9, v10;
	v9 =	vld [tilespmem:s15+$0xFFFFFF40]  }
0x208: {  	[tilespmem:s14+$0xFFFFFFB0] =	vst v4;
	v4 =	vmax.f32 v5, $0.0e+00;
	v10 =	vld [tilespmem:s14+$0xFFFFFF40]  }
0x209: {  	v5 =	vld [tilespmem:s15+$0xFFFFFFC0];
	[tilespmem:s14+$0x30] =	vst v4;
	v3 =	vadd.f32 v3, v11;
	v4 =	vmax.f32 v8, $0.0e+00  }
0x20a: {  	v8 =	vld [tilespmem:s15+$0x40];
	[tilespmem:s14+$0xB0] =	vst v4  }
0x20b: {  	v3 =	vmax.f32 v3, $0.0e+00;
	v4 =	vld [tilespmem:s15+$0xC0];
	v11 =	vadd.f32 v53, v52  }
0x20c: {  	[tilespmem:s14+$0x130] =	vst v3;
	v6 =	vadd.f32 v6, v7;
	v7 =	vld [tilespmem:s14+$0x40]  }
0x20d: {  	v3 =	vld [tilespmem:s15+$0x140];
	v9 =	vadd.f32 v9, v10;
	v11 =	vmax.f32 v11, $0.0e+00  }
0x20e: {  	[tilespmem:s14+$0xFFFFFE40] =	vst v11;
	v6 =	vmax.f32 v6, $0.0e+00;
	v11 =	vld [tilespmem:s14+$0x140]  }
0x20f: {  	v5 =	vadd.f32 v5, v54;
	v9 =	vmax.f32 v9, $0.0e+00;
	[tilespmem:s14+$0xFFFFFEC0] =	vst v6;
	v6 =	vld [tilespmem:s15+$0xFFFFFE50]  }
0x210: {  	[tilespmem:s14+$0xFFFFFF40] =	vst v9;
	v10 =	vld [tilespmem:s15+$0xFFFFFED0]  }
0x211: {  	v5 =	vmax.f32 v5, $0.0e+00;
	v4 =	vadd.f32 v4, v55;
	v9 =	vld [tilespmem:s15+$0xFFFFFF50];
	v7 =	vadd.f32 v8, v7  }
0x212: {  	[tilespmem:s14+$0xFFFFFFC0] =	vst v5;
	v8 =	vld [tilespmem:s14+$0xFFFFFED0]  }
0x213: {  	v4 =	vmax.f32 v4, $0.0e+00;
	v5 =	vmax.f32 v7, $0.0e+00;
	v7 =	vld [tilespmem:s15+$0xFFFFFFD0]  }
0x214: {  	v3 =	vadd.f32 v3, v11;
	[tilespmem:s14+$0xC0] =	vst v4;
	v11 =	vld [tilespmem:s14+$0xFFFFFF50]  }
0x215: {  	[tilespmem:s14+$0x40] =	vst v5;
	v4 =	vld [tilespmem:s15+$0xD0]  }
0x216: {  	v6 =	vadd.f32 v6, v56;
	v5 =	vld [tilespmem:s15+$0x50];
	v3 =	vmax.f32 v3, $0.0e+00  }
0x217: {  	[tilespmem:s14+$0x140] =	vst v3;
	v8 =	vadd.f32 v10, v8;
	v10 =	vld [tilespmem:s14+$0x50]  }
0x218: {  	v6 =	vmax.f32 v6, $0.0e+00;
	v3 =	vld [tilespmem:s15+$0x150]  }
0x219: {  	[tilespmem:s14+$0xFFFFFE50] =	vst v6;
	v6 =	vmax.f32 v8, $0.0e+00;
	v8 =	vld [tilespmem:s14+$0x150];
	v9 =	vadd.f32 v9, v11  }
0x21a: {  	v7 =	vadd.f32 v7, v57;
	[tilespmem:s14+$0xFFFFFED0] =	vst v6;
	v6 =	vld [tilespmem:s15+$0xFFFFFE60]  }
0x21b: {  	v4 =	vadd.f32 v4, v58;
	v11 =	vld [tilespmem:s15+$0xFFFFFEE0];
	v9 =	vmax.f32 v9, $0.0e+00  }
0x21c: {  	v7 =	vmax.f32 v7, $0.0e+00;
	v5 =	vadd.f32 v5, v10;
	v10 =	vld [tilespmem:s14+$0xFFFFFEE0];
	[tilespmem:s14+$0xFFFFFF50] =	vst v9  }
0x21d: {  	[tilespmem:s14+$0xFFFFFFD0] =	vst v7;
	v4 =	vmax.f32 v4, $0.0e+00;
	v9 =	vld [tilespmem:s15+$0xFFFFFF60]  }
0x21e: {  	v7 =	vld [tilespmem:s15+$0xFFFFFFE0];
	[tilespmem:s14+$0xD0] =	vst v4;
	v5 =	vmax.f32 v5, $0.0e+00;
	v3 =	vadd.f32 v3, v8  }
0x21f: {  	v4 =	vld [tilespmem:s15+$0xE0];
	[tilespmem:s14+$0x50] =	vst v5  }
0x220: {  	v5 =	vld [tilespmem:s15+$0x60];
	v3 =	vmax.f32 v3, $0.0e+00  }
0x221: {  	v6 =	vadd.f32 v6, v59;
	[tilespmem:s14+$0x150] =	vst v3;
	v3 =	vld [tilespmem:s14+$0xFFFFFF60]  }
0x222: {  	v10 =	vadd.f32 v11, v10;
	v11 =	vld [tilespmem:s14+$0x60]  }
0x223: {  	v6 =	vmax.f32 v6, $0.0e+00;
	v8 =	vld [tilespmem:s15+$0x160]  }
0x224: {  	[tilespmem:s14+$0xFFFFFE60] =	vst v6;
	v6 =	vmax.f32 v10, $0.0e+00;
	v10 =	vld [tilespmem:s14+$0x160]  }
0x225: {  	v62 =	vld [tilespmem:s15+$0xFFFFFE70];
	[tilespmem:s14+$0xFFFFFEE0] =	vst v6;
	v6 =	vadd.f32 v7, v60  }
0x226: {  	v7 =	vld [tilespmem:s14+$0xFFFFFE70]  }
0x227: {  	v3 =	vadd.f32 v9, v3;
	v9 =	vld [tilespmem:s15+$0xFFFFFEF0];
	v6 =	vmax.f32 v6, $0.0e+00  }
0x228: {  	v5 =	vadd.f32 v5, v11;
	v11 =	vld [tilespmem:s14+$0xFFFFFEF0];
	[tilespmem:s14+$0xFFFFFFE0] =	vst v6  }
0x229: {  	v63 =	vadd.f32 v4, v61;
	v3 =	vmax.f32 v3, $0.0e+00;
	v4 =	vld [tilespmem:s15+$0xFFFFFFF0]  }
0x22a: {  	v5 =	vmax.f32 v5, $0.0e+00;
	v6 =	vadd.f32 v8, v10;
	v10 =	vld [tilespmem:s14+$0xFFFFFFF0];
	[tilespmem:s14+$0xFFFFFF60] =	vst v3  }
0x22b: {  	v8 =	vmax.f32 v63, $0.0e+00;
	[tilespmem:s14+$0x60] =	vst v5;
	v3 =	vld [tilespmem:s15+$0xFFFFFF70]  }
0x22c: {  	[tilespmem:s14+$0xE0] =	vst v8;
	v5 =	vld [tilespmem:s15+$0x70]  }
0x22d: {  	v2 =	vadd.f32 v2, v1;
	v8 =	vmax.f32 v6, $0.0e+00;
	v6 =	vld [tilespmem:s15+$0xF0]  }
0x22e: {  	v7 =	vadd.f32 v62, v7;
	[tilespmem:s14+$0x160] =	vst v8;
	v8 =	vld [tilespmem:s14+$0xFFFFFF70]  }
0x22f: {  	v2 =	vmax.f32 v2, $0.0e+00;
	v11 =	vadd.f32 v9, v11;
	v9 =	vld [tilespmem:s14+$0x70]  }
0x230: {  	[tilespmem:s14+$0x1F0] =	vst v2;
	v2 =	vmax.f32 v7, $0.0e+00;
	v7 =	vld [tilespmem:s14+$0xF0]  }
0x231: {  	v1 =	vld [tilespmem:s15+$0x170];
	[tilespmem:s14+$0xFFFFFE70] =	vst v2;
	v2 =	vmax.f32 v11, $0.0e+00  }
0x232: {  	s16 =	simm.s32 $0x0;
	s17 =	simm.s32 $0x5800;
	[tilespmem:s14+$0xFFFFFEF0] =	vst v2;
	v2 =	vld [tilespmem:s14+$0x170]  }
.LBB2_7:
0x233: {  	v11 =	vld [tilespmem:s17+$0x180];
	v3 =	vadd.f32 v3, v8;
	s15 =	sadd.s32 $0x400, s15  }
0x234: {  	s16 =	sadd.s32 $0x8, s16;
	v8 =	vld [tilespmem:s15+$0x180];
	v4 =	vadd.f32 v4, v10  }
0x235: {  	p2 =	slt.u32 s16, $0x48;
	v10 =	vld [tilespmem:s15+$0xFFFFFE00];
	v3 =	vmax.f32 v3, $0.0e+00;
	v5 =	vadd.f32 v5, v9  }
0x236: {  	v9 =	vld [tilespmem:s17+$0xFFFFFE80];
	[tilespmem:s14+$0xFFFFFF70] =	vst v3;
	v3 =	vmax.f32 v4, $0.0e+00;
	v4 =	vadd.f32 v6, v7  }
0x237: {  	v6 =	vld [tilespmem:s15+$0xFFFFFE80];
	[tilespmem:s14+$0xFFFFFFF0] =	vst v3;
	v3 =	vmax.f32 v5, $0.0e+00;
	v1 =	vadd.f32 v1, v2  }
0x238: {  	v2 =	vld [tilespmem:s17+$0xFFFFFF00];
	[tilespmem:s14+$0x70] =	vst v3;
	v3 =	vmax.f32 v4, $0.0e+00  }
0x239: {  	v4 =	vld [tilespmem:s15+$0xFFFFFF00];
	v5 =	vadd.f32 v8, v11;
	[tilespmem:s14+$0xF0] =	vst v3;
	v1 =	vmax.f32 v1, $0.0e+00  }
0x23a: {  	v3 =	vld [tilespmem:s17+$0xFFFFFF80];
	[tilespmem:s14+$0x170] =	vst v1;
	s14 =	smov.u32 s17  }
0x23b: {  	v1 =	vld [tilespmem:s15+$0xFFFFFF80];
	v5 =	vmax.f32 v5, $0.0e+00  }
0x23c: {  	v6 =	vadd.f32 v6, v9;
	[tilespmem:s17+$0x180] =	vst v5;
	v5 =	vld [tilespmem:s17+$0x190]  }
0x23d: {  	v7 =	vld [tilespmem:s15+$0x190]  }
0x23e: {  	v6 =	vmax.f32 v6, $0.0e+00;
	v2 =	vadd.f32 v4, v2;
	v4 =	vld [tilespmem:s17+$0x0]  }
0x23f: {  	[tilespmem:s17+$0xFFFFFE80] =	vst v6;
	v6 =	vld [tilespmem:s15+$0x0]  }
0x240: {  	v2 =	vmax.f32 v2, $0.0e+00;
	v1 =	vadd.f32 v1, v3;
	v3 =	vld [tilespmem:s17+$0x80]  }
0x241: {  	[tilespmem:s17+$0xFFFFFF00] =	vst v2;
	v2 =	vld [tilespmem:s15+$0x80]  }
0x242: {  	v1 =	vmax.f32 v1, $0.0e+00;
	v8 =	vld [tilespmem:s17+$0x100];
	v5 =	vadd.f32 v7, v5  }
0x243: {  	[tilespmem:s17+$0xFFFFFF80] =	vst v1;
	v1 =	vld [tilespmem:s15+$0x100]  }
0x244: {  	v7 =	vld [tilespmem:s17+$0xFFFFFE00];
	v4 =	vadd.f32 v6, v4;
	v5 =	vmax.f32 v5, $0.0e+00  }
0x245: {  	[tilespmem:s17+$0x190] =	vst v5;
	v5 =	vld [tilespmem:s17+$0x1A0]  }
0x246: {  	v4 =	vmax.f32 v4, $0.0e+00;
	v2 =	vadd.f32 v2, v3;
	v3 =	vld [tilespmem:s15+$0x1A0]  }
0x247: {  	v6 =	vld [tilespmem:s15+$0xFFFFFE90];
	[tilespmem:s17+$0x0] =	vst v4  }
0x248: {  	v4 =	vld [tilespmem:s15+$0xFFFFFF10];
	v2 =	vmax.f32 v2, $0.0e+00;
	v1 =	vadd.f32 v1, v8  }
0x249: {  	v7 =	vadd.f32 v10, v7;
	v8 =	vld [tilespmem:s15+$0xFFFFFF90];
	[tilespmem:s17+$0x80] =	vst v2  }
0x24a: {  	v2 =	vld [tilespmem:s15+$0x10];
	v1 =	vmax.f32 v1, $0.0e+00  }
0x24b: {  	v7 =	vmax.f32 v7, $0.0e+00;
	v9 =	vld [tilespmem:s15+$0x90];
	[tilespmem:s17+$0x100] =	vst v1;
	v1 =	vadd.f32 v3, v5  }
0x24c: {  	[tilespmem:s17+$0xFFFFFE00] =	vst v7;
	v3 =	vld [tilespmem:s15+$0x110]  }
0x24d: {  	v5 =	vld [tilespmem:s15+$0xFFFFFE10];
	v1 =	vmax.f32 v1, $0.0e+00  }
0x24e: {  	[tilespmem:s17+$0x1A0] =	vst v1;
	v1 =	vld [tilespmem:s17+$0x1B0]  }
0x24f: {  	v7 =	vld [tilespmem:s15+$0x1B0]  }
0x250: {  	v10 =	vld [tilespmem:s17+$0xFFFFFE10]  }
0x251: {  	v11 =	vld [tilespmem:s17+$0xFFFFFE90]  }
0x252: {  	v12 =	vld [tilespmem:s17+$0xFFFFFF10]  }
0x253: {  	v13 =	vld [tilespmem:s17+$0xFFFFFF90]  }
0x254: {  	v14 =	vld [tilespmem:s17+$0x10];
	v1 =	vadd.f32 v7, v1  }
0x255: {  	v5 =	vadd.f32 v5, v10;
	v7 =	vld [tilespmem:s17+$0x90]  }
0x256: {  	v6 =	vadd.f32 v6, v11;
	v10 =	vld [tilespmem:s17+$0x110];
	v1 =	vmax.f32 v1, $0.0e+00  }
0x257: {  	v5 =	vmax.f32 v5, $0.0e+00;
	v4 =	vadd.f32 v4, v12;
	[tilespmem:s17+$0x1B0] =	vst v1;
	v1 =	vld [tilespmem:s17+$0x1C0]  }
0x258: {  	[tilespmem:s17+$0xFFFFFE10] =	vst v5;
	v5 =	vmax.f32 v6, $0.0e+00;
	v6 =	vadd.f32 v8, v13;
	v8 =	vld [tilespmem:s15+$0x1C0]  }
0x259: {  	v11 =	vld [tilespmem:s15+$0xFFFFFE20];
	[tilespmem:s17+$0xFFFFFE90] =	vst v5;
	v4 =	vmax.f32 v4, $0.0e+00;
	v2 =	vadd.f32 v2, v14  }
0x25a: {  	v5 =	vld [tilespmem:s15+$0xFFFFFEA0];
	[tilespmem:s17+$0xFFFFFF10] =	vst v4;
	v4 =	vmax.f32 v6, $0.0e+00;
	v6 =	vadd.f32 v9, v7  }
0x25b: {  	v7 =	vld [tilespmem:s15+$0xFFFFFF20];
	[tilespmem:s17+$0xFFFFFF90] =	vst v4;
	v2 =	vmax.f32 v2, $0.0e+00;
	v3 =	vadd.f32 v3, v10  }
0x25c: {  	v4 =	vld [tilespmem:s15+$0xFFFFFFA0];
	[tilespmem:s17+$0x10] =	vst v2;
	v2 =	vmax.f32 v6, $0.0e+00  }
0x25d: {  	v6 =	vld [tilespmem:s15+$0x20];
	[tilespmem:s17+$0x90] =	vst v2;
	v2 =	vmax.f32 v3, $0.0e+00;
	v1 =	vadd.f32 v8, v1  }
0x25e: {  	v3 =	vld [tilespmem:s15+$0xA0];
	[tilespmem:s17+$0x110] =	vst v2  }
0x25f: {  	v2 =	vld [tilespmem:s15+$0x120];
	v1 =	vmax.f32 v1, $0.0e+00  }
0x260: {  	[tilespmem:s17+$0x1C0] =	vst v1;
	v1 =	vld [tilespmem:s17+$0x1D0]  }
0x261: {  	v8 =	vld [tilespmem:s15+$0x1D0]  }
0x262: {  	v9 =	vld [tilespmem:s17+$0xFFFFFE20]  }
0x263: {  	v10 =	vld [tilespmem:s17+$0xFFFFFEA0]  }
0x264: {  	v12 =	vld [tilespmem:s17+$0xFFFFFF20]  }
0x265: {  	v13 =	vld [tilespmem:s17+$0xFFFFFFA0]  }
0x266: {  	v14 =	vld [tilespmem:s17+$0x20];
	v1 =	vadd.f32 v8, v1  }
0x267: {  	v8 =	vadd.f32 v11, v9;
	v9 =	vld [tilespmem:s17+$0xA0]  }
0x268: {  	v5 =	vadd.f32 v5, v10;
	v10 =	vld [tilespmem:s17+$0x120];
	v1 =	vmax.f32 v1, $0.0e+00  }
0x269: {  	v8 =	vmax.f32 v8, $0.0e+00;
	v7 =	vadd.f32 v7, v12;
	[tilespmem:s17+$0x1D0] =	vst v1;
	v1 =	vld [tilespmem:s17+$0x1E0]  }
0x26a: {  	[tilespmem:s17+$0xFFFFFE20] =	vst v8;
	v5 =	vmax.f32 v5, $0.0e+00;
	v4 =	vadd.f32 v4, v13;
	v8 =	vld [tilespmem:s15+$0x1E0]  }
0x26b: {  	v11 =	vld [tilespmem:s15+$0xFFFFFE30];
	[tilespmem:s17+$0xFFFFFEA0] =	vst v5;
	v5 =	vmax.f32 v7, $0.0e+00;
	v6 =	vadd.f32 v6, v14  }
0x26c: {  	v7 =	vld [tilespmem:s15+$0xFFFFFEB0];
	[tilespmem:s17+$0xFFFFFF20] =	vst v5;
	v4 =	vmax.f32 v4, $0.0e+00;
	v3 =	vadd.f32 v3, v9  }
0x26d: {  	v5 =	vld [tilespmem:s15+$0xFFFFFF30];
	[tilespmem:s17+$0xFFFFFFA0] =	vst v4;
	v4 =	vmax.f32 v6, $0.0e+00;
	v2 =	vadd.f32 v2, v10  }
0x26e: {  	v6 =	vld [tilespmem:s15+$0xFFFFFFB0];
	[tilespmem:s17+$0x20] =	vst v4;
	v3 =	vmax.f32 v3, $0.0e+00  }
0x26f: {  	v4 =	vld [tilespmem:s15+$0x30];
	[tilespmem:s17+$0xA0] =	vst v3;
	v2 =	vmax.f32 v2, $0.0e+00;
	v1 =	vadd.f32 v8, v1  }
0x270: {  	v3 =	vld [tilespmem:s15+$0xB0];
	[tilespmem:s17+$0x120] =	vst v2  }
0x271: {  	v2 =	vld [tilespmem:s15+$0x130];
	v1 =	vmax.f32 v1, $0.0e+00  }
0x272: {  	[tilespmem:s17+$0x1E0] =	vst v1;
	v1 =	vld [tilespmem:s17+$0x1F0]  }
0x273: {  	v8 =	vld [tilespmem:s15+$0x1F0]  }
0x274: {  	v9 =	vld [tilespmem:s17+$0xFFFFFE30]  }
0x275: {  	v10 =	vld [tilespmem:s17+$0xFFFFFEB0]  }
0x276: {  	v12 =	vld [tilespmem:s17+$0xFFFFFF30]  }
0x277: {  	v13 =	vld [tilespmem:s17+$0xFFFFFFB0]  }
0x278: {  	v14 =	vld [tilespmem:s17+$0x30];
	v1 =	vadd.f32 v8, v1  }
0x279: {  	v8 =	vadd.f32 v11, v9;
	v9 =	vld [tilespmem:s17+$0xB0]  }
0x27a: {  	v7 =	vadd.f32 v7, v10;
	v10 =	vld [tilespmem:s17+$0x130];
	v1 =	vmax.f32 v1, $0.0e+00  }
0x27b: {  	v8 =	vmax.f32 v8, $0.0e+00;
	v11 =	vld [tilespmem:s17+$0xFFFFFE40];
	v5 =	vadd.f32 v5, v12;
	[tilespmem:s17+$0x1F0] =	vst v1  }
0x27c: {  	[tilespmem:s17+$0xFFFFFE30] =	vst v8;
	v1 =	vmax.f32 v7, $0.0e+00;
	v7 =	vld [tilespmem:s17+$0xFFFFFEC0];
	v6 =	vadd.f32 v6, v13  }
0x27d: {  	v8 =	vld [tilespmem:s15+$0xFFFFFE40];
	[tilespmem:s17+$0xFFFFFEB0] =	vst v1;
	v1 =	vmax.f32 v5, $0.0e+00;
	v4 =	vadd.f32 v4, v14  }
0x27e: {  	v5 =	vld [tilespmem:s15+$0xFFFFFEC0];
	[tilespmem:s17+$0xFFFFFF30] =	vst v1;
	v1 =	vmax.f32 v6, $0.0e+00;
	v3 =	vadd.f32 v3, v9  }
0x27f: {  	v6 =	vld [tilespmem:s15+$0xFFFFFF40];
	[tilespmem:s17+$0xFFFFFFB0] =	vst v1;
	v1 =	vmax.f32 v4, $0.0e+00;
	v2 =	vadd.f32 v2, v10  }
0x280: {  	v4 =	vld [tilespmem:s15+$0xFFFFFFC0];
	[tilespmem:s17+$0x30] =	vst v1;
	v1 =	vmax.f32 v3, $0.0e+00  }
0x281: {  	v3 =	vld [tilespmem:s15+$0x40];
	[tilespmem:s17+$0xB0] =	vst v1;
	v1 =	vmax.f32 v2, $0.0e+00  }
0x282: {  	v2 =	vadd.f32 v8, v11;
	v8 =	vld [tilespmem:s15+$0xC0];
	[tilespmem:s17+$0x130] =	vst v1  }
0x283: {  	v1 =	vadd.f32 v5, v7;
	v5 =	vld [tilespmem:s15+$0x140]  }
0x284: {  	v2 =	vmax.f32 v2, $0.0e+00;
	v7 =	vld [tilespmem:s17+$0xFFFFFF40]  }
0x285: {  	[tilespmem:s17+$0xFFFFFE40] =	vst v2;
	v1 =	vmax.f32 v1, $0.0e+00;
	v2 =	vld [tilespmem:s17+$0xFFFFFFC0]  }
0x286: {  	[tilespmem:s17+$0xFFFFFEC0] =	vst v1;
	v1 =	vld [tilespmem:s17+$0x40]  }
0x287: {  	v9 =	vld [tilespmem:s17+$0xC0]  }
0x288: {  	v10 =	vld [tilespmem:s17+$0x140]  }
0x289: {  	v11 =	vld [tilespmem:s15+$0xFFFFFE50];
	v6 =	vadd.f32 v6, v7  }
0x28a: {  	v7 =	vld [tilespmem:s15+$0xFFFFFED0];
	v2 =	vadd.f32 v4, v2  }
0x28b: {  	v4 =	vld [tilespmem:s17+$0xFFFFFE50];
	v6 =	vmax.f32 v6, $0.0e+00;
	v1 =	vadd.f32 v3, v1  }
0x28c: {  	v3 =	vld [tilespmem:s17+$0xFFFFFED0];
	[tilespmem:s17+$0xFFFFFF40] =	vst v6;
	v2 =	vmax.f32 v2, $0.0e+00;
	v6 =	vadd.f32 v8, v9  }
0x28d: {  	v8 =	vld [tilespmem:s15+$0xFFFFFF50];
	[tilespmem:s17+$0xFFFFFFC0] =	vst v2;
	v1 =	vmax.f32 v1, $0.0e+00;
	v2 =	vadd.f32 v5, v10  }
0x28e: {  	v5 =	vld [tilespmem:s15+$0xFFFFFFD0];
	[tilespmem:s17+$0x40] =	vst v1;
	v1 =	vmax.f32 v6, $0.0e+00  }
0x28f: {  	v6 =	vld [tilespmem:s15+$0x50];
	[tilespmem:s17+$0xC0] =	vst v1;
	v1 =	vmax.f32 v2, $0.0e+00  }
0x290: {  	v2 =	vadd.f32 v11, v4;
	v4 =	vld [tilespmem:s15+$0xD0];
	[tilespmem:s17+$0x140] =	vst v1  }
0x291: {  	v1 =	vadd.f32 v7, v3;
	v3 =	vld [tilespmem:s15+$0x150]  }
0x292: {  	v2 =	vmax.f32 v2, $0.0e+00;
	v7 =	vld [tilespmem:s17+$0xFFFFFF50]  }
0x293: {  	[tilespmem:s17+$0xFFFFFE50] =	vst v2;
	v1 =	vmax.f32 v1, $0.0e+00;
	v2 =	vld [tilespmem:s17+$0xFFFFFFD0]  }
0x294: {  	[tilespmem:s17+$0xFFFFFED0] =	vst v1;
	v1 =	vld [tilespmem:s17+$0x50]  }
0x295: {  	v9 =	vld [tilespmem:s17+$0xD0]  }
0x296: {  	v10 =	vld [tilespmem:s17+$0x150]  }
0x297: {  	v11 =	vld [tilespmem:s15+$0xFFFFFE60];
	v7 =	vadd.f32 v8, v7  }
0x298: {  	v8 =	vld [tilespmem:s15+$0xFFFFFEE0];
	v2 =	vadd.f32 v5, v2  }
0x299: {  	v5 =	vld [tilespmem:s17+$0xFFFFFE60];
	v7 =	vmax.f32 v7, $0.0e+00;
	v1 =	vadd.f32 v6, v1  }
0x29a: {  	v6 =	vld [tilespmem:s17+$0xFFFFFEE0];
	[tilespmem:s17+$0xFFFFFF50] =	vst v7;
	v2 =	vmax.f32 v2, $0.0e+00;
	v4 =	vadd.f32 v4, v9  }
0x29b: {  	v7 =	vld [tilespmem:s15+$0xFFFFFF60];
	[tilespmem:s17+$0xFFFFFFD0] =	vst v2;
	v1 =	vmax.f32 v1, $0.0e+00;
	v2 =	vadd.f32 v3, v10  }
0x29c: {  	v3 =	vld [tilespmem:s15+$0xFFFFFFE0];
	[tilespmem:s17+$0x50] =	vst v1;
	v1 =	vmax.f32 v4, $0.0e+00  }
0x29d: {  	v4 =	vld [tilespmem:s15+$0x60];
	[tilespmem:s17+$0xD0] =	vst v1;
	v1 =	vmax.f32 v2, $0.0e+00  }
0x29e: {  	v2 =	vadd.f32 v11, v5;
	v5 =	vld [tilespmem:s15+$0xE0];
	[tilespmem:s17+$0x150] =	vst v1  }
0x29f: {  	v1 =	vadd.f32 v8, v6;
	v6 =	vld [tilespmem:s15+$0x160]  }
0x2a0: {  	v2 =	vmax.f32 v2, $0.0e+00;
	v8 =	vld [tilespmem:s17+$0xFFFFFF60]  }
0x2a1: {  	[tilespmem:s17+$0xFFFFFE60] =	vst v2;
	v1 =	vmax.f32 v1, $0.0e+00;
	v2 =	vld [tilespmem:s17+$0xFFFFFFE0]  }
0x2a2: {  	[tilespmem:s17+$0xFFFFFEE0] =	vst v1;
	v1 =	vld [tilespmem:s17+$0x60]  }
0x2a3: {  	v9 =	vld [tilespmem:s17+$0xE0]  }
0x2a4: {  	v10 =	vld [tilespmem:s17+$0x160]  }
0x2a5: {  	v11 =	vld [tilespmem:s15+$0xFFFFFE70];
	v7 =	vadd.f32 v7, v8  }
0x2a6: {  	v8 =	vld [tilespmem:s15+$0xFFFFFEF0];
	v2 =	vadd.f32 v3, v2  }
0x2a7: {  	v12 =	vld [tilespmem:s17+$0xFFFFFE70];
	v3 =	vmax.f32 v7, $0.0e+00;
	v1 =	vadd.f32 v4, v1  }
0x2a8: {  	v7 =	vld [tilespmem:s17+$0xFFFFFEF0];
	[tilespmem:s17+$0xFFFFFF60] =	vst v3;
	v2 =	vmax.f32 v2, $0.0e+00;
	v5 =	vadd.f32 v5, v9  }
0x2a9: {  	v3 =	vld [tilespmem:s15+$0xFFFFFF70];
	[tilespmem:s17+$0xFFFFFFE0] =	vst v2;
	v1 =	vmax.f32 v1, $0.0e+00;
	v2 =	vadd.f32 v6, v10  }
0x2aa: {  	v4 =	vld [tilespmem:s15+$0xFFFFFFF0];
	[tilespmem:s17+$0x60] =	vst v1;
	v1 =	vmax.f32 v5, $0.0e+00  }
0x2ab: {  	v5 =	vld [tilespmem:s15+$0x70];
	[tilespmem:s17+$0xE0] =	vst v1;
	v1 =	vmax.f32 v2, $0.0e+00  }
0x2ac: {  	v2 =	vadd.f32 v11, v12;
	v6 =	vld [tilespmem:s15+$0xF0];
	[tilespmem:s17+$0x160] =	vst v1  }
0x2ad: {  	v7 =	vadd.f32 v8, v7;
	v1 =	vld [tilespmem:s15+$0x170]  }
.Ltmp2:
0x2ae: {  	v2 =	vmax.f32 v2, $0.0e+00;
	v8 =	vld [tilespmem:s17+$0xFFFFFF70];
	(pc) =	sbr.rel @p2 .LBB2_7-.Ltmp2, $4  }
0x2af: {  	[tilespmem:s17+$0xFFFFFE70] =	vst v2;
	v2 =	vmax.f32 v7, $0.0e+00;
	v10 =	vld [tilespmem:s17+$0xFFFFFFF0]  }
0x2b0: {  	[tilespmem:s17+$0xFFFFFEF0] =	vst v2;
	v9 =	vld [tilespmem:s17+$0x70]  }
0x2b1: {  	v7 =	vld [tilespmem:s17+$0xF0]  }
0x2b2: {  	s17 =	sadd.s32 $0x400, s17;
	v2 =	vld [tilespmem:s14+$0x170]  }
0x2b3: {  	v3 =	vadd.f32 v3, v8  }
0x2b4: {  	v4 =	vadd.f32 v4, v10  }
0x2b5: {  	v3 =	vmax.f32 v3, $0.0e+00;
	v5 =	vadd.f32 v5, v9  }
0x2b6: {  	[tilespmem:s14+$0xFFFFFF70] =	vst v3;
	v3 =	vmax.f32 v4, $0.0e+00;
	v63 =	vadd.f32 v6, v7  }
0x2b7: {  	[tilespmem:s14+$0xFFFFFFF0] =	vst v3;
	v3 =	vmax.f32 v5, $0.0e+00;
	v1 =	vadd.f32 v1, v2  }
0x2b8: {  	[tilespmem:s14+$0x70] =	vst v3;
	v2 =	vmax.f32 v63, $0.0e+00  }
0x2b9: {  	[tilespmem:s14+$0xF0] =	vst v2;
	v1 =	vmax.f32 v1, $0.0e+00  }
0x2ba: {  	[tilespmem:s14+$0x170] =	vst v1  }
0x2bb: {  	_ =	swait.ge [sflag:s10], $0x50  }
0x2bc: {  	[sflag:s10] =	ssyncset.done $0x0  }
0x2bd: {  	[sflag:s10] =	ssyncadd.s32 $0xFFFFFFB0  }
0x2be: {  	_ =	swait.ge [sflag:s10], $0x50  }
0x2bf: {  	s13 =	sshll.u32 s13, $0x4;
	[sflag:s10] =	ssyncset.done $0x0  }
0x2c0: {  	s12 =	sadd.s32 $0x1, s12;
	s13 =	sadd.s32 s3, s13;
	[sflag:s10] =	ssyncadd.s32 $0xFFFFFFB0  }
0x2c1: {  	[tilespmem:s25], [sflag:$0x3] =	stream.linear.gather [hbm4b:s13+s2], $0x2800, $0x38;
	[tilespmem:$0x1B280] =	vst v63  }
0x2c2: {  	p2 =	sne.s32 s12, $0x3E  }
0x2c3: {  	[tilespmem:s22], [sflag:$0x4] =	stream.indirect.gather [hbm4b:s4+s26], $0x80, s2, s26, $0xb8;
	[tilespmem:$0x1B280] =	vst v63  }
.Ltmp3:
0x2c4: {  	_ = 	snop;
	(pc) =	sbr.rel @p2 .LBB2_4-.Ltmp3, $4  }
0x2c5: {  	[spmem:s1] =	stream.indirect.scatter.add.f32 [tilespmem:s8], [sflag:$0x6], $0x80, s29, s26, $0xb8;
	[tilespmem:$0x1B280] =	vst v63  }
0x2c6: {  	_ =	swait.ge [sflag:s23], $0x2800  }
0x2c7: {  	[sflag:s23] =	ssyncset.done $0x0  }
0x2c8: {  	[sflag:s23] =	ssyncadd.s32 $0xFFFFD800  }
0x2c9: {  	_ =	swait.ge [sflag:s30], $0x2800  }
0x2ca: {  	[sflag:s30] =	ssyncset.done $0x0  }
0x2cb: {  	[sflag:s30] =	ssyncadd.s32 $0xFFFFD800  }
0x2cc: {  	_ =	swait.ge [sflag:s31], $0x2800  }
0x2cd: {  	[sflag:s31] =	ssyncset.done $0x0  }
0x2ce: {  	s12 =	simm.s32 $0x2C00;
	[sflag:s31] =	ssyncadd.s32 $0xFFFFD800  }
0x2cf: {  	s13 =	simm.s32 $0x400;
	v1 =	vld [tilespmem:s12+$0x180]  }
0x2d0: {  	v2 =	vld [tilespmem:s13+$0x180]  }
0x2d1: {  	v3 =	vld [tilespmem:s12+$0xFFFFFE80]  }
0x2d2: {  	v5 =	vld [tilespmem:s13+$0xFFFFFE80]  }
0x2d3: {  	v6 =	vld [tilespmem:s12+$0xFFFFFF00]  }
0x2d4: {  	v7 =	vld [tilespmem:s13+$0xFFFFFF00]  }
0x2d5: {  	v8 =	vld [tilespmem:s12+$0xFFFFFF80]  }
0x2d6: {  	v9 =	vld [tilespmem:s13+$0xFFFFFF80]  }
0x2d7: {  	v10 =	vld [tilespmem:s13+$0x0]  }
0x2d8: {  	v11 =	vld [tilespmem:s12+$0x80]  }
0x2d9: {  	v44 =	vld [tilespmem:s12+$0xFFFFFE90]  }
0x2da: {  	v13 =	vld [tilespmem:s12+$0xFFFFFF10]  }
0x2db: {  	v14 =	vld [tilespmem:s12+$0x90]  }
0x2dc: {  	v45 =	vld [tilespmem:s12+$0x110]  }
0x2dd: {  	v46 =	vld [tilespmem:s12+$0xFFFFFF20]  }
0x2de: {  	v47 =	vld [tilespmem:s12+$0xFFFFFFA0]  }
0x2df: {  	v48 =	vld [tilespmem:s12+$0xA0]  }
0x2e0: {  	v49 =	vld [tilespmem:s12+$0xFFFFFF30];
	v1 =	vadd.f32 v2, v1  }
0x2e1: {  	v50 =	vld [tilespmem:s12+$0xFFFFFFB0]  }
0x2e2: {  	v51 =	vld [tilespmem:s12+$0x30];
	v1 =	vmax.f32 v1, $0.0e+00  }
0x2e3: {  	[tilespmem:s12+$0x180] =	vst v1;
	v1 =	vld [tilespmem:s12+$0x190]  }
0x2e4: {  	v4 =	vld [tilespmem:s13+$0x190]  }
0x2e5: {  	v52 =	vld [tilespmem:s12+$0xFFFFFE40]  }
0x2e6: {  	v54 =	vld [tilespmem:s12+$0xFFFFFFC0]  }
0x2e7: {  	v55 =	vld [tilespmem:s12+$0xC0]  }
0x2e8: {  	v56 =	vld [tilespmem:s12+$0xFFFFFE50]  }
0x2e9: {  	v57 =	vld [tilespmem:s12+$0xFFFFFFD0];
	v1 =	vadd.f32 v4, v1  }
0x2ea: {  	v58 =	vld [tilespmem:s12+$0xD0]  }
0x2eb: {  	v2 =	vld [tilespmem:s13+$0xFFFFFE00];
	v1 =	vmax.f32 v1, $0.0e+00  }
0x2ec: {  	[tilespmem:s12+$0x190] =	vst v1;
	v1 =	vld [tilespmem:s12+$0x1A0]  }
0x2ed: {  	v12 =	vld [tilespmem:s13+$0x1A0]  }
0x2ee: {  	v3 =	vadd.f32 v5, v3;
	v5 =	vld [tilespmem:s13+$0x80]  }
0x2ef: {  	v8 =	vadd.f32 v9, v8;
	v9 =	vld [tilespmem:s12+$0xFFFFFE00]  }
0x2f0: {  	v6 =	vadd.f32 v7, v6;
	v7 =	vld [tilespmem:s12+$0x100]  }
0x2f1: {  	v3 =	vmax.f32 v3, $0.0e+00;
	v4 =	vld [tilespmem:s12+$0x0]  }
0x2f2: {  	[tilespmem:s12+$0xFFFFFE80] =	vst v3;
	v3 =	vmax.f32 v6, $0.0e+00;
	v6 =	vld [tilespmem:s13+$0x100];
	v1 =	vadd.f32 v12, v1  }
0x2f3: {  	[tilespmem:s12+$0xFFFFFF00] =	vst v3;
	v3 =	vmax.f32 v8, $0.0e+00;
	v8 =	vld [tilespmem:s13+$0xFFFFFE90];
	v5 =	vadd.f32 v5, v11  }
0x2f4: {  	v2 =	vadd.f32 v2, v9;
	v11 =	vld [tilespmem:s12+$0xFFFFFE10];
	v1 =	vmax.f32 v1, $0.0e+00  }
0x2f5: {  	[tilespmem:s12+$0x1A0] =	vst v1;
	v1 =	vmax.f32 v5, $0.0e+00;
	v5 =	vld [tilespmem:s12+$0x1B0]  }
0x2f6: {  	v4 =	vadd.f32 v10, v4;
	[tilespmem:s12+$0x80] =	vst v1;
	v1 =	vmax.f32 v2, $0.0e+00;
	v2 =	vld [tilespmem:s13+$0x1B0]  }
0x2f7: {  	[tilespmem:s12+$0xFFFFFF80] =	vst v3;
	v6 =	vadd.f32 v6, v7;
	v7 =	vld [tilespmem:s12+$0x10]  }
0x2f8: {  	v3 =	vmax.f32 v4, $0.0e+00;
	v4 =	vld [tilespmem:s13+$0xFFFFFF10];
	[tilespmem:s12+$0xFFFFFE00] =	vst v1  }
0x2f9: {  	v1 =	vld [tilespmem:s13+$0xFFFFFE10]  }
0x2fa: {  	[tilespmem:s12+$0x0] =	vst v3;
	v3 =	vld [tilespmem:s13+$0xFFFFFF90]  }
0x2fb: {  	v9 =	vld [tilespmem:s13+$0x10];
	v2 =	vadd.f32 v2, v5  }
0x2fc: {  	v5 =	vld [tilespmem:s12+$0xFFFFFF90]  }
0x2fd: {  	v10 =	vld [tilespmem:s13+$0x90];
	v2 =	vmax.f32 v2, $0.0e+00  }
0x2fe: {  	v1 =	vadd.f32 v1, v11;
	[tilespmem:s12+$0x1B0] =	vst v2;
	v2 =	vmax.f32 v6, $0.0e+00;
	v6 =	vld [tilespmem:s12+$0x1C0]  }
0x2ff: {  	[tilespmem:s12+$0x100] =	vst v2;
	v2 =	vadd.f32 v8, v44;
	v8 =	vld [tilespmem:s13+$0x1C0]  }
0x300: {  	v4 =	vadd.f32 v4, v13;
	v1 =	vmax.f32 v1, $0.0e+00;
	v11 =	vld [tilespmem:s13+$0x110]  }
0x301: {  	v59 =	vld [tilespmem:s12+$0xFFFFFE60];
	[tilespmem:s12+$0xFFFFFE10] =	vst v1;
	v1 =	vmax.f32 v2, $0.0e+00;
	v2 =	vadd.f32 v3, v5  }
0x302: {  	v60 =	vld [tilespmem:s12+$0xFFFFFFE0];
	[tilespmem:s12+$0xFFFFFE90] =	vst v1;
	v1 =	vmax.f32 v4, $0.0e+00;
	v4 =	vadd.f32 v9, v7  }
0x303: {  	v61 =	vld [tilespmem:s12+$0xE0];
	[tilespmem:s12+$0xFFFFFF10] =	vst v1;
	v1 =	vmax.f32 v2, $0.0e+00;
	v2 =	vadd.f32 v10, v14  }
0x304: {  	v3 =	vld [tilespmem:s13+$0xFFFFFE20];
	[tilespmem:s12+$0xFFFFFF90] =	vst v1;
	v1 =	vmax.f32 v4, $0.0e+00;
	v4 =	vadd.f32 v8, v6  }
0x305: {  	v5 =	vld [tilespmem:s13+$0xFFFFFEA0];
	[tilespmem:s12+$0x10] =	vst v1;
	v1 =	vmax.f32 v2, $0.0e+00;
	v2 =	vadd.f32 v11, v45  }
0x306: {  	v10 =	vld [tilespmem:s12+$0xFFFFFE20];
	[tilespmem:s12+$0x90] =	vst v1;
	v1 =	vmax.f32 v4, $0.0e+00  }
0x307: {  	[tilespmem:s12+$0x1C0] =	vst v1;
	v1 =	vmax.f32 v2, $0.0e+00;
	v2 =	vld [tilespmem:s12+$0x1D0]  }
0x308: {  	[tilespmem:s12+$0x110] =	vst v1;
	v1 =	vld [tilespmem:s13+$0x1D0]  }
0x309: {  	v7 =	vld [tilespmem:s13+$0xFFFFFF20]  }
0x30a: {  	v6 =	vld [tilespmem:s13+$0xFFFFFFA0]  }
0x30b: {  	v11 =	vld [tilespmem:s12+$0xFFFFFEA0]  }
0x30c: {  	v8 =	vld [tilespmem:s13+$0x20];
	v3 =	vadd.f32 v3, v10  }
0x30d: {  	v4 =	vld [tilespmem:s13+$0xA0];
	v1 =	vadd.f32 v1, v2  }
0x30e: {  	v10 =	vld [tilespmem:s12+$0x120];
	v3 =	vmax.f32 v3, $0.0e+00  }
0x30f: {  	[tilespmem:s12+$0xFFFFFE20] =	vst v3;
	v2 =	vld [tilespmem:s12+$0x20];
	v1 =	vmax.f32 v1, $0.0e+00  }
0x310: {  	v9 =	vld [tilespmem:s13+$0x120];
	[tilespmem:s12+$0x1D0] =	vst v1;
	v1 =	vadd.f32 v5, v11  }
0x311: {  	v7 =	vadd.f32 v7, v46;
	v3 =	vadd.f32 v6, v47;
	v6 =	vld [tilespmem:s13+$0xFFFFFE30]  }
0x312: {  	v5 =	vld [tilespmem:s12+$0x1E0];
	v1 =	vmax.f32 v1, $0.0e+00  }
0x313: {  	v11 =	vld [tilespmem:s13+$0x1E0];
	[tilespmem:s12+$0xFFFFFEA0] =	vst v1;
	v1 =	vmax.f32 v7, $0.0e+00  }
0x314: {  	v2 =	vadd.f32 v8, v2;
	v7 =	vld [tilespmem:s13+$0xFFFFFEB0];
	[tilespmem:s12+$0xFFFFFF20] =	vst v1  }
0x315: {  	v1 =	vmax.f32 v3, $0.0e+00;
	v3 =	vadd.f32 v4, v48;
	v4 =	vld [tilespmem:s13+$0xFFFFFF30]  }
0x316: {  	[tilespmem:s12+$0xFFFFFFA0] =	vst v1;
	v1 =	vmax.f32 v2, $0.0e+00;
	v2 =	vadd.f32 v9, v10;
	v10 =	vld [tilespmem:s12+$0xFFFFFE30]  }
0x317: {  	v8 =	vld [tilespmem:s13+$0xFFFFFFB0]  }
0x318: {  	[tilespmem:s12+$0x20] =	vst v1;
	v1 =	vmax.f32 v3, $0.0e+00;
	v3 =	vadd.f32 v11, v5;
	v11 =	vld [tilespmem:s12+$0xFFFFFEB0]  }
0x319: {  	v5 =	vld [tilespmem:s13+$0x30];
	[tilespmem:s12+$0xA0] =	vst v1;
	v1 =	vmax.f32 v2, $0.0e+00  }
0x31a: {  	v9 =	vld [tilespmem:s13+$0xB0];
	[tilespmem:s12+$0x120] =	vst v1  }
0x31b: {  	v1 =	vmax.f32 v3, $0.0e+00;
	v3 =	vld [tilespmem:s13+$0x130]  }
0x31c: {  	[tilespmem:s12+$0x1E0] =	vst v1;
	v1 =	vld [tilespmem:s12+$0x1F0]  }
0x31d: {  	v2 =	vld [tilespmem:s13+$0x1F0];
	v6 =	vadd.f32 v6, v10  }
0x31e: {  	v10 =	vld [tilespmem:s12+$0xB0];
	v7 =	vadd.f32 v7, v11  }
0x31f: {  	v4 =	vadd.f32 v4, v49;
	v11 =	vld [tilespmem:s12+$0x130];
	v6 =	vmax.f32 v6, $0.0e+00  }
0x320: {  	[tilespmem:s12+$0xFFFFFE30] =	vst v6;
	v6 =	vmax.f32 v7, $0.0e+00;
	v7 =	vld [tilespmem:s12+$0xFFFFFEC0]  }
0x321: {  	v8 =	vadd.f32 v8, v50;
	v4 =	vmax.f32 v4, $0.0e+00;
	v53 =	vld [tilespmem:s13+$0xFFFFFE40];
	[tilespmem:s12+$0xFFFFFEB0] =	vst v6  }
0x322: {  	v5 =	vadd.f32 v5, v51;
	[tilespmem:s12+$0xFFFFFF30] =	vst v4;
	v6 =	vld [tilespmem:s13+$0xFFFFFEC0]  }
0x323: {  	v4 =	vmax.f32 v8, $0.0e+00;
	v8 =	vadd.f32 v9, v10;
	v9 =	vld [tilespmem:s13+$0xFFFFFF40]  }
0x324: {  	[tilespmem:s12+$0xFFFFFFB0] =	vst v4;
	v4 =	vmax.f32 v5, $0.0e+00;
	v10 =	vld [tilespmem:s12+$0xFFFFFF40]  }
0x325: {  	v5 =	vld [tilespmem:s13+$0xFFFFFFC0];
	[tilespmem:s12+$0x30] =	vst v4;
	v3 =	vadd.f32 v3, v11;
	v4 =	vmax.f32 v8, $0.0e+00  }
0x326: {  	v8 =	vld [tilespmem:s13+$0x40];
	[tilespmem:s12+$0xB0] =	vst v4  }
0x327: {  	v3 =	vmax.f32 v3, $0.0e+00;
	v4 =	vld [tilespmem:s13+$0xC0];
	v11 =	vadd.f32 v53, v52  }
0x328: {  	[tilespmem:s12+$0x130] =	vst v3;
	v6 =	vadd.f32 v6, v7;
	v7 =	vld [tilespmem:s12+$0x40]  }
0x329: {  	v3 =	vld [tilespmem:s13+$0x140];
	v9 =	vadd.f32 v9, v10;
	v11 =	vmax.f32 v11, $0.0e+00  }
0x32a: {  	[tilespmem:s12+$0xFFFFFE40] =	vst v11;
	v6 =	vmax.f32 v6, $0.0e+00;
	v11 =	vld [tilespmem:s12+$0x140]  }
0x32b: {  	v5 =	vadd.f32 v5, v54;
	v9 =	vmax.f32 v9, $0.0e+00;
	[tilespmem:s12+$0xFFFFFEC0] =	vst v6;
	v6 =	vld [tilespmem:s13+$0xFFFFFE50]  }
0x32c: {  	[tilespmem:s12+$0xFFFFFF40] =	vst v9;
	v10 =	vld [tilespmem:s13+$0xFFFFFED0]  }
0x32d: {  	v5 =	vmax.f32 v5, $0.0e+00;
	v4 =	vadd.f32 v4, v55;
	v9 =	vld [tilespmem:s13+$0xFFFFFF50];
	v7 =	vadd.f32 v8, v7  }
0x32e: {  	[tilespmem:s12+$0xFFFFFFC0] =	vst v5;
	v8 =	vld [tilespmem:s12+$0xFFFFFED0]  }
0x32f: {  	v4 =	vmax.f32 v4, $0.0e+00;
	v5 =	vmax.f32 v7, $0.0e+00;
	v7 =	vld [tilespmem:s13+$0xFFFFFFD0]  }
0x330: {  	v3 =	vadd.f32 v3, v11;
	[tilespmem:s12+$0xC0] =	vst v4;
	v11 =	vld [tilespmem:s12+$0xFFFFFF50]  }
0x331: {  	[tilespmem:s12+$0x40] =	vst v5;
	v4 =	vld [tilespmem:s13+$0xD0]  }
0x332: {  	v6 =	vadd.f32 v6, v56;
	v5 =	vld [tilespmem:s13+$0x50];
	v3 =	vmax.f32 v3, $0.0e+00  }
0x333: {  	[tilespmem:s12+$0x140] =	vst v3;
	v8 =	vadd.f32 v10, v8;
	v10 =	vld [tilespmem:s12+$0x50]  }
0x334: {  	v6 =	vmax.f32 v6, $0.0e+00;
	v3 =	vld [tilespmem:s13+$0x150]  }
0x335: {  	[tilespmem:s12+$0xFFFFFE50] =	vst v6;
	v6 =	vmax.f32 v8, $0.0e+00;
	v8 =	vld [tilespmem:s12+$0x150];
	v9 =	vadd.f32 v9, v11  }
0x336: {  	v7 =	vadd.f32 v7, v57;
	[tilespmem:s12+$0xFFFFFED0] =	vst v6;
	v6 =	vld [tilespmem:s13+$0xFFFFFE60]  }
0x337: {  	v4 =	vadd.f32 v4, v58;
	v11 =	vld [tilespmem:s13+$0xFFFFFEE0];
	v9 =	vmax.f32 v9, $0.0e+00  }
0x338: {  	v7 =	vmax.f32 v7, $0.0e+00;
	v5 =	vadd.f32 v5, v10;
	v10 =	vld [tilespmem:s12+$0xFFFFFEE0];
	[tilespmem:s12+$0xFFFFFF50] =	vst v9  }
0x339: {  	[tilespmem:s12+$0xFFFFFFD0] =	vst v7;
	v4 =	vmax.f32 v4, $0.0e+00;
	v9 =	vld [tilespmem:s13+$0xFFFFFF60]  }
0x33a: {  	v7 =	vld [tilespmem:s13+$0xFFFFFFE0];
	[tilespmem:s12+$0xD0] =	vst v4;
	v5 =	vmax.f32 v5, $0.0e+00;
	v3 =	vadd.f32 v3, v8  }
0x33b: {  	v4 =	vld [tilespmem:s13+$0xE0];
	[tilespmem:s12+$0x50] =	vst v5  }
0x33c: {  	v5 =	vld [tilespmem:s13+$0x60];
	v3 =	vmax.f32 v3, $0.0e+00  }
0x33d: {  	v6 =	vadd.f32 v6, v59;
	[tilespmem:s12+$0x150] =	vst v3;
	v3 =	vld [tilespmem:s12+$0xFFFFFF60]  }
0x33e: {  	v10 =	vadd.f32 v11, v10;
	v11 =	vld [tilespmem:s12+$0x60]  }
0x33f: {  	v6 =	vmax.f32 v6, $0.0e+00;
	v8 =	vld [tilespmem:s13+$0x160]  }
0x340: {  	[tilespmem:s12+$0xFFFFFE60] =	vst v6;
	v6 =	vmax.f32 v10, $0.0e+00;
	v10 =	vld [tilespmem:s12+$0x160]  }
0x341: {  	v62 =	vld [tilespmem:s13+$0xFFFFFE70];
	[tilespmem:s12+$0xFFFFFEE0] =	vst v6;
	v6 =	vadd.f32 v7, v60  }
0x342: {  	v7 =	vld [tilespmem:s12+$0xFFFFFE70]  }
0x343: {  	v3 =	vadd.f32 v9, v3;
	v9 =	vld [tilespmem:s13+$0xFFFFFEF0];
	v6 =	vmax.f32 v6, $0.0e+00  }
0x344: {  	v5 =	vadd.f32 v5, v11;
	v11 =	vld [tilespmem:s12+$0xFFFFFEF0];
	[tilespmem:s12+$0xFFFFFFE0] =	vst v6  }
0x345: {  	v63 =	vadd.f32 v4, v61;
	v3 =	vmax.f32 v3, $0.0e+00;
	v4 =	vld [tilespmem:s13+$0xFFFFFFF0]  }
0x346: {  	v5 =	vmax.f32 v5, $0.0e+00;
	v6 =	vadd.f32 v8, v10;
	v10 =	vld [tilespmem:s12+$0xFFFFFFF0];
	[tilespmem:s12+$0xFFFFFF60] =	vst v3  }
0x347: {  	v8 =	vmax.f32 v63, $0.0e+00;
	[tilespmem:s12+$0x60] =	vst v5;
	v3 =	vld [tilespmem:s13+$0xFFFFFF70]  }
0x348: {  	[tilespmem:s12+$0xE0] =	vst v8;
	v5 =	vld [tilespmem:s13+$0x70]  }
0x349: {  	v2 =	vadd.f32 v2, v1;
	v8 =	vmax.f32 v6, $0.0e+00;
	v6 =	vld [tilespmem:s13+$0xF0]  }
0x34a: {  	v7 =	vadd.f32 v62, v7;
	[tilespmem:s12+$0x160] =	vst v8;
	v8 =	vld [tilespmem:s12+$0xFFFFFF70]  }
0x34b: {  	v2 =	vmax.f32 v2, $0.0e+00;
	v11 =	vadd.f32 v9, v11;
	v9 =	vld [tilespmem:s12+$0x70]  }
0x34c: {  	[tilespmem:s12+$0x1F0] =	vst v2;
	v2 =	vmax.f32 v7, $0.0e+00;
	v7 =	vld [tilespmem:s12+$0xF0]  }
0x34d: {  	v1 =	vld [tilespmem:s13+$0x170];
	[tilespmem:s12+$0xFFFFFE70] =	vst v2;
	v2 =	vmax.f32 v11, $0.0e+00  }
0x34e: {  	s14 =	simm.s32 $0x0;
	s15 =	simm.s32 $0x3000;
	[tilespmem:s12+$0xFFFFFEF0] =	vst v2;
	v2 =	vld [tilespmem:s12+$0x170]  }
.LBB2_10:
0x34f: {  	v11 =	vld [tilespmem:s15+$0x180];
	v3 =	vadd.f32 v3, v8;
	s13 =	sadd.s32 $0x400, s13  }
0x350: {  	s14 =	sadd.s32 $0x8, s14;
	v8 =	vld [tilespmem:s13+$0x180];
	v4 =	vadd.f32 v4, v10  }
0x351: {  	p2 =	slt.u32 s14, $0x48;
	v10 =	vld [tilespmem:s13+$0xFFFFFE00];
	v3 =	vmax.f32 v3, $0.0e+00;
	v5 =	vadd.f32 v5, v9  }
0x352: {  	v9 =	vld [tilespmem:s15+$0xFFFFFE80];
	[tilespmem:s12+$0xFFFFFF70] =	vst v3;
	v3 =	vmax.f32 v4, $0.0e+00;
	v4 =	vadd.f32 v6, v7  }
0x353: {  	v6 =	vld [tilespmem:s13+$0xFFFFFE80];
	[tilespmem:s12+$0xFFFFFFF0] =	vst v3;
	v3 =	vmax.f32 v5, $0.0e+00;
	v1 =	vadd.f32 v1, v2  }
0x354: {  	v2 =	vld [tilespmem:s15+$0xFFFFFF00];
	[tilespmem:s12+$0x70] =	vst v3;
	v3 =	vmax.f32 v4, $0.0e+00  }
0x355: {  	v4 =	vld [tilespmem:s13+$0xFFFFFF00];
	v5 =	vadd.f32 v8, v11;
	[tilespmem:s12+$0xF0] =	vst v3;
	v1 =	vmax.f32 v1, $0.0e+00  }
0x356: {  	v3 =	vld [tilespmem:s15+$0xFFFFFF80];
	[tilespmem:s12+$0x170] =	vst v1;
	s12 =	smov.u32 s15  }
0x357: {  	v1 =	vld [tilespmem:s13+$0xFFFFFF80];
	v5 =	vmax.f32 v5, $0.0e+00  }
0x358: {  	v6 =	vadd.f32 v6, v9;
	[tilespmem:s15+$0x180] =	vst v5;
	v5 =	vld [tilespmem:s15+$0x190]  }
0x359: {  	v7 =	vld [tilespmem:s13+$0x190]  }
0x35a: {  	v6 =	vmax.f32 v6, $0.0e+00;
	v2 =	vadd.f32 v4, v2;
	v4 =	vld [tilespmem:s15+$0x0]  }
0x35b: {  	[tilespmem:s15+$0xFFFFFE80] =	vst v6;
	v6 =	vld [tilespmem:s13+$0x0]  }
0x35c: {  	v2 =	vmax.f32 v2, $0.0e+00;
	v1 =	vadd.f32 v1, v3;
	v3 =	vld [tilespmem:s15+$0x80]  }
0x35d: {  	[tilespmem:s15+$0xFFFFFF00] =	vst v2;
	v2 =	vld [tilespmem:s13+$0x80]  }
0x35e: {  	v1 =	vmax.f32 v1, $0.0e+00;
	v8 =	vld [tilespmem:s15+$0x100];
	v5 =	vadd.f32 v7, v5  }
0x35f: {  	[tilespmem:s15+$0xFFFFFF80] =	vst v1;
	v1 =	vld [tilespmem:s13+$0x100]  }
0x360: {  	v7 =	vld [tilespmem:s15+$0xFFFFFE00];
	v4 =	vadd.f32 v6, v4;
	v5 =	vmax.f32 v5, $0.0e+00  }
0x361: {  	[tilespmem:s15+$0x190] =	vst v5;
	v5 =	vld [tilespmem:s15+$0x1A0]  }
0x362: {  	v4 =	vmax.f32 v4, $0.0e+00;
	v2 =	vadd.f32 v2, v3;
	v3 =	vld [tilespmem:s13+$0x1A0]  }
0x363: {  	v6 =	vld [tilespmem:s13+$0xFFFFFE90];
	[tilespmem:s15+$0x0] =	vst v4  }
0x364: {  	v4 =	vld [tilespmem:s13+$0xFFFFFF10];
	v2 =	vmax.f32 v2, $0.0e+00;
	v1 =	vadd.f32 v1, v8  }
0x365: {  	v7 =	vadd.f32 v10, v7;
	v8 =	vld [tilespmem:s13+$0xFFFFFF90];
	[tilespmem:s15+$0x80] =	vst v2  }
0x366: {  	v2 =	vld [tilespmem:s13+$0x10];
	v1 =	vmax.f32 v1, $0.0e+00  }
0x367: {  	v7 =	vmax.f32 v7, $0.0e+00;
	v9 =	vld [tilespmem:s13+$0x90];
	[tilespmem:s15+$0x100] =	vst v1;
	v1 =	vadd.f32 v3, v5  }
0x368: {  	[tilespmem:s15+$0xFFFFFE00] =	vst v7;
	v3 =	vld [tilespmem:s13+$0x110]  }
0x369: {  	v5 =	vld [tilespmem:s13+$0xFFFFFE10];
	v1 =	vmax.f32 v1, $0.0e+00  }
0x36a: {  	[tilespmem:s15+$0x1A0] =	vst v1;
	v1 =	vld [tilespmem:s15+$0x1B0]  }
0x36b: {  	v7 =	vld [tilespmem:s13+$0x1B0]  }
0x36c: {  	v10 =	vld [tilespmem:s15+$0xFFFFFE10]  }
0x36d: {  	v11 =	vld [tilespmem:s15+$0xFFFFFE90]  }
0x36e: {  	v12 =	vld [tilespmem:s15+$0xFFFFFF10]  }
0x36f: {  	v13 =	vld [tilespmem:s15+$0xFFFFFF90]  }
0x370: {  	v14 =	vld [tilespmem:s15+$0x10];
	v1 =	vadd.f32 v7, v1  }
0x371: {  	v5 =	vadd.f32 v5, v10;
	v7 =	vld [tilespmem:s15+$0x90]  }
0x372: {  	v6 =	vadd.f32 v6, v11;
	v10 =	vld [tilespmem:s15+$0x110];
	v1 =	vmax.f32 v1, $0.0e+00  }
0x373: {  	v5 =	vmax.f32 v5, $0.0e+00;
	v4 =	vadd.f32 v4, v12;
	[tilespmem:s15+$0x1B0] =	vst v1;
	v1 =	vld [tilespmem:s15+$0x1C0]  }
0x374: {  	[tilespmem:s15+$0xFFFFFE10] =	vst v5;
	v5 =	vmax.f32 v6, $0.0e+00;
	v6 =	vadd.f32 v8, v13;
	v8 =	vld [tilespmem:s13+$0x1C0]  }
0x375: {  	v11 =	vld [tilespmem:s13+$0xFFFFFE20];
	[tilespmem:s15+$0xFFFFFE90] =	vst v5;
	v4 =	vmax.f32 v4, $0.0e+00;
	v2 =	vadd.f32 v2, v14  }
0x376: {  	v5 =	vld [tilespmem:s13+$0xFFFFFEA0];
	[tilespmem:s15+$0xFFFFFF10] =	vst v4;
	v4 =	vmax.f32 v6, $0.0e+00;
	v6 =	vadd.f32 v9, v7  }
0x377: {  	v7 =	vld [tilespmem:s13+$0xFFFFFF20];
	[tilespmem:s15+$0xFFFFFF90] =	vst v4;
	v2 =	vmax.f32 v2, $0.0e+00;
	v3 =	vadd.f32 v3, v10  }
0x378: {  	v4 =	vld [tilespmem:s13+$0xFFFFFFA0];
	[tilespmem:s15+$0x10] =	vst v2;
	v2 =	vmax.f32 v6, $0.0e+00  }
0x379: {  	v6 =	vld [tilespmem:s13+$0x20];
	[tilespmem:s15+$0x90] =	vst v2;
	v2 =	vmax.f32 v3, $0.0e+00;
	v1 =	vadd.f32 v8, v1  }
0x37a: {  	v3 =	vld [tilespmem:s13+$0xA0];
	[tilespmem:s15+$0x110] =	vst v2  }
0x37b: {  	v2 =	vld [tilespmem:s13+$0x120];
	v1 =	vmax.f32 v1, $0.0e+00  }
0x37c: {  	[tilespmem:s15+$0x1C0] =	vst v1;
	v1 =	vld [tilespmem:s15+$0x1D0]  }
0x37d: {  	v8 =	vld [tilespmem:s13+$0x1D0]  }
0x37e: {  	v9 =	vld [tilespmem:s15+$0xFFFFFE20]  }
0x37f: {  	v10 =	vld [tilespmem:s15+$0xFFFFFEA0]  }
0x380: {  	v12 =	vld [tilespmem:s15+$0xFFFFFF20]  }
0x381: {  	v13 =	vld [tilespmem:s15+$0xFFFFFFA0]  }
0x382: {  	v14 =	vld [tilespmem:s15+$0x20];
	v1 =	vadd.f32 v8, v1  }
0x383: {  	v8 =	vadd.f32 v11, v9;
	v9 =	vld [tilespmem:s15+$0xA0]  }
0x384: {  	v5 =	vadd.f32 v5, v10;
	v10 =	vld [tilespmem:s15+$0x120];
	v1 =	vmax.f32 v1, $0.0e+00  }
0x385: {  	v8 =	vmax.f32 v8, $0.0e+00;
	v7 =	vadd.f32 v7, v12;
	[tilespmem:s15+$0x1D0] =	vst v1;
	v1 =	vld [tilespmem:s15+$0x1E0]  }
0x386: {  	[tilespmem:s15+$0xFFFFFE20] =	vst v8;
	v5 =	vmax.f32 v5, $0.0e+00;
	v4 =	vadd.f32 v4, v13;
	v8 =	vld [tilespmem:s13+$0x1E0]  }
0x387: {  	v11 =	vld [tilespmem:s13+$0xFFFFFE30];
	[tilespmem:s15+$0xFFFFFEA0] =	vst v5;
	v5 =	vmax.f32 v7, $0.0e+00;
	v6 =	vadd.f32 v6, v14  }
0x388: {  	v7 =	vld [tilespmem:s13+$0xFFFFFEB0];
	[tilespmem:s15+$0xFFFFFF20] =	vst v5;
	v4 =	vmax.f32 v4, $0.0e+00;
	v3 =	vadd.f32 v3, v9  }
0x389: {  	v5 =	vld [tilespmem:s13+$0xFFFFFF30];
	[tilespmem:s15+$0xFFFFFFA0] =	vst v4;
	v4 =	vmax.f32 v6, $0.0e+00;
	v2 =	vadd.f32 v2, v10  }
0x38a: {  	v6 =	vld [tilespmem:s13+$0xFFFFFFB0];
	[tilespmem:s15+$0x20] =	vst v4;
	v3 =	vmax.f32 v3, $0.0e+00  }
0x38b: {  	v4 =	vld [tilespmem:s13+$0x30];
	[tilespmem:s15+$0xA0] =	vst v3;
	v2 =	vmax.f32 v2, $0.0e+00;
	v1 =	vadd.f32 v8, v1  }
0x38c: {  	v3 =	vld [tilespmem:s13+$0xB0];
	[tilespmem:s15+$0x120] =	vst v2  }
0x38d: {  	v2 =	vld [tilespmem:s13+$0x130];
	v1 =	vmax.f32 v1, $0.0e+00  }
0x38e: {  	[tilespmem:s15+$0x1E0] =	vst v1;
	v1 =	vld [tilespmem:s15+$0x1F0]  }
0x38f: {  	v8 =	vld [tilespmem:s13+$0x1F0]  }
0x390: {  	v9 =	vld [tilespmem:s15+$0xFFFFFE30]  }
0x391: {  	v10 =	vld [tilespmem:s15+$0xFFFFFEB0]  }
0x392: {  	v12 =	vld [tilespmem:s15+$0xFFFFFF30]  }
0x393: {  	v13 =	vld [tilespmem:s15+$0xFFFFFFB0]  }
0x394: {  	v14 =	vld [tilespmem:s15+$0x30];
	v1 =	vadd.f32 v8, v1  }
0x395: {  	v8 =	vadd.f32 v11, v9;
	v9 =	vld [tilespmem:s15+$0xB0]  }
0x396: {  	v7 =	vadd.f32 v7, v10;
	v10 =	vld [tilespmem:s15+$0x130];
	v1 =	vmax.f32 v1, $0.0e+00  }
0x397: {  	v8 =	vmax.f32 v8, $0.0e+00;
	v11 =	vld [tilespmem:s15+$0xFFFFFE40];
	v5 =	vadd.f32 v5, v12;
	[tilespmem:s15+$0x1F0] =	vst v1  }
0x398: {  	[tilespmem:s15+$0xFFFFFE30] =	vst v8;
	v1 =	vmax.f32 v7, $0.0e+00;
	v7 =	vld [tilespmem:s15+$0xFFFFFEC0];
	v6 =	vadd.f32 v6, v13  }
0x399: {  	v8 =	vld [tilespmem:s13+$0xFFFFFE40];
	[tilespmem:s15+$0xFFFFFEB0] =	vst v1;
	v1 =	vmax.f32 v5, $0.0e+00;
	v4 =	vadd.f32 v4, v14  }
0x39a: {  	v5 =	vld [tilespmem:s13+$0xFFFFFEC0];
	[tilespmem:s15+$0xFFFFFF30] =	vst v1;
	v1 =	vmax.f32 v6, $0.0e+00;
	v3 =	vadd.f32 v3, v9  }
0x39b: {  	v6 =	vld [tilespmem:s13+$0xFFFFFF40];
	[tilespmem:s15+$0xFFFFFFB0] =	vst v1;
	v1 =	vmax.f32 v4, $0.0e+00;
	v2 =	vadd.f32 v2, v10  }
0x39c: {  	v4 =	vld [tilespmem:s13+$0xFFFFFFC0];
	[tilespmem:s15+$0x30] =	vst v1;
	v1 =	vmax.f32 v3, $0.0e+00  }
0x39d: {  	v3 =	vld [tilespmem:s13+$0x40];
	[tilespmem:s15+$0xB0] =	vst v1;
	v1 =	vmax.f32 v2, $0.0e+00  }
0x39e: {  	v2 =	vadd.f32 v8, v11;
	v8 =	vld [tilespmem:s13+$0xC0];
	[tilespmem:s15+$0x130] =	vst v1  }
0x39f: {  	v1 =	vadd.f32 v5, v7;
	v5 =	vld [tilespmem:s13+$0x140]  }
0x3a0: {  	v2 =	vmax.f32 v2, $0.0e+00;
	v7 =	vld [tilespmem:s15+$0xFFFFFF40]  }
0x3a1: {  	[tilespmem:s15+$0xFFFFFE40] =	vst v2;
	v1 =	vmax.f32 v1, $0.0e+00;
	v2 =	vld [tilespmem:s15+$0xFFFFFFC0]  }
0x3a2: {  	[tilespmem:s15+$0xFFFFFEC0] =	vst v1;
	v1 =	vld [tilespmem:s15+$0x40]  }
0x3a3: {  	v9 =	vld [tilespmem:s15+$0xC0]  }
0x3a4: {  	v10 =	vld [tilespmem:s15+$0x140]  }
0x3a5: {  	v11 =	vld [tilespmem:s13+$0xFFFFFE50];
	v6 =	vadd.f32 v6, v7  }
0x3a6: {  	v7 =	vld [tilespmem:s13+$0xFFFFFED0];
	v2 =	vadd.f32 v4, v2  }
0x3a7: {  	v4 =	vld [tilespmem:s15+$0xFFFFFE50];
	v6 =	vmax.f32 v6, $0.0e+00;
	v1 =	vadd.f32 v3, v1  }
0x3a8: {  	v3 =	vld [tilespmem:s15+$0xFFFFFED0];
	[tilespmem:s15+$0xFFFFFF40] =	vst v6;
	v2 =	vmax.f32 v2, $0.0e+00;
	v6 =	vadd.f32 v8, v9  }
0x3a9: {  	v8 =	vld [tilespmem:s13+$0xFFFFFF50];
	[tilespmem:s15+$0xFFFFFFC0] =	vst v2;
	v1 =	vmax.f32 v1, $0.0e+00;
	v2 =	vadd.f32 v5, v10  }
0x3aa: {  	v5 =	vld [tilespmem:s13+$0xFFFFFFD0];
	[tilespmem:s15+$0x40] =	vst v1;
	v1 =	vmax.f32 v6, $0.0e+00  }
0x3ab: {  	v6 =	vld [tilespmem:s13+$0x50];
	[tilespmem:s15+$0xC0] =	vst v1;
	v1 =	vmax.f32 v2, $0.0e+00  }
0x3ac: {  	v2 =	vadd.f32 v11, v4;
	v4 =	vld [tilespmem:s13+$0xD0];
	[tilespmem:s15+$0x140] =	vst v1  }
0x3ad: {  	v1 =	vadd.f32 v7, v3;
	v3 =	vld [tilespmem:s13+$0x150]  }
0x3ae: {  	v2 =	vmax.f32 v2, $0.0e+00;
	v7 =	vld [tilespmem:s15+$0xFFFFFF50]  }
0x3af: {  	[tilespmem:s15+$0xFFFFFE50] =	vst v2;
	v1 =	vmax.f32 v1, $0.0e+00;
	v2 =	vld [tilespmem:s15+$0xFFFFFFD0]  }
0x3b0: {  	[tilespmem:s15+$0xFFFFFED0] =	vst v1;
	v1 =	vld [tilespmem:s15+$0x50]  }
0x3b1: {  	v9 =	vld [tilespmem:s15+$0xD0]  }
0x3b2: {  	v10 =	vld [tilespmem:s15+$0x150]  }
0x3b3: {  	v11 =	vld [tilespmem:s13+$0xFFFFFE60];
	v7 =	vadd.f32 v8, v7  }
0x3b4: {  	v8 =	vld [tilespmem:s13+$0xFFFFFEE0];
	v2 =	vadd.f32 v5, v2  }
0x3b5: {  	v5 =	vld [tilespmem:s15+$0xFFFFFE60];
	v7 =	vmax.f32 v7, $0.0e+00;
	v1 =	vadd.f32 v6, v1  }
0x3b6: {  	v6 =	vld [tilespmem:s15+$0xFFFFFEE0];
	[tilespmem:s15+$0xFFFFFF50] =	vst v7;
	v2 =	vmax.f32 v2, $0.0e+00;
	v4 =	vadd.f32 v4, v9  }
0x3b7: {  	v7 =	vld [tilespmem:s13+$0xFFFFFF60];
	[tilespmem:s15+$0xFFFFFFD0] =	vst v2;
	v1 =	vmax.f32 v1, $0.0e+00;
	v2 =	vadd.f32 v3, v10  }
0x3b8: {  	v3 =	vld [tilespmem:s13+$0xFFFFFFE0];
	[tilespmem:s15+$0x50] =	vst v1;
	v1 =	vmax.f32 v4, $0.0e+00  }
0x3b9: {  	v4 =	vld [tilespmem:s13+$0x60];
	[tilespmem:s15+$0xD0] =	vst v1;
	v1 =	vmax.f32 v2, $0.0e+00  }
0x3ba: {  	v2 =	vadd.f32 v11, v5;
	v5 =	vld [tilespmem:s13+$0xE0];
	[tilespmem:s15+$0x150] =	vst v1  }
0x3bb: {  	v1 =	vadd.f32 v8, v6;
	v6 =	vld [tilespmem:s13+$0x160]  }
0x3bc: {  	v2 =	vmax.f32 v2, $0.0e+00;
	v8 =	vld [tilespmem:s15+$0xFFFFFF60]  }
0x3bd: {  	[tilespmem:s15+$0xFFFFFE60] =	vst v2;
	v1 =	vmax.f32 v1, $0.0e+00;
	v2 =	vld [tilespmem:s15+$0xFFFFFFE0]  }
0x3be: {  	[tilespmem:s15+$0xFFFFFEE0] =	vst v1;
	v1 =	vld [tilespmem:s15+$0x60]  }
0x3bf: {  	v9 =	vld [tilespmem:s15+$0xE0]  }
0x3c0: {  	v10 =	vld [tilespmem:s15+$0x160]  }
0x3c1: {  	v11 =	vld [tilespmem:s13+$0xFFFFFE70];
	v7 =	vadd.f32 v7, v8  }
0x3c2: {  	v8 =	vld [tilespmem:s13+$0xFFFFFEF0];
	v2 =	vadd.f32 v3, v2  }
0x3c3: {  	v12 =	vld [tilespmem:s15+$0xFFFFFE70];
	v3 =	vmax.f32 v7, $0.0e+00;
	v1 =	vadd.f32 v4, v1  }
0x3c4: {  	v7 =	vld [tilespmem:s15+$0xFFFFFEF0];
	[tilespmem:s15+$0xFFFFFF60] =	vst v3;
	v2 =	vmax.f32 v2, $0.0e+00;
	v5 =	vadd.f32 v5, v9  }
0x3c5: {  	v3 =	vld [tilespmem:s13+$0xFFFFFF70];
	[tilespmem:s15+$0xFFFFFFE0] =	vst v2;
	v1 =	vmax.f32 v1, $0.0e+00;
	v2 =	vadd.f32 v6, v10  }
0x3c6: {  	v4 =	vld [tilespmem:s13+$0xFFFFFFF0];
	[tilespmem:s15+$0x60] =	vst v1;
	v1 =	vmax.f32 v5, $0.0e+00  }
0x3c7: {  	v5 =	vld [tilespmem:s13+$0x70];
	[tilespmem:s15+$0xE0] =	vst v1;
	v1 =	vmax.f32 v2, $0.0e+00  }
0x3c8: {  	v2 =	vadd.f32 v11, v12;
	v6 =	vld [tilespmem:s13+$0xF0];
	[tilespmem:s15+$0x160] =	vst v1  }
0x3c9: {  	v7 =	vadd.f32 v8, v7;
	v1 =	vld [tilespmem:s13+$0x170]  }
.Ltmp4:
0x3ca: {  	v2 =	vmax.f32 v2, $0.0e+00;
	v8 =	vld [tilespmem:s15+$0xFFFFFF70];
	(pc) =	sbr.rel @p2 .LBB2_10-.Ltmp4, $4  }
0x3cb: {  	[tilespmem:s15+$0xFFFFFE70] =	vst v2;
	v2 =	vmax.f32 v7, $0.0e+00;
	v10 =	vld [tilespmem:s15+$0xFFFFFFF0]  }
0x3cc: {  	[tilespmem:s15+$0xFFFFFEF0] =	vst v2;
	v9 =	vld [tilespmem:s15+$0x70]  }
0x3cd: {  	v7 =	vld [tilespmem:s15+$0xF0]  }
0x3ce: {  	s15 =	sadd.s32 $0x400, s15;
	v2 =	vld [tilespmem:s12+$0x170]  }
0x3cf: {  	v3 =	vadd.f32 v3, v8  }
0x3d0: {  	v4 =	vadd.f32 v4, v10  }
0x3d1: {  	v3 =	vmax.f32 v3, $0.0e+00;
	v5 =	vadd.f32 v5, v9  }
0x3d2: {  	[tilespmem:s12+$0xFFFFFF70] =	vst v3;
	v3 =	vmax.f32 v4, $0.0e+00;
	v63 =	vadd.f32 v6, v7  }
0x3d3: {  	[tilespmem:s12+$0xFFFFFFF0] =	vst v3;
	v3 =	vmax.f32 v5, $0.0e+00;
	v1 =	vadd.f32 v1, v2  }
0x3d4: {  	[tilespmem:s12+$0x70] =	vst v3;
	v2 =	vmax.f32 v63, $0.0e+00  }
0x3d5: {  	[tilespmem:s12+$0xF0] =	vst v2;
	v1 =	vmax.f32 v1, $0.0e+00  }
0x3d6: {  	[tilespmem:s12+$0x170] =	vst v1  }
0x3d7: {  	[spmem:s1] =	stream.indirect.scatter.add.f32 [tilespmem:s22], [sflag:$0x6], $0x80, s24, s26, $0xb8;
	[tilespmem:$0x1B280] =	vst v63  }
0x3d8: {  	_ =	swait.ge [sflag:s23], $0x2800  }
0x3d9: {  	[sflag:s23] =	ssyncset.done $0x0  }
0x3da: {  	[sflag:s23] =	ssyncadd.s32 $0xFFFFD800  }
0x3db: {  	s13 =	simm.s32 @!p0 $0x1C06;
	s11 =	sadd.s32 $0x1, s11;
	[bflag:$0x0] =	sbarrier.arrive $0xFFFF  }
0x3dc: {  	p2 =	sne.s32 s11, s20;
	s12 =	sshrl.u32 @!p0 s1, $0x3;
	s14 =	rddreg [dreg:$0xd]  }
0x3dd: {  	[hbm:s14], [sflag:s13] =	dma.local @!p0 [spmem:s12], $0x27100  }
.Ltmp5:
0x3de: {  	_ = 	snop;
	(pc) =	sbr.rel @p2 .LBB2_1-.Ltmp5, $4  }
0x3df: {  	s12 =	simm.s32 @!p0 $0x6  }
0x3e0: {  	_ =	swait.ge @!p0 [sflag:s12], $0x27100  }
0x3e1: {  	[sflag:s12] =	ssyncset.done @!p0 $0x0  }
0x3e2: {  	[sflag:s12] =	ssyncadd.s32 @!p0 $0xFFFD8F00  }
0x3e3: {  	_ =	sfence.sel $0x180000  }
0x3e4: {  	[bflag:$0x0] =	sbarrier.arrive $0xFFFF  }
0x3e5: {  	_ =	strace $0x90000047  }
0x3e6: {  	[bflag:$0x2] =	sbarrier.arrive $0xFFFF  }
0x3e7: {  	s0 =	rddreg [dreg:$0x2]  }
0x3e8: {  	s0 =	sadd.s32 @!p0 $0x100000, s0  }
0x3e9: {  	[sflag:s0] =	ssyncadd.tile.s32 @!p0 $0x1;
	_ =	shalt  }
.Lfunc_end2:
_tile_overlayer_lowered:
.L_overlay_start_2:
0x3ea: {  	(tag) =	ssettag $0x2  }
0x3eb: {  	s0 =	rddreg [dreg:$0x0];
	s2 =	stileid.u32  }
0x3ec: {  	s1 =	rddreg [dreg:$0x1];
	p0 =	sne.s32 s2, $0x0  }
0x3ed: {  	s3 =	rddreg [dreg:$0x2];
	[bflag:$0x3] =	sbarrier.arrive $0xFFFF;
	s2 =	simm.s32 @!p0 $0x1C06  }
0x3ee: {  	[timem:s3], [sflag:s2] =	dma.local @!p0 [hbm:s0], s1  }
0x3ef: {  	s0 =	simm.s32 @!p0 $0x6  }
0x3f0: {  	_ =	swait.ge @!p0 [sflag:s0], s1  }
0x3f1: {  	s1 =	ssub.s32 @!p0 $0x0, s1;
	[sflag:s0] =	ssyncset.done @!p0 $0x0  }
0x3f2: {  	[sflag:s0] =	ssyncadd.s32 @!p0 s1  }
0x3f3: {  	[bflag:$0x3] =	sbarrier.arrive $0xFFFF  }
0x3f4: {  	_ =	shalt  }

// kernel: kernel.13.cloned.1.call-start
scs
__scs_entry_jumppad:
0x0: {  	(pc) =	sbr.rel $0x88, $3  }
0x1: {  	(tag) =	ssettag $0x0;
	lr =	simm.s32 $0x1  }
0x2: {  	[smem:$0x3F85] =	sst lr;
	_ =	strace $0xD0000000  }
0x3: {  	_ = 	snop  }
0x4: {  	_ = 	snop  }
0x5: {  	_ = 	snop  }
0x6: {  	_ = 	snop  }
0x7: {  	_ = 	snop  }
__scs_overlays_trampoline_lowered:
0x8: {  	[smem:$0x3F94] =	sst s0  }
0x9: {  	[smem:$0x3F95] =	sst s1  }
0xa: {  	[smem:$0x3F96] =	sst s2  }
0xb: {  	[smem:$0x3F97] =	sst s3  }
0xc: {  	[smem:$0x3F98] =	sst s4  }
0xd: {  	[smem:$0x3F99] =	sst s5  }
0xe: {  	[smem:$0x3F9A] =	sst s6  }
0xf: {  	[smem:$0x3F9B] =	sst s7  }
0x10: {  	[smem:$0x3F9C] =	sst s8  }
0x11: {  	[smem:$0x3F9D] =	sst s9;
	s0 =	simm.s32 @!p0 $0x0  }
0x12: {  	s1 =	sld [smem:$0x3F83];
	s0 =	simm.s32 @p0 $0x1  }
0x13: {  	[smem:$0x3F9E] =	sst s0;
	s0 =	simm.s32 @!p1 $0x0  }
0x14: {  	s2 =	sld [smem:$0x3F82];
	s0 =	simm.s32 @p1 $0x1  }
0x15: {  	[smem:$0x3F9F] =	sst s0;
	s0 =	simm.s32 @!p2 $0x0  }
0x16: {  	s3 =	sld [smem:$0x3FDB];
	s0 =	simm.s32 @p2 $0x1  }
0x17: {  	s4 =	simm.s32 $0x1BF5;
	[smem:$0x3FA1] =	sst s0  }
0x18: {  	s0 =	sld [smem:$0x3F84];
	_ =	swait.ge [sflag:s4], $0x0  }
0x19: {  	s7 =	sld [smem:$0x3F85]  }
0x1a: {  	s8 =	sadd.s32 $0xFFFFE003, lr  }
0x1b: {  	s9 =	sadd.s32 $0xFFFFFEF7, lr;
	s5 =	simm.s32 $0xFFFFFFFF;
	p2 =	slt.u32 s8, $0xFFFFF086  }
0x1c: {  	p1 =	slt.u32 s9, $0xF7A;
	s5 =	simm.s32 @!p2 $0x0  }
0x1d: {  	s5 =	simm.s32 @p1 $0x1;
	p0 =	seq.s32 s7, s2  }
0x1e: {  	s7 =	smul.u32 @!p0 $0xF7A, s2;
	p2 =	seq.s32 @!p0 s5, $0x0  }
0x1f: {  	s9 =	smul.u32 $0xF7A, s1;
	s8 =	simm.s32 @!p0 $0x1BF5;
	p2 =	por !p2, p0  }
0x20: {  	[sflag:s8] =	ssyncset.s32 @!p0 $0xFFFFF086;
	s6 =	sadd.s32 @!p0 s3, s7;
	s7 =	simm.s32 @!p0 $0x108  }
0x21: {  	s3 =	sadd.s32 s3, s9;
	s6 =	sadd.s32 @!p0 $0x88, s6;
	s7 =	simm.s32 @p2 $0x1082  }
0x22: {  	[simem:s7], [sflag:s8] =	dma.local @!p0 [hbm:s6], $0xF7A  }
0x23: {  	s9 =	sor.u32 $0xD0000000, s2;
	s6 =	simm.s32 $0x108;
	_ =	swait.ge @!p0 [sflag:s8], $0x0  }
0x24: {  	s3 =	sadd.s32 $0x88, s3;
	s6 =	simm.s32 @!p1 $0x1082;
	[sflag:s4] =	ssyncset.s32 $0xFFFFF086  }
0x25: {  	[simem:s6], [sflag:s4] =	dma.local [hbm:s3], $0xF7A  }
0x26: {  	[smem:$0x3F85] =	sst s1;
	(tag) =	ssettag s2;
	_ =	strace s9  }
0x27: {  	s1 =	sld [smem:$0x3F95]  }
0x28: {  	s2 =	sld [smem:$0x3F96]  }
0x29: {  	s4 =	sld [smem:$0x3F98]  }
0x2a: {  	p0 =	seq.s32 s5, $0x0;
	s5 =	sld [smem:$0x3F99]  }
0x2b: {  	s6 =	sld [smem:$0x3F9A]  }
0x2c: {  	s7 =	sld [smem:$0x3F9B]  }
0x2d: {  	s3 =	simm.s32 $0x108;
	s8 =	sld [smem:$0x3F9C]  }
0x2e: {  	s3 =	simm.s32 @!p0 $0x1082;
	s9 =	sld [smem:$0x3F9D]  }
0x2f: {  	lr =	sadd.s32 s0, s3;
	s0 =	sld [smem:$0x3F94]  }
0x30: {  	s3 =	sld [smem:$0x3F97]  }
0x31: {  	[smem:$0x3FA0] =	sst s10  }
0x32: {  	s10 =	sld [smem:$0x3F9E];
	_ =	sdelay $0x3  }
0x33: {  	p0 =	seq.s32 s10, $0x1;
	s10 =	sld [smem:$0x3FA0];
	_ =	sdelay $0x3  }
0x34: {  	[smem:$0x3FA0] =	sst s10  }
0x35: {  	s10 =	sld [smem:$0x3F9F];
	_ =	sdelay $0x3  }
0x36: {  	p1 =	seq.s32 s10, $0x1;
	s10 =	sld [smem:$0x3FA0];
	_ =	sdelay $0x3  }
0x37: {  	[smem:$0x3FA0] =	sst s10  }
0x38: {  	s10 =	sld [smem:$0x3FA1]  }
0x39: {  	_ = 	snop;
	(pc) =	sbr.ind lr, $3  }
0x3a: {  	_ = 	snop  }
0x3b: {  	_ = 	snop  }
0x3c: {  	p2 =	seq.s32 s10, $0x1;
	s10 =	sld [smem:$0x3FA0]  }
0x3d: {  	_ =	shalt  }
0x3e: {  	_ =	shalt  }
0x3f: {  	_ =	shalt  }
0x40: {  	_ =	shalt  }
0x41: {  	_ =	shalt  }
0x42: {  	_ =	shalt  }
0x43: {  	_ =	shalt  }
0x44: {  	_ =	shalt  }
0x45: {  	_ =	shalt  }
0x46: {  	_ =	shalt  }
0x47: {  	_ =	shalt  }
0x48: {  	_ =	shalt  }
0x49: {  	_ =	shalt  }
0x4a: {  	_ =	shalt  }
0x4b: {  	_ =	shalt  }
0x4c: {  	_ =	shalt  }
0x4d: {  	_ =	shalt  }
0x4e: {  	_ =	shalt  }
0x4f: {  	_ =	shalt  }
0x50: {  	_ =	shalt  }
0x51: {  	_ =	shalt  }
0x52: {  	_ =	shalt  }
0x53: {  	_ =	shalt  }
0x54: {  	_ =	shalt  }
0x55: {  	_ =	shalt  }
0x56: {  	_ =	shalt  }
0x57: {  	_ =	shalt  }
0x58: {  	_ =	shalt  }
0x59: {  	_ =	shalt  }
0x5a: {  	_ =	shalt  }
0x5b: {  	_ =	shalt  }
0x5c: {  	_ =	shalt  }
0x5d: {  	_ =	shalt  }
0x5e: {  	_ =	shalt  }
0x5f: {  	_ =	shalt  }
0x60: {  	_ =	shalt  }
0x61: {  	_ =	shalt  }
0x62: {  	_ =	shalt  }
0x63: {  	_ =	shalt  }
0x64: {  	_ =	shalt  }
0x65: {  	_ =	shalt  }
0x66: {  	_ =	shalt  }
0x67: {  	_ =	shalt  }
0x68: {  	_ =	shalt  }
0x69: {  	_ =	shalt  }
0x6a: {  	_ =	shalt  }
0x6b: {  	_ =	shalt  }
0x6c: {  	_ =	shalt  }
0x6d: {  	_ =	shalt  }
0x6e: {  	_ =	shalt  }
0x6f: {  	_ =	shalt  }
0x70: {  	_ =	shalt  }
0x71: {  	_ =	shalt  }
0x72: {  	_ =	shalt  }
0x73: {  	_ =	shalt  }
0x74: {  	_ =	shalt  }
0x75: {  	_ =	shalt  }
0x76: {  	_ =	shalt  }
0x77: {  	_ =	shalt  }
0x78: {  	_ =	shalt  }
0x79: {  	_ =	shalt  }
0x7a: {  	_ =	shalt  }
0x7b: {  	_ =	shalt  }
0x7c: {  	_ =	shalt  }
0x7d: {  	_ =	shalt  }
0x7e: {  	_ =	shalt  }
0x7f: {  	_ =	shalt  }
0x80: {  	_ =	shalt  }
0x81: {  	_ =	shalt  }
0x82: {  	_ =	shalt  }
0x83: {  	_ =	shalt  }
0x84: {  	_ =	shalt  }
0x85: {  	_ =	shalt  }
0x86: {  	_ =	shalt  }
0x87: {  	_ =	shalt  }
.Lfunc_end0:
.L_simem_size_0:
called_computation.1_lowered:
.L_overlay_start_0:
0x88: {  	s2 =	sld [smem:$0x3FD9]  }
0x89: {  	s3 =	sld [smem:$0x3FFE];
	_ =	sdelay $0x1  }
0x8a: {  	s1 =	srdreg.scid  }
0x8b: {  	s0 =	sand.u32 $0x1, s1  }
0x8c: {  	s16 =	sshll.u32 s0, $0xA;
	s2 =	sadd.s32 s3, s2  }
0x8d: {  	s2 =	sadd.s32 s2, s16  }
0x8e: {  	[smem:$0x3FAC] =	sst s2  }
0x8f: {  	_ = 	snop  }
0x90: {  	(tm) =	ssettm $0x1  }
0x91: {  	s17 =	sld [smem:$0x3FFB];
	_ =	sdelay $0x3  }
0x92: {  	_ =	strace s17  }
0x93: {  	s2 =	sld [smem:$0x3FFC];
	_ =	sdelay $0x3  }
0x94: {  	_ =	strace s2  }
0x95: {  	s2 =	sld [smem:$0x3FFD];
	_ =	sdelay $0x3  }
0x96: {  	_ =	strace s2  }
0x97: {  	_ =	strace $0x8FFFFFFF  }
0x98: {  	s18 =	sld [smem:$0x3FDB];
	_ =	sdelay $0x1  }
0x99: {  	s19 =	simm.s32 $_scs_section_size  }
0x9a: {  	s4 =	simm.s32 $_size__tile_overlayer_lowered;
	s5 =	simm.s32 $_tile_overlayer_lowered  }
0x9b: {  	s22 =	simm.s32 $0x1BFF;
	s21 =	sshll.u32 s5, $0x1;
	s2 =	sadd.s32 s19, s18  }
0x9c: {  	s6 =	simm.s32 $0x0;
	s20 =	sshll.u32 s4, $0x1;
	s4 =	sadd.s32 s21, s2  }
0x9d: {  	[timem:s6], [sflag:s22] =	dma.local [hbm:s4], s20  }
0x9e: {  	_ =	swait.ge [sflag:s22], s20  }
0x9f: {  	s3 =	ssub.s32 $0x0, s20;
	[sflag:s22] =	ssyncset.done $0x0  }
0xa0: {  	[sflag:s22] =	ssyncadd.s32 s3;
	_ =	sdelay $0x1  }
0xa1: {  	s23 =	simm.s32 $0x1B8B  }
0xa2: {  	_ =	swait.ge [sflag:s23], $0x1  }
0xa3: {  	[sflag:s23] =	ssyncset.done $0x0  }
0xa4: {  	s25 =	simm.s32 $0x1B8E;
	s24 =	sld [smem:$0x3FFE];
	[sflag:s23] =	ssyncadd.s32 $0xFFFFFFFF  }
0xa5: {  	s26 =	simm.s32 $execute0_lowered;
	[smem:$0x3FD2] =	sst s25  }
0xa6: {  	s4 =	sshll.u32 s26, $0x1;
	_ =	strace $0x80000049;
	[dreg:$0x1] =	wrdreg $0xFFFFFFFF  }
0xa7: {  	s28 =	simm.s32 $_size_execute0_lowered;
	s2 =	sadd.s32 s2, s4;
	[dreg:$0x0] =	wrdreg $0x0  }
0xa8: {  	s4 =	sshll.u32 s28, $0x1;
	[dreg:$0x2] =	wrdreg s2  }
0xa9: {  	[dreg:$0x3] =	wrdreg s4  }
0xaa: {  	[dreg:$0x4] =	wrdreg $0xC0  }
0xab: {  	_ =	task [dreg:s6], $0x5FFFF  }
0xac: {  	[dreg:$0x1] =	wrdreg $0xFFFFFFFF  }
0xad: {  	[dreg:$0x0] =	wrdreg $0x60  }
0xae: {  	[dreg:$0x2] =	wrdreg s24  }
0xaf: {  	[dreg:$0x3] =	wrdreg $0x7A000  }
0xb0: {  	[dreg:$0x4] =	wrdreg $0x9  }
0xb1: {  	_ =	task.clear_ibuf [dreg:s6], $0x5FFFF;
	_ =	strace $0x90000049  }
0xb2: {  	s29 =	simm.s32 $0x9;
	_ =	strace $0x8000004B  }
0xb3: {  	_ =	swait.ge [sflag:s29], $0x1  }
0xb4: {  	[sflag:s29] =	ssyncadd.s32 $0xFFFFFFFF  }
0xb5: {  	_ =	strace $0x9000004B  }
0xb6: {  	_ =	sfence  }
0xb7: {  	s30 =	sld [smem:$0x0];
	_ =	sdelay $0x2  }
0xb8: {  	s31 =	sshll.u32 s1, $0xD;
	s1 =	sshrl.u32 s1, $0x2  }
0xb9: {  	s3 =	sand.u32 $0x4000, s31;
	s1 =	sadd.s32 s1, s30  }
0xba: {  	s0 =	sor.u32 s3, s0;
	s1 =	sshll.u32 s1, $0x11  }
0xbb: {  	s0 =	sor.u32 s1, s0  }
0xbc: {  	s0 =	sadd.s32 $0x8F2B, s0  }
0xbd: {  	[sflag:s0] =	ssyncadd.remote.s32 $0x1  }
0xbe: {  	_ =	sfence.sel $0xFFFF  }
0xbf: {  	[dreg:$0x0] =	wrdreg $0xFFFFFFFF;
	(pc) =	sbr.abs _section_cstart, $3  }
0xc0: {  	[dreg:$0x1] =	wrdreg $0xFFFFFFFF  }
0xc1: {  	_ =	task.clear_ibuf [dreg:s6], $0x2FFFF;
	_ =	strace $0x9FFFFFFF  }
0xc2: {  	(tm) =	ssettm $0x7FFFFFFF  }
0xc3: {  	_ =	shalt  }
tec
execute0_lowered:
.L_overlay_start_1:
0x0: {  	(tag) =	ssettag $0x1  }
0x1: {  	s0 =	rddreg [dreg:$0x0]  }
0x2: {  	s1 =	rddreg [dreg:$0x1];
	s2 =	simm.s32 $0x0  }
0x3: {  	s3 =	srdreg.scid;
	s9 =	stileid.u32;
	s28 =	simm.s32 $0x100  }
0x4: {  	s29 =	simm.s32 $0x180;
	s30 =	simm.s32 $0x3;
	s31 =	simm.s32 $0x4  }
0x5: {  	[smem:$0x7FF] =	sst s2;
	s7 =	sand.u32 $0x1, s3;
	s3 =	sadd.s32 $0xF81800, s0  }
0x6: {  	s4 =	sadd.s32 $0x9DC000, s0;
	s5 =	sadd.s32 $0x9D2200, s0;
	s10 =	smul.u32 $0xA000, s9  }
0x7: {  	s6 =	sadd.s32 $0x9C8400, s0;
	p1 =	sgt.u32 s9, $0xC;
	s8 =	smul.u32 $0x27100, s7  }
0x8: {  	s17 =	ssub.s32 $0x2, s7;
	s7 =	sshll.u32 s7, $0x4;
	s10 =	sshrl.u32 s10, $0x2  }
0x9: {  	p0 =	sne.s32 s9, $0x0;
	s18 =	sor.u32 s9, s7;
	s7 =	sadd.s32 s10, s1  }
0xa: {  	_ =	strace $0x8000004A;
	s11 =	sshrl.u32 s17, $0x1;
	s12 =	sadd.s32 $0x28000, s7  }
0xb: {  	s9 =	simm.s32 $0x5;
	s20 =	sadd.s32 $0x50000, s7;
	[dreg:$0x3] =	wrdreg s12  }
0xc: {  	s0 =	sadd.s32 s8, s0;
	s21 =	sadd.s32 $0x78000, s7;
	[dreg:$0x4] =	wrdreg s20  }
0xd: {  	s8 =	ssub.s32 s17, s11;
	s22 =	sadd.s32 $0xA0000, s7;
	[dreg:$0x5] =	wrdreg s21  }
0xe: {  	s19 =	smul.u32 $0x2710, s18;
	s23 =	sadd.s32 $0xC8000, s7;
	[dreg:$0x6] =	wrdreg s22  }
0xf: {  	s11 =	smul.u32 $0x27100, s18;
	s24 =	sadd.s32 $0xF0000, s7;
	[dreg:$0x7] =	wrdreg s23  }
0x10: {  	s10 =	simm.s32 $0x1;
	s13 =	sadd.s32 $0x118000, s7;
	[dreg:$0x8] =	wrdreg s24  }
0x11: {  	s0 =	sadd.s32 $0xA2A400, s0;
	s25 =	sshrl.u32 s19, $0x3;
	[dreg:$0x9] =	wrdreg s13  }
0x12: {  	s11 =	sadd.s32 s3, s11;
	s18 =	sadd.s32 $0xA0, s19;
	[dreg:$0xd] =	wrdreg s0  }
0x13: {  	s20 =	smax.u32 s8, $0x1;
	s21 =	sadd.s32 $0x50, s19;
	s22 =	simm.s32 $0x2A00  }
0x14: {  	s23 =	simm.s32 $0x6;
	s24 =	simm.s32 $0x80;
	s0 =	simm.s32 $0x2  }
0x15: {  	s8 =	simm.s32 $0x5200;
	s26 =	sadd.s32 s5, s25;
	[dreg:$0xc] =	wrdreg s11  }
0x16: {  	s12 =	sadd.s32 s6, s25;
	s25 =	simm.s32 $0x200;
	[dreg:$0xa] =	wrdreg s26  }
0x17: {  	v0 =	vimm.f32 $0.0e+00;
	s11 =	simm.s32 $0x0;
	[dreg:$0xb] =	wrdreg s12;
	s26 =	simm.s32 $0x50  }
.LBB2_1:
0x18: {  	s12 =	simm.s32 $0x2B00  }
0x19: {  	[tilespmem:s12+$0xFFFFFF00] =	vst v0  }
0x1a: {  	[tilespmem:s12+$0xF0] =	vst v0  }
0x1b: {  	[tilespmem:s12+$0xE0] =	vst v0  }
0x1c: {  	[tilespmem:s12+$0xD0] =	vst v0  }
0x1d: {  	[tilespmem:s12+$0xC0] =	vst v0  }
0x1e: {  	[tilespmem:s12+$0xB0] =	vst v0  }
0x1f: {  	[tilespmem:s12+$0xA0] =	vst v0  }
0x20: {  	[tilespmem:s12+$0x90] =	vst v0  }
0x21: {  	[tilespmem:s12+$0x80] =	vst v0  }
0x22: {  	[tilespmem:s12+$0x70] =	vst v0  }
0x23: {  	[tilespmem:s12+$0x60] =	vst v0  }
0x24: {  	[tilespmem:s12+$0x50] =	vst v0  }
0x25: {  	[tilespmem:s12+$0x40] =	vst v0  }
0x26: {  	[tilespmem:s12+$0x30] =	vst v0  }
0x27: {  	[tilespmem:s12+$0x20] =	vst v0  }
0x28: {  	[tilespmem:s12+$0x10] =	vst v0  }
0x29: {  	[tilespmem:s12+$0x0] =	vst v0  }
0x2a: {  	[tilespmem:s12+$0xFFFFFFF0] =	vst v0  }
0x2b: {  	[tilespmem:s12+$0xFFFFFFE0] =	vst v0  }
0x2c: {  	[tilespmem:s12+$0xFFFFFFD0] =	vst v0  }
0x2d: {  	[tilespmem:s12+$0xFFFFFFC0] =	vst v0  }
0x2e: {  	[tilespmem:s12+$0xFFFFFFB0] =	vst v0  }
0x2f: {  	[tilespmem:s12+$0xFFFFFFA0] =	vst v0  }
0x30: {  	[tilespmem:s12+$0xFFFFFF90] =	vst v0  }
0x31: {  	[tilespmem:s12+$0xFFFFFF80] =	vst v0  }
0x32: {  	[tilespmem:s12+$0xFFFFFF70] =	vst v0  }
0x33: {  	[tilespmem:s12+$0xFFFFFF60] =	vst v0  }
0x34: {  	[tilespmem:s12+$0xFFFFFF50] =	vst v0  }
0x35: {  	[tilespmem:s12+$0xFFFFFF40] =	vst v0  }
0x36: {  	[tilespmem:s12+$0xFFFFFF30] =	vst v0  }
0x37: {  	s13 =	simm.s32 $0x0;
	[tilespmem:s12+$0xFFFFFF20] =	vst v0  }
.LBB2_2:
0x38: {  	s13 =	sadd.s32 $0x4, s13;
	[tilespmem:s12+$0xFFFFFF10] =	vst v0;
	s12 =	sadd.s32 $0x200, s12  }
0x39: {  	[tilespmem:s12+$0xFFFFFF00] =	vst v0;
	p2 =	slt.u32 s13, $0x4C  }
0x3a: {  	[tilespmem:s12+$0xF0] =	vst v0  }
0x3b: {  	[tilespmem:s12+$0xE0] =	vst v0  }
0x3c: {  	[tilespmem:s12+$0xD0] =	vst v0  }
0x3d: {  	[tilespmem:s12+$0xC0] =	vst v0  }
0x3e: {  	[tilespmem:s12+$0xB0] =	vst v0  }
0x3f: {  	[tilespmem:s12+$0xA0] =	vst v0  }
0x40: {  	[tilespmem:s12+$0x90] =	vst v0  }
0x41: {  	[tilespmem:s12+$0x80] =	vst v0  }
0x42: {  	[tilespmem:s12+$0x70] =	vst v0  }
0x43: {  	[tilespmem:s12+$0x60] =	vst v0  }
0x44: {  	[tilespmem:s12+$0x50] =	vst v0  }
0x45: {  	[tilespmem:s12+$0x40] =	vst v0  }
0x46: {  	[tilespmem:s12+$0x30] =	vst v0  }
0x47: {  	[tilespmem:s12+$0x20] =	vst v0  }
0x48: {  	[tilespmem:s12+$0x10] =	vst v0  }
0x49: {  	[tilespmem:s12+$0x0] =	vst v0  }
0x4a: {  	[tilespmem:s12+$0xFFFFFFF0] =	vst v0  }
0x4b: {  	[tilespmem:s12+$0xFFFFFFE0] =	vst v0  }
0x4c: {  	[tilespmem:s12+$0xFFFFFFD0] =	vst v0  }
0x4d: {  	[tilespmem:s12+$0xFFFFFFC0] =	vst v0  }
0x4e: {  	[tilespmem:s12+$0xFFFFFFB0] =	vst v0  }
0x4f: {  	[tilespmem:s12+$0xFFFFFFA0] =	vst v0  }
0x50: {  	[tilespmem:s12+$0xFFFFFF90] =	vst v0  }
0x51: {  	[tilespmem:s12+$0xFFFFFF80] =	vst v0  }
0x52: {  	[tilespmem:s12+$0xFFFFFF70] =	vst v0  }
.Ltmp0:
0x53: {  	[tilespmem:s12+$0xFFFFFF60] =	vst v0;
	(pc) =	sbr.rel @p2 .LBB2_2-.Ltmp0, $4  }
0x54: {  	[tilespmem:s12+$0xFFFFFF50] =	vst v0  }
0x55: {  	[tilespmem:s12+$0xFFFFFF40] =	vst v0  }
0x56: {  	[tilespmem:s12+$0xFFFFFF30] =	vst v0  }
0x57: {  	[tilespmem:s12+$0xFFFFFF20] =	vst v0  }
0x58: {  	[tilespmem:s12+$0xFFFFFF10] =	vst v0  }
0x59: {  	[spmem:s7] =	stream.linear.scatter [tilespmem:s22], [sflag:$0x6], $0x2800, $0x38;
	[tilespmem:$0x1B280] =	vst v63  }
0x5a: {  	_ =	swait.ge [sflag:s23], $0x2800  }
0x5b: {  	[sflag:s23] =	ssyncset.done $0x0  }
0x5c: {  	s16 =	rddreg [dreg:$0x3];
	[sflag:s23] =	ssyncadd.s32 $0xFFFFD800  }
0x5d: {  	[spmem:s16] =	stream.linear.scatter [tilespmem:s22], [sflag:$0x6], $0x2800, $0x38;
	[tilespmem:$0x1B280] =	vst v63  }
0x5e: {  	_ =	swait.ge [sflag:s23], $0x2800  }
0x5f: {  	[sflag:s23] =	ssyncset.done $0x0  }
0x60: {  	s17 =	rddreg [dreg:$0x4];
	[sflag:s23] =	ssyncadd.s32 $0xFFFFD800  }
0x61: {  	[spmem:s17] =	stream.linear.scatter [tilespmem:s22], [sflag:$0x6], $0x2800, $0x38;
	[tilespmem:$0x1B280] =	vst v63  }
0x62: {  	_ =	swait.ge [sflag:s23], $0x2800  }
0x63: {  	[sflag:s23] =	ssyncset.done $0x0  }
0x64: {  	s19 =	rddreg [dreg:$0x5];
	[sflag:s23] =	ssyncadd.s32 $0xFFFFD800  }
0x65: {  	[spmem:s19] =	stream.linear.scatter [tilespmem:s22], [sflag:$0x6], $0x2800, $0x38;
	[tilespmem:$0x1B280] =	vst v63  }
0x66: {  	_ =	swait.ge [sflag:s23], $0x2800  }
0x67: {  	[sflag:s23] =	ssyncset.done $0x0  }
0x68: {  	s13 =	rddreg [dreg:$0x6];
	[sflag:s23] =	ssyncadd.s32 $0xFFFFD800  }
0x69: {  	[spmem:s13] =	stream.linear.scatter [tilespmem:s22], [sflag:$0x6], $0x2800, $0x38;
	[tilespmem:$0x1B280] =	vst v63  }
0x6a: {  	_ =	swait.ge [sflag:s23], $0x2800  }
0x6b: {  	[sflag:s23] =	ssyncset.done $0x0  }
0x6c: {  	s14 =	rddreg [dreg:$0x7];
	[sflag:s23] =	ssyncadd.s32 $0xFFFFD800  }
0x6d: {  	[spmem:s14] =	stream.linear.scatter [tilespmem:s22], [sflag:$0x6], $0x2800, $0x38;
	[tilespmem:$0x1B280] =	vst v63  }
0x6e: {  	_ =	swait.ge [sflag:s23], $0x2800  }
0x6f: {  	[sflag:s23] =	ssyncset.done $0x0  }
0x70: {  	s15 =	rddreg [dreg:$0x8];
	[sflag:s23] =	ssyncadd.s32 $0xFFFFD800  }
0x71: {  	[spmem:s15] =	stream.linear.scatter [tilespmem:s22], [sflag:$0x6], $0x2800, $0x38;
	[tilespmem:$0x1B280] =	vst v63  }
0x72: {  	_ =	swait.ge [sflag:s23], $0x2800  }
0x73: {  	[sflag:s23] =	ssyncset.done $0x0  }
0x74: {  	s12 =	simm.s32 @!p1 $0x2A00;
	s13 =	rddreg [dreg:$0x9];
	[sflag:s23] =	ssyncadd.s32 $0xFFFFD800  }
0x75: {  	[spmem:s13] =	stream.linear.scatter @!p1 [tilespmem:s12], [sflag:$0x6], $0x2800, $0x38;
	[tilespmem:$0x1B280] =	vst v63  }
0x76: {  	s12 =	simm.s32 @!p1 $0x6  }
0x77: {  	_ =	swait.ge @!p1 [sflag:s12], $0x2800  }
0x78: {  	[sflag:s12] =	ssyncset.done @!p1 $0x0  }
0x79: {  	[sflag:s12] =	ssyncadd.s32 @!p1 $0xFFFFD800  }
0x7a: {  	[bflag:$0x0] =	sbarrier.arrive $0xFFFF  }
0x7b: {  	s12 =	simm.s32 $0x0;
	s16 =	rddreg [dreg:$0xa]  }
0x7c: {  	[tilespmem:s12], [sflag:$0x6] =	stream.linear.gather [hbm4b:s16+s12], $0x50, $0x38;
	[tilespmem:$0x1B280] =	vst v63  }
0x7d: {  	_ =	swait.ge [sflag:s23], $0x50  }
0x7e: {  	[sflag:s23] =	ssyncset.done $0x0  }
0x7f: {  	s17 =	rddreg [dreg:$0xb];
	[sflag:s23] =	ssyncadd.s32 $0xFFFFFFB0  }
0x80: {  	[tilespmem:s24], [sflag:$0x6] =	stream.linear.gather [hbm4b:s17+s12], $0x50, $0x38;
	[tilespmem:$0x1B280] =	vst v63  }
0x81: {  	_ =	swait.ge [sflag:s23], $0x50  }
0x82: {  	[sflag:s23] =	ssyncset.done $0x0  }
0x83: {  	s19 =	rddreg [dreg:$0xc];
	[sflag:s23] =	ssyncadd.s32 $0xFFFFFFB0  }
0x84: {  	[tilespmem:s25], [sflag:$0x3] =	stream.linear.gather [hbm4b:s19+s12], $0x2800, $0x38;
	[tilespmem:$0x1B280] =	vst v63  }
0x85: {  	_ = 	snop  }
0x86: {  	[tilespmem:s22], [sflag:$0x4] =	stream.indirect.gather [hbm4b:s4+s26], $0x80, s12, s26, $0xb8;
	[tilespmem:$0x1B280] =	vst v63  }
.LBB2_4:
0x87: {  	s13 =	smul.u32 $0xA0, s12;
	_ =	sdelay $0x1  }
0x88: {  	s14 =	sadd.s32 s21, s13  }
0x89: {  	s15 =	sshrl.u32 s14, $0x3  }
0x8a: {  	s16 =	sadd.s32 s5, s15  }
0x8b: {  	[tilespmem:s28], [sflag:$0x2] =	stream.linear.gather [hbm4b:s16+s2], $0x50, $0x38;
	[tilespmem:$0x1B280] =	vst v63  }
0x8c: {  	s15 =	sadd.s32 s6, s15  }
0x8d: {  	[tilespmem:s29], [sflag:$0x2] =	stream.linear.gather [hbm4b:s15+s2], $0x50, $0x38;
	[tilespmem:$0x1B280] =	vst v63  }
0x8e: {  	_ =	swait.ge [sflag:s30], $0x2800  }
0x8f: {  	[sflag:s30] =	ssyncset.done $0x0  }
0x90: {  	[sflag:s30] =	ssyncadd.s32 $0xFFFFD800  }
0x91: {  	_ =	swait.ge [sflag:s31], $0x2800  }
0x92: {  	[sflag:s31] =	ssyncset.done $0x0  }
0x93: {  	s15 =	simm.s32 $0x2C00;
	[sflag:s31] =	ssyncadd.s32 $0xFFFFD800  }
0x94: {  	s16 =	simm.s32 $0x400;
	v1 =	vld [tilespmem:s15+$0x180]  }
0x95: {  	v2 =	vld [tilespmem:s16+$0x180]  }
0x96: {  	v3 =	vld [tilespmem:s15+$0xFFFFFE80]  }
0x97: {  	v5 =	vld [tilespmem:s16+$0xFFFFFE80]  }
0x98: {  	v6 =	vld [tilespmem:s15+$0xFFFFFF00]  }
0x99: {  	v7 =	vld [tilespmem:s16+$0xFFFFFF00]  }
0x9a: {  	v8 =	vld [tilespmem:s15+$0xFFFFFF80]  }
0x9b: {  	v9 =	vld [tilespmem:s16+$0xFFFFFF80]  }
0x9c: {  	v10 =	vld [tilespmem:s16+$0x0]  }
0x9d: {  	v11 =	vld [tilespmem:s15+$0x80]  }
0x9e: {  	v44 =	vld [tilespmem:s15+$0xFFFFFE90]  }
0x9f: {  	v13 =	vld [tilespmem:s15+$0xFFFFFF10]  }
0xa0: {  	v14 =	vld [tilespmem:s15+$0x90]  }
0xa1: {  	v45 =	vld [tilespmem:s15+$0x110]  }
0xa2: {  	v46 =	vld [tilespmem:s15+$0xFFFFFF20]  }
0xa3: {  	v47 =	vld [tilespmem:s15+$0xFFFFFFA0]  }
0xa4: {  	v48 =	vld [tilespmem:s15+$0xA0]  }
0xa5: {  	v49 =	vld [tilespmem:s15+$0xFFFFFF30];
	v1 =	vadd.f32 v2, v1  }
0xa6: {  	v50 =	vld [tilespmem:s15+$0xFFFFFFB0]  }
0xa7: {  	v51 =	vld [tilespmem:s15+$0x30];
	v1 =	vmax.f32 v1, $0.0e+00  }
0xa8: {  	[tilespmem:s15+$0x180] =	vst v1;
	v1 =	vld [tilespmem:s15+$0x190]  }
0xa9: {  	v4 =	vld [tilespmem:s16+$0x190]  }
0xaa: {  	v52 =	vld [tilespmem:s15+$0xFFFFFE40]  }
0xab: {  	v54 =	vld [tilespmem:s15+$0xFFFFFFC0]  }
0xac: {  	v55 =	vld [tilespmem:s15+$0xC0]  }
0xad: {  	v56 =	vld [tilespmem:s15+$0xFFFFFE50]  }
0xae: {  	v57 =	vld [tilespmem:s15+$0xFFFFFFD0];
	v1 =	vadd.f32 v4, v1  }
0xaf: {  	v58 =	vld [tilespmem:s15+$0xD0]  }
0xb0: {  	v2 =	vld [tilespmem:s16+$0xFFFFFE00];
	v1 =	vmax.f32 v1, $0.0e+00  }
0xb1: {  	[tilespmem:s15+$0x190] =	vst v1;
	v1 =	vld [tilespmem:s15+$0x1A0]  }
0xb2: {  	v12 =	vld [tilespmem:s16+$0x1A0]  }
0xb3: {  	v3 =	vadd.f32 v5, v3;
	v5 =	vld [tilespmem:s16+$0x80]  }
0xb4: {  	v8 =	vadd.f32 v9, v8;
	v9 =	vld [tilespmem:s15+$0xFFFFFE00]  }
0xb5: {  	v6 =	vadd.f32 v7, v6;
	v7 =	vld [tilespmem:s15+$0x100]  }
0xb6: {  	v3 =	vmax.f32 v3, $0.0e+00;
	v4 =	vld [tilespmem:s15+$0x0]  }
0xb7: {  	[tilespmem:s15+$0xFFFFFE80] =	vst v3;
	v3 =	vmax.f32 v6, $0.0e+00;
	v6 =	vld [tilespmem:s16+$0x100];
	v1 =	vadd.f32 v12, v1  }
0xb8: {  	[tilespmem:s15+$0xFFFFFF00] =	vst v3;
	v3 =	vmax.f32 v8, $0.0e+00;
	v8 =	vld [tilespmem:s16+$0xFFFFFE90];
	v5 =	vadd.f32 v5, v11  }
0xb9: {  	v2 =	vadd.f32 v2, v9;
	v11 =	vld [tilespmem:s15+$0xFFFFFE10];
	v1 =	vmax.f32 v1, $0.0e+00  }
0xba: {  	[tilespmem:s15+$0x1A0] =	vst v1;
	v1 =	vmax.f32 v5, $0.0e+00;
	v5 =	vld [tilespmem:s15+$0x1B0]  }
0xbb: {  	v4 =	vadd.f32 v10, v4;
	[tilespmem:s15+$0x80] =	vst v1;
	v1 =	vmax.f32 v2, $0.0e+00;
	v2 =	vld [tilespmem:s16+$0x1B0]  }
0xbc: {  	[tilespmem:s15+$0xFFFFFF80] =	vst v3;
	v6 =	vadd.f32 v6, v7;
	v7 =	vld [tilespmem:s15+$0x10]  }
0xbd: {  	v3 =	vmax.f32 v4, $0.0e+00;
	v4 =	vld [tilespmem:s16+$0xFFFFFF10];
	[tilespmem:s15+$0xFFFFFE00] =	vst v1  }
0xbe: {  	v1 =	vld [tilespmem:s16+$0xFFFFFE10]  }
0xbf: {  	[tilespmem:s15+$0x0] =	vst v3;
	v3 =	vld [tilespmem:s16+$0xFFFFFF90]  }
0xc0: {  	v9 =	vld [tilespmem:s16+$0x10];
	v2 =	vadd.f32 v2, v5  }
0xc1: {  	v5 =	vld [tilespmem:s15+$0xFFFFFF90]  }
0xc2: {  	v10 =	vld [tilespmem:s16+$0x90];
	v2 =	vmax.f32 v2, $0.0e+00  }
0xc3: {  	v1 =	vadd.f32 v1, v11;
	[tilespmem:s15+$0x1B0] =	vst v2;
	v2 =	vmax.f32 v6, $0.0e+00;
	v6 =	vld [tilespmem:s15+$0x1C0]  }
0xc4: {  	[tilespmem:s15+$0x100] =	vst v2;
	v2 =	vadd.f32 v8, v44;
	v8 =	vld [tilespmem:s16+$0x1C0]  }
0xc5: {  	v4 =	vadd.f32 v4, v13;
	v1 =	vmax.f32 v1, $0.0e+00;
	v11 =	vld [tilespmem:s16+$0x110]  }
0xc6: {  	v59 =	vld [tilespmem:s15+$0xFFFFFE60];
	[tilespmem:s15+$0xFFFFFE10] =	vst v1;
	v1 =	vmax.f32 v2, $0.0e+00;
	v2 =	vadd.f32 v3, v5  }
0xc7: {  	v60 =	vld [tilespmem:s15+$0xFFFFFFE0];
	[tilespmem:s15+$0xFFFFFE90] =	vst v1;
	v1 =	vmax.f32 v4, $0.0e+00;
	v4 =	vadd.f32 v9, v7  }
0xc8: {  	v61 =	vld [tilespmem:s15+$0xE0];
	[tilespmem:s15+$0xFFFFFF10] =	vst v1;
	v1 =	vmax.f32 v2, $0.0e+00;
	v2 =	vadd.f32 v10, v14  }
0xc9: {  	v3 =	vld [tilespmem:s16+$0xFFFFFE20];
	[tilespmem:s15+$0xFFFFFF90] =	vst v1;
	v1 =	vmax.f32 v4, $0.0e+00;
	v4 =	vadd.f32 v8, v6  }
0xca: {  	v5 =	vld [tilespmem:s16+$0xFFFFFEA0];
	[tilespmem:s15+$0x10] =	vst v1;
	v1 =	vmax.f32 v2, $0.0e+00;
	v2 =	vadd.f32 v11, v45  }
0xcb: {  	v10 =	vld [tilespmem:s15+$0xFFFFFE20];
	[tilespmem:s15+$0x90] =	vst v1;
	v1 =	vmax.f32 v4, $0.0e+00  }
0xcc: {  	[tilespmem:s15+$0x1C0] =	vst v1;
	v1 =	vmax.f32 v2, $0.0e+00;
	v2 =	vld [tilespmem:s15+$0x1D0]  }
0xcd: {  	[tilespmem:s15+$0x110] =	vst v1;
	v1 =	vld [tilespmem:s16+$0x1D0]  }
0xce: {  	v7 =	vld [tilespmem:s16+$0xFFFFFF20]  }
0xcf: {  	v6 =	vld [tilespmem:s16+$0xFFFFFFA0]  }
0xd0: {  	v11 =	vld [tilespmem:s15+$0xFFFFFEA0]  }
0xd1: {  	v8 =	vld [tilespmem:s16+$0x20];
	v3 =	vadd.f32 v3, v10  }
0xd2: {  	v4 =	vld [tilespmem:s16+$0xA0];
	v1 =	vadd.f32 v1, v2  }
0xd3: {  	v10 =	vld [tilespmem:s15+$0x120];
	v3 =	vmax.f32 v3, $0.0e+00  }
0xd4: {  	[tilespmem:s15+$0xFFFFFE20] =	vst v3;
	v2 =	vld [tilespmem:s15+$0x20];
	v1 =	vmax.f32 v1, $0.0e+00  }
0xd5: {  	v9 =	vld [tilespmem:s16+$0x120];
	[tilespmem:s15+$0x1D0] =	vst v1;
	v1 =	vadd.f32 v5, v11  }
0xd6: {  	v7 =	vadd.f32 v7, v46;
	v3 =	vadd.f32 v6, v47;
	v6 =	vld [tilespmem:s16+$0xFFFFFE30]  }
0xd7: {  	v5 =	vld [tilespmem:s15+$0x1E0];
	v1 =	vmax.f32 v1, $0.0e+00  }
0xd8: {  	v11 =	vld [tilespmem:s16+$0x1E0];
	[tilespmem:s15+$0xFFFFFEA0] =	vst v1;
	v1 =	vmax.f32 v7, $0.0e+00  }
0xd9: {  	v2 =	vadd.f32 v8, v2;
	v7 =	vld [tilespmem:s16+$0xFFFFFEB0];
	[tilespmem:s15+$0xFFFFFF20] =	vst v1  }
0xda: {  	v1 =	vmax.f32 v3, $0.0e+00;
	v3 =	vadd.f32 v4, v48;
	v4 =	vld [tilespmem:s16+$0xFFFFFF30]  }
0xdb: {  	[tilespmem:s15+$0xFFFFFFA0] =	vst v1;
	v1 =	vmax.f32 v2, $0.0e+00;
	v2 =	vadd.f32 v9, v10;
	v10 =	vld [tilespmem:s15+$0xFFFFFE30]  }
0xdc: {  	v8 =	vld [tilespmem:s16+$0xFFFFFFB0]  }
0xdd: {  	[tilespmem:s15+$0x20] =	vst v1;
	v1 =	vmax.f32 v3, $0.0e+00;
	v3 =	vadd.f32 v11, v5;
	v11 =	vld [tilespmem:s15+$0xFFFFFEB0]  }
0xde: {  	v5 =	vld [tilespmem:s16+$0x30];
	[tilespmem:s15+$0xA0] =	vst v1;
	v1 =	vmax.f32 v2, $0.0e+00  }
0xdf: {  	v9 =	vld [tilespmem:s16+$0xB0];
	[tilespmem:s15+$0x120] =	vst v1  }
0xe0: {  	v1 =	vmax.f32 v3, $0.0e+00;
	v3 =	vld [tilespmem:s16+$0x130]  }
0xe1: {  	[tilespmem:s15+$0x1E0] =	vst v1;
	v1 =	vld [tilespmem:s15+$0x1F0]  }
0xe2: {  	v2 =	vld [tilespmem:s16+$0x1F0];
	v6 =	vadd.f32 v6, v10  }
0xe3: {  	v10 =	vld [tilespmem:s15+$0xB0];
	v7 =	vadd.f32 v7, v11  }
0xe4: {  	v4 =	vadd.f32 v4, v49;
	v11 =	vld [tilespmem:s15+$0x130];
	v6 =	vmax.f32 v6, $0.0e+00  }
0xe5: {  	[tilespmem:s15+$0xFFFFFE30] =	vst v6;
	v6 =	vmax.f32 v7, $0.0e+00;
	v7 =	vld [tilespmem:s15+$0xFFFFFEC0]  }
0xe6: {  	v8 =	vadd.f32 v8, v50;
	v4 =	vmax.f32 v4, $0.0e+00;
	v53 =	vld [tilespmem:s16+$0xFFFFFE40];
	[tilespmem:s15+$0xFFFFFEB0] =	vst v6  }
0xe7: {  	v5 =	vadd.f32 v5, v51;
	[tilespmem:s15+$0xFFFFFF30] =	vst v4;
	v6 =	vld [tilespmem:s16+$0xFFFFFEC0]  }
0xe8: {  	v4 =	vmax.f32 v8, $0.0e+00;
	v8 =	vadd.f32 v9, v10;
	v9 =	vld [tilespmem:s16+$0xFFFFFF40]  }
0xe9: {  	[tilespmem:s15+$0xFFFFFFB0] =	vst v4;
	v4 =	vmax.f32 v5, $0.0e+00;
	v10 =	vld [tilespmem:s15+$0xFFFFFF40]  }
0xea: {  	v5 =	vld [tilespmem:s16+$0xFFFFFFC0];
	[tilespmem:s15+$0x30] =	vst v4;
	v3 =	vadd.f32 v3, v11;
	v4 =	vmax.f32 v8, $0.0e+00  }
0xeb: {  	v8 =	vld [tilespmem:s16+$0x40];
	[tilespmem:s15+$0xB0] =	vst v4  }
0xec: {  	v3 =	vmax.f32 v3, $0.0e+00;
	v4 =	vld [tilespmem:s16+$0xC0];
	v11 =	vadd.f32 v53, v52  }
0xed: {  	[tilespmem:s15+$0x130] =	vst v3;
	v6 =	vadd.f32 v6, v7;
	v7 =	vld [tilespmem:s15+$0x40]  }
0xee: {  	v3 =	vld [tilespmem:s16+$0x140];
	v9 =	vadd.f32 v9, v10;
	v11 =	vmax.f32 v11, $0.0e+00  }
0xef: {  	[tilespmem:s15+$0xFFFFFE40] =	vst v11;
	v6 =	vmax.f32 v6, $0.0e+00;
	v11 =	vld [tilespmem:s15+$0x140]  }
0xf0: {  	v5 =	vadd.f32 v5, v54;
	v9 =	vmax.f32 v9, $0.0e+00;
	[tilespmem:s15+$0xFFFFFEC0] =	vst v6;
	v6 =	vld [tilespmem:s16+$0xFFFFFE50]  }
0xf1: {  	[tilespmem:s15+$0xFFFFFF40] =	vst v9;
	v10 =	vld [tilespmem:s16+$0xFFFFFED0]  }
0xf2: {  	v5 =	vmax.f32 v5, $0.0e+00;
	v4 =	vadd.f32 v4, v55;
	v9 =	vld [tilespmem:s16+$0xFFFFFF50];
	v7 =	vadd.f32 v8, v7  }
0xf3: {  	[tilespmem:s15+$0xFFFFFFC0] =	vst v5;
	v8 =	vld [tilespmem:s15+$0xFFFFFED0]  }
0xf4: {  	v4 =	vmax.f32 v4, $0.0e+00;
	v5 =	vmax.f32 v7, $0.0e+00;
	v7 =	vld [tilespmem:s16+$0xFFFFFFD0]  }
0xf5: {  	v3 =	vadd.f32 v3, v11;
	[tilespmem:s15+$0xC0] =	vst v4;
	v11 =	vld [tilespmem:s15+$0xFFFFFF50]  }
0xf6: {  	[tilespmem:s15+$0x40] =	vst v5;
	v4 =	vld [tilespmem:s16+$0xD0]  }
0xf7: {  	v6 =	vadd.f32 v6, v56;
	v5 =	vld [tilespmem:s16+$0x50];
	v3 =	vmax.f32 v3, $0.0e+00  }
0xf8: {  	[tilespmem:s15+$0x140] =	vst v3;
	v8 =	vadd.f32 v10, v8;
	v10 =	vld [tilespmem:s15+$0x50]  }
0xf9: {  	v6 =	vmax.f32 v6, $0.0e+00;
	v3 =	vld [tilespmem:s16+$0x150]  }
0xfa: {  	[tilespmem:s15+$0xFFFFFE50] =	vst v6;
	v6 =	vmax.f32 v8, $0.0e+00;
	v8 =	vld [tilespmem:s15+$0x150];
	v9 =	vadd.f32 v9, v11  }
0xfb: {  	v7 =	vadd.f32 v7, v57;
	[tilespmem:s15+$0xFFFFFED0] =	vst v6;
	v6 =	vld [tilespmem:s16+$0xFFFFFE60]  }
0xfc: {  	v4 =	vadd.f32 v4, v58;
	v11 =	vld [tilespmem:s16+$0xFFFFFEE0];
	v9 =	vmax.f32 v9, $0.0e+00  }
0xfd: {  	v7 =	vmax.f32 v7, $0.0e+00;
	v5 =	vadd.f32 v5, v10;
	v10 =	vld [tilespmem:s15+$0xFFFFFEE0];
	[tilespmem:s15+$0xFFFFFF50] =	vst v9  }
0xfe: {  	[tilespmem:s15+$0xFFFFFFD0] =	vst v7;
	v4 =	vmax.f32 v4, $0.0e+00;
	v9 =	vld [tilespmem:s16+$0xFFFFFF60]  }
0xff: {  	v7 =	vld [tilespmem:s16+$0xFFFFFFE0];
	[tilespmem:s15+$0xD0] =	vst v4;
	v5 =	vmax.f32 v5, $0.0e+00;
	v3 =	vadd.f32 v3, v8  }
0x100: {  	v4 =	vld [tilespmem:s16+$0xE0];
	[tilespmem:s15+$0x50] =	vst v5  }
0x101: {  	v5 =	vld [tilespmem:s16+$0x60];
	v3 =	vmax.f32 v3, $0.0e+00  }
0x102: {  	v6 =	vadd.f32 v6, v59;
	[tilespmem:s15+$0x150] =	vst v3;
	v3 =	vld [tilespmem:s15+$0xFFFFFF60]  }
0x103: {  	v10 =	vadd.f32 v11, v10;
	v11 =	vld [tilespmem:s15+$0x60]  }
0x104: {  	v6 =	vmax.f32 v6, $0.0e+00;
	v8 =	vld [tilespmem:s16+$0x160]  }
0x105: {  	[tilespmem:s15+$0xFFFFFE60] =	vst v6;
	v6 =	vmax.f32 v10, $0.0e+00;
	v10 =	vld [tilespmem:s15+$0x160]  }
0x106: {  	v62 =	vld [tilespmem:s16+$0xFFFFFE70];
	[tilespmem:s15+$0xFFFFFEE0] =	vst v6;
	v6 =	vadd.f32 v7, v60  }
0x107: {  	v7 =	vld [tilespmem:s15+$0xFFFFFE70]  }
0x108: {  	v3 =	vadd.f32 v9, v3;
	v9 =	vld [tilespmem:s16+$0xFFFFFEF0];
	v6 =	vmax.f32 v6, $0.0e+00  }
0x109: {  	v5 =	vadd.f32 v5, v11;
	v11 =	vld [tilespmem:s15+$0xFFFFFEF0];
	[tilespmem:s15+$0xFFFFFFE0] =	vst v6  }
0x10a: {  	v63 =	vadd.f32 v4, v61;
	v3 =	vmax.f32 v3, $0.0e+00;
	v4 =	vld [tilespmem:s16+$0xFFFFFFF0]  }
0x10b: {  	v5 =	vmax.f32 v5, $0.0e+00;
	v6 =	vadd.f32 v8, v10;
	v10 =	vld [tilespmem:s15+$0xFFFFFFF0];
	[tilespmem:s15+$0xFFFFFF60] =	vst v3  }
0x10c: {  	v8 =	vmax.f32 v63, $0.0e+00;
	[tilespmem:s15+$0x60] =	vst v5;
	v3 =	vld [tilespmem:s16+$0xFFFFFF70]  }
0x10d: {  	[tilespmem:s15+$0xE0] =	vst v8;
	v5 =	vld [tilespmem:s16+$0x70]  }
0x10e: {  	v2 =	vadd.f32 v2, v1;
	v8 =	vmax.f32 v6, $0.0e+00;
	v6 =	vld [tilespmem:s16+$0xF0]  }
0x10f: {  	v7 =	vadd.f32 v62, v7;
	[tilespmem:s15+$0x160] =	vst v8;
	v8 =	vld [tilespmem:s15+$0xFFFFFF70]  }
0x110: {  	v2 =	vmax.f32 v2, $0.0e+00;
	v11 =	vadd.f32 v9, v11;
	v9 =	vld [tilespmem:s15+$0x70]  }
0x111: {  	[tilespmem:s15+$0x1F0] =	vst v2;
	v2 =	vmax.f32 v7, $0.0e+00;
	v7 =	vld [tilespmem:s15+$0xF0]  }
0x112: {  	v1 =	vld [tilespmem:s16+$0x170];
	[tilespmem:s15+$0xFFFFFE70] =	vst v2;
	v2 =	vmax.f32 v11, $0.0e+00  }
0x113: {  	s17 =	simm.s32 $0x0;
	s19 =	simm.s32 $0x3000;
	[tilespmem:s15+$0xFFFFFEF0] =	vst v2;
	v2 =	vld [tilespmem:s15+$0x170]  }
.LBB2_5:
0x114: {  	v11 =	vld [tilespmem:s19+$0x180];
	v3 =	vadd.f32 v3, v8;
	s16 =	sadd.s32 $0x400, s16  }
0x115: {  	s17 =	sadd.s32 $0x8, s17;
	v8 =	vld [tilespmem:s16+$0x180];
	v4 =	vadd.f32 v4, v10  }
0x116: {  	p2 =	slt.u32 s17, $0x48;
	v10 =	vld [tilespmem:s16+$0xFFFFFE00];
	v3 =	vmax.f32 v3, $0.0e+00;
	v5 =	vadd.f32 v5, v9  }
0x117: {  	v9 =	vld [tilespmem:s19+$0xFFFFFE80];
	[tilespmem:s15+$0xFFFFFF70] =	vst v3;
	v3 =	vmax.f32 v4, $0.0e+00;
	v4 =	vadd.f32 v6, v7  }
0x118: {  	v6 =	vld [tilespmem:s16+$0xFFFFFE80];
	[tilespmem:s15+$0xFFFFFFF0] =	vst v3;
	v3 =	vmax.f32 v5, $0.0e+00;
	v1 =	vadd.f32 v1, v2  }
0x119: {  	v2 =	vld [tilespmem:s19+$0xFFFFFF00];
	[tilespmem:s15+$0x70] =	vst v3;
	v3 =	vmax.f32 v4, $0.0e+00  }
0x11a: {  	v4 =	vld [tilespmem:s16+$0xFFFFFF00];
	v5 =	vadd.f32 v8, v11;
	[tilespmem:s15+$0xF0] =	vst v3;
	v1 =	vmax.f32 v1, $0.0e+00  }
0x11b: {  	v3 =	vld [tilespmem:s19+$0xFFFFFF80];
	[tilespmem:s15+$0x170] =	vst v1;
	s15 =	smov.u32 s19  }
0x11c: {  	v1 =	vld [tilespmem:s16+$0xFFFFFF80];
	v5 =	vmax.f32 v5, $0.0e+00  }
0x11d: {  	v6 =	vadd.f32 v6, v9;
	[tilespmem:s19+$0x180] =	vst v5;
	v5 =	vld [tilespmem:s19+$0x190]  }
0x11e: {  	v7 =	vld [tilespmem:s16+$0x190]  }
0x11f: {  	v6 =	vmax.f32 v6, $0.0e+00;
	v2 =	vadd.f32 v4, v2;
	v4 =	vld [tilespmem:s19+$0x0]  }
0x120: {  	[tilespmem:s19+$0xFFFFFE80] =	vst v6;
	v6 =	vld [tilespmem:s16+$0x0]  }
0x121: {  	v2 =	vmax.f32 v2, $0.0e+00;
	v1 =	vadd.f32 v1, v3;
	v3 =	vld [tilespmem:s19+$0x80]  }
0x122: {  	[tilespmem:s19+$0xFFFFFF00] =	vst v2;
	v2 =	vld [tilespmem:s16+$0x80]  }
0x123: {  	v1 =	vmax.f32 v1, $0.0e+00;
	v8 =	vld [tilespmem:s19+$0x100];
	v5 =	vadd.f32 v7, v5  }
0x124: {  	[tilespmem:s19+$0xFFFFFF80] =	vst v1;
	v1 =	vld [tilespmem:s16+$0x100]  }
0x125: {  	v7 =	vld [tilespmem:s19+$0xFFFFFE00];
	v4 =	vadd.f32 v6, v4;
	v5 =	vmax.f32 v5, $0.0e+00  }
0x126: {  	[tilespmem:s19+$0x190] =	vst v5;
	v5 =	vld [tilespmem:s19+$0x1A0]  }
0x127: {  	v4 =	vmax.f32 v4, $0.0e+00;
	v2 =	vadd.f32 v2, v3;
	v3 =	vld [tilespmem:s16+$0x1A0]  }
0x128: {  	v6 =	vld [tilespmem:s16+$0xFFFFFE90];
	[tilespmem:s19+$0x0] =	vst v4  }
0x129: {  	v4 =	vld [tilespmem:s16+$0xFFFFFF10];
	v2 =	vmax.f32 v2, $0.0e+00;
	v1 =	vadd.f32 v1, v8  }
0x12a: {  	v7 =	vadd.f32 v10, v7;
	v8 =	vld [tilespmem:s16+$0xFFFFFF90];
	[tilespmem:s19+$0x80] =	vst v2  }
0x12b: {  	v2 =	vld [tilespmem:s16+$0x10];
	v1 =	vmax.f32 v1, $0.0e+00  }
0x12c: {  	v7 =	vmax.f32 v7, $0.0e+00;
	v9 =	vld [tilespmem:s16+$0x90];
	[tilespmem:s19+$0x100] =	vst v1;
	v1 =	vadd.f32 v3, v5  }
0x12d: {  	[tilespmem:s19+$0xFFFFFE00] =	vst v7;
	v3 =	vld [tilespmem:s16+$0x110]  }
0x12e: {  	v5 =	vld [tilespmem:s16+$0xFFFFFE10];
	v1 =	vmax.f32 v1, $0.0e+00  }
0x12f: {  	[tilespmem:s19+$0x1A0] =	vst v1;
	v1 =	vld [tilespmem:s19+$0x1B0]  }
0x130: {  	v7 =	vld [tilespmem:s16+$0x1B0]  }
0x131: {  	v10 =	vld [tilespmem:s19+$0xFFFFFE10]  }
0x132: {  	v11 =	vld [tilespmem:s19+$0xFFFFFE90]  }
0x133: {  	v12 =	vld [tilespmem:s19+$0xFFFFFF10]  }
0x134: {  	v13 =	vld [tilespmem:s19+$0xFFFFFF90]  }
0x135: {  	v14 =	vld [tilespmem:s19+$0x10];
	v1 =	vadd.f32 v7, v1  }
0x136: {  	v5 =	vadd.f32 v5, v10;
	v7 =	vld [tilespmem:s19+$0x90]  }
0x137: {  	v6 =	vadd.f32 v6, v11;
	v10 =	vld [tilespmem:s19+$0x110];
	v1 =	vmax.f32 v1, $0.0e+00  }
0x138: {  	v5 =	vmax.f32 v5, $0.0e+00;
	v4 =	vadd.f32 v4, v12;
	[tilespmem:s19+$0x1B0] =	vst v1;
	v1 =	vld [tilespmem:s19+$0x1C0]  }
0x139: {  	[tilespmem:s19+$0xFFFFFE10] =	vst v5;
	v5 =	vmax.f32 v6, $0.0e+00;
	v6 =	vadd.f32 v8, v13;
	v8 =	vld [tilespmem:s16+$0x1C0]  }
0x13a: {  	v11 =	vld [tilespmem:s16+$0xFFFFFE20];
	[tilespmem:s19+$0xFFFFFE90] =	vst v5;
	v4 =	vmax.f32 v4, $0.0e+00;
	v2 =	vadd.f32 v2, v14  }
0x13b: {  	v5 =	vld [tilespmem:s16+$0xFFFFFEA0];
	[tilespmem:s19+$0xFFFFFF10] =	vst v4;
	v4 =	vmax.f32 v6, $0.0e+00;
	v6 =	vadd.f32 v9, v7  }
0x13c: {  	v7 =	vld [tilespmem:s16+$0xFFFFFF20];
	[tilespmem:s19+$0xFFFFFF90] =	vst v4;
	v2 =	vmax.f32 v2, $0.0e+00;
	v3 =	vadd.f32 v3, v10  }
0x13d: {  	v4 =	vld [tilespmem:s16+$0xFFFFFFA0];
	[tilespmem:s19+$0x10] =	vst v2;
	v2 =	vmax.f32 v6, $0.0e+00  }
0x13e: {  	v6 =	vld [tilespmem:s16+$0x20];
	[tilespmem:s19+$0x90] =	vst v2;
	v2 =	vmax.f32 v3, $0.0e+00;
	v1 =	vadd.f32 v8, v1  }
0x13f: {  	v3 =	vld [tilespmem:s16+$0xA0];
	[tilespmem:s19+$0x110] =	vst v2  }
0x140: {  	v2 =	vld [tilespmem:s16+$0x120];
	v1 =	vmax.f32 v1, $0.0e+00  }
0x141: {  	[tilespmem:s19+$0x1C0] =	vst v1;
	v1 =	vld [tilespmem:s19+$0x1D0]  }
0x142: {  	v8 =	vld [tilespmem:s16+$0x1D0]  }
0x143: {  	v9 =	vld [tilespmem:s19+$0xFFFFFE20]  }
0x144: {  	v10 =	vld [tilespmem:s19+$0xFFFFFEA0]  }
0x145: {  	v12 =	vld [tilespmem:s19+$0xFFFFFF20]  }
0x146: {  	v13 =	vld [tilespmem:s19+$0xFFFFFFA0]  }
0x147: {  	v14 =	vld [tilespmem:s19+$0x20];
	v1 =	vadd.f32 v8, v1  }
0x148: {  	v8 =	vadd.f32 v11, v9;
	v9 =	vld [tilespmem:s19+$0xA0]  }
0x149: {  	v5 =	vadd.f32 v5, v10;
	v10 =	vld [tilespmem:s19+$0x120];
	v1 =	vmax.f32 v1, $0.0e+00  }
0x14a: {  	v8 =	vmax.f32 v8, $0.0e+00;
	v7 =	vadd.f32 v7, v12;
	[tilespmem:s19+$0x1D0] =	vst v1;
	v1 =	vld [tilespmem:s19+$0x1E0]  }
0x14b: {  	[tilespmem:s19+$0xFFFFFE20] =	vst v8;
	v5 =	vmax.f32 v5, $0.0e+00;
	v4 =	vadd.f32 v4, v13;
	v8 =	vld [tilespmem:s16+$0x1E0]  }
0x14c: {  	v11 =	vld [tilespmem:s16+$0xFFFFFE30];
	[tilespmem:s19+$0xFFFFFEA0] =	vst v5;
	v5 =	vmax.f32 v7, $0.0e+00;
	v6 =	vadd.f32 v6, v14  }
0x14d: {  	v7 =	vld [tilespmem:s16+$0xFFFFFEB0];
	[tilespmem:s19+$0xFFFFFF20] =	vst v5;
	v4 =	vmax.f32 v4, $0.0e+00;
	v3 =	vadd.f32 v3, v9  }
0x14e: {  	v5 =	vld [tilespmem:s16+$0xFFFFFF30];
	[tilespmem:s19+$0xFFFFFFA0] =	vst v4;
	v4 =	vmax.f32 v6, $0.0e+00;
	v2 =	vadd.f32 v2, v10  }
0x14f: {  	v6 =	vld [tilespmem:s16+$0xFFFFFFB0];
	[tilespmem:s19+$0x20] =	vst v4;
	v3 =	vmax.f32 v3, $0.0e+00  }
0x150: {  	v4 =	vld [tilespmem:s16+$0x30];
	[tilespmem:s19+$0xA0] =	vst v3;
	v2 =	vmax.f32 v2, $0.0e+00;
	v1 =	vadd.f32 v8, v1  }
0x151: {  	v3 =	vld [tilespmem:s16+$0xB0];
	[tilespmem:s19+$0x120] =	vst v2  }
0x152: {  	v2 =	vld [tilespmem:s16+$0x130];
	v1 =	vmax.f32 v1, $0.0e+00  }
0x153: {  	[tilespmem:s19+$0x1E0] =	vst v1;
	v1 =	vld [tilespmem:s19+$0x1F0]  }
0x154: {  	v8 =	vld [tilespmem:s16+$0x1F0]  }
0x155: {  	v9 =	vld [tilespmem:s19+$0xFFFFFE30]  }
0x156: {  	v10 =	vld [tilespmem:s19+$0xFFFFFEB0]  }
0x157: {  	v12 =	vld [tilespmem:s19+$0xFFFFFF30]  }
0x158: {  	v13 =	vld [tilespmem:s19+$0xFFFFFFB0]  }
0x159: {  	v14 =	vld [tilespmem:s19+$0x30];
	v1 =	vadd.f32 v8, v1  }
0x15a: {  	v8 =	vadd.f32 v11, v9;
	v9 =	vld [tilespmem:s19+$0xB0]  }
0x15b: {  	v7 =	vadd.f32 v7, v10;
	v10 =	vld [tilespmem:s19+$0x130];
	v1 =	vmax.f32 v1, $0.0e+00  }
0x15c: {  	v8 =	vmax.f32 v8, $0.0e+00;
	v11 =	vld [tilespmem:s19+$0xFFFFFE40];
	v5 =	vadd.f32 v5, v12;
	[tilespmem:s19+$0x1F0] =	vst v1  }
0x15d: {  	[tilespmem:s19+$0xFFFFFE30] =	vst v8;
	v1 =	vmax.f32 v7, $0.0e+00;
	v7 =	vld [tilespmem:s19+$0xFFFFFEC0];
	v6 =	vadd.f32 v6, v13  }
0x15e: {  	v8 =	vld [tilespmem:s16+$0xFFFFFE40];
	[tilespmem:s19+$0xFFFFFEB0] =	vst v1;
	v1 =	vmax.f32 v5, $0.0e+00;
	v4 =	vadd.f32 v4, v14  }
0x15f: {  	v5 =	vld [tilespmem:s16+$0xFFFFFEC0];
	[tilespmem:s19+$0xFFFFFF30] =	vst v1;
	v1 =	vmax.f32 v6, $0.0e+00;
	v3 =	vadd.f32 v3, v9  }
0x160: {  	v6 =	vld [tilespmem:s16+$0xFFFFFF40];
	[tilespmem:s19+$0xFFFFFFB0] =	vst v1;
	v1 =	vmax.f32 v4, $0.0e+00;
	v2 =	vadd.f32 v2, v10  }
0x161: {  	v4 =	vld [tilespmem:s16+$0xFFFFFFC0];
	[tilespmem:s19+$0x30] =	vst v1;
	v1 =	vmax.f32 v3, $0.0e+00  }
0x162: {  	v3 =	vld [tilespmem:s16+$0x40];
	[tilespmem:s19+$0xB0] =	vst v1;
	v1 =	vmax.f32 v2, $0.0e+00  }
0x163: {  	v2 =	vadd.f32 v8, v11;
	v8 =	vld [tilespmem:s16+$0xC0];
	[tilespmem:s19+$0x130] =	vst v1  }
0x164: {  	v1 =	vadd.f32 v5, v7;
	v5 =	vld [tilespmem:s16+$0x140]  }
0x165: {  	v2 =	vmax.f32 v2, $0.0e+00;
	v7 =	vld [tilespmem:s19+$0xFFFFFF40]  }
0x166: {  	[tilespmem:s19+$0xFFFFFE40] =	vst v2;
	v1 =	vmax.f32 v1, $0.0e+00;
	v2 =	vld [tilespmem:s19+$0xFFFFFFC0]  }
0x167: {  	[tilespmem:s19+$0xFFFFFEC0] =	vst v1;
	v1 =	vld [tilespmem:s19+$0x40]  }
0x168: {  	v9 =	vld [tilespmem:s19+$0xC0]  }
0x169: {  	v10 =	vld [tilespmem:s19+$0x140]  }
0x16a: {  	v11 =	vld [tilespmem:s16+$0xFFFFFE50];
	v6 =	vadd.f32 v6, v7  }
0x16b: {  	v7 =	vld [tilespmem:s16+$0xFFFFFED0];
	v2 =	vadd.f32 v4, v2  }
0x16c: {  	v4 =	vld [tilespmem:s19+$0xFFFFFE50];
	v6 =	vmax.f32 v6, $0.0e+00;
	v1 =	vadd.f32 v3, v1  }
0x16d: {  	v3 =	vld [tilespmem:s19+$0xFFFFFED0];
	[tilespmem:s19+$0xFFFFFF40] =	vst v6;
	v2 =	vmax.f32 v2, $0.0e+00;
	v6 =	vadd.f32 v8, v9  }
0x16e: {  	v8 =	vld [tilespmem:s16+$0xFFFFFF50];
	[tilespmem:s19+$0xFFFFFFC0] =	vst v2;
	v1 =	vmax.f32 v1, $0.0e+00;
	v2 =	vadd.f32 v5, v10  }
0x16f: {  	v5 =	vld [tilespmem:s16+$0xFFFFFFD0];
	[tilespmem:s19+$0x40] =	vst v1;
	v1 =	vmax.f32 v6, $0.0e+00  }
0x170: {  	v6 =	vld [tilespmem:s16+$0x50];
	[tilespmem:s19+$0xC0] =	vst v1;
	v1 =	vmax.f32 v2, $0.0e+00  }
0x171: {  	v2 =	vadd.f32 v11, v4;
	v4 =	vld [tilespmem:s16+$0xD0];
	[tilespmem:s19+$0x140] =	vst v1  }
0x172: {  	v1 =	vadd.f32 v7, v3;
	v3 =	vld [tilespmem:s16+$0x150]  }
0x173: {  	v2 =	vmax.f32 v2, $0.0e+00;
	v7 =	vld [tilespmem:s19+$0xFFFFFF50]  }
0x174: {  	[tilespmem:s19+$0xFFFFFE50] =	vst v2;
	v1 =	vmax.f32 v1, $0.0e+00;
	v2 =	vld [tilespmem:s19+$0xFFFFFFD0]  }
0x175: {  	[tilespmem:s19+$0xFFFFFED0] =	vst v1;
	v1 =	vld [tilespmem:s19+$0x50]  }
0x176: {  	v9 =	vld [tilespmem:s19+$0xD0]  }
0x177: {  	v10 =	vld [tilespmem:s19+$0x150]  }
0x178: {  	v11 =	vld [tilespmem:s16+$0xFFFFFE60];
	v7 =	vadd.f32 v8, v7  }
0x179: {  	v8 =	vld [tilespmem:s16+$0xFFFFFEE0];
	v2 =	vadd.f32 v5, v2  }
0x17a: {  	v5 =	vld [tilespmem:s19+$0xFFFFFE60];
	v7 =	vmax.f32 v7, $0.0e+00;
	v1 =	vadd.f32 v6, v1  }
0x17b: {  	v6 =	vld [tilespmem:s19+$0xFFFFFEE0];
	[tilespmem:s19+$0xFFFFFF50] =	vst v7;
	v2 =	vmax.f32 v2, $0.0e+00;
	v4 =	vadd.f32 v4, v9  }
0x17c: {  	v7 =	vld [tilespmem:s16+$0xFFFFFF60];
	[tilespmem:s19+$0xFFFFFFD0] =	vst v2;
	v1 =	vmax.f32 v1, $0.0e+00;
	v2 =	vadd.f32 v3, v10  }
0x17d: {  	v3 =	vld [tilespmem:s16+$0xFFFFFFE0];
	[tilespmem:s19+$0x50] =	vst v1;
	v1 =	vmax.f32 v4, $0.0e+00  }
0x17e: {  	v4 =	vld [tilespmem:s16+$0x60];
	[tilespmem:s19+$0xD0] =	vst v1;
	v1 =	vmax.f32 v2, $0.0e+00  }
0x17f: {  	v2 =	vadd.f32 v11, v5;
	v5 =	vld [tilespmem:s16+$0xE0];
	[tilespmem:s19+$0x150] =	vst v1  }
0x180: {  	v1 =	vadd.f32 v8, v6;
	v6 =	vld [tilespmem:s16+$0x160]  }
0x181: {  	v2 =	vmax.f32 v2, $0.0e+00;
	v8 =	vld [tilespmem:s19+$0xFFFFFF60]  }
0x182: {  	[tilespmem:s19+$0xFFFFFE60] =	vst v2;
	v1 =	vmax.f32 v1, $0.0e+00;
	v2 =	vld [tilespmem:s19+$0xFFFFFFE0]  }
0x183: {  	[tilespmem:s19+$0xFFFFFEE0] =	vst v1;
	v1 =	vld [tilespmem:s19+$0x60]  }
0x184: {  	v9 =	vld [tilespmem:s19+$0xE0]  }
0x185: {  	v10 =	vld [tilespmem:s19+$0x160]  }
0x186: {  	v11 =	vld [tilespmem:s16+$0xFFFFFE70];
	v7 =	vadd.f32 v7, v8  }
0x187: {  	v8 =	vld [tilespmem:s16+$0xFFFFFEF0];
	v2 =	vadd.f32 v3, v2  }
0x188: {  	v12 =	vld [tilespmem:s19+$0xFFFFFE70];
	v3 =	vmax.f32 v7, $0.0e+00;
	v1 =	vadd.f32 v4, v1  }
0x189: {  	v7 =	vld [tilespmem:s19+$0xFFFFFEF0];
	[tilespmem:s19+$0xFFFFFF60] =	vst v3;
	v2 =	vmax.f32 v2, $0.0e+00;
	v5 =	vadd.f32 v5, v9  }
0x18a: {  	v3 =	vld [tilespmem:s16+$0xFFFFFF70];
	[tilespmem:s19+$0xFFFFFFE0] =	vst v2;
	v1 =	vmax.f32 v1, $0.0e+00;
	v2 =	vadd.f32 v6, v10  }
0x18b: {  	v4 =	vld [tilespmem:s16+$0xFFFFFFF0];
	[tilespmem:s19+$0x60] =	vst v1;
	v1 =	vmax.f32 v5, $0.0e+00  }
0x18c: {  	v5 =	vld [tilespmem:s16+$0x70];
	[tilespmem:s19+$0xE0] =	vst v1;
	v1 =	vmax.f32 v2, $0.0e+00  }
0x18d: {  	v2 =	vadd.f32 v11, v12;
	v6 =	vld [tilespmem:s16+$0xF0];
	[tilespmem:s19+$0x160] =	vst v1  }
0x18e: {  	v7 =	vadd.f32 v8, v7;
	v1 =	vld [tilespmem:s16+$0x170]  }
.Ltmp1:
0x18f: {  	v2 =	vmax.f32 v2, $0.0e+00;
	v8 =	vld [tilespmem:s19+$0xFFFFFF70];
	(pc) =	sbr.rel @p2 .LBB2_5-.Ltmp1, $4  }
0x190: {  	[tilespmem:s19+$0xFFFFFE70] =	vst v2;
	v2 =	vmax.f32 v7, $0.0e+00;
	v10 =	vld [tilespmem:s19+$0xFFFFFFF0]  }
0x191: {  	[tilespmem:s19+$0xFFFFFEF0] =	vst v2;
	v9 =	vld [tilespmem:s19+$0x70]  }
0x192: {  	v7 =	vld [tilespmem:s19+$0xF0]  }
0x193: {  	s19 =	sadd.s32 $0x400, s19;
	v2 =	vld [tilespmem:s15+$0x170]  }
0x194: {  	v3 =	vadd.f32 v3, v8  }
0x195: {  	v4 =	vadd.f32 v4, v10  }
0x196: {  	v3 =	vmax.f32 v3, $0.0e+00;
	v5 =	vadd.f32 v5, v9  }
0x197: {  	[tilespmem:s15+$0xFFFFFF70] =	vst v3;
	v3 =	vmax.f32 v4, $0.0e+00;
	v4 =	vadd.f32 v6, v7  }
0x198: {  	[tilespmem:s15+$0xFFFFFFF0] =	vst v3;
	v3 =	vmax.f32 v5, $0.0e+00;
	v1 =	vadd.f32 v1, v2  }
0x199: {  	[tilespmem:s15+$0x70] =	vst v3;
	v2 =	vmax.f32 v4, $0.0e+00  }
0x19a: {  	[tilespmem:s15+$0xF0] =	vst v2;
	v1 =	vmax.f32 v1, $0.0e+00  }
0x19b: {  	[tilespmem:s15+$0x170] =	vst v1  }
0x19c: {  	_ =	swait.ge [sflag:s0], $0x50  }
0x19d: {  	[sflag:s0] =	ssyncset.done $0x0  }
0x19e: {  	[sflag:s0] =	ssyncadd.s32 $0xFFFFFFB0  }
0x19f: {  	_ =	swait.ge [sflag:s0], $0x50  }
0x1a0: {  	s14 =	sshll.u32 s14, $0x4;
	[sflag:s0] =	ssyncset.done $0x0  }
0x1a1: {  	s14 =	sadd.s32 s3, s14;
	[sflag:s0] =	ssyncadd.s32 $0xFFFFFFB0  }
0x1a2: {  	[tilespmem:s25], [sflag:$0x3] =	stream.linear.gather [hbm4b:s14+s2], $0x2800, $0x38;
	[tilespmem:$0x1B280] =	vst v63  }
0x1a3: {  	_ = 	snop  }
0x1a4: {  	[tilespmem:s8], [sflag:$0x5] =	stream.indirect.gather [hbm4b:s4+s26], $0x80, s28, s26, $0xb8;
	[tilespmem:$0x1B280] =	vst v63  }
0x1a5: {  	_ = 	snop  }
0x1a6: {  	[spmem:s1] =	stream.indirect.scatter.add.f32 [tilespmem:s22], [sflag:$0x6], $0x80, s24, s26, $0xb8;
	[tilespmem:$0x1B280] =	vst v63  }
0x1a7: {  	s13 =	sadd.s32 s13, s18;
	_ =	swait.ge [sflag:s23], $0x2800  }
0x1a8: {  	s17 =	sshrl.u32 s13, $0x3;
	[sflag:s23] =	ssyncset.done $0x0  }
0x1a9: {  	s19 =	sadd.s32 s5, s17;
	[sflag:s23] =	ssyncadd.s32 $0xFFFFD800  }
0x1aa: {  	[tilespmem:s2], [sflag:$0x1] =	stream.linear.gather [hbm4b:s19+s2], $0x50, $0x38;
	[tilespmem:$0x1B280] =	vst v63  }
0x1ab: {  	s14 =	sadd.s32 s6, s17  }
0x1ac: {  	[tilespmem:s24], [sflag:$0x1] =	stream.linear.gather [hbm4b:s14+s2], $0x50, $0x38;
	[tilespmem:$0x1B280] =	vst v63  }
0x1ad: {  	_ =	swait.ge [sflag:s30], $0x2800  }
0x1ae: {  	[sflag:s30] =	ssyncset.done $0x0  }
0x1af: {  	[sflag:s30] =	ssyncadd.s32 $0xFFFFD800  }
0x1b0: {  	_ =	swait.ge [sflag:s9], $0x2800  }
0x1b1: {  	[sflag:s9] =	ssyncset.done $0x0  }
0x1b2: {  	s14 =	simm.s32 $0x5400;
	[sflag:s9] =	ssyncadd.s32 $0xFFFFD800  }
0x1b3: {  	s15 =	simm.s32 $0x400;
	v1 =	vld [tilespmem:s14+$0x180]  }
0x1b4: {  	v2 =	vld [tilespmem:s15+$0x180]  }
0x1b5: {  	v3 =	vld [tilespmem:s14+$0xFFFFFE80]  }
0x1b6: {  	v5 =	vld [tilespmem:s15+$0xFFFFFE80]  }
0x1b7: {  	v6 =	vld [tilespmem:s14+$0xFFFFFF00]  }
0x1b8: {  	v7 =	vld [tilespmem:s15+$0xFFFFFF00]  }
0x1b9: {  	v8 =	vld [tilespmem:s14+$0xFFFFFF80]  }
0x1ba: {  	v9 =	vld [tilespmem:s15+$0xFFFFFF80]  }
0x1bb: {  	v10 =	vld [tilespmem:s15+$0x0]  }
0x1bc: {  	v11 =	vld [tilespmem:s14+$0x80]  }
0x1bd: {  	v44 =	vld [tilespmem:s14+$0xFFFFFE90]  }
0x1be: {  	v13 =	vld [tilespmem:s14+$0xFFFFFF10]  }
0x1bf: {  	v14 =	vld [tilespmem:s14+$0x90]  }
0x1c0: {  	v45 =	vld [tilespmem:s14+$0x110]  }
0x1c1: {  	v46 =	vld [tilespmem:s14+$0xFFFFFF20]  }
0x1c2: {  	v47 =	vld [tilespmem:s14+$0xFFFFFFA0]  }
0x1c3: {  	v48 =	vld [tilespmem:s14+$0xA0]  }
0x1c4: {  	v49 =	vld [tilespmem:s14+$0xFFFFFF30];
	v1 =	vadd.f32 v2, v1  }
0x1c5: {  	v50 =	vld [tilespmem:s14+$0xFFFFFFB0]  }
0x1c6: {  	v51 =	vld [tilespmem:s14+$0x30];
	v1 =	vmax.f32 v1, $0.0e+00  }
0x1c7: {  	[tilespmem:s14+$0x180] =	vst v1;
	v1 =	vld [tilespmem:s14+$0x190]  }
0x1c8: {  	v4 =	vld [tilespmem:s15+$0x190]  }
0x1c9: {  	v52 =	vld [tilespmem:s14+$0xFFFFFE40]  }
0x1ca: {  	v54 =	vld [tilespmem:s14+$0xFFFFFFC0]  }
0x1cb: {  	v55 =	vld [tilespmem:s14+$0xC0]  }
0x1cc: {  	v56 =	vld [tilespmem:s14+$0xFFFFFE50]  }
0x1cd: {  	v57 =	vld [tilespmem:s14+$0xFFFFFFD0];
	v1 =	vadd.f32 v4, v1  }
0x1ce: {  	v58 =	vld [tilespmem:s14+$0xD0]  }
0x1cf: {  	v2 =	vld [tilespmem:s15+$0xFFFFFE00];
	v1 =	vmax.f32 v1, $0.0e+00  }
0x1d0: {  	[tilespmem:s14+$0x190] =	vst v1;
	v1 =	vld [tilespmem:s14+$0x1A0]  }
0x1d1: {  	v12 =	vld [tilespmem:s15+$0x1A0]  }
0x1d2: {  	v3 =	vadd.f32 v5, v3;
	v5 =	vld [tilespmem:s15+$0x80]  }
0x1d3: {  	v8 =	vadd.f32 v9, v8;
	v9 =	vld [tilespmem:s14+$0xFFFFFE00]  }
0x1d4: {  	v6 =	vadd.f32 v7, v6;
	v7 =	vld [tilespmem:s14+$0x100]  }
0x1d5: {  	v3 =	vmax.f32 v3, $0.0e+00;
	v4 =	vld [tilespmem:s14+$0x0]  }
0x1d6: {  	[tilespmem:s14+$0xFFFFFE80] =	vst v3;
	v3 =	vmax.f32 v6, $0.0e+00;
	v6 =	vld [tilespmem:s15+$0x100];
	v1 =	vadd.f32 v12, v1  }
0x1d7: {  	[tilespmem:s14+$0xFFFFFF00] =	vst v3;
	v3 =	vmax.f32 v8, $0.0e+00;
	v8 =	vld [tilespmem:s15+$0xFFFFFE90];
	v5 =	vadd.f32 v5, v11  }
0x1d8: {  	v2 =	vadd.f32 v2, v9;
	v11 =	vld [tilespmem:s14+$0xFFFFFE10];
	v1 =	vmax.f32 v1, $0.0e+00  }
0x1d9: {  	[tilespmem:s14+$0x1A0] =	vst v1;
	v1 =	vmax.f32 v5, $0.0e+00;
	v5 =	vld [tilespmem:s14+$0x1B0]  }
0x1da: {  	v4 =	vadd.f32 v10, v4;
	[tilespmem:s14+$0x80] =	vst v1;
	v1 =	vmax.f32 v2, $0.0e+00;
	v2 =	vld [tilespmem:s15+$0x1B0]  }
0x1db: {  	[tilespmem:s14+$0xFFFFFF80] =	vst v3;
	v6 =	vadd.f32 v6, v7;
	v7 =	vld [tilespmem:s14+$0x10]  }
0x1dc: {  	v3 =	vmax.f32 v4, $0.0e+00;
	v4 =	vld [tilespmem:s15+$0xFFFFFF10];
	[tilespmem:s14+$0xFFFFFE00] =	vst v1  }
0x1dd: {  	v1 =	vld [tilespmem:s15+$0xFFFFFE10]  }
0x1de: {  	[tilespmem:s14+$0x0] =	vst v3;
	v3 =	vld [tilespmem:s15+$0xFFFFFF90]  }
0x1df: {  	v9 =	vld [tilespmem:s15+$0x10];
	v2 =	vadd.f32 v2, v5  }
0x1e0: {  	v5 =	vld [tilespmem:s14+$0xFFFFFF90]  }
0x1e1: {  	v10 =	vld [tilespmem:s15+$0x90];
	v2 =	vmax.f32 v2, $0.0e+00  }
0x1e2: {  	v1 =	vadd.f32 v1, v11;
	[tilespmem:s14+$0x1B0] =	vst v2;
	v2 =	vmax.f32 v6, $0.0e+00;
	v6 =	vld [tilespmem:s14+$0x1C0]  }
0x1e3: {  	[tilespmem:s14+$0x100] =	vst v2;
	v2 =	vadd.f32 v8, v44;
	v8 =	vld [tilespmem:s15+$0x1C0]  }
0x1e4: {  	v4 =	vadd.f32 v4, v13;
	v1 =	vmax.f32 v1, $0.0e+00;
	v11 =	vld [tilespmem:s15+$0x110]  }
0x1e5: {  	v59 =	vld [tilespmem:s14+$0xFFFFFE60];
	[tilespmem:s14+$0xFFFFFE10] =	vst v1;
	v1 =	vmax.f32 v2, $0.0e+00;
	v2 =	vadd.f32 v3, v5  }
0x1e6: {  	v60 =	vld [tilespmem:s14+$0xFFFFFFE0];
	[tilespmem:s14+$0xFFFFFE90] =	vst v1;
	v1 =	vmax.f32 v4, $0.0e+00;
	v4 =	vadd.f32 v9, v7  }
0x1e7: {  	v61 =	vld [tilespmem:s14+$0xE0];
	[tilespmem:s14+$0xFFFFFF10] =	vst v1;
	v1 =	vmax.f32 v2, $0.0e+00;
	v2 =	vadd.f32 v10, v14  }
0x1e8: {  	v3 =	vld [tilespmem:s15+$0xFFFFFE20];
	[tilespmem:s14+$0xFFFFFF90] =	vst v1;
	v1 =	vmax.f32 v4, $0.0e+00;
	v4 =	vadd.f32 v8, v6  }
0x1e9: {  	v5 =	vld [tilespmem:s15+$0xFFFFFEA0];
	[tilespmem:s14+$0x10] =	vst v1;
	v1 =	vmax.f32 v2, $0.0e+00;
	v2 =	vadd.f32 v11, v45  }
0x1ea: {  	v10 =	vld [tilespmem:s14+$0xFFFFFE20];
	[tilespmem:s14+$0x90] =	vst v1;
	v1 =	vmax.f32 v4, $0.0e+00  }
0x1eb: {  	[tilespmem:s14+$0x1C0] =	vst v1;
	v1 =	vmax.f32 v2, $0.0e+00;
	v2 =	vld [tilespmem:s14+$0x1D0]  }
0x1ec: {  	[tilespmem:s14+$0x110] =	vst v1;
	v1 =	vld [tilespmem:s15+$0x1D0]  }
0x1ed: {  	v7 =	vld [tilespmem:s15+$0xFFFFFF20]  }
0x1ee: {  	v6 =	vld [tilespmem:s15+$0xFFFFFFA0]  }
0x1ef: {  	v11 =	vld [tilespmem:s14+$0xFFFFFEA0]  }
0x1f0: {  	v8 =	vld [tilespmem:s15+$0x20];
	v3 =	vadd.f32 v3, v10  }
0x1f1: {  	v4 =	vld [tilespmem:s15+$0xA0];
	v1 =	vadd.f32 v1, v2  }
0x1f2: {  	v10 =	vld [tilespmem:s14+$0x120];
	v3 =	vmax.f32 v3, $0.0e+00  }
0x1f3: {  	[tilespmem:s14+$0xFFFFFE20] =	vst v3;
	v2 =	vld [tilespmem:s14+$0x20];
	v1 =	vmax.f32 v1, $0.0e+00  }
0x1f4: {  	v9 =	vld [tilespmem:s15+$0x120];
	[tilespmem:s14+$0x1D0] =	vst v1;
	v1 =	vadd.f32 v5, v11  }
0x1f5: {  	v7 =	vadd.f32 v7, v46;
	v3 =	vadd.f32 v6, v47;
	v6 =	vld [tilespmem:s15+$0xFFFFFE30]  }
0x1f6: {  	v5 =	vld [tilespmem:s14+$0x1E0];
	v1 =	vmax.f32 v1, $0.0e+00  }
0x1f7: {  	v11 =	vld [tilespmem:s15+$0x1E0];
	[tilespmem:s14+$0xFFFFFEA0] =	vst v1;
	v1 =	vmax.f32 v7, $0.0e+00  }
0x1f8: {  	v2 =	vadd.f32 v8, v2;
	v7 =	vld [tilespmem:s15+$0xFFFFFEB0];
	[tilespmem:s14+$0xFFFFFF20] =	vst v1  }
0x1f9: {  	v1 =	vmax.f32 v3, $0.0e+00;
	v3 =	vadd.f32 v4, v48;
	v4 =	vld [tilespmem:s15+$0xFFFFFF30]  }
0x1fa: {  	[tilespmem:s14+$0xFFFFFFA0] =	vst v1;
	v1 =	vmax.f32 v2, $0.0e+00;
	v2 =	vadd.f32 v9, v10;
	v10 =	vld [tilespmem:s14+$0xFFFFFE30]  }
0x1fb: {  	v8 =	vld [tilespmem:s15+$0xFFFFFFB0]  }
0x1fc: {  	[tilespmem:s14+$0x20] =	vst v1;
	v1 =	vmax.f32 v3, $0.0e+00;
	v3 =	vadd.f32 v11, v5;
	v11 =	vld [tilespmem:s14+$0xFFFFFEB0]  }
0x1fd: {  	v5 =	vld [tilespmem:s15+$0x30];
	[tilespmem:s14+$0xA0] =	vst v1;
	v1 =	vmax.f32 v2, $0.0e+00  }
0x1fe: {  	v9 =	vld [tilespmem:s15+$0xB0];
	[tilespmem:s14+$0x120] =	vst v1  }
0x1ff: {  	v1 =	vmax.f32 v3, $0.0e+00;
	v3 =	vld [tilespmem:s15+$0x130]  }
0x200: {  	[tilespmem:s14+$0x1E0] =	vst v1;
	v1 =	vld [tilespmem:s14+$0x1F0]  }
0x201: {  	v2 =	vld [tilespmem:s15+$0x1F0];
	v6 =	vadd.f32 v6, v10  }
0x202: {  	v10 =	vld [tilespmem:s14+$0xB0];
	v7 =	vadd.f32 v7, v11  }
0x203: {  	v4 =	vadd.f32 v4, v49;
	v11 =	vld [tilespmem:s14+$0x130];
	v6 =	vmax.f32 v6, $0.0e+00  }
0x204: {  	[tilespmem:s14+$0xFFFFFE30] =	vst v6;
	v6 =	vmax.f32 v7, $0.0e+00;
	v7 =	vld [tilespmem:s14+$0xFFFFFEC0]  }
0x205: {  	v8 =	vadd.f32 v8, v50;
	v4 =	vmax.f32 v4, $0.0e+00;
	v53 =	vld [tilespmem:s15+$0xFFFFFE40];
	[tilespmem:s14+$0xFFFFFEB0] =	vst v6  }
0x206: {  	v5 =	vadd.f32 v5, v51;
	[tilespmem:s14+$0xFFFFFF30] =	vst v4;
	v6 =	vld [tilespmem:s15+$0xFFFFFEC0]  }
0x207: {  	v4 =	vmax.f32 v8, $0.0e+00;
	v8 =	vadd.f32 v9, v10;
	v9 =	vld [tilespmem:s15+$0xFFFFFF40]  }
0x208: {  	[tilespmem:s14+$0xFFFFFFB0] =	vst v4;
	v4 =	vmax.f32 v5, $0.0e+00;
	v10 =	vld [tilespmem:s14+$0xFFFFFF40]  }
0x209: {  	v5 =	vld [tilespmem:s15+$0xFFFFFFC0];
	[tilespmem:s14+$0x30] =	vst v4;
	v3 =	vadd.f32 v3, v11;
	v4 =	vmax.f32 v8, $0.0e+00  }
0x20a: {  	v8 =	vld [tilespmem:s15+$0x40];
	[tilespmem:s14+$0xB0] =	vst v4  }
0x20b: {  	v3 =	vmax.f32 v3, $0.0e+00;
	v4 =	vld [tilespmem:s15+$0xC0];
	v11 =	vadd.f32 v53, v52  }
0x20c: {  	[tilespmem:s14+$0x130] =	vst v3;
	v6 =	vadd.f32 v6, v7;
	v7 =	vld [tilespmem:s14+$0x40]  }
0x20d: {  	v3 =	vld [tilespmem:s15+$0x140];
	v9 =	vadd.f32 v9, v10;
	v11 =	vmax.f32 v11, $0.0e+00  }
0x20e: {  	[tilespmem:s14+$0xFFFFFE40] =	vst v11;
	v6 =	vmax.f32 v6, $0.0e+00;
	v11 =	vld [tilespmem:s14+$0x140]  }
0x20f: {  	v5 =	vadd.f32 v5, v54;
	v9 =	vmax.f32 v9, $0.0e+00;
	[tilespmem:s14+$0xFFFFFEC0] =	vst v6;
	v6 =	vld [tilespmem:s15+$0xFFFFFE50]  }
0x210: {  	[tilespmem:s14+$0xFFFFFF40] =	vst v9;
	v10 =	vld [tilespmem:s15+$0xFFFFFED0]  }
0x211: {  	v5 =	vmax.f32 v5, $0.0e+00;
	v4 =	vadd.f32 v4, v55;
	v9 =	vld [tilespmem:s15+$0xFFFFFF50];
	v7 =	vadd.f32 v8, v7  }
0x212: {  	[tilespmem:s14+$0xFFFFFFC0] =	vst v5;
	v8 =	vld [tilespmem:s14+$0xFFFFFED0]  }
0x213: {  	v4 =	vmax.f32 v4, $0.0e+00;
	v5 =	vmax.f32 v7, $0.0e+00;
	v7 =	vld [tilespmem:s15+$0xFFFFFFD0]  }
0x214: {  	v3 =	vadd.f32 v3, v11;
	[tilespmem:s14+$0xC0] =	vst v4;
	v11 =	vld [tilespmem:s14+$0xFFFFFF50]  }
0x215: {  	[tilespmem:s14+$0x40] =	vst v5;
	v4 =	vld [tilespmem:s15+$0xD0]  }
0x216: {  	v6 =	vadd.f32 v6, v56;
	v5 =	vld [tilespmem:s15+$0x50];
	v3 =	vmax.f32 v3, $0.0e+00  }
0x217: {  	[tilespmem:s14+$0x140] =	vst v3;
	v8 =	vadd.f32 v10, v8;
	v10 =	vld [tilespmem:s14+$0x50]  }
0x218: {  	v6 =	vmax.f32 v6, $0.0e+00;
	v3 =	vld [tilespmem:s15+$0x150]  }
0x219: {  	[tilespmem:s14+$0xFFFFFE50] =	vst v6;
	v6 =	vmax.f32 v8, $0.0e+00;
	v8 =	vld [tilespmem:s14+$0x150];
	v9 =	vadd.f32 v9, v11  }
0x21a: {  	v7 =	vadd.f32 v7, v57;
	[tilespmem:s14+$0xFFFFFED0] =	vst v6;
	v6 =	vld [tilespmem:s15+$0xFFFFFE60]  }
0x21b: {  	v4 =	vadd.f32 v4, v58;
	v11 =	vld [tilespmem:s15+$0xFFFFFEE0];
	v9 =	vmax.f32 v9, $0.0e+00  }
0x21c: {  	v7 =	vmax.f32 v7, $0.0e+00;
	v5 =	vadd.f32 v5, v10;
	v10 =	vld [tilespmem:s14+$0xFFFFFEE0];
	[tilespmem:s14+$0xFFFFFF50] =	vst v9  }
0x21d: {  	[tilespmem:s14+$0xFFFFFFD0] =	vst v7;
	v4 =	vmax.f32 v4, $0.0e+00;
	v9 =	vld [tilespmem:s15+$0xFFFFFF60]  }
0x21e: {  	v7 =	vld [tilespmem:s15+$0xFFFFFFE0];
	[tilespmem:s14+$0xD0] =	vst v4;
	v5 =	vmax.f32 v5, $0.0e+00;
	v3 =	vadd.f32 v3, v8  }
0x21f: {  	v4 =	vld [tilespmem:s15+$0xE0];
	[tilespmem:s14+$0x50] =	vst v5  }
0x220: {  	v5 =	vld [tilespmem:s15+$0x60];
	v3 =	vmax.f32 v3, $0.0e+00  }
0x221: {  	v6 =	vadd.f32 v6, v59;
	[tilespmem:s14+$0x150] =	vst v3;
	v3 =	vld [tilespmem:s14+$0xFFFFFF60]  }
0x222: {  	v10 =	vadd.f32 v11, v10;
	v11 =	vld [tilespmem:s14+$0x60]  }
0x223: {  	v6 =	vmax.f32 v6, $0.0e+00;
	v8 =	vld [tilespmem:s15+$0x160]  }
0x224: {  	[tilespmem:s14+$0xFFFFFE60] =	vst v6;
	v6 =	vmax.f32 v10, $0.0e+00;
	v10 =	vld [tilespmem:s14+$0x160]  }
0x225: {  	v62 =	vld [tilespmem:s15+$0xFFFFFE70];
	[tilespmem:s14+$0xFFFFFEE0] =	vst v6;
	v6 =	vadd.f32 v7, v60  }
0x226: {  	v7 =	vld [tilespmem:s14+$0xFFFFFE70]  }
0x227: {  	v3 =	vadd.f32 v9, v3;
	v9 =	vld [tilespmem:s15+$0xFFFFFEF0];
	v6 =	vmax.f32 v6, $0.0e+00  }
0x228: {  	v5 =	vadd.f32 v5, v11;
	v11 =	vld [tilespmem:s14+$0xFFFFFEF0];
	[tilespmem:s14+$0xFFFFFFE0] =	vst v6  }
0x229: {  	v63 =	vadd.f32 v4, v61;
	v3 =	vmax.f32 v3, $0.0e+00;
	v4 =	vld [tilespmem:s15+$0xFFFFFFF0]  }
0x22a: {  	v5 =	vmax.f32 v5, $0.0e+00;
	v6 =	vadd.f32 v8, v10;
	v10 =	vld [tilespmem:s14+$0xFFFFFFF0];
	[tilespmem:s14+$0xFFFFFF60] =	vst v3  }
0x22b: {  	v8 =	vmax.f32 v63, $0.0e+00;
	[tilespmem:s14+$0x60] =	vst v5;
	v3 =	vld [tilespmem:s15+$0xFFFFFF70]  }
0x22c: {  	[tilespmem:s14+$0xE0] =	vst v8;
	v5 =	vld [tilespmem:s15+$0x70]  }
0x22d: {  	v2 =	vadd.f32 v2, v1;
	v8 =	vmax.f32 v6, $0.0e+00;
	v6 =	vld [tilespmem:s15+$0xF0]  }
0x22e: {  	v7 =	vadd.f32 v62, v7;
	[tilespmem:s14+$0x160] =	vst v8;
	v8 =	vld [tilespmem:s14+$0xFFFFFF70]  }
0x22f: {  	v2 =	vmax.f32 v2, $0.0e+00;
	v11 =	vadd.f32 v9, v11;
	v9 =	vld [tilespmem:s14+$0x70]  }
0x230: {  	[tilespmem:s14+$0x1F0] =	vst v2;
	v2 =	vmax.f32 v7, $0.0e+00;
	v7 =	vld [tilespmem:s14+$0xF0]  }
0x231: {  	v1 =	vld [tilespmem:s15+$0x170];
	[tilespmem:s14+$0xFFFFFE70] =	vst v2;
	v2 =	vmax.f32 v11, $0.0e+00  }
0x232: {  	s16 =	simm.s32 $0x0;
	s17 =	simm.s32 $0x5800;
	[tilespmem:s14+$0xFFFFFEF0] =	vst v2;
	v2 =	vld [tilespmem:s14+$0x170]  }
.LBB2_7:
0x233: {  	v11 =	vld [tilespmem:s17+$0x180];
	v3 =	vadd.f32 v3, v8;
	s15 =	sadd.s32 $0x400, s15  }
0x234: {  	s16 =	sadd.s32 $0x8, s16;
	v8 =	vld [tilespmem:s15+$0x180];
	v4 =	vadd.f32 v4, v10  }
0x235: {  	p2 =	slt.u32 s16, $0x48;
	v10 =	vld [tilespmem:s15+$0xFFFFFE00];
	v3 =	vmax.f32 v3, $0.0e+00;
	v5 =	vadd.f32 v5, v9  }
0x236: {  	v9 =	vld [tilespmem:s17+$0xFFFFFE80];
	[tilespmem:s14+$0xFFFFFF70] =	vst v3;
	v3 =	vmax.f32 v4, $0.0e+00;
	v4 =	vadd.f32 v6, v7  }
0x237: {  	v6 =	vld [tilespmem:s15+$0xFFFFFE80];
	[tilespmem:s14+$0xFFFFFFF0] =	vst v3;
	v3 =	vmax.f32 v5, $0.0e+00;
	v1 =	vadd.f32 v1, v2  }
0x238: {  	v2 =	vld [tilespmem:s17+$0xFFFFFF00];
	[tilespmem:s14+$0x70] =	vst v3;
	v3 =	vmax.f32 v4, $0.0e+00  }
0x239: {  	v4 =	vld [tilespmem:s15+$0xFFFFFF00];
	v5 =	vadd.f32 v8, v11;
	[tilespmem:s14+$0xF0] =	vst v3;
	v1 =	vmax.f32 v1, $0.0e+00  }
0x23a: {  	v3 =	vld [tilespmem:s17+$0xFFFFFF80];
	[tilespmem:s14+$0x170] =	vst v1;
	s14 =	smov.u32 s17  }
0x23b: {  	v1 =	vld [tilespmem:s15+$0xFFFFFF80];
	v5 =	vmax.f32 v5, $0.0e+00  }
0x23c: {  	v6 =	vadd.f32 v6, v9;
	[tilespmem:s17+$0x180] =	vst v5;
	v5 =	vld [tilespmem:s17+$0x190]  }
0x23d: {  	v7 =	vld [tilespmem:s15+$0x190]  }
0x23e: {  	v6 =	vmax.f32 v6, $0.0e+00;
	v2 =	vadd.f32 v4, v2;
	v4 =	vld [tilespmem:s17+$0x0]  }
0x23f: {  	[tilespmem:s17+$0xFFFFFE80] =	vst v6;
	v6 =	vld [tilespmem:s15+$0x0]  }
0x240: {  	v2 =	vmax.f32 v2, $0.0e+00;
	v1 =	vadd.f32 v1, v3;
	v3 =	vld [tilespmem:s17+$0x80]  }
0x241: {  	[tilespmem:s17+$0xFFFFFF00] =	vst v2;
	v2 =	vld [tilespmem:s15+$0x80]  }
0x242: {  	v1 =	vmax.f32 v1, $0.0e+00;
	v8 =	vld [tilespmem:s17+$0x100];
	v5 =	vadd.f32 v7, v5  }
0x243: {  	[tilespmem:s17+$0xFFFFFF80] =	vst v1;
	v1 =	vld [tilespmem:s15+$0x100]  }
0x244: {  	v7 =	vld [tilespmem:s17+$0xFFFFFE00];
	v4 =	vadd.f32 v6, v4;
	v5 =	vmax.f32 v5, $0.0e+00  }
0x245: {  	[tilespmem:s17+$0x190] =	vst v5;
	v5 =	vld [tilespmem:s17+$0x1A0]  }
0x246: {  	v4 =	vmax.f32 v4, $0.0e+00;
	v2 =	vadd.f32 v2, v3;
	v3 =	vld [tilespmem:s15+$0x1A0]  }
0x247: {  	v6 =	vld [tilespmem:s15+$0xFFFFFE90];
	[tilespmem:s17+$0x0] =	vst v4  }
0x248: {  	v4 =	vld [tilespmem:s15+$0xFFFFFF10];
	v2 =	vmax.f32 v2, $0.0e+00;
	v1 =	vadd.f32 v1, v8  }
0x249: {  	v7 =	vadd.f32 v10, v7;
	v8 =	vld [tilespmem:s15+$0xFFFFFF90];
	[tilespmem:s17+$0x80] =	vst v2  }
0x24a: {  	v2 =	vld [tilespmem:s15+$0x10];
	v1 =	vmax.f32 v1, $0.0e+00  }
0x24b: {  	v7 =	vmax.f32 v7, $0.0e+00;
	v9 =	vld [tilespmem:s15+$0x90];
	[tilespmem:s17+$0x100] =	vst v1;
	v1 =	vadd.f32 v3, v5  }
0x24c: {  	[tilespmem:s17+$0xFFFFFE00] =	vst v7;
	v3 =	vld [tilespmem:s15+$0x110]  }
0x24d: {  	v5 =	vld [tilespmem:s15+$0xFFFFFE10];
	v1 =	vmax.f32 v1, $0.0e+00  }
0x24e: {  	[tilespmem:s17+$0x1A0] =	vst v1;
	v1 =	vld [tilespmem:s17+$0x1B0]  }
0x24f: {  	v7 =	vld [tilespmem:s15+$0x1B0]  }
0x250: {  	v10 =	vld [tilespmem:s17+$0xFFFFFE10]  }
0x251: {  	v11 =	vld [tilespmem:s17+$0xFFFFFE90]  }
0x252: {  	v12 =	vld [tilespmem:s17+$0xFFFFFF10]  }
0x253: {  	v13 =	vld [tilespmem:s17+$0xFFFFFF90]  }
0x254: {  	v14 =	vld [tilespmem:s17+$0x10];
	v1 =	vadd.f32 v7, v1  }
0x255: {  	v5 =	vadd.f32 v5, v10;
	v7 =	vld [tilespmem:s17+$0x90]  }
0x256: {  	v6 =	vadd.f32 v6, v11;
	v10 =	vld [tilespmem:s17+$0x110];
	v1 =	vmax.f32 v1, $0.0e+00  }
0x257: {  	v5 =	vmax.f32 v5, $0.0e+00;
	v4 =	vadd.f32 v4, v12;
	[tilespmem:s17+$0x1B0] =	vst v1;
	v1 =	vld [tilespmem:s17+$0x1C0]  }
0x258: {  	[tilespmem:s17+$0xFFFFFE10] =	vst v5;
	v5 =	vmax.f32 v6, $0.0e+00;
	v6 =	vadd.f32 v8, v13;
	v8 =	vld [tilespmem:s15+$0x1C0]  }
0x259: {  	v11 =	vld [tilespmem:s15+$0xFFFFFE20];
	[tilespmem:s17+$0xFFFFFE90] =	vst v5;
	v4 =	vmax.f32 v4, $0.0e+00;
	v2 =	vadd.f32 v2, v14  }
0x25a: {  	v5 =	vld [tilespmem:s15+$0xFFFFFEA0];
	[tilespmem:s17+$0xFFFFFF10] =	vst v4;
	v4 =	vmax.f32 v6, $0.0e+00;
	v6 =	vadd.f32 v9, v7  }
0x25b: {  	v7 =	vld [tilespmem:s15+$0xFFFFFF20];
	[tilespmem:s17+$0xFFFFFF90] =	vst v4;
	v2 =	vmax.f32 v2, $0.0e+00;
	v3 =	vadd.f32 v3, v10  }
0x25c: {  	v4 =	vld [tilespmem:s15+$0xFFFFFFA0];
	[tilespmem:s17+$0x10] =	vst v2;
	v2 =	vmax.f32 v6, $0.0e+00  }
0x25d: {  	v6 =	vld [tilespmem:s15+$0x20];
	[tilespmem:s17+$0x90] =	vst v2;
	v2 =	vmax.f32 v3, $0.0e+00;
	v1 =	vadd.f32 v8, v1  }
0x25e: {  	v3 =	vld [tilespmem:s15+$0xA0];
	[tilespmem:s17+$0x110] =	vst v2  }
0x25f: {  	v2 =	vld [tilespmem:s15+$0x120];
	v1 =	vmax.f32 v1, $0.0e+00  }
0x260: {  	[tilespmem:s17+$0x1C0] =	vst v1;
	v1 =	vld [tilespmem:s17+$0x1D0]  }
0x261: {  	v8 =	vld [tilespmem:s15+$0x1D0]  }
0x262: {  	v9 =	vld [tilespmem:s17+$0xFFFFFE20]  }
0x263: {  	v10 =	vld [tilespmem:s17+$0xFFFFFEA0]  }
0x264: {  	v12 =	vld [tilespmem:s17+$0xFFFFFF20]  }
0x265: {  	v13 =	vld [tilespmem:s17+$0xFFFFFFA0]  }
0x266: {  	v14 =	vld [tilespmem:s17+$0x20];
	v1 =	vadd.f32 v8, v1  }
0x267: {  	v8 =	vadd.f32 v11, v9;
	v9 =	vld [tilespmem:s17+$0xA0]  }
0x268: {  	v5 =	vadd.f32 v5, v10;
	v10 =	vld [tilespmem:s17+$0x120];
	v1 =	vmax.f32 v1, $0.0e+00  }
0x269: {  	v8 =	vmax.f32 v8, $0.0e+00;
	v7 =	vadd.f32 v7, v12;
	[tilespmem:s17+$0x1D0] =	vst v1;
	v1 =	vld [tilespmem:s17+$0x1E0]  }
0x26a: {  	[tilespmem:s17+$0xFFFFFE20] =	vst v8;
	v5 =	vmax.f32 v5, $0.0e+00;
	v4 =	vadd.f32 v4, v13;
	v8 =	vld [tilespmem:s15+$0x1E0]  }
0x26b: {  	v11 =	vld [tilespmem:s15+$0xFFFFFE30];
	[tilespmem:s17+$0xFFFFFEA0] =	vst v5;
	v5 =	vmax.f32 v7, $0.0e+00;
	v6 =	vadd.f32 v6, v14  }
0x26c: {  	v7 =	vld [tilespmem:s15+$0xFFFFFEB0];
	[tilespmem:s17+$0xFFFFFF20] =	vst v5;
	v4 =	vmax.f32 v4, $0.0e+00;
	v3 =	vadd.f32 v3, v9  }
0x26d: {  	v5 =	vld [tilespmem:s15+$0xFFFFFF30];
	[tilespmem:s17+$0xFFFFFFA0] =	vst v4;
	v4 =	vmax.f32 v6, $0.0e+00;
	v2 =	vadd.f32 v2, v10  }
0x26e: {  	v6 =	vld [tilespmem:s15+$0xFFFFFFB0];
	[tilespmem:s17+$0x20] =	vst v4;
	v3 =	vmax.f32 v3, $0.0e+00  }
0x26f: {  	v4 =	vld [tilespmem:s15+$0x30];
	[tilespmem:s17+$0xA0] =	vst v3;
	v2 =	vmax.f32 v2, $0.0e+00;
	v1 =	vadd.f32 v8, v1  }
0x270: {  	v3 =	vld [tilespmem:s15+$0xB0];
	[tilespmem:s17+$0x120] =	vst v2  }
0x271: {  	v2 =	vld [tilespmem:s15+$0x130];
	v1 =	vmax.f32 v1, $0.0e+00  }
0x272: {  	[tilespmem:s17+$0x1E0] =	vst v1;
	v1 =	vld [tilespmem:s17+$0x1F0]  }
0x273: {  	v8 =	vld [tilespmem:s15+$0x1F0]  }
0x274: {  	v9 =	vld [tilespmem:s17+$0xFFFFFE30]  }
0x275: {  	v10 =	vld [tilespmem:s17+$0xFFFFFEB0]  }
0x276: {  	v12 =	vld [tilespmem:s17+$0xFFFFFF30]  }
0x277: {  	v13 =	vld [tilespmem:s17+$0xFFFFFFB0]  }
0x278: {  	v14 =	vld [tilespmem:s17+$0x30];
	v1 =	vadd.f32 v8, v1  }
0x279: {  	v8 =	vadd.f32 v11, v9;
	v9 =	vld [tilespmem:s17+$0xB0]  }
0x27a: {  	v7 =	vadd.f32 v7, v10;
	v10 =	vld [tilespmem:s17+$0x130];
	v1 =	vmax.f32 v1, $0.0e+00  }
0x27b: {  	v8 =	vmax.f32 v8, $0.0e+00;
	v11 =	vld [tilespmem:s17+$0xFFFFFE40];
	v5 =	vadd.f32 v5, v12;
	[tilespmem:s17+$0x1F0] =	vst v1  }
0x27c: {  	[tilespmem:s17+$0xFFFFFE30] =	vst v8;
	v1 =	vmax.f32 v7, $0.0e+00;
	v7 =	vld [tilespmem:s17+$0xFFFFFEC0];
	v6 =	vadd.f32 v6, v13  }
0x27d: {  	v8 =	vld [tilespmem:s15+$0xFFFFFE40];
	[tilespmem:s17+$0xFFFFFEB0] =	vst v1;
	v1 =	vmax.f32 v5, $0.0e+00;
	v4 =	vadd.f32 v4, v14  }
0x27e: {  	v5 =	vld [tilespmem:s15+$0xFFFFFEC0];
	[tilespmem:s17+$0xFFFFFF30] =	vst v1;
	v1 =	vmax.f32 v6, $0.0e+00;
	v3 =	vadd.f32 v3, v9  }
0x27f: {  	v6 =	vld [tilespmem:s15+$0xFFFFFF40];
	[tilespmem:s17+$0xFFFFFFB0] =	vst v1;
	v1 =	vmax.f32 v4, $0.0e+00;
	v2 =	vadd.f32 v2, v10  }
0x280: {  	v4 =	vld [tilespmem:s15+$0xFFFFFFC0];
	[tilespmem:s17+$0x30] =	vst v1;
	v1 =	vmax.f32 v3, $0.0e+00  }
0x281: {  	v3 =	vld [tilespmem:s15+$0x40];
	[tilespmem:s17+$0xB0] =	vst v1;
	v1 =	vmax.f32 v2, $0.0e+00  }
0x282: {  	v2 =	vadd.f32 v8, v11;
	v8 =	vld [tilespmem:s15+$0xC0];
	[tilespmem:s17+$0x130] =	vst v1  }
0x283: {  	v1 =	vadd.f32 v5, v7;
	v5 =	vld [tilespmem:s15+$0x140]  }
0x284: {  	v2 =	vmax.f32 v2, $0.0e+00;
	v7 =	vld [tilespmem:s17+$0xFFFFFF40]  }
0x285: {  	[tilespmem:s17+$0xFFFFFE40] =	vst v2;
	v1 =	vmax.f32 v1, $0.0e+00;
	v2 =	vld [tilespmem:s17+$0xFFFFFFC0]  }
0x286: {  	[tilespmem:s17+$0xFFFFFEC0] =	vst v1;
	v1 =	vld [tilespmem:s17+$0x40]  }
0x287: {  	v9 =	vld [tilespmem:s17+$0xC0]  }
0x288: {  	v10 =	vld [tilespmem:s17+$0x140]  }
0x289: {  	v11 =	vld [tilespmem:s15+$0xFFFFFE50];
	v6 =	vadd.f32 v6, v7  }
0x28a: {  	v7 =	vld [tilespmem:s15+$0xFFFFFED0];
	v2 =	vadd.f32 v4, v2  }
0x28b: {  	v4 =	vld [tilespmem:s17+$0xFFFFFE50];
	v6 =	vmax.f32 v6, $0.0e+00;
	v1 =	vadd.f32 v3, v1  }
0x28c: {  	v3 =	vld [tilespmem:s17+$0xFFFFFED0];
	[tilespmem:s17+$0xFFFFFF40] =	vst v6;
	v2 =	vmax.f32 v2, $0.0e+00;
	v6 =	vadd.f32 v8, v9  }
0x28d: {  	v8 =	vld [tilespmem:s15+$0xFFFFFF50];
	[tilespmem:s17+$0xFFFFFFC0] =	vst v2;
	v1 =	vmax.f32 v1, $0.0e+00;
	v2 =	vadd.f32 v5, v10  }
0x28e: {  	v5 =	vld [tilespmem:s15+$0xFFFFFFD0];
	[tilespmem:s17+$0x40] =	vst v1;
	v1 =	vmax.f32 v6, $0.0e+00  }
0x28f: {  	v6 =	vld [tilespmem:s15+$0x50];
	[tilespmem:s17+$0xC0] =	vst v1;
	v1 =	vmax.f32 v2, $0.0e+00  }
0x290: {  	v2 =	vadd.f32 v11, v4;
	v4 =	vld [tilespmem:s15+$0xD0];
	[tilespmem:s17+$0x140] =	vst v1  }
0x291: {  	v1 =	vadd.f32 v7, v3;
	v3 =	vld [tilespmem:s15+$0x150]  }
0x292: {  	v2 =	vmax.f32 v2, $0.0e+00;
	v7 =	vld [tilespmem:s17+$0xFFFFFF50]  }
0x293: {  	[tilespmem:s17+$0xFFFFFE50] =	vst v2;
	v1 =	vmax.f32 v1, $0.0e+00;
	v2 =	vld [tilespmem:s17+$0xFFFFFFD0]  }
0x294: {  	[tilespmem:s17+$0xFFFFFED0] =	vst v1;
	v1 =	vld [tilespmem:s17+$0x50]  }
0x295: {  	v9 =	vld [tilespmem:s17+$0xD0]  }
0x296: {  	v10 =	vld [tilespmem:s17+$0x150]  }
0x297: {  	v11 =	vld [tilespmem:s15+$0xFFFFFE60];
	v7 =	vadd.f32 v8, v7  }
0x298: {  	v8 =	vld [tilespmem:s15+$0xFFFFFEE0];
	v2 =	vadd.f32 v5, v2  }
0x299: {  	v5 =	vld [tilespmem:s17+$0xFFFFFE60];
	v7 =	vmax.f32 v7, $0.0e+00;
	v1 =	vadd.f32 v6, v1  }
0x29a: {  	v6 =	vld [tilespmem:s17+$0xFFFFFEE0];
	[tilespmem:s17+$0xFFFFFF50] =	vst v7;
	v2 =	vmax.f32 v2, $0.0e+00;
	v4 =	vadd.f32 v4, v9  }
0x29b: {  	v7 =	vld [tilespmem:s15+$0xFFFFFF60];
	[tilespmem:s17+$0xFFFFFFD0] =	vst v2;
	v1 =	vmax.f32 v1, $0.0e+00;
	v2 =	vadd.f32 v3, v10  }
0x29c: {  	v3 =	vld [tilespmem:s15+$0xFFFFFFE0];
	[tilespmem:s17+$0x50] =	vst v1;
	v1 =	vmax.f32 v4, $0.0e+00  }
0x29d: {  	v4 =	vld [tilespmem:s15+$0x60];
	[tilespmem:s17+$0xD0] =	vst v1;
	v1 =	vmax.f32 v2, $0.0e+00  }
0x29e: {  	v2 =	vadd.f32 v11, v5;
	v5 =	vld [tilespmem:s15+$0xE0];
	[tilespmem:s17+$0x150] =	vst v1  }
0x29f: {  	v1 =	vadd.f32 v8, v6;
	v6 =	vld [tilespmem:s15+$0x160]  }
0x2a0: {  	v2 =	vmax.f32 v2, $0.0e+00;
	v8 =	vld [tilespmem:s17+$0xFFFFFF60]  }
0x2a1: {  	[tilespmem:s17+$0xFFFFFE60] =	vst v2;
	v1 =	vmax.f32 v1, $0.0e+00;
	v2 =	vld [tilespmem:s17+$0xFFFFFFE0]  }
0x2a2: {  	[tilespmem:s17+$0xFFFFFEE0] =	vst v1;
	v1 =	vld [tilespmem:s17+$0x60]  }
0x2a3: {  	v9 =	vld [tilespmem:s17+$0xE0]  }
0x2a4: {  	v10 =	vld [tilespmem:s17+$0x160]  }
0x2a5: {  	v11 =	vld [tilespmem:s15+$0xFFFFFE70];
	v7 =	vadd.f32 v7, v8  }
0x2a6: {  	v8 =	vld [tilespmem:s15+$0xFFFFFEF0];
	v2 =	vadd.f32 v3, v2  }
0x2a7: {  	v12 =	vld [tilespmem:s17+$0xFFFFFE70];
	v3 =	vmax.f32 v7, $0.0e+00;
	v1 =	vadd.f32 v4, v1  }
0x2a8: {  	v7 =	vld [tilespmem:s17+$0xFFFFFEF0];
	[tilespmem:s17+$0xFFFFFF60] =	vst v3;
	v2 =	vmax.f32 v2, $0.0e+00;
	v5 =	vadd.f32 v5, v9  }
0x2a9: {  	v3 =	vld [tilespmem:s15+$0xFFFFFF70];
	[tilespmem:s17+$0xFFFFFFE0] =	vst v2;
	v1 =	vmax.f32 v1, $0.0e+00;
	v2 =	vadd.f32 v6, v10  }
0x2aa: {  	v4 =	vld [tilespmem:s15+$0xFFFFFFF0];
	[tilespmem:s17+$0x60] =	vst v1;
	v1 =	vmax.f32 v5, $0.0e+00  }
0x2ab: {  	v5 =	vld [tilespmem:s15+$0x70];
	[tilespmem:s17+$0xE0] =	vst v1;
	v1 =	vmax.f32 v2, $0.0e+00  }
0x2ac: {  	v2 =	vadd.f32 v11, v12;
	v6 =	vld [tilespmem:s15+$0xF0];
	[tilespmem:s17+$0x160] =	vst v1  }
0x2ad: {  	v7 =	vadd.f32 v8, v7;
	v1 =	vld [tilespmem:s15+$0x170]  }
.Ltmp2:
0x2ae: {  	v2 =	vmax.f32 v2, $0.0e+00;
	v8 =	vld [tilespmem:s17+$0xFFFFFF70];
	(pc) =	sbr.rel @p2 .LBB2_7-.Ltmp2, $4  }
0x2af: {  	[tilespmem:s17+$0xFFFFFE70] =	vst v2;
	v2 =	vmax.f32 v7, $0.0e+00;
	v10 =	vld [tilespmem:s17+$0xFFFFFFF0]  }
0x2b0: {  	[tilespmem:s17+$0xFFFFFEF0] =	vst v2;
	v9 =	vld [tilespmem:s17+$0x70]  }
0x2b1: {  	v7 =	vld [tilespmem:s17+$0xF0]  }
0x2b2: {  	s17 =	sadd.s32 $0x400, s17;
	v2 =	vld [tilespmem:s14+$0x170]  }
0x2b3: {  	v3 =	vadd.f32 v3, v8  }
0x2b4: {  	v4 =	vadd.f32 v4, v10  }
0x2b5: {  	v3 =	vmax.f32 v3, $0.0e+00;
	v5 =	vadd.f32 v5, v9  }
0x2b6: {  	[tilespmem:s14+$0xFFFFFF70] =	vst v3;
	v3 =	vmax.f32 v4, $0.0e+00;
	v63 =	vadd.f32 v6, v7  }
0x2b7: {  	[tilespmem:s14+$0xFFFFFFF0] =	vst v3;
	v3 =	vmax.f32 v5, $0.0e+00;
	v1 =	vadd.f32 v1, v2  }
0x2b8: {  	[tilespmem:s14+$0x70] =	vst v3;
	v2 =	vmax.f32 v63, $0.0e+00  }
0x2b9: {  	[tilespmem:s14+$0xF0] =	vst v2;
	v1 =	vmax.f32 v1, $0.0e+00  }
0x2ba: {  	[tilespmem:s14+$0x170] =	vst v1  }
0x2bb: {  	_ =	swait.ge [sflag:s10], $0x50  }
0x2bc: {  	[sflag:s10] =	ssyncset.done $0x0  }
0x2bd: {  	[sflag:s10] =	ssyncadd.s32 $0xFFFFFFB0  }
0x2be: {  	_ =	swait.ge [sflag:s10], $0x50  }
0x2bf: {  	s13 =	sshll.u32 s13, $0x4;
	[sflag:s10] =	ssyncset.done $0x0  }
0x2c0: {  	s12 =	sadd.s32 $0x1, s12;
	s13 =	sadd.s32 s3, s13;
	[sflag:s10] =	ssyncadd.s32 $0xFFFFFFB0  }
0x2c1: {  	[tilespmem:s25], [sflag:$0x3] =	stream.linear.gather [hbm4b:s13+s2], $0x2800, $0x38;
	[tilespmem:$0x1B280] =	vst v63  }
0x2c2: {  	p2 =	sne.s32 s12, $0x3E  }
0x2c3: {  	[tilespmem:s22], [sflag:$0x4] =	stream.indirect.gather [hbm4b:s4+s26], $0x80, s2, s26, $0xb8;
	[tilespmem:$0x1B280] =	vst v63  }
.Ltmp3:
0x2c4: {  	_ = 	snop;
	(pc) =	sbr.rel @p2 .LBB2_4-.Ltmp3, $4  }
0x2c5: {  	[spmem:s1] =	stream.indirect.scatter.add.f32 [tilespmem:s8], [sflag:$0x6], $0x80, s29, s26, $0xb8;
	[tilespmem:$0x1B280] =	vst v63  }
0x2c6: {  	_ =	swait.ge [sflag:s23], $0x2800  }
0x2c7: {  	[sflag:s23] =	ssyncset.done $0x0  }
0x2c8: {  	[sflag:s23] =	ssyncadd.s32 $0xFFFFD800  }
0x2c9: {  	_ =	swait.ge [sflag:s30], $0x2800  }
0x2ca: {  	[sflag:s30] =	ssyncset.done $0x0  }
0x2cb: {  	[sflag:s30] =	ssyncadd.s32 $0xFFFFD800  }
0x2cc: {  	_ =	swait.ge [sflag:s31], $0x2800  }
0x2cd: {  	[sflag:s31] =	ssyncset.done $0x0  }
0x2ce: {  	s12 =	simm.s32 $0x2C00;
	[sflag:s31] =	ssyncadd.s32 $0xFFFFD800  }
0x2cf: {  	s13 =	simm.s32 $0x400;
	v1 =	vld [tilespmem:s12+$0x180]  }
0x2d0: {  	v2 =	vld [tilespmem:s13+$0x180]  }
0x2d1: {  	v3 =	vld [tilespmem:s12+$0xFFFFFE80]  }
0x2d2: {  	v5 =	vld [tilespmem:s13+$0xFFFFFE80]  }
0x2d3: {  	v6 =	vld [tilespmem:s12+$0xFFFFFF00]  }
0x2d4: {  	v7 =	vld [tilespmem:s13+$0xFFFFFF00]  }
0x2d5: {  	v8 =	vld [tilespmem:s12+$0xFFFFFF80]  }
0x2d6: {  	v9 =	vld [tilespmem:s13+$0xFFFFFF80]  }
0x2d7: {  	v10 =	vld [tilespmem:s13+$0x0]  }
0x2d8: {  	v11 =	vld [tilespmem:s12+$0x80]  }
0x2d9: {  	v44 =	vld [tilespmem:s12+$0xFFFFFE90]  }
0x2da: {  	v13 =	vld [tilespmem:s12+$0xFFFFFF10]  }
0x2db: {  	v14 =	vld [tilespmem:s12+$0x90]  }
0x2dc: {  	v45 =	vld [tilespmem:s12+$0x110]  }
0x2dd: {  	v46 =	vld [tilespmem:s12+$0xFFFFFF20]  }
0x2de: {  	v47 =	vld [tilespmem:s12+$0xFFFFFFA0]  }
0x2df: {  	v48 =	vld [tilespmem:s12+$0xA0]  }
0x2e0: {  	v49 =	vld [tilespmem:s12+$0xFFFFFF30];
	v1 =	vadd.f32 v2, v1  }
0x2e1: {  	v50 =	vld [tilespmem:s12+$0xFFFFFFB0]  }
0x2e2: {  	v51 =	vld [tilespmem:s12+$0x30];
	v1 =	vmax.f32 v1, $0.0e+00  }
0x2e3: {  	[tilespmem:s12+$0x180] =	vst v1;
	v1 =	vld [tilespmem:s12+$0x190]  }
0x2e4: {  	v4 =	vld [tilespmem:s13+$0x190]  }
0x2e5: {  	v52 =	vld [tilespmem:s12+$0xFFFFFE40]  }
0x2e6: {  	v54 =	vld [tilespmem:s12+$0xFFFFFFC0]  }
0x2e7: {  	v55 =	vld [tilespmem:s12+$0xC0]  }
0x2e8: {  	v56 =	vld [tilespmem:s12+$0xFFFFFE50]  }
0x2e9: {  	v57 =	vld [tilespmem:s12+$0xFFFFFFD0];
	v1 =	vadd.f32 v4, v1  }
0x2ea: {  	v58 =	vld [tilespmem:s12+$0xD0]  }
0x2eb: {  	v2 =	vld [tilespmem:s13+$0xFFFFFE00];
	v1 =	vmax.f32 v1, $0.0e+00  }
0x2ec: {  	[tilespmem:s12+$0x190] =	vst v1;
	v1 =	vld [tilespmem:s12+$0x1A0]  }
0x2ed: {  	v12 =	vld [tilespmem:s13+$0x1A0]  }
0x2ee: {  	v3 =	vadd.f32 v5, v3;
	v5 =	vld [tilespmem:s13+$0x80]  }
0x2ef: {  	v8 =	vadd.f32 v9, v8;
	v9 =	vld [tilespmem:s12+$0xFFFFFE00]  }
0x2f0: {  	v6 =	vadd.f32 v7, v6;
	v7 =	vld [tilespmem:s12+$0x100]  }
0x2f1: {  	v3 =	vmax.f32 v3, $0.0e+00;
	v4 =	vld [tilespmem:s12+$0x0]  }
0x2f2: {  	[tilespmem:s12+$0xFFFFFE80] =	vst v3;
	v3 =	vmax.f32 v6, $0.0e+00;
	v6 =	vld [tilespmem:s13+$0x100];
	v1 =	vadd.f32 v12, v1  }
0x2f3: {  	[tilespmem:s12+$0xFFFFFF00] =	vst v3;
	v3 =	vmax.f32 v8, $0.0e+00;
	v8 =	vld [tilespmem:s13+$0xFFFFFE90];
	v5 =	vadd.f32 v5, v11  }
0x2f4: {  	v2 =	vadd.f32 v2, v9;
	v11 =	vld [tilespmem:s12+$0xFFFFFE10];
	v1 =	vmax.f32 v1, $0.0e+00  }
0x2f5: {  	[tilespmem:s12+$0x1A0] =	vst v1;
	v1 =	vmax.f32 v5, $0.0e+00;
	v5 =	vld [tilespmem:s12+$0x1B0]  }
0x2f6: {  	v4 =	vadd.f32 v10, v4;
	[tilespmem:s12+$0x80] =	vst v1;
	v1 =	vmax.f32 v2, $0.0e+00;
	v2 =	vld [tilespmem:s13+$0x1B0]  }
0x2f7: {  	[tilespmem:s12+$0xFFFFFF80] =	vst v3;
	v6 =	vadd.f32 v6, v7;
	v7 =	vld [tilespmem:s12+$0x10]  }
0x2f8: {  	v3 =	vmax.f32 v4, $0.0e+00;
	v4 =	vld [tilespmem:s13+$0xFFFFFF10];
	[tilespmem:s12+$0xFFFFFE00] =	vst v1  }
0x2f9: {  	v1 =	vld [tilespmem:s13+$0xFFFFFE10]  }
0x2fa: {  	[tilespmem:s12+$0x0] =	vst v3;
	v3 =	vld [tilespmem:s13+$0xFFFFFF90]  }
0x2fb: {  	v9 =	vld [tilespmem:s13+$0x10];
	v2 =	vadd.f32 v2, v5  }
0x2fc: {  	v5 =	vld [tilespmem:s12+$0xFFFFFF90]  }
0x2fd: {  	v10 =	vld [tilespmem:s13+$0x90];
	v2 =	vmax.f32 v2, $0.0e+00  }
0x2fe: {  	v1 =	vadd.f32 v1, v11;
	[tilespmem:s12+$0x1B0] =	vst v2;
	v2 =	vmax.f32 v6, $0.0e+00;
	v6 =	vld [tilespmem:s12+$0x1C0]  }
0x2ff: {  	[tilespmem:s12+$0x100] =	vst v2;
	v2 =	vadd.f32 v8, v44;
	v8 =	vld [tilespmem:s13+$0x1C0]  }
0x300: {  	v4 =	vadd.f32 v4, v13;
	v1 =	vmax.f32 v1, $0.0e+00;
	v11 =	vld [tilespmem:s13+$0x110]  }
0x301: {  	v59 =	vld [tilespmem:s12+$0xFFFFFE60];
	[tilespmem:s12+$0xFFFFFE10] =	vst v1;
	v1 =	vmax.f32 v2, $0.0e+00;
	v2 =	vadd.f32 v3, v5  }
0x302: {  	v60 =	vld [tilespmem:s12+$0xFFFFFFE0];
	[tilespmem:s12+$0xFFFFFE90] =	vst v1;
	v1 =	vmax.f32 v4, $0.0e+00;
	v4 =	vadd.f32 v9, v7  }
0x303: {  	v61 =	vld [tilespmem:s12+$0xE0];
	[tilespmem:s12+$0xFFFFFF10] =	vst v1;
	v1 =	vmax.f32 v2, $0.0e+00;
	v2 =	vadd.f32 v10, v14  }
0x304: {  	v3 =	vld [tilespmem:s13+$0xFFFFFE20];
	[tilespmem:s12+$0xFFFFFF90] =	vst v1;
	v1 =	vmax.f32 v4, $0.0e+00;
	v4 =	vadd.f32 v8, v6  }
0x305: {  	v5 =	vld [tilespmem:s13+$0xFFFFFEA0];
	[tilespmem:s12+$0x10] =	vst v1;
	v1 =	vmax.f32 v2, $0.0e+00;
	v2 =	vadd.f32 v11, v45  }
0x306: {  	v10 =	vld [tilespmem:s12+$0xFFFFFE20];
	[tilespmem:s12+$0x90] =	vst v1;
	v1 =	vmax.f32 v4, $0.0e+00  }
0x307: {  	[tilespmem:s12+$0x1C0] =	vst v1;
	v1 =	vmax.f32 v2, $0.0e+00;
	v2 =	vld [tilespmem:s12+$0x1D0]  }
0x308: {  	[tilespmem:s12+$0x110] =	vst v1;
	v1 =	vld [tilespmem:s13+$0x1D0]  }
0x309: {  	v7 =	vld [tilespmem:s13+$0xFFFFFF20]  }
0x30a: {  	v6 =	vld [tilespmem:s13+$0xFFFFFFA0]  }
0x30b: {  	v11 =	vld [tilespmem:s12+$0xFFFFFEA0]  }
0x30c: {  	v8 =	vld [tilespmem:s13+$0x20];
	v3 =	vadd.f32 v3, v10  }
0x30d: {  	v4 =	vld [tilespmem:s13+$0xA0];
	v1 =	vadd.f32 v1, v2  }
0x30e: {  	v10 =	vld [tilespmem:s12+$0x120];
	v3 =	vmax.f32 v3, $0.0e+00  }
0x30f: {  	[tilespmem:s12+$0xFFFFFE20] =	vst v3;
	v2 =	vld [tilespmem:s12+$0x20];
	v1 =	vmax.f32 v1, $0.0e+00  }
0x310: {  	v9 =	vld [tilespmem:s13+$0x120];
	[tilespmem:s12+$0x1D0] =	vst v1;
	v1 =	vadd.f32 v5, v11  }
0x311: {  	v7 =	vadd.f32 v7, v46;
	v3 =	vadd.f32 v6, v47;
	v6 =	vld [tilespmem:s13+$0xFFFFFE30]  }
0x312: {  	v5 =	vld [tilespmem:s12+$0x1E0];
	v1 =	vmax.f32 v1, $0.0e+00  }
0x313: {  	v11 =	vld [tilespmem:s13+$0x1E0];
	[tilespmem:s12+$0xFFFFFEA0] =	vst v1;
	v1 =	vmax.f32 v7, $0.0e+00  }
0x314: {  	v2 =	vadd.f32 v8, v2;
	v7 =	vld [tilespmem:s13+$0xFFFFFEB0];
	[tilespmem:s12+$0xFFFFFF20] =	vst v1  }
0x315: {  	v1 =	vmax.f32 v3, $0.0e+00;
	v3 =	vadd.f32 v4, v48;
	v4 =	vld [tilespmem:s13+$0xFFFFFF30]  }
0x316: {  	[tilespmem:s12+$0xFFFFFFA0] =	vst v1;
	v1 =	vmax.f32 v2, $0.0e+00;
	v2 =	vadd.f32 v9, v10;
	v10 =	vld [tilespmem:s12+$0xFFFFFE30]  }
0x317: {  	v8 =	vld [tilespmem:s13+$0xFFFFFFB0]  }
0x318: {  	[tilespmem:s12+$0x20] =	vst v1;
	v1 =	vmax.f32 v3, $0.0e+00;
	v3 =	vadd.f32 v11, v5;
	v11 =	vld [tilespmem:s12+$0xFFFFFEB0]  }
0x319: {  	v5 =	vld [tilespmem:s13+$0x30];
	[tilespmem:s12+$0xA0] =	vst v1;
	v1 =	vmax.f32 v2, $0.0e+00  }
0x31a: {  	v9 =	vld [tilespmem:s13+$0xB0];
	[tilespmem:s12+$0x120] =	vst v1  }
0x31b: {  	v1 =	vmax.f32 v3, $0.0e+00;
	v3 =	vld [tilespmem:s13+$0x130]  }
0x31c: {  	[tilespmem:s12+$0x1E0] =	vst v1;
	v1 =	vld [tilespmem:s12+$0x1F0]  }
0x31d: {  	v2 =	vld [tilespmem:s13+$0x1F0];
	v6 =	vadd.f32 v6, v10  }
0x31e: {  	v10 =	vld [tilespmem:s12+$0xB0];
	v7 =	vadd.f32 v7, v11  }
0x31f: {  	v4 =	vadd.f32 v4, v49;
	v11 =	vld [tilespmem:s12+$0x130];
	v6 =	vmax.f32 v6, $0.0e+00  }
0x320: {  	[tilespmem:s12+$0xFFFFFE30] =	vst v6;
	v6 =	vmax.f32 v7, $0.0e+00;
	v7 =	vld [tilespmem:s12+$0xFFFFFEC0]  }
0x321: {  	v8 =	vadd.f32 v8, v50;
	v4 =	vmax.f32 v4, $0.0e+00;
	v53 =	vld [tilespmem:s13+$0xFFFFFE40];
	[tilespmem:s12+$0xFFFFFEB0] =	vst v6  }
0x322: {  	v5 =	vadd.f32 v5, v51;
	[tilespmem:s12+$0xFFFFFF30] =	vst v4;
	v6 =	vld [tilespmem:s13+$0xFFFFFEC0]  }
0x323: {  	v4 =	vmax.f32 v8, $0.0e+00;
	v8 =	vadd.f32 v9, v10;
	v9 =	vld [tilespmem:s13+$0xFFFFFF40]  }
0x324: {  	[tilespmem:s12+$0xFFFFFFB0] =	vst v4;
	v4 =	vmax.f32 v5, $0.0e+00;
	v10 =	vld [tilespmem:s12+$0xFFFFFF40]  }
0x325: {  	v5 =	vld [tilespmem:s13+$0xFFFFFFC0];
	[tilespmem:s12+$0x30] =	vst v4;
	v3 =	vadd.f32 v3, v11;
	v4 =	vmax.f32 v8, $0.0e+00  }
0x326: {  	v8 =	vld [tilespmem:s13+$0x40];
	[tilespmem:s12+$0xB0] =	vst v4  }
0x327: {  	v3 =	vmax.f32 v3, $0.0e+00;
	v4 =	vld [tilespmem:s13+$0xC0];
	v11 =	vadd.f32 v53, v52  }
0x328: {  	[tilespmem:s12+$0x130] =	vst v3;
	v6 =	vadd.f32 v6, v7;
	v7 =	vld [tilespmem:s12+$0x40]  }
0x329: {  	v3 =	vld [tilespmem:s13+$0x140];
	v9 =	vadd.f32 v9, v10;
	v11 =	vmax.f32 v11, $0.0e+00  }
0x32a: {  	[tilespmem:s12+$0xFFFFFE40] =	vst v11;
	v6 =	vmax.f32 v6, $0.0e+00;
	v11 =	vld [tilespmem:s12+$0x140]  }
0x32b: {  	v5 =	vadd.f32 v5, v54;
	v9 =	vmax.f32 v9, $0.0e+00;
	[tilespmem:s12+$0xFFFFFEC0] =	vst v6;
	v6 =	vld [tilespmem:s13+$0xFFFFFE50]  }
0x32c: {  	[tilespmem:s12+$0xFFFFFF40] =	vst v9;
	v10 =	vld [tilespmem:s13+$0xFFFFFED0]  }
0x32d: {  	v5 =	vmax.f32 v5, $0.0e+00;
	v4 =	vadd.f32 v4, v55;
	v9 =	vld [tilespmem:s13+$0xFFFFFF50];
	v7 =	vadd.f32 v8, v7  }
0x32e: {  	[tilespmem:s12+$0xFFFFFFC0] =	vst v5;
	v8 =	vld [tilespmem:s12+$0xFFFFFED0]  }
0x32f: {  	v4 =	vmax.f32 v4, $0.0e+00;
	v5 =	vmax.f32 v7, $0.0e+00;
	v7 =	vld [tilespmem:s13+$0xFFFFFFD0]  }
0x330: {  	v3 =	vadd.f32 v3, v11;
	[tilespmem:s12+$0xC0] =	vst v4;
	v11 =	vld [tilespmem:s12+$0xFFFFFF50]  }
0x331: {  	[tilespmem:s12+$0x40] =	vst v5;
	v4 =	vld [tilespmem:s13+$0xD0]  }
0x332: {  	v6 =	vadd.f32 v6, v56;
	v5 =	vld [tilespmem:s13+$0x50];
	v3 =	vmax.f32 v3, $0.0e+00  }
0x333: {  	[tilespmem:s12+$0x140] =	vst v3;
	v8 =	vadd.f32 v10, v8;
	v10 =	vld [tilespmem:s12+$0x50]  }
0x334: {  	v6 =	vmax.f32 v6, $0.0e+00;
	v3 =	vld [tilespmem:s13+$0x150]  }
0x335: {  	[tilespmem:s12+$0xFFFFFE50] =	vst v6;
	v6 =	vmax.f32 v8, $0.0e+00;
	v8 =	vld [tilespmem:s12+$0x150];
	v9 =	vadd.f32 v9, v11  }
0x336: {  	v7 =	vadd.f32 v7, v57;
	[tilespmem:s12+$0xFFFFFED0] =	vst v6;
	v6 =	vld [tilespmem:s13+$0xFFFFFE60]  }
0x337: {  	v4 =	vadd.f32 v4, v58;
	v11 =	vld [tilespmem:s13+$0xFFFFFEE0];
	v9 =	vmax.f32 v9, $0.0e+00  }
0x338: {  	v7 =	vmax.f32 v7, $0.0e+00;
	v5 =	vadd.f32 v5, v10;
	v10 =	vld [tilespmem:s12+$0xFFFFFEE0];
	[tilespmem:s12+$0xFFFFFF50] =	vst v9  }
0x339: {  	[tilespmem:s12+$0xFFFFFFD0] =	vst v7;
	v4 =	vmax.f32 v4, $0.0e+00;
	v9 =	vld [tilespmem:s13+$0xFFFFFF60]  }
0x33a: {  	v7 =	vld [tilespmem:s13+$0xFFFFFFE0];
	[tilespmem:s12+$0xD0] =	vst v4;
	v5 =	vmax.f32 v5, $0.0e+00;
	v3 =	vadd.f32 v3, v8  }
0x33b: {  	v4 =	vld [tilespmem:s13+$0xE0];
	[tilespmem:s12+$0x50] =	vst v5  }
0x33c: {  	v5 =	vld [tilespmem:s13+$0x60];
	v3 =	vmax.f32 v3, $0.0e+00  }
0x33d: {  	v6 =	vadd.f32 v6, v59;
	[tilespmem:s12+$0x150] =	vst v3;
	v3 =	vld [tilespmem:s12+$0xFFFFFF60]  }
0x33e: {  	v10 =	vadd.f32 v11, v10;
	v11 =	vld [tilespmem:s12+$0x60]  }
0x33f: {  	v6 =	vmax.f32 v6, $0.0e+00;
	v8 =	vld [tilespmem:s13+$0x160]  }
0x340: {  	[tilespmem:s12+$0xFFFFFE60] =	vst v6;
	v6 =	vmax.f32 v10, $0.0e+00;
	v10 =	vld [tilespmem:s12+$0x160]  }
0x341: {  	v62 =	vld [tilespmem:s13+$0xFFFFFE70];
	[tilespmem:s12+$0xFFFFFEE0] =	vst v6;
	v6 =	vadd.f32 v7, v60  }
0x342: {  	v7 =	vld [tilespmem:s12+$0xFFFFFE70]  }
0x343: {  	v3 =	vadd.f32 v9, v3;
	v9 =	vld [tilespmem:s13+$0xFFFFFEF0];
	v6 =	vmax.f32 v6, $0.0e+00  }
0x344: {  	v5 =	vadd.f32 v5, v11;
	v11 =	vld [tilespmem:s12+$0xFFFFFEF0];
	[tilespmem:s12+$0xFFFFFFE0] =	vst v6  }
0x345: {  	v63 =	vadd.f32 v4, v61;
	v3 =	vmax.f32 v3, $0.0e+00;
	v4 =	vld [tilespmem:s13+$0xFFFFFFF0]  }
0x346: {  	v5 =	vmax.f32 v5, $0.0e+00;
	v6 =	vadd.f32 v8, v10;
	v10 =	vld [tilespmem:s12+$0xFFFFFFF0];
	[tilespmem:s12+$0xFFFFFF60] =	vst v3  }
0x347: {  	v8 =	vmax.f32 v63, $0.0e+00;
	[tilespmem:s12+$0x60] =	vst v5;
	v3 =	vld [tilespmem:s13+$0xFFFFFF70]  }
0x348: {  	[tilespmem:s12+$0xE0] =	vst v8;
	v5 =	vld [tilespmem:s13+$0x70]  }
0x349: {  	v2 =	vadd.f32 v2, v1;
	v8 =	vmax.f32 v6, $0.0e+00;
	v6 =	vld [tilespmem:s13+$0xF0]  }
0x34a: {  	v7 =	vadd.f32 v62, v7;
	[tilespmem:s12+$0x160] =	vst v8;
	v8 =	vld [tilespmem:s12+$0xFFFFFF70]  }
0x34b: {  	v2 =	vmax.f32 v2, $0.0e+00;
	v11 =	vadd.f32 v9, v11;
	v9 =	vld [tilespmem:s12+$0x70]  }
0x34c: {  	[tilespmem:s12+$0x1F0] =	vst v2;
	v2 =	vmax.f32 v7, $0.0e+00;
	v7 =	vld [tilespmem:s12+$0xF0]  }
0x34d: {  	v1 =	vld [tilespmem:s13+$0x170];
	[tilespmem:s12+$0xFFFFFE70] =	vst v2;
	v2 =	vmax.f32 v11, $0.0e+00  }
0x34e: {  	s14 =	simm.s32 $0x0;
	s15 =	simm.s32 $0x3000;
	[tilespmem:s12+$0xFFFFFEF0] =	vst v2;
	v2 =	vld [tilespmem:s12+$0x170]  }
.LBB2_10:
0x34f: {  	v11 =	vld [tilespmem:s15+$0x180];
	v3 =	vadd.f32 v3, v8;
	s13 =	sadd.s32 $0x400, s13  }
0x350: {  	s14 =	sadd.s32 $0x8, s14;
	v8 =	vld [tilespmem:s13+$0x180];
	v4 =	vadd.f32 v4, v10  }
0x351: {  	p2 =	slt.u32 s14, $0x48;
	v10 =	vld [tilespmem:s13+$0xFFFFFE00];
	v3 =	vmax.f32 v3, $0.0e+00;
	v5 =	vadd.f32 v5, v9  }
0x352: {  	v9 =	vld [tilespmem:s15+$0xFFFFFE80];
	[tilespmem:s12+$0xFFFFFF70] =	vst v3;
	v3 =	vmax.f32 v4, $0.0e+00;
	v4 =	vadd.f32 v6, v7  }
0x353: {  	v6 =	vld [tilespmem:s13+$0xFFFFFE80];
	[tilespmem:s12+$0xFFFFFFF0] =	vst v3;
	v3 =	vmax.f32 v5, $0.0e+00;
	v1 =	vadd.f32 v1, v2  }
0x354: {  	v2 =	vld [tilespmem:s15+$0xFFFFFF00];
	[tilespmem:s12+$0x70] =	vst v3;
	v3 =	vmax.f32 v4, $0.0e+00  }
0x355: {  	v4 =	vld [tilespmem:s13+$0xFFFFFF00];
	v5 =	vadd.f32 v8, v11;
	[tilespmem:s12+$0xF0] =	vst v3;
	v1 =	vmax.f32 v1, $0.0e+00  }
0x356: {  	v3 =	vld [tilespmem:s15+$0xFFFFFF80];
	[tilespmem:s12+$0x170] =	vst v1;
	s12 =	smov.u32 s15  }
0x357: {  	v1 =	vld [tilespmem:s13+$0xFFFFFF80];
	v5 =	vmax.f32 v5, $0.0e+00  }
0x358: {  	v6 =	vadd.f32 v6, v9;
	[tilespmem:s15+$0x180] =	vst v5;
	v5 =	vld [tilespmem:s15+$0x190]  }
0x359: {  	v7 =	vld [tilespmem:s13+$0x190]  }
0x35a: {  	v6 =	vmax.f32 v6, $0.0e+00;
	v2 =	vadd.f32 v4, v2;
	v4 =	vld [tilespmem:s15+$0x0]  }
0x35b: {  	[tilespmem:s15+$0xFFFFFE80] =	vst v6;
	v6 =	vld [tilespmem:s13+$0x0]  }
0x35c: {  	v2 =	vmax.f32 v2, $0.0e+00;
	v1 =	vadd.f32 v1, v3;
	v3 =	vld [tilespmem:s15+$0x80]  }
0x35d: {  	[tilespmem:s15+$0xFFFFFF00] =	vst v2;
	v2 =	vld [tilespmem:s13+$0x80]  }
0x35e: {  	v1 =	vmax.f32 v1, $0.0e+00;
	v8 =	vld [tilespmem:s15+$0x100];
	v5 =	vadd.f32 v7, v5  }
0x35f: {  	[tilespmem:s15+$0xFFFFFF80] =	vst v1;
	v1 =	vld [tilespmem:s13+$0x100]  }
0x360: {  	v7 =	vld [tilespmem:s15+$0xFFFFFE00];
	v4 =	vadd.f32 v6, v4;
	v5 =	vmax.f32 v5, $0.0e+00  }
0x361: {  	[tilespmem:s15+$0x190] =	vst v5;
	v5 =	vld [tilespmem:s15+$0x1A0]  }
0x362: {  	v4 =	vmax.f32 v4, $0.0e+00;
	v2 =	vadd.f32 v2, v3;
	v3 =	vld [tilespmem:s13+$0x1A0]  }
0x363: {  	v6 =	vld [tilespmem:s13+$0xFFFFFE90];
	[tilespmem:s15+$0x0] =	vst v4  }
0x364: {  	v4 =	vld [tilespmem:s13+$0xFFFFFF10];
	v2 =	vmax.f32 v2, $0.0e+00;
	v1 =	vadd.f32 v1, v8  }
0x365: {  	v7 =	vadd.f32 v10, v7;
	v8 =	vld [tilespmem:s13+$0xFFFFFF90];
	[tilespmem:s15+$0x80] =	vst v2  }
0x366: {  	v2 =	vld [tilespmem:s13+$0x10];
	v1 =	vmax.f32 v1, $0.0e+00  }
0x367: {  	v7 =	vmax.f32 v7, $0.0e+00;
	v9 =	vld [tilespmem:s13+$0x90];
	[tilespmem:s15+$0x100] =	vst v1;
	v1 =	vadd.f32 v3, v5  }
0x368: {  	[tilespmem:s15+$0xFFFFFE00] =	vst v7;
	v3 =	vld [tilespmem:s13+$0x110]  }
0x369: {  	v5 =	vld [tilespmem:s13+$0xFFFFFE10];
	v1 =	vmax.f32 v1, $0.0e+00  }
0x36a: {  	[tilespmem:s15+$0x1A0] =	vst v1;
	v1 =	vld [tilespmem:s15+$0x1B0]  }
0x36b: {  	v7 =	vld [tilespmem:s13+$0x1B0]  }
0x36c: {  	v10 =	vld [tilespmem:s15+$0xFFFFFE10]  }
0x36d: {  	v11 =	vld [tilespmem:s15+$0xFFFFFE90]  }
0x36e: {  	v12 =	vld [tilespmem:s15+$0xFFFFFF10]  }
0x36f: {  	v13 =	vld [tilespmem:s15+$0xFFFFFF90]  }
0x370: {  	v14 =	vld [tilespmem:s15+$0x10];
	v1 =	vadd.f32 v7, v1  }
0x371: {  	v5 =	vadd.f32 v5, v10;
	v7 =	vld [tilespmem:s15+$0x90]  }
0x372: {  	v6 =	vadd.f32 v6, v11;
	v10 =	vld [tilespmem:s15+$0x110];
	v1 =	vmax.f32 v1, $0.0e+00  }
0x373: {  	v5 =	vmax.f32 v5, $0.0e+00;
	v4 =	vadd.f32 v4, v12;
	[tilespmem:s15+$0x1B0] =	vst v1;
	v1 =	vld [tilespmem:s15+$0x1C0]  }
0x374: {  	[tilespmem:s15+$0xFFFFFE10] =	vst v5;
	v5 =	vmax.f32 v6, $0.0e+00;
	v6 =	vadd.f32 v8, v13;
	v8 =	vld [tilespmem:s13+$0x1C0]  }
0x375: {  	v11 =	vld [tilespmem:s13+$0xFFFFFE20];
	[tilespmem:s15+$0xFFFFFE90] =	vst v5;
	v4 =	vmax.f32 v4, $0.0e+00;
	v2 =	vadd.f32 v2, v14  }
0x376: {  	v5 =	vld [tilespmem:s13+$0xFFFFFEA0];
	[tilespmem:s15+$0xFFFFFF10] =	vst v4;
	v4 =	vmax.f32 v6, $0.0e+00;
	v6 =	vadd.f32 v9, v7  }
0x377: {  	v7 =	vld [tilespmem:s13+$0xFFFFFF20];
	[tilespmem:s15+$0xFFFFFF90] =	vst v4;
	v2 =	vmax.f32 v2, $0.0e+00;
	v3 =	vadd.f32 v3, v10  }
0x378: {  	v4 =	vld [tilespmem:s13+$0xFFFFFFA0];
	[tilespmem:s15+$0x10] =	vst v2;
	v2 =	vmax.f32 v6, $0.0e+00  }
0x379: {  	v6 =	vld [tilespmem:s13+$0x20];
	[tilespmem:s15+$0x90] =	vst v2;
	v2 =	vmax.f32 v3, $0.0e+00;
	v1 =	vadd.f32 v8, v1  }
0x37a: {  	v3 =	vld [tilespmem:s13+$0xA0];
	[tilespmem:s15+$0x110] =	vst v2  }
0x37b: {  	v2 =	vld [tilespmem:s13+$0x120];
	v1 =	vmax.f32 v1, $0.0e+00  }
0x37c: {  	[tilespmem:s15+$0x1C0] =	vst v1;
	v1 =	vld [tilespmem:s15+$0x1D0]  }
0x37d: {  	v8 =	vld [tilespmem:s13+$0x1D0]  }
0x37e: {  	v9 =	vld [tilespmem:s15+$0xFFFFFE20]  }
0x37f: {  	v10 =	vld [tilespmem:s15+$0xFFFFFEA0]  }
0x380: {  	v12 =	vld [tilespmem:s15+$0xFFFFFF20]  }
0x381: {  	v13 =	vld [tilespmem:s15+$0xFFFFFFA0]  }
0x382: {  	v14 =	vld [tilespmem:s15+$0x20];
	v1 =	vadd.f32 v8, v1  }
0x383: {  	v8 =	vadd.f32 v11, v9;
	v9 =	vld [tilespmem:s15+$0xA0]  }
0x384: {  	v5 =	vadd.f32 v5, v10;
	v10 =	vld [tilespmem:s15+$0x120];
	v1 =	vmax.f32 v1, $0.0e+00  }
0x385: {  	v8 =	vmax.f32 v8, $0.0e+00;
	v7 =	vadd.f32 v7, v12;
	[tilespmem:s15+$0x1D0] =	vst v1;
	v1 =	vld [tilespmem:s15+$0x1E0]  }
0x386: {  	[tilespmem:s15+$0xFFFFFE20] =	vst v8;
	v5 =	vmax.f32 v5, $0.0e+00;
	v4 =	vadd.f32 v4, v13;
	v8 =	vld [tilespmem:s13+$0x1E0]  }
0x387: {  	v11 =	vld [tilespmem:s13+$0xFFFFFE30];
	[tilespmem:s15+$0xFFFFFEA0] =	vst v5;
	v5 =	vmax.f32 v7, $0.0e+00;
	v6 =	vadd.f32 v6, v14  }
0x388: {  	v7 =	vld [tilespmem:s13+$0xFFFFFEB0];
	[tilespmem:s15+$0xFFFFFF20] =	vst v5;
	v4 =	vmax.f32 v4, $0.0e+00;
	v3 =	vadd.f32 v3, v9  }
0x389: {  	v5 =	vld [tilespmem:s13+$0xFFFFFF30];
	[tilespmem:s15+$0xFFFFFFA0] =	vst v4;
	v4 =	vmax.f32 v6, $0.0e+00;
	v2 =	vadd.f32 v2, v10  }
0x38a: {  	v6 =	vld [tilespmem:s13+$0xFFFFFFB0];
	[tilespmem:s15+$0x20] =	vst v4;
	v3 =	vmax.f32 v3, $0.0e+00  }
0x38b: {  	v4 =	vld [tilespmem:s13+$0x30];
	[tilespmem:s15+$0xA0] =	vst v3;
	v2 =	vmax.f32 v2, $0.0e+00;
	v1 =	vadd.f32 v8, v1  }
0x38c: {  	v3 =	vld [tilespmem:s13+$0xB0];
	[tilespmem:s15+$0x120] =	vst v2  }
0x38d: {  	v2 =	vld [tilespmem:s13+$0x130];
	v1 =	vmax.f32 v1, $0.0e+00  }
0x38e: {  	[tilespmem:s15+$0x1E0] =	vst v1;
	v1 =	vld [tilespmem:s15+$0x1F0]  }
0x38f: {  	v8 =	vld [tilespmem:s13+$0x1F0]  }
0x390: {  	v9 =	vld [tilespmem:s15+$0xFFFFFE30]  }
0x391: {  	v10 =	vld [tilespmem:s15+$0xFFFFFEB0]  }
0x392: {  	v12 =	vld [tilespmem:s15+$0xFFFFFF30]  }
0x393: {  	v13 =	vld [tilespmem:s15+$0xFFFFFFB0]  }
0x394: {  	v14 =	vld [tilespmem:s15+$0x30];
	v1 =	vadd.f32 v8, v1  }
0x395: {  	v8 =	vadd.f32 v11, v9;
	v9 =	vld [tilespmem:s15+$0xB0]  }
0x396: {  	v7 =	vadd.f32 v7, v10;
	v10 =	vld [tilespmem:s15+$0x130];
	v1 =	vmax.f32 v1, $0.0e+00  }
0x397: {  	v8 =	vmax.f32 v8, $0.0e+00;
	v11 =	vld [tilespmem:s15+$0xFFFFFE40];
	v5 =	vadd.f32 v5, v12;
	[tilespmem:s15+$0x1F0] =	vst v1  }
0x398: {  	[tilespmem:s15+$0xFFFFFE30] =	vst v8;
	v1 =	vmax.f32 v7, $0.0e+00;
	v7 =	vld [tilespmem:s15+$0xFFFFFEC0];
	v6 =	vadd.f32 v6, v13  }
0x399: {  	v8 =	vld [tilespmem:s13+$0xFFFFFE40];
	[tilespmem:s15+$0xFFFFFEB0] =	vst v1;
	v1 =	vmax.f32 v5, $0.0e+00;
	v4 =	vadd.f32 v4, v14  }
0x39a: {  	v5 =	vld [tilespmem:s13+$0xFFFFFEC0];
	[tilespmem:s15+$0xFFFFFF30] =	vst v1;
	v1 =	vmax.f32 v6, $0.0e+00;
	v3 =	vadd.f32 v3, v9  }
0x39b: {  	v6 =	vld [tilespmem:s13+$0xFFFFFF40];
	[tilespmem:s15+$0xFFFFFFB0] =	vst v1;
	v1 =	vmax.f32 v4, $0.0e+00;
	v2 =	vadd.f32 v2, v10  }
0x39c: {  	v4 =	vld [tilespmem:s13+$0xFFFFFFC0];
	[tilespmem:s15+$0x30] =	vst v1;
	v1 =	vmax.f32 v3, $0.0e+00  }
0x39d: {  	v3 =	vld [tilespmem:s13+$0x40];
	[tilespmem:s15+$0xB0] =	vst v1;
	v1 =	vmax.f32 v2, $0.0e+00  }
0x39e: {  	v2 =	vadd.f32 v8, v11;
	v8 =	vld [tilespmem:s13+$0xC0];
	[tilespmem:s15+$0x130] =	vst v1  }
0x39f: {  	v1 =	vadd.f32 v5, v7;
	v5 =	vld [tilespmem:s13+$0x140]  }
0x3a0: {  	v2 =	vmax.f32 v2, $0.0e+00;
	v7 =	vld [tilespmem:s15+$0xFFFFFF40]  }
0x3a1: {  	[tilespmem:s15+$0xFFFFFE40] =	vst v2;
	v1 =	vmax.f32 v1, $0.0e+00;
	v2 =	vld [tilespmem:s15+$0xFFFFFFC0]  }
0x3a2: {  	[tilespmem:s15+$0xFFFFFEC0] =	vst v1;
	v1 =	vld [tilespmem:s15+$0x40]  }
0x3a3: {  	v9 =	vld [tilespmem:s15+$0xC0]  }
0x3a4: {  	v10 =	vld [tilespmem:s15+$0x140]  }
0x3a5: {  	v11 =	vld [tilespmem:s13+$0xFFFFFE50];
	v6 =	vadd.f32 v6, v7  }
0x3a6: {  	v7 =	vld [tilespmem:s13+$0xFFFFFED0];
	v2 =	vadd.f32 v4, v2  }
0x3a7: {  	v4 =	vld [tilespmem:s15+$0xFFFFFE50];
	v6 =	vmax.f32 v6, $0.0e+00;
	v1 =	vadd.f32 v3, v1  }
0x3a8: {  	v3 =	vld [tilespmem:s15+$0xFFFFFED0];
	[tilespmem:s15+$0xFFFFFF40] =	vst v6;
	v2 =	vmax.f32 v2, $0.0e+00;
	v6 =	vadd.f32 v8, v9  }
0x3a9: {  	v8 =	vld [tilespmem:s13+$0xFFFFFF50];
	[tilespmem:s15+$0xFFFFFFC0] =	vst v2;
	v1 =	vmax.f32 v1, $0.0e+00;
	v2 =	vadd.f32 v5, v10  }
0x3aa: {  	v5 =	vld [tilespmem:s13+$0xFFFFFFD0];
	[tilespmem:s15+$0x40] =	vst v1;
	v1 =	vmax.f32 v6, $0.0e+00  }
0x3ab: {  	v6 =	vld [tilespmem:s13+$0x50];
	[tilespmem:s15+$0xC0] =	vst v1;
	v1 =	vmax.f32 v2, $0.0e+00  }
0x3ac: {  	v2 =	vadd.f32 v11, v4;
	v4 =	vld [tilespmem:s13+$0xD0];
	[tilespmem:s15+$0x140] =	vst v1  }
0x3ad: {  	v1 =	vadd.f32 v7, v3;
	v3 =	vld [tilespmem:s13+$0x150]  }
0x3ae: {  	v2 =	vmax.f32 v2, $0.0e+00;
	v7 =	vld [tilespmem:s15+$0xFFFFFF50]  }
0x3af: {  	[tilespmem:s15+$0xFFFFFE50] =	vst v2;
	v1 =	vmax.f32 v1, $0.0e+00;
	v2 =	vld [tilespmem:s15+$0xFFFFFFD0]  }
0x3b0: {  	[tilespmem:s15+$0xFFFFFED0] =	vst v1;
	v1 =	vld [tilespmem:s15+$0x50]  }
0x3b1: {  	v9 =	vld [tilespmem:s15+$0xD0]  }
0x3b2: {  	v10 =	vld [tilespmem:s15+$0x150]  }
0x3b3: {  	v11 =	vld [tilespmem:s13+$0xFFFFFE60];
	v7 =	vadd.f32 v8, v7  }
0x3b4: {  	v8 =	vld [tilespmem:s13+$0xFFFFFEE0];
	v2 =	vadd.f32 v5, v2  }
0x3b5: {  	v5 =	vld [tilespmem:s15+$0xFFFFFE60];
	v7 =	vmax.f32 v7, $0.0e+00;
	v1 =	vadd.f32 v6, v1  }
0x3b6: {  	v6 =	vld [tilespmem:s15+$0xFFFFFEE0];
	[tilespmem:s15+$0xFFFFFF50] =	vst v7;
	v2 =	vmax.f32 v2, $0.0e+00;
	v4 =	vadd.f32 v4, v9  }
0x3b7: {  	v7 =	vld [tilespmem:s13+$0xFFFFFF60];
	[tilespmem:s15+$0xFFFFFFD0] =	vst v2;
	v1 =	vmax.f32 v1, $0.0e+00;
	v2 =	vadd.f32 v3, v10  }
0x3b8: {  	v3 =	vld [tilespmem:s13+$0xFFFFFFE0];
	[tilespmem:s15+$0x50] =	vst v1;
	v1 =	vmax.f32 v4, $0.0e+00  }
0x3b9: {  	v4 =	vld [tilespmem:s13+$0x60];
	[tilespmem:s15+$0xD0] =	vst v1;
	v1 =	vmax.f32 v2, $0.0e+00  }
0x3ba: {  	v2 =	vadd.f32 v11, v5;
	v5 =	vld [tilespmem:s13+$0xE0];
	[tilespmem:s15+$0x150] =	vst v1  }
0x3bb: {  	v1 =	vadd.f32 v8, v6;
	v6 =	vld [tilespmem:s13+$0x160]  }
0x3bc: {  	v2 =	vmax.f32 v2, $0.0e+00;
	v8 =	vld [tilespmem:s15+$0xFFFFFF60]  }
0x3bd: {  	[tilespmem:s15+$0xFFFFFE60] =	vst v2;
	v1 =	vmax.f32 v1, $0.0e+00;
	v2 =	vld [tilespmem:s15+$0xFFFFFFE0]  }
0x3be: {  	[tilespmem:s15+$0xFFFFFEE0] =	vst v1;
	v1 =	vld [tilespmem:s15+$0x60]  }
0x3bf: {  	v9 =	vld [tilespmem:s15+$0xE0]  }
0x3c0: {  	v10 =	vld [tilespmem:s15+$0x160]  }
0x3c1: {  	v11 =	vld [tilespmem:s13+$0xFFFFFE70];
	v7 =	vadd.f32 v7, v8  }
0x3c2: {  	v8 =	vld [tilespmem:s13+$0xFFFFFEF0];
	v2 =	vadd.f32 v3, v2  }
0x3c3: {  	v12 =	vld [tilespmem:s15+$0xFFFFFE70];
	v3 =	vmax.f32 v7, $0.0e+00;
	v1 =	vadd.f32 v4, v1  }
0x3c4: {  	v7 =	vld [tilespmem:s15+$0xFFFFFEF0];
	[tilespmem:s15+$0xFFFFFF60] =	vst v3;
	v2 =	vmax.f32 v2, $0.0e+00;
	v5 =	vadd.f32 v5, v9  }
0x3c5: {  	v3 =	vld [tilespmem:s13+$0xFFFFFF70];
	[tilespmem:s15+$0xFFFFFFE0] =	vst v2;
	v1 =	vmax.f32 v1, $0.0e+00;
	v2 =	vadd.f32 v6, v10  }
0x3c6: {  	v4 =	vld [tilespmem:s13+$0xFFFFFFF0];
	[tilespmem:s15+$0x60] =	vst v1;
	v1 =	vmax.f32 v5, $0.0e+00  }
0x3c7: {  	v5 =	vld [tilespmem:s13+$0x70];
	[tilespmem:s15+$0xE0] =	vst v1;
	v1 =	vmax.f32 v2, $0.0e+00  }
0x3c8: {  	v2 =	vadd.f32 v11, v12;
	v6 =	vld [tilespmem:s13+$0xF0];
	[tilespmem:s15+$0x160] =	vst v1  }
0x3c9: {  	v7 =	vadd.f32 v8, v7;
	v1 =	vld [tilespmem:s13+$0x170]  }
.Ltmp4:
0x3ca: {  	v2 =	vmax.f32 v2, $0.0e+00;
	v8 =	vld [tilespmem:s15+$0xFFFFFF70];
	(pc) =	sbr.rel @p2 .LBB2_10-.Ltmp4, $4  }
0x3cb: {  	[tilespmem:s15+$0xFFFFFE70] =	vst v2;
	v2 =	vmax.f32 v7, $0.0e+00;
	v10 =	vld [tilespmem:s15+$0xFFFFFFF0]  }
0x3cc: {  	[tilespmem:s15+$0xFFFFFEF0] =	vst v2;
	v9 =	vld [tilespmem:s15+$0x70]  }
0x3cd: {  	v7 =	vld [tilespmem:s15+$0xF0]  }
0x3ce: {  	s15 =	sadd.s32 $0x400, s15;
	v2 =	vld [tilespmem:s12+$0x170]  }
0x3cf: {  	v3 =	vadd.f32 v3, v8  }
0x3d0: {  	v4 =	vadd.f32 v4, v10  }
0x3d1: {  	v3 =	vmax.f32 v3, $0.0e+00;
	v5 =	vadd.f32 v5, v9  }
0x3d2: {  	[tilespmem:s12+$0xFFFFFF70] =	vst v3;
	v3 =	vmax.f32 v4, $0.0e+00;
	v63 =	vadd.f32 v6, v7  }
0x3d3: {  	[tilespmem:s12+$0xFFFFFFF0] =	vst v3;
	v3 =	vmax.f32 v5, $0.0e+00;
	v1 =	vadd.f32 v1, v2  }
0x3d4: {  	[tilespmem:s12+$0x70] =	vst v3;
	v2 =	vmax.f32 v63, $0.0e+00  }
0x3d5: {  	[tilespmem:s12+$0xF0] =	vst v2;
	v1 =	vmax.f32 v1, $0.0e+00  }
0x3d6: {  	[tilespmem:s12+$0x170] =	vst v1  }
0x3d7: {  	[spmem:s1] =	stream.indirect.scatter.add.f32 [tilespmem:s22], [sflag:$0x6], $0x80, s24, s26, $0xb8;
	[tilespmem:$0x1B280] =	vst v63  }
0x3d8: {  	_ =	swait.ge [sflag:s23], $0x2800  }
0x3d9: {  	[sflag:s23] =	ssyncset.done $0x0  }
0x3da: {  	[sflag:s23] =	ssyncadd.s32 $0xFFFFD800  }
0x3db: {  	s13 =	simm.s32 @!p0 $0x1C06;
	s11 =	sadd.s32 $0x1, s11;
	[bflag:$0x0] =	sbarrier.arrive $0xFFFF  }
0x3dc: {  	p2 =	sne.s32 s11, s20;
	s12 =	sshrl.u32 @!p0 s1, $0x3;
	s14 =	rddreg [dreg:$0xd]  }
0x3dd: {  	[hbm:s14], [sflag:s13] =	dma.local @!p0 [spmem:s12], $0x27100  }
.Ltmp5:
0x3de: {  	_ = 	snop;
	(pc) =	sbr.rel @p2 .LBB2_1-.Ltmp5, $4  }
0x3df: {  	s12 =	simm.s32 @!p0 $0x6  }
0x3e0: {  	_ =	swait.ge @!p0 [sflag:s12], $0x27100  }
0x3e1: {  	[sflag:s12] =	ssyncset.done @!p0 $0x0  }
0x3e2: {  	[sflag:s12] =	ssyncadd.s32 @!p0 $0xFFFD8F00  }
0x3e3: {  	_ =	sfence.sel $0x180000  }
0x3e4: {  	[bflag:$0x0] =	sbarrier.arrive $0xFFFF  }
0x3e5: {  	_ =	strace $0x9000004A  }
0x3e6: {  	[bflag:$0x2] =	sbarrier.arrive $0xFFFF  }
0x3e7: {  	s0 =	rddreg [dreg:$0x2]  }
0x3e8: {  	s0 =	sadd.s32 @!p0 $0x100000, s0  }
0x3e9: {  	[sflag:s0] =	ssyncadd.tile.s32 @!p0 $0x1;
	_ =	shalt  }
.Lfunc_end2:
_tile_overlayer_lowered:
.L_overlay_start_2:
0x3ea: {  	(tag) =	ssettag $0x2  }
0x3eb: {  	s0 =	rddreg [dreg:$0x0];
	s2 =	stileid.u32  }
0x3ec: {  	s1 =	rddreg [dreg:$0x1];
	p0 =	sne.s32 s2, $0x0  }
0x3ed: {  	s3 =	rddreg [dreg:$0x2];
	[bflag:$0x3] =	sbarrier.arrive $0xFFFF;
	s2 =	simm.s32 @!p0 $0x1C06  }
0x3ee: {  	[timem:s3], [sflag:s2] =	dma.local @!p0 [hbm:s0], s1  }
0x3ef: {  	s0 =	simm.s32 @!p0 $0x6  }
0x3f0: {  	_ =	swait.ge @!p0 [sflag:s0], s1  }
0x3f1: {  	s1 =	ssub.s32 @!p0 $0x0, s1;
	[sflag:s0] =	ssyncset.done @!p0 $0x0  }
0x3f2: {  	[sflag:s0] =	ssyncadd.s32 @!p0 s1  }
0x3f3: {  	[bflag:$0x3] =	sbarrier.arrive $0xFFFF  }
0x3f4: {  	_ =	shalt  }

</sc_bundles>
